<compile_context>
chip_gen: v7x
topology: tpu7x:2x2x1
jax: 0.10.2.dev20260603
libtpu: 0.0.44.dev20260713+nightly
codegen_flags: <defaults>
</compile_context>

<pallas_src>
import functools

import jax
import jax.numpy as jnp
from jax import lax
from jax.experimental import pallas as pl
from jax.experimental.pallas import tpu as pltpu
from jax.experimental.pallas import tpu_sc as plsc

N = 10000
E = 320000
D = 128
DH = D // 2

NC = 2
NS = 16
NW = NC * NS

K = 125
KP = 128
CHUNKS = E // K
CPT = CHUNKS // NS
EPW = E // NW
RPT = N // NS

_MESH = plsc.VectorSubcoreMesh(core_axis_name="c", subcore_axis_name="s")


def _degree_body(src_hbm, dst_hbm, out_hbm, sbuf, dbuf, ho, hi):
    cid = lax.axis_index("c")
    sid = lax.axis_index("s")
    w = sid * NC + cid
    base = w * EPW
    pltpu.sync_copy(src_hbm.at[pl.ds(base, EPW)], sbuf)
    pltpu.sync_copy(dst_hbm.at[pl.ds(base, EPW)], dbuf)

    zeros = jnp.zeros((16,), jnp.float32)

    @pl.loop(0, N // 16)
    def _(i):
        ho[pl.ds(i * 16, 16)] = zeros
        hi[pl.ds(i * 16, 16)] = zeros

    ones = jnp.ones((16,), jnp.float32)

    @pl.loop(0, EPW // 16)
    def _(i):
        plsc.addupdate_scatter(ho, [sbuf[pl.ds(i * 16, 16)]], ones)
        plsc.addupdate_scatter(hi, [dbuf[pl.ds(i * 16, 16)]], ones)

    pltpu.sync_copy(ho, out_hbm.at[0, w])
    pltpu.sync_copy(hi, out_hbm.at[1, w])


_degree_kernel = functools.partial(
    pl.kernel,
    out_type=jax.ShapeDtypeStruct((2, NW, N), jnp.float32),
    mesh=_MESH,
    compiler_params=pltpu.CompilerParams(needs_layout_passes=False),
    scratch_types=[
        pltpu.VMEM((EPW,), jnp.int32),
        pltpu.VMEM((EPW,), jnp.int32),
        pltpu.VMEM((N,), jnp.float32),
        pltpu.VMEM((N,), jnp.float32),
    ],
)(_degree_body)


def _prep_body(hist_ref, feat_ref, fs2_ref, nd_ref):
    deg_o = jnp.sum(hist_ref[0], axis=1, keepdims=True)
    deg_i = jnp.sum(hist_ref[1], axis=1, keepdims=True)
    norm_src = lax.rsqrt(jnp.maximum(deg_o, 1.0))
    norm_dst = lax.rsqrt(jnp.maximum(deg_i, 1.0))
    scaled = feat_ref[...] * norm_src
    fs2_ref[pl.ds(0, N), :] = scaled[:, :DH]
    fs2_ref[pl.ds(N, N), :] = scaled[:, DH:]
    nd_ref[...] = norm_dst


_prep_kernel = pl.pallas_call(
    _prep_body,
    out_shape=[
        jax.ShapeDtypeStruct((2 * N, DH), jnp.float32),
        jax.ShapeDtypeStruct((N, 1), jnp.float32),
    ],
)


def _agg_body(fs2_hbm, s3_hbm, d3_hbm, ef_hbm, z_hbm, out_hbm,
              sidx,
              ef0, ef1, ef2, ef3,
              fs0, fs1, fs2, fs3,
              dx0, dx1, dx2, dx3,
              se0, se1, se2, se3,
              sg0, sg1, sg2, sg3,
              sd0, sd1, sd2, sd3,
              ss0, ss1, ss2, ss3,
              hacc):
    cid = lax.axis_index("c")
    sid = lax.axis_index("s")
    efb = (ef0, ef1, ef2, ef3)
    fsb = (fs0, fs1, fs2, fs3)
    dxb = (dx0, dx1, dx2, dx3)
    sef = (se0, se1, se2, se3)
    sfs = (sg0, sg1, sg2, sg3)
    sdx = (sd0, sd1, sd2, sd3)
    ssc = (ss0, ss1, ss2, ss3)

    g0 = sid * CPT

    pltpu.sync_copy(s3_hbm.at[pl.ds(g0, CPT)], sidx)
    off = jnp.full((16,), cid * N, jnp.int32)

    @pl.loop(0, CPT)
    def _(r):
        for k in range(KP // 16):
            sl = pl.ds(k * 16, 16)
            sidx[r, sl] = sidx[r, sl] + off

    pltpu.sync_copy(z_hbm, hacc.at[pl.ds(sid * RPT, RPT)])
    plsc.subcore_barrier()

    col = pl.ds(cid * DH, DH)

    def issue_loads(g, q):
        pltpu.async_copy(ef_hbm.at[pl.ds(g * K, K), col], efb[q], sef[q])
        pltpu.async_copy(fs2_hbm.at[sidx.at[g - g0]], fsb[q], sfs[q])
        pltpu.async_copy(d3_hbm.at[g], dxb[q], sdx[q])

    def wait_loads(g, q):
        pltpu.make_async_copy(ef_hbm.at[pl.ds(g * K, K), col],
                              efb[q], sef[q]).wait()
        pltpu.make_async_copy(fs2_hbm.at[sidx.at[g - g0]],
                              fsb[q], sfs[q]).wait()
        pltpu.make_async_copy(d3_hbm.at[g], dxb[q], sdx[q]).wait()

    def combine(q):
        eq = efb[q]
        fq = fsb[q]

        @pl.loop(0, K, unroll=5)
        def _(r):
            for k in range(DH // 16):
                sl = pl.ds(k * 16, 16)
                plsc.addupdate(fq.at[r, sl], eq[r, sl])

    def issue_scatter(q):
        pltpu.async_copy(fsb[q].at[pl.ds(0, K)], hacc.at[dxb[q]], ssc[q],
                         add=True)

    def wait_scatter(q):
        pltpu.make_async_copy(fsb[q].at[pl.ds(0, K)], hacc.at[dxb[q]],
                              ssc[q]).wait()

    issue_loads(g0 + 0, 0)
    issue_loads(g0 + 1, 1)

    issue_loads(g0 + 2, 2)
    wait_loads(g0 + 0, 0)
    combine(0)
    issue_scatter(0)
    issue_loads(g0 + 3, 3)
    wait_loads(g0 + 1, 1)
    combine(1)
    issue_scatter(1)

    @pl.loop(0, (CPT - 4) // 4)
    def _(t):
        gg = g0 + 2 + 4 * t
        for j, q in enumerate((2, 3, 0, 1)):
            g = gg + j
            qn = (q + 2) % 4
            wait_scatter(qn)
            issue_loads(g + 2, qn)
            wait_loads(g, q)
            combine(q)
            issue_scatter(q)

    wait_loads(g0 + CPT - 2, 2)
    combine(2)
    issue_scatter(2)
    wait_loads(g0 + CPT - 1, 3)
    combine(3)
    issue_scatter(3)
    for q in range(4):
        wait_scatter(q)

    plsc.subcore_barrier()
    pltpu.sync_copy(hacc.at[pl.ds(sid * RPT, RPT)],
                    out_hbm.at[pl.ds(sid * RPT, RPT), col])


_agg_kernel = functools.partial(
    pl.kernel,
    out_type=jax.ShapeDtypeStruct((N, D), jnp.float32),
    mesh=_MESH,
    compiler_params=pltpu.CompilerParams(use_tc_tiling_on_sc=False),
    scratch_types=(
        [pltpu.VMEM((CPT, KP), jnp.int32)]
        + [pltpu.VMEM((K, DH), jnp.float32) for _ in range(4)]
        + [pltpu.VMEM((KP, DH), jnp.float32) for _ in range(4)]
        + [pltpu.VMEM((K,), jnp.int32) for _ in range(4)]
        + [pltpu.SemaphoreType.DMA for _ in range(16)]
        + [pltpu.VMEM_SHARED((N, DH), jnp.float32)]
    ),
)(_agg_body)


def _final_body(h_ref, w_ref, b_ref, nd_ref, o_ref):
    r = jnp.dot(h_ref[...], w_ref[...], preferred_element_type=jnp.float32)
    o_ref[...] = r * nd_ref[...] + b_ref[...]


_final_kernel = pl.pallas_call(
    _final_body,
    out_shape=jax.ShapeDtypeStruct((N, D), jnp.float32),
)


def kernel(feat, edge_index, edgeFeat, weight, bias):
    src = edge_index[0]
    dst = edge_index[1]
    hist = _degree_kernel(src, dst)
    hist_t = hist.transpose(0, 2, 1)
    fs2, norm_dst = _prep_kernel(hist_t, feat)
    src3p = jnp.pad(src.reshape(CHUNKS, K), ((0, 0), (0, KP - K)))
    dst3 = dst.reshape(CHUNKS, K)
    zrows = jnp.zeros((RPT, DH), jnp.float32)
    h = _agg_kernel(fs2, src3p, dst3, edgeFeat, zrows)
    return _final_kernel(h, weight, bias.reshape(1, D), norm_dst)

# --- scband reference (transcript-rebuilt; emitter-appended) ---
"""Pipeline reference for scband-gcnconv-25185688224350 (READ-ONLY COPY).

The authoritative reference and input builder live on the scoring server;
editing this copy changes nothing except your own understanding.
"""

import jax, jax.numpy as jnp
import numpy as np

N = 10000
E = 320000
D_IN = 128
D_OUT = 128


def setup_inputs(seed: int = 0) -> dict:
    key = jax.random.key(seed)
    k1, k2, k3, k4 = jax.random.split(key, 4)
    feat = jax.random.normal(k1, (N, D_IN), dtype=jnp.float32)
    edge_index = jax.random.randint(k2, (2, E), 0, N, dtype=jnp.int32)
    edgeFeat = jax.random.normal(k3, (E, D_IN), dtype=jnp.float32)
    # xavier_uniform_ for weight [in_feats, out_feats]
    limit = float(np.sqrt(6.0 / (D_IN + D_OUT)))
    weight = jax.random.uniform(k4, (D_IN, D_OUT), dtype=jnp.float32, minval=-limit, maxval=limit)
    bias = jnp.zeros((D_OUT,), dtype=jnp.float32)
    return {"feat": feat, "edge_index": edge_index, "edgeFeat": edgeFeat, "weight": weight, "bias": bias}


def reference(feat, edge_index, edgeFeat, weight, bias):
    src = edge_index[0]
    dst = edge_index[1]
    # norm == 'both': left normalization by out-degree^{-1/2}
    deg_out = jnp.bincount(src, length=N).astype(jnp.float32)
    deg_out = jnp.clip(deg_out, 1.0)
    norm_src = jnp.power(deg_out, -0.5)
    feat_src = feat * norm_src[:, None]
    # message: u_add_e('h', 'w', 'm') -> m_e = h_src + edgeFeat_e
    m = jnp.take(feat_src, src, axis=0) + edgeFeat
    # reduce: fn.sum over incoming edges per dst node
    h = jax.ops.segment_sum(m, dst, num_segments=N)
    # linear transform (aggregate-then-transform since in_feats == out_feats path)
    rst = h @ weight
    # norm == 'both': right normalization by in-degree^{-1/2}
    deg_in = jnp.bincount(dst, length=N).astype(jnp.float32)
    deg_in = jnp.clip(deg_in, 1.0)
    norm_dst = jnp.power(deg_in, -0.5)
    rst = rst * norm_dst[:, None]
    rst = rst + bias
    return rst

if __name__ == "__main__":
    import jax
    _d = setup_inputs()
    print(jax.jit(kernel)(*tuple(_d.values())))

</pallas_src>

<mosaic_0001>
#map = affine_map<(d0, d1) -> (0)>
#map1 = affine_map<(d0, d1) -> (0, 0, 0)>
module attributes {stable_mosaic.version = 14 : i64} {
  func.func @_degree_body(%arg0: i32, %arg1: i32, %arg2: memref<320000xi32, #tpu.memory_space<hbm>>, %arg3: memref<320000xi32, #tpu.memory_space<hbm>>, %arg4: memref<2x32x10000xf32, #tpu.memory_space<hbm>>, %arg5: memref<10000xi32, #tpu.memory_space<vmem>>, %arg6: memref<10000xi32, #tpu.memory_space<vmem>>, %arg7: memref<10000xf32, #tpu.memory_space<vmem>>, %arg8: memref<10000xf32, #tpu.memory_space<vmem>>) attributes {dimension_semantics = [#tpu.dimension_semantics<core_parallel>, #tpu.dimension_semantics<subcore_parallel>], iteration_bounds = array<i64: 2, 16>, scalar_prefetch = 0 : i64, scratch_operands = 4 : i64, tpu.core_type = #tpu.core_type<sc_vector_subcore>, window_params = [{transform_indices = #map}, {transform_indices = #map}, {transform_indices = #map1}]} {
    %mul3A = arith.constant 2 : i32
    %mul3A_0 = arith.muli %arg1, %mul3A : i32
    %add3A = arith.addi %mul3A_0, %arg0 : i32
    %mul3A_1 = arith.constant 10000 : i32
    %mul3A_2 = arith.muli %add3A, %mul3A_1 : i32
    "tpu.region"() ({
      %run_scoped3A_16 = tpu.sem_alloc : memref<!tpu.dma_semaphore, #tpu.memory_space<semaphore_mem>>
      %dma_start3A = tpu.memref_slice %arg2[%mul3A_2] : memref<320000xi32, #tpu.memory_space<hbm>> -> memref<10000xi32, #tpu.memory_space<hbm>>
      %dma_start3A_17 = tpu.memref_slice %arg2[%mul3A_2] : memref<320000xi32, #tpu.memory_space<hbm>> -> memref<10000xi32, #tpu.memory_space<hbm>>
      tpu.enqueue_dma source(%dma_start3A_17 : memref<10000xi32, #tpu.memory_space<hbm>>) target(%arg5 : memref<10000xi32, #tpu.memory_space<vmem>>) target_semaphore(%run_scoped3A_16 : memref<!tpu.dma_semaphore, #tpu.memory_space<semaphore_mem>>)
      %dma_wait3A = tpu.memref_slice %arg2[%mul3A_2] : memref<320000xi32, #tpu.memory_space<hbm>> -> memref<10000xi32, #tpu.memory_space<hbm>>
      %dma_wait3A_18 = tpu.memref_slice %arg2[%mul3A_2] : memref<320000xi32, #tpu.memory_space<hbm>> -> memref<10000xi32, #tpu.memory_space<hbm>>
      tpu.wait_dma2 semaphore(%run_scoped3A_16 : memref<!tpu.dma_semaphore, #tpu.memory_space<semaphore_mem>>) src(%dma_wait3A_18 : memref<10000xi32, #tpu.memory_space<hbm>>) dst(%arg5 : memref<10000xi32, #tpu.memory_space<vmem>>)
      tpu.yield
    }) : () -> ()
    "tpu.region"() ({
      %run_scoped3A_16 = tpu.sem_alloc : memref<!tpu.dma_semaphore, #tpu.memory_space<semaphore_mem>>
      %dma_start3A = tpu.memref_slice %arg3[%mul3A_2] : memref<320000xi32, #tpu.memory_space<hbm>> -> memref<10000xi32, #tpu.memory_space<hbm>>
      %dma_start3A_17 = tpu.memref_slice %arg3[%mul3A_2] : memref<320000xi32, #tpu.memory_space<hbm>> -> memref<10000xi32, #tpu.memory_space<hbm>>
      tpu.enqueue_dma source(%dma_start3A_17 : memref<10000xi32, #tpu.memory_space<hbm>>) target(%arg6 : memref<10000xi32, #tpu.memory_space<vmem>>) target_semaphore(%run_scoped3A_16 : memref<!tpu.dma_semaphore, #tpu.memory_space<semaphore_mem>>)
      %dma_wait3A = tpu.memref_slice %arg3[%mul3A_2] : memref<320000xi32, #tpu.memory_space<hbm>> -> memref<10000xi32, #tpu.memory_space<hbm>>
      %dma_wait3A_18 = tpu.memref_slice %arg3[%mul3A_2] : memref<320000xi32, #tpu.memory_space<hbm>> -> memref<10000xi32, #tpu.memory_space<hbm>>
      tpu.wait_dma2 semaphore(%run_scoped3A_16 : memref<!tpu.dma_semaphore, #tpu.memory_space<semaphore_mem>>) src(%dma_wait3A_18 : memref<10000xi32, #tpu.memory_space<hbm>>) dst(%arg6 : memref<10000xi32, #tpu.memory_space<vmem>>)
      tpu.yield
    }) : () -> ()
    %broadcast_in_dim3A = arith.constant 0.000000e+00 : f32
    %broadcast_in_dim3A_3 = vector.broadcast %broadcast_in_dim3A : f32 to vector<16xf32>
    %scan3A = arith.constant 0 : i32
    %scan3A_4 = arith.constant 625 : i32
    %scan3A_5 = arith.addi %scan3A, %scan3A_4 : i32
    %scan3A_6 = arith.constant 1 : i32
    scf.for %scan3A_16 = %scan3A to %scan3A_5 step %scan3A_6  : i32 {
      %mul3A_17 = arith.constant 1 : i32
      %mul3A_18 = arith.muli %scan3A_16, %mul3A_17 : i32
      %add3A_19 = arith.constant 0 : i32
      %add3A_20 = arith.addi %add3A_19, %mul3A_18 : i32
      %mul3A_21 = arith.constant 16 : i32
      %mul3A_22 = arith.muli %add3A_20, %mul3A_21 : i32
      %swap3A = arith.index_cast %mul3A_22 : i32 to index
      %swap3A_23 = tpu.vector_load %arg7[%swap3A] {strides = array<i32>} : memref<10000xf32, #tpu.memory_space<vmem>>, vector<16xf32>,
      tpu.vector_store %arg7[%swap3A], %broadcast_in_dim3A_3 {strides = array<i32>} : memref<10000xf32, #tpu.memory_space<vmem>>, vector<16xf32>,
      %mul3A_24 = arith.constant 16 : i32
      %mul3A_25 = arith.muli %add3A_20, %mul3A_24 : i32
      %swap3A_26 = arith.index_cast %mul3A_25 : i32 to index
      %swap3A_27 = tpu.vector_load %arg8[%swap3A_26] {strides = array<i32>} : memref<10000xf32, #tpu.memory_space<vmem>>, vector<16xf32>,
      tpu.vector_store %arg8[%swap3A_26], %broadcast_in_dim3A_3 {strides = array<i32>} : memref<10000xf32, #tpu.memory_space<vmem>>, vector<16xf32>,
    }
    %scan3A_7 = arith.constant 625 : i32
    %broadcast_in_dim3A_8 = arith.constant 1.000000e+00 : f32
    %broadcast_in_dim3A_9 = vector.broadcast %broadcast_in_dim3A_8 : f32 to vector<16xf32>
    %scan3A_10 = arith.constant 0 : i32
    %scan3A_11 = arith.constant 625 : i32
    %scan3A_12 = arith.addi %scan3A_10, %scan3A_11 : i32
    %scan3A_13 = arith.constant 1 : i32
    scf.for %scan3A_16 = %scan3A_10 to %scan3A_12 step %scan3A_13  : i32 {
      %mul3A_17 = arith.constant 1 : i32
      %mul3A_18 = arith.muli %scan3A_16, %mul3A_17 : i32
      %add3A_19 = arith.constant 0 : i32
      %add3A_20 = arith.addi %add3A_19, %mul3A_18 : i32
      %mul3A_21 = arith.constant 16 : i32
      %mul3A_22 = arith.muli %add3A_20, %mul3A_21 : i32
      %get3A = arith.index_cast %mul3A_22 : i32 to index
      %get3A_23 = tpu.vector_load %arg5[%get3A] {strides = array<i32>} : memref<10000xi32, #tpu.memory_space<vmem>>, vector<16xi32>,
      tpu.vector_store_idx %arg7[%get3A_23], %broadcast_in_dim3A_9 {add = true} : memref<10000xf32, #tpu.memory_space<vmem>>[vector<16xi32>], vector<16xf32>,
      %mul3A_24 = arith.constant 16 : i32
      %mul3A_25 = arith.muli %add3A_20, %mul3A_24 : i32
      %get3A_26 = arith.index_cast %mul3A_25 : i32 to index
      %get3A_27 = tpu.vector_load %arg6[%get3A_26] {strides = array<i32>} : memref<10000xi32, #tpu.memory_space<vmem>>, vector<16xi32>,
      tpu.vector_store_idx %arg8[%get3A_27], %broadcast_in_dim3A_9 {add = true} : memref<10000xf32, #tpu.memory_space<vmem>>[vector<16xi32>], vector<16xf32>,
    }
    %scan3A_14 = arith.constant 625 : i32
    %run_scoped3A = arith.constant 0 : i32
    "tpu.region"() ({
      %run_scoped3A_16 = tpu.sem_alloc : memref<!tpu.dma_semaphore, #tpu.memory_space<semaphore_mem>>
      %dma_start3A = arith.constant 0 : i32
      %dma_start3A_17 = tpu.memref_slice %arg4[%run_scoped3A, %add3A, %dma_start3A] : memref<2x32x10000xf32, #tpu.memory_space<hbm>> -> memref<1x1x10000xf32, #tpu.memory_space<hbm>>
      %dma_start3A_18 = tpu.memref_squeeze %dma_start3A_17 : memref<1x1x10000xf32, #tpu.memory_space<hbm>> -> memref<10000xf32, #tpu.memory_space<hbm>>
      %dma_start3A_19 = arith.constant 0 : i32
      %dma_start3A_20 = tpu.memref_slice %arg4[%run_scoped3A, %add3A, %dma_start3A_19] : memref<2x32x10000xf32, #tpu.memory_space<hbm>> -> memref<1x1x10000xf32, #tpu.memory_space<hbm>>
      %dma_start3A_21 = tpu.memref_squeeze %dma_start3A_20 : memref<1x1x10000xf32, #tpu.memory_space<hbm>> -> memref<10000xf32, #tpu.memory_space<hbm>>
      tpu.enqueue_dma source(%arg7 : memref<10000xf32, #tpu.memory_space<vmem>>) target(%dma_start3A_21 : memref<10000xf32, #tpu.memory_space<hbm>>) target_semaphore(%run_scoped3A_16 : memref<!tpu.dma_semaphore, #tpu.memory_space<semaphore_mem>>)
      %dma_wait3A = arith.constant 0 : i32
      %dma_wait3A_22 = tpu.memref_slice %arg4[%run_scoped3A, %add3A, %dma_wait3A] : memref<2x32x10000xf32, #tpu.memory_space<hbm>> -> memref<1x1x10000xf32, #tpu.memory_space<hbm>>
      %dma_wait3A_23 = tpu.memref_squeeze %dma_wait3A_22 : memref<1x1x10000xf32, #tpu.memory_space<hbm>> -> memref<10000xf32, #tpu.memory_space<hbm>>
      %dma_wait3A_24 = arith.constant 0 : i32
      %dma_wait3A_25 = tpu.memref_slice %arg4[%run_scoped3A, %add3A, %dma_wait3A_24] : memref<2x32x10000xf32, #tpu.memory_space<hbm>> -> memref<1x1x10000xf32, #tpu.memory_space<hbm>>
      %dma_wait3A_26 = tpu.memref_squeeze %dma_wait3A_25 : memref<1x1x10000xf32, #tpu.memory_space<hbm>> -> memref<10000xf32, #tpu.memory_space<hbm>>
      tpu.wait_dma2 semaphore(%run_scoped3A_16 : memref<!tpu.dma_semaphore, #tpu.memory_space<semaphore_mem>>) src(%arg7 : memref<10000xf32, #tpu.memory_space<vmem>>) dst(%dma_wait3A_26 : memref<10000xf32, #tpu.memory_space<hbm>>)
      tpu.yield
    }) : () -> ()
    %run_scoped3A_15 = arith.constant 1 : i32
    "tpu.region"() ({
      %run_scoped3A_16 = tpu.sem_alloc : memref<!tpu.dma_semaphore, #tpu.memory_space<semaphore_mem>>
      %dma_start3A = arith.constant 0 : i32
      %dma_start3A_17 = tpu.memref_slice %arg4[%run_scoped3A_15, %add3A, %dma_start3A] : memref<2x32x10000xf32, #tpu.memory_space<hbm>> -> memref<1x1x10000xf32, #tpu.memory_space<hbm>>
      %dma_start3A_18 = tpu.memref_squeeze %dma_start3A_17 : memref<1x1x10000xf32, #tpu.memory_space<hbm>> -> memref<10000xf32, #tpu.memory_space<hbm>>
      %dma_start3A_19 = arith.constant 0 : i32
      %dma_start3A_20 = tpu.memref_slice %arg4[%run_scoped3A_15, %add3A, %dma_start3A_19] : memref<2x32x10000xf32, #tpu.memory_space<hbm>> -> memref<1x1x10000xf32, #tpu.memory_space<hbm>>
      %dma_start3A_21 = tpu.memref_squeeze %dma_start3A_20 : memref<1x1x10000xf32, #tpu.memory_space<hbm>> -> memref<10000xf32, #tpu.memory_space<hbm>>
      tpu.enqueue_dma source(%arg8 : memref<10000xf32, #tpu.memory_space<vmem>>) target(%dma_start3A_21 : memref<10000xf32, #tpu.memory_space<hbm>>) target_semaphore(%run_scoped3A_16 : memref<!tpu.dma_semaphore, #tpu.memory_space<semaphore_mem>>)
      %dma_wait3A = arith.constant 0 : i32
      %dma_wait3A_22 = tpu.memref_slice %arg4[%run_scoped3A_15, %add3A, %dma_wait3A] : memref<2x32x10000xf32, #tpu.memory_space<hbm>> -> memref<1x1x10000xf32, #tpu.memory_space<hbm>>
      %dma_wait3A_23 = tpu.memref_squeeze %dma_wait3A_22 : memref<1x1x10000xf32, #tpu.memory_space<hbm>> -> memref<10000xf32, #tpu.memory_space<hbm>>
      %dma_wait3A_24 = arith.constant 0 : i32
      %dma_wait3A_25 = tpu.memref_slice %arg4[%run_scoped3A_15, %add3A, %dma_wait3A_24] : memref<2x32x10000xf32, #tpu.memory_space<hbm>> -> memref<1x1x10000xf32, #tpu.memory_space<hbm>>
      %dma_wait3A_26 = tpu.memref_squeeze %dma_wait3A_25 : memref<1x1x10000xf32, #tpu.memory_space<hbm>> -> memref<10000xf32, #tpu.memory_space<hbm>>
      tpu.wait_dma2 semaphore(%run_scoped3A_16 : memref<!tpu.dma_semaphore, #tpu.memory_space<semaphore_mem>>) src(%arg8 : memref<10000xf32, #tpu.memory_space<vmem>>) dst(%dma_wait3A_26 : memref<10000xf32, #tpu.memory_space<hbm>>)
      tpu.yield
    }) : () -> ()
    return
  }
}

#map = affine_map<(d0, d1) -> (0, 0)>
module attributes {stable_mosaic.version = 14 : i64} {
  func.func @_agg_body(%arg0: i32, %arg1: i32, %arg2: memref<20000x64xf32, #tpu.memory_space<hbm>>, %arg3: memref<2560x128xi32, #tpu.memory_space<hbm>>, %arg4: memref<2560x125xi32, #tpu.memory_space<hbm>>, %arg5: memref<320000x128xf32, #tpu.memory_space<hbm>>, %arg6: memref<625x64xf32, #tpu.memory_space<hbm>>, %arg7: memref<10000x128xf32, #tpu.memory_space<hbm>>, %arg8: memref<160x128xi32, #tpu.memory_space<vmem>>, %arg9: memref<125x64xf32, #tpu.memory_space<vmem>>, %arg10: memref<125x64xf32, #tpu.memory_space<vmem>>, %arg11: memref<125x64xf32, #tpu.memory_space<vmem>>, %arg12: memref<125x64xf32, #tpu.memory_space<vmem>>, %arg13: memref<128x64xf32, #tpu.memory_space<vmem>>, %arg14: memref<128x64xf32, #tpu.memory_space<vmem>>, %arg15: memref<128x64xf32, #tpu.memory_space<vmem>>, %arg16: memref<128x64xf32, #tpu.memory_space<vmem>>, %arg17: memref<125xi32, #tpu.memory_space<vmem>>, %arg18: memref<125xi32, #tpu.memory_space<vmem>>, %arg19: memref<125xi32, #tpu.memory_space<vmem>>, %arg20: memref<125xi32, #tpu.memory_space<vmem>>, %arg21: memref<!tpu.dma_semaphore, #tpu.memory_space<semaphore_mem>>, %arg22: memref<!tpu.dma_semaphore, #tpu.memory_space<semaphore_mem>>, %arg23: memref<!tpu.dma_semaphore, #tpu.memory_space<semaphore_mem>>, %arg24: memref<!tpu.dma_semaphore, #tpu.memory_space<semaphore_mem>>, %arg25: memref<!tpu.dma_semaphore, #tpu.memory_space<semaphore_mem>>, %arg26: memref<!tpu.dma_semaphore, #tpu.memory_space<semaphore_mem>>, %arg27: memref<!tpu.dma_semaphore, #tpu.memory_space<semaphore_mem>>, %arg28: memref<!tpu.dma_semaphore, #tpu.memory_space<semaphore_mem>>, %arg29: memref<!tpu.dma_semaphore, #tpu.memory_space<semaphore_mem>>, %arg30: memref<!tpu.dma_semaphore, #tpu.memory_space<semaphore_mem>>, %arg31: memref<!tpu.dma_semaphore, #tpu.memory_space<semaphore_mem>>, %arg32: memref<!tpu.dma_semaphore, #tpu.memory_space<semaphore_mem>>, %arg33: memref<!tpu.dma_semaphore, #tpu.memory_space<semaphore_mem>>, %arg34: memref<!tpu.dma_semaphore, #tpu.memory_space<semaphore_mem>>, %arg35: memref<!tpu.dma_semaphore, #tpu.memory_space<semaphore_mem>>, %arg36: memref<!tpu.dma_semaphore, #tpu.memory_space<semaphore_mem>>, %arg37: memref<10000x64xf32, #tpu.memory_space<vmem_shared>>) attributes {dimension_semantics = [#tpu.dimension_semantics<core_parallel>, #tpu.dimension_semantics<subcore_parallel>], iteration_bounds = array<i64: 2, 16>, scalar_prefetch = 0 : i64, scratch_operands = 30 : i64, tpu.core_type = #tpu.core_type<sc_vector_subcore>, window_params = [{transform_indices = #map}, {transform_indices = #map}, {transform_indices = #map}, {transform_indices = #map}, {transform_indices = #map}, {transform_indices = #map}]} {
    %mul3A = arith.constant 160 : i32
    %mul3A_0 = arith.muli %arg1, %mul3A : i32
    "tpu.region"() ({
      %run_scoped3A = tpu.sem_alloc : memref<!tpu.dma_semaphore, #tpu.memory_space<semaphore_mem>>
      %dma_start3A_241 = arith.constant 0 : i32
      %dma_start3A_242 = tpu.memref_slice %arg3[%mul3A_0, %dma_start3A_241] : memref<2560x128xi32, #tpu.memory_space<hbm>> -> memref<160x128xi32, #tpu.memory_space<hbm>>
      %dma_start3A_243 = arith.constant 0 : i32
      %dma_start3A_244 = tpu.memref_slice %arg3[%mul3A_0, %dma_start3A_243] : memref<2560x128xi32, #tpu.memory_space<hbm>> -> memref<160x128xi32, #tpu.memory_space<hbm>>
      tpu.enqueue_dma source(%dma_start3A_244 : memref<160x128xi32, #tpu.memory_space<hbm>>) target(%arg8 : memref<160x128xi32, #tpu.memory_space<vmem>>) target_semaphore(%run_scoped3A : memref<!tpu.dma_semaphore, #tpu.memory_space<semaphore_mem>>)
      %dma_wait3A_245 = arith.constant 0 : i32
      %dma_wait3A_246 = tpu.memref_slice %arg3[%mul3A_0, %dma_wait3A_245] : memref<2560x128xi32, #tpu.memory_space<hbm>> -> memref<160x128xi32, #tpu.memory_space<hbm>>
      %dma_wait3A_247 = arith.constant 0 : i32
      %dma_wait3A_248 = tpu.memref_slice %arg3[%mul3A_0, %dma_wait3A_247] : memref<2560x128xi32, #tpu.memory_space<hbm>> -> memref<160x128xi32, #tpu.memory_space<hbm>>
      tpu.wait_dma2 semaphore(%run_scoped3A : memref<!tpu.dma_semaphore, #tpu.memory_space<semaphore_mem>>) src(%dma_wait3A_248 : memref<160x128xi32, #tpu.memory_space<hbm>>) dst(%arg8 : memref<160x128xi32, #tpu.memory_space<vmem>>)
      tpu.yield
    }) : () -> ()
    %mul3A_1 = arith.constant 10000 : i32
    %mul3A_2 = arith.muli %arg0, %mul3A_1 : i32
    %broadcast_in_dim3A = vector.broadcast %mul3A_2 : i32 to vector<16xi32>
    %scan3A = arith.constant 0 : i32
    %scan3A_3 = arith.constant 160 : i32
    %scan3A_4 = arith.addi %scan3A, %scan3A_3 : i32
    %scan3A_5 = arith.constant 1 : i32
    scf.for %scan3A_241 = %scan3A to %scan3A_4 step %scan3A_5  : i32 {
      %mul3A_242 = arith.constant 1 : i32
      %mul3A_243 = arith.muli %scan3A_241, %mul3A_242 : i32
      %add3A_244 = arith.constant 0 : i32
      %add3A_245 = arith.addi %add3A_244, %mul3A_243 : i32
      %get3A = arith.index_cast %add3A_245 : i32 to index
      %get3A_246 = arith.constant 0 : index
      %get3A_247 = tpu.vector_load %arg8[%get3A, %get3A_246] {strides = array<i32>} : memref<160x128xi32, #tpu.memory_space<vmem>>, vector<1x16xi32>,
      %get3A_248 = vector.shape_cast %get3A_247 : vector<1x16xi32> to vector<16xi32>
      %add3A_249 = arith.addi %get3A_248, %broadcast_in_dim3A : vector<16xi32>
      %swap3A = arith.index_cast %add3A_245 : i32 to index
      %swap3A_250 = arith.constant 0 : index
      %swap3A_251 = tpu.vector_load %arg8[%swap3A, %swap3A_250] {strides = array<i32>} : memref<160x128xi32, #tpu.memory_space<vmem>>, vector<1x16xi32>,
      %swap3A_252 = vector.shape_cast %swap3A_251 : vector<1x16xi32> to vector<16xi32>
      %swap3A_253 = vector.shape_cast %add3A_249 : vector<16xi32> to vector<1x16xi32>
      tpu.vector_store %arg8[%swap3A, %swap3A_250], %swap3A_253 {strides = array<i32>} : memref<160x128xi32, #tpu.memory_space<vmem>>, vector<1x16xi32>,
      %get3A_254 = arith.index_cast %add3A_245 : i32 to index
      %get3A_255 = arith.constant 16 : index
      %get3A_256 = tpu.vector_load %arg8[%get3A_254, %get3A_255] {strides = array<i32>} : memref<160x128xi32, #tpu.memory_space<vmem>>, vector<1x16xi32>,
      %get3A_257 = vector.shape_cast %get3A_256 : vector<1x16xi32> to vector<16xi32>
      %add3A_258 = arith.addi %get3A_257, %broadcast_in_dim3A : vector<16xi32>
      %swap3A_259 = arith.index_cast %add3A_245 : i32 to index
      %swap3A_260 = arith.constant 16 : index
      %swap3A_261 = tpu.vector_load %arg8[%swap3A_259, %swap3A_260] {strides = array<i32>} : memref<160x128xi32, #tpu.memory_space<vmem>>, vector<1x16xi32>,
      %swap3A_262 = vector.shape_cast %swap3A_261 : vector<1x16xi32> to vector<16xi32>
      %swap3A_263 = vector.shape_cast %add3A_258 : vector<16xi32> to vector<1x16xi32>
      tpu.vector_store %arg8[%swap3A_259, %swap3A_260], %swap3A_263 {strides = array<i32>} : memref<160x128xi32, #tpu.memory_space<vmem>>, vector<1x16xi32>,
      %get3A_264 = arith.index_cast %add3A_245 : i32 to index
      %get3A_265 = arith.constant 32 : index
      %get3A_266 = tpu.vector_load %arg8[%get3A_264, %get3A_265] {strides = array<i32>} : memref<160x128xi32, #tpu.memory_space<vmem>>, vector<1x16xi32>,
      %get3A_267 = vector.shape_cast %get3A_266 : vector<1x16xi32> to vector<16xi32>
      %add3A_268 = arith.addi %get3A_267, %broadcast_in_dim3A : vector<16xi32>
      %swap3A_269 = arith.index_cast %add3A_245 : i32 to index
      %swap3A_270 = arith.constant 32 : index
      %swap3A_271 = tpu.vector_load %arg8[%swap3A_269, %swap3A_270] {strides = array<i32>} : memref<160x128xi32, #tpu.memory_space<vmem>>, vector<1x16xi32>,
      %swap3A_272 = vector.shape_cast %swap3A_271 : vector<1x16xi32> to vector<16xi32>
      %swap3A_273 = vector.shape_cast %add3A_268 : vector<16xi32> to vector<1x16xi32>
      tpu.vector_store %arg8[%swap3A_269, %swap3A_270], %swap3A_273 {strides = array<i32>} : memref<160x128xi32, #tpu.memory_space<vmem>>, vector<1x16xi32>,
      %get3A_274 = arith.index_cast %add3A_245 : i32 to index
      %get3A_275 = arith.constant 48 : index
      %get3A_276 = tpu.vector_load %arg8[%get3A_274, %get3A_275] {strides = array<i32>} : memref<160x128xi32, #tpu.memory_space<vmem>>, vector<1x16xi32>,
      %get3A_277 = vector.shape_cast %get3A_276 : vector<1x16xi32> to vector<16xi32>
      %add3A_278 = arith.addi %get3A_277, %broadcast_in_dim3A : vector<16xi32>
      %swap3A_279 = arith.index_cast %add3A_245 : i32 to index
      %swap3A_280 = arith.constant 48 : index
      %swap3A_281 = tpu.vector_load %arg8[%swap3A_279, %swap3A_280] {strides = array<i32>} : memref<160x128xi32, #tpu.memory_space<vmem>>, vector<1x16xi32>,
      %swap3A_282 = vector.shape_cast %swap3A_281 : vector<1x16xi32> to vector<16xi32>
      %swap3A_283 = vector.shape_cast %add3A_278 : vector<16xi32> to vector<1x16xi32>
      tpu.vector_store %arg8[%swap3A_279, %swap3A_280], %swap3A_283 {strides = array<i32>} : memref<160x128xi32, #tpu.memory_space<vmem>>, vector<1x16xi32>,
      %get3A_284 = arith.index_cast %add3A_245 : i32 to index
      %get3A_285 = arith.constant 64 : index
      %get3A_286 = tpu.vector_load %arg8[%get3A_284, %get3A_285] {strides = array<i32>} : memref<160x128xi32, #tpu.memory_space<vmem>>, vector<1x16xi32>,
      %get3A_287 = vector.shape_cast %get3A_286 : vector<1x16xi32> to vector<16xi32>
      %add3A_288 = arith.addi %get3A_287, %broadcast_in_dim3A : vector<16xi32>
      %swap3A_289 = arith.index_cast %add3A_245 : i32 to index
      %swap3A_290 = arith.constant 64 : index
      %swap3A_291 = tpu.vector_load %arg8[%swap3A_289, %swap3A_290] {strides = array<i32>} : memref<160x128xi32, #tpu.memory_space<vmem>>, vector<1x16xi32>,
      %swap3A_292 = vector.shape_cast %swap3A_291 : vector<1x16xi32> to vector<16xi32>
      %swap3A_293 = vector.shape_cast %add3A_288 : vector<16xi32> to vector<1x16xi32>
      tpu.vector_store %arg8[%swap3A_289, %swap3A_290], %swap3A_293 {strides = array<i32>} : memref<160x128xi32, #tpu.memory_space<vmem>>, vector<1x16xi32>,
      %get3A_294 = arith.index_cast %add3A_245 : i32 to index
      %get3A_295 = arith.constant 80 : index
      %get3A_296 = tpu.vector_load %arg8[%get3A_294, %get3A_295] {strides = array<i32>} : memref<160x128xi32, #tpu.memory_space<vmem>>, vector<1x16xi32>,
      %get3A_297 = vector.shape_cast %get3A_296 : vector<1x16xi32> to vector<16xi32>
      %add3A_298 = arith.addi %get3A_297, %broadcast_in_dim3A : vector<16xi32>
      %swap3A_299 = arith.index_cast %add3A_245 : i32 to index
      %swap3A_300 = arith.constant 80 : index
      %swap3A_301 = tpu.vector_load %arg8[%swap3A_299, %swap3A_300] {strides = array<i32>} : memref<160x128xi32, #tpu.memory_space<vmem>>, vector<1x16xi32>,
      %swap3A_302 = vector.shape_cast %swap3A_301 : vector<1x16xi32> to vector<16xi32>
      %swap3A_303 = vector.shape_cast %add3A_298 : vector<16xi32> to vector<1x16xi32>
      tpu.vector_store %arg8[%swap3A_299, %swap3A_300], %swap3A_303 {strides = array<i32>} : memref<160x128xi32, #tpu.memory_space<vmem>>, vector<1x16xi32>,
      %get3A_304 = arith.index_cast %add3A_245 : i32 to index
      %get3A_305 = arith.constant 96 : index
      %get3A_306 = tpu.vector_load %arg8[%get3A_304, %get3A_305] {strides = array<i32>} : memref<160x128xi32, #tpu.memory_space<vmem>>, vector<1x16xi32>,
      %get3A_307 = vector.shape_cast %get3A_306 : vector<1x16xi32> to vector<16xi32>
      %add3A_308 = arith.addi %get3A_307, %broadcast_in_dim3A : vector<16xi32>
      %swap3A_309 = arith.index_cast %add3A_245 : i32 to index
      %swap3A_310 = arith.constant 96 : index
      %swap3A_311 = tpu.vector_load %arg8[%swap3A_309, %swap3A_310] {strides = array<i32>} : memref<160x128xi32, #tpu.memory_space<vmem>>, vector<1x16xi32>,
      %swap3A_312 = vector.shape_cast %swap3A_311 : vector<1x16xi32> to vector<16xi32>
      %swap3A_313 = vector.shape_cast %add3A_308 : vector<16xi32> to vector<1x16xi32>
      tpu.vector_store %arg8[%swap3A_309, %swap3A_310], %swap3A_313 {strides = array<i32>} : memref<160x128xi32, #tpu.memory_space<vmem>>, vector<1x16xi32>,
      %get3A_314 = arith.index_cast %add3A_245 : i32 to index
      %get3A_315 = arith.constant 112 : index
      %get3A_316 = tpu.vector_load %arg8[%get3A_314, %get3A_315] {strides = array<i32>} : memref<160x128xi32, #tpu.memory_space<vmem>>, vector<1x16xi32>,
      %get3A_317 = vector.shape_cast %get3A_316 : vector<1x16xi32> to vector<16xi32>
      %add3A_318 = arith.addi %get3A_317, %broadcast_in_dim3A : vector<16xi32>
      %swap3A_319 = arith.index_cast %add3A_245 : i32 to index
      %swap3A_320 = arith.constant 112 : index
      %swap3A_321 = tpu.vector_load %arg8[%swap3A_319, %swap3A_320] {strides = array<i32>} : memref<160x128xi32, #tpu.memory_space<vmem>>, vector<1x16xi32>,
      %swap3A_322 = vector.shape_cast %swap3A_321 : vector<1x16xi32> to vector<16xi32>
      %swap3A_323 = vector.shape_cast %add3A_318 : vector<16xi32> to vector<1x16xi32>
      tpu.vector_store %arg8[%swap3A_319, %swap3A_320], %swap3A_323 {strides = array<i32>} : memref<160x128xi32, #tpu.memory_space<vmem>>, vector<1x16xi32>,
    }
    %scan3A_6 = arith.constant 160 : i32
    %mul3A_7 = arith.constant 625 : i32
    %mul3A_8 = arith.muli %arg1, %mul3A_7 : i32
    "tpu.region"() ({
      %run_scoped3A = tpu.sem_alloc : memref<!tpu.dma_semaphore, #tpu.memory_space<semaphore_mem>>
      %dma_start3A_241 = arith.constant 0 : i32
      %dma_start3A_242 = tpu.memref_slice %arg37[%mul3A_8, %dma_start3A_241] : memref<10000x64xf32, #tpu.memory_space<vmem_shared>> -> memref<625x64xf32, #tpu.memory_space<vmem_shared>>
      tpu.enqueue_dma source(%arg6 : memref<625x64xf32, #tpu.memory_space<hbm>>) target(%dma_start3A_242 : memref<625x64xf32, #tpu.memory_space<vmem_shared>>) target_semaphore(%run_scoped3A : memref<!tpu.dma_semaphore, #tpu.memory_space<semaphore_mem>>)
      %dma_wait3A_243 = arith.constant 0 : i32
      %dma_wait3A_244 = tpu.memref_slice %arg37[%mul3A_8, %dma_wait3A_243] : memref<10000x64xf32, #tpu.memory_space<vmem_shared>> -> memref<625x64xf32, #tpu.memory_space<vmem_shared>>
      tpu.wait_dma2 semaphore(%run_scoped3A : memref<!tpu.dma_semaphore, #tpu.memory_space<semaphore_mem>>) src(%arg6 : memref<625x64xf32, #tpu.memory_space<hbm>>) dst(%dma_wait3A_244 : memref<625x64xf32, #tpu.memory_space<vmem_shared>>)
      tpu.yield
    }) : () -> ()
    %barrier3A = arith.constant 0 : index
    tpu.barrier barrier_id(%barrier3A)
    %mul3A_9 = arith.constant 64 : i32
    %mul3A_10 = arith.muli %arg0, %mul3A_9 : i32
    %add3A = arith.constant 0 : i32
    %add3A_11 = arith.addi %mul3A_0, %add3A : i32
    %mul3A_12 = arith.constant 125 : i32
    %mul3A_13 = arith.muli %add3A_11, %mul3A_12 : i32
    %dma_start3A = tpu.memref_slice %arg5[%mul3A_13, %mul3A_10] : memref<320000x128xf32, #tpu.memory_space<hbm>> -> memref<125x64xf32, #tpu.memory_space<hbm>>
    %dma_start3A_14 = tpu.memref_slice %arg5[%mul3A_13, %mul3A_10] : memref<320000x128xf32, #tpu.memory_space<hbm>> -> memref<125x64xf32, #tpu.memory_space<hbm>>
    tpu.enqueue_dma source(%dma_start3A_14 : memref<125x64xf32, #tpu.memory_space<hbm>>) target(%arg9 : memref<125x64xf32, #tpu.memory_space<vmem>>) target_semaphore(%arg21 : memref<!tpu.dma_semaphore, #tpu.memory_space<semaphore_mem>>)
    %sub3A = arith.subi %add3A_11, %mul3A_0 : i32
    %dma_start3A_15 = arith.constant 0 : i32
    %dma_start3A_16 = tpu.memref_slice %arg8[%sub3A, %dma_start3A_15] : memref<160x128xi32, #tpu.memory_space<vmem>> -> memref<1x128xi32, #tpu.memory_space<vmem>>
    %dma_start3A_17 = tpu.memref_squeeze %dma_start3A_16 : memref<1x128xi32, #tpu.memory_space<vmem>> -> memref<128xi32, #tpu.memory_space<vmem>>
    %dma_start3A_18 = arith.constant 0 : i32
    %dma_start3A_19 = arith.constant 0 : i32
    %dma_start3A_20 = tpu.memref_slice %arg2[%dma_start3A_18, %dma_start3A_19] : memref<20000x64xf32, #tpu.memory_space<hbm>> -> memref<20000x64xf32, #tpu.memory_space<hbm>>
    tpu.enqueue_indirect_dma source(%dma_start3A_20 : memref<20000x64xf32, #tpu.memory_space<hbm>>) target(%arg13 : memref<128x64xf32, #tpu.memory_space<vmem>>) offsets(%dma_start3A_17 : memref<128xi32, #tpu.memory_space<vmem>>) semaphore(%arg25 : memref<!tpu.dma_semaphore, #tpu.memory_space<semaphore_mem>>)
    %dma_start3A_21 = arith.constant 0 : i32
    %dma_start3A_22 = tpu.memref_slice %arg4[%add3A_11, %dma_start3A_21] : memref<2560x125xi32, #tpu.memory_space<hbm>> -> memref<1x125xi32, #tpu.memory_space<hbm>>
    %dma_start3A_23 = tpu.memref_squeeze %dma_start3A_22 : memref<1x125xi32, #tpu.memory_space<hbm>> -> memref<125xi32, #tpu.memory_space<hbm>>
    %dma_start3A_24 = arith.constant 0 : i32
    %dma_start3A_25 = tpu.memref_slice %arg4[%add3A_11, %dma_start3A_24] : memref<2560x125xi32, #tpu.memory_space<hbm>> -> memref<1x125xi32, #tpu.memory_space<hbm>>
    %dma_start3A_26 = tpu.memref_squeeze %dma_start3A_25 : memref<1x125xi32, #tpu.memory_space<hbm>> -> memref<125xi32, #tpu.memory_space<hbm>>
    tpu.enqueue_dma source(%dma_start3A_26 : memref<125xi32, #tpu.memory_space<hbm>>) target(%arg17 : memref<125xi32, #tpu.memory_space<vmem>>) target_semaphore(%arg29 : memref<!tpu.dma_semaphore, #tpu.memory_space<semaphore_mem>>)
    %add3A_27 = arith.constant 1 : i32
    %add3A_28 = arith.addi %mul3A_0, %add3A_27 : i32
    %mul3A_29 = arith.constant 125 : i32
    %mul3A_30 = arith.muli %add3A_28, %mul3A_29 : i32
    %dma_start3A_31 = tpu.memref_slice %arg5[%mul3A_30, %mul3A_10] : memref<320000x128xf32, #tpu.memory_space<hbm>> -> memref<125x64xf32, #tpu.memory_space<hbm>>
    %dma_start3A_32 = tpu.memref_slice %arg5[%mul3A_30, %mul3A_10] : memref<320000x128xf32, #tpu.memory_space<hbm>> -> memref<125x64xf32, #tpu.memory_space<hbm>>
    tpu.enqueue_dma source(%dma_start3A_32 : memref<125x64xf32, #tpu.memory_space<hbm>>) target(%arg10 : memref<125x64xf32, #tpu.memory_space<vmem>>) target_semaphore(%arg22 : memref<!tpu.dma_semaphore, #tpu.memory_space<semaphore_mem>>)
    %sub3A_33 = arith.subi %add3A_28, %mul3A_0 : i32
    %dma_start3A_34 = arith.constant 0 : i32
    %dma_start3A_35 = tpu.memref_slice %arg8[%sub3A_33, %dma_start3A_34] : memref<160x128xi32, #tpu.memory_space<vmem>> -> memref<1x128xi32, #tpu.memory_space<vmem>>
    %dma_start3A_36 = tpu.memref_squeeze %dma_start3A_35 : memref<1x128xi32, #tpu.memory_space<vmem>> -> memref<128xi32, #tpu.memory_space<vmem>>
    %dma_start3A_37 = arith.constant 0 : i32
    %dma_start3A_38 = arith.constant 0 : i32
    %dma_start3A_39 = tpu.memref_slice %arg2[%dma_start3A_37, %dma_start3A_38] : memref<20000x64xf32, #tpu.memory_space<hbm>> -> memref<20000x64xf32, #tpu.memory_space<hbm>>
    tpu.enqueue_indirect_dma source(%dma_start3A_39 : memref<20000x64xf32, #tpu.memory_space<hbm>>) target(%arg14 : memref<128x64xf32, #tpu.memory_space<vmem>>) offsets(%dma_start3A_36 : memref<128xi32, #tpu.memory_space<vmem>>) semaphore(%arg26 : memref<!tpu.dma_semaphore, #tpu.memory_space<semaphore_mem>>)
    %dma_start3A_40 = arith.constant 0 : i32
    %dma_start3A_41 = tpu.memref_slice %arg4[%add3A_28, %dma_start3A_40] : memref<2560x125xi32, #tpu.memory_space<hbm>> -> memref<1x125xi32, #tpu.memory_space<hbm>>
    %dma_start3A_42 = tpu.memref_squeeze %dma_start3A_41 : memref<1x125xi32, #tpu.memory_space<hbm>> -> memref<125xi32, #tpu.memory_space<hbm>>
    %dma_start3A_43 = arith.constant 0 : i32
    %dma_start3A_44 = tpu.memref_slice %arg4[%add3A_28, %dma_start3A_43] : memref<2560x125xi32, #tpu.memory_space<hbm>> -> memref<1x125xi32, #tpu.memory_space<hbm>>
    %dma_start3A_45 = tpu.memref_squeeze %dma_start3A_44 : memref<1x125xi32, #tpu.memory_space<hbm>> -> memref<125xi32, #tpu.memory_space<hbm>>
    tpu.enqueue_dma source(%dma_start3A_45 : memref<125xi32, #tpu.memory_space<hbm>>) target(%arg18 : memref<125xi32, #tpu.memory_space<vmem>>) target_semaphore(%arg30 : memref<!tpu.dma_semaphore, #tpu.memory_space<semaphore_mem>>)
    %add3A_46 = arith.constant 2 : i32
    %add3A_47 = arith.addi %mul3A_0, %add3A_46 : i32
    %mul3A_48 = arith.constant 125 : i32
    %mul3A_49 = arith.muli %add3A_47, %mul3A_48 : i32
    %dma_start3A_50 = tpu.memref_slice %arg5[%mul3A_49, %mul3A_10] : memref<320000x128xf32, #tpu.memory_space<hbm>> -> memref<125x64xf32, #tpu.memory_space<hbm>>
    %dma_start3A_51 = tpu.memref_slice %arg5[%mul3A_49, %mul3A_10] : memref<320000x128xf32, #tpu.memory_space<hbm>> -> memref<125x64xf32, #tpu.memory_space<hbm>>
    tpu.enqueue_dma source(%dma_start3A_51 : memref<125x64xf32, #tpu.memory_space<hbm>>) target(%arg11 : memref<125x64xf32, #tpu.memory_space<vmem>>) target_semaphore(%arg23 : memref<!tpu.dma_semaphore, #tpu.memory_space<semaphore_mem>>)
    %sub3A_52 = arith.subi %add3A_47, %mul3A_0 : i32
    %dma_start3A_53 = arith.constant 0 : i32
    %dma_start3A_54 = tpu.memref_slice %arg8[%sub3A_52, %dma_start3A_53] : memref<160x128xi32, #tpu.memory_space<vmem>> -> memref<1x128xi32, #tpu.memory_space<vmem>>
    %dma_start3A_55 = tpu.memref_squeeze %dma_start3A_54 : memref<1x128xi32, #tpu.memory_space<vmem>> -> memref<128xi32, #tpu.memory_space<vmem>>
    %dma_start3A_56 = arith.constant 0 : i32
    %dma_start3A_57 = arith.constant 0 : i32
    %dma_start3A_58 = tpu.memref_slice %arg2[%dma_start3A_56, %dma_start3A_57] : memref<20000x64xf32, #tpu.memory_space<hbm>> -> memref<20000x64xf32, #tpu.memory_space<hbm>>
    tpu.enqueue_indirect_dma source(%dma_start3A_58 : memref<20000x64xf32, #tpu.memory_space<hbm>>) target(%arg15 : memref<128x64xf32, #tpu.memory_space<vmem>>) offsets(%dma_start3A_55 : memref<128xi32, #tpu.memory_space<vmem>>) semaphore(%arg27 : memref<!tpu.dma_semaphore, #tpu.memory_space<semaphore_mem>>)
    %dma_start3A_59 = arith.constant 0 : i32
    %dma_start3A_60 = tpu.memref_slice %arg4[%add3A_47, %dma_start3A_59] : memref<2560x125xi32, #tpu.memory_space<hbm>> -> memref<1x125xi32, #tpu.memory_space<hbm>>
    %dma_start3A_61 = tpu.memref_squeeze %dma_start3A_60 : memref<1x125xi32, #tpu.memory_space<hbm>> -> memref<125xi32, #tpu.memory_space<hbm>>
    %dma_start3A_62 = arith.constant 0 : i32
    %dma_start3A_63 = tpu.memref_slice %arg4[%add3A_47, %dma_start3A_62] : memref<2560x125xi32, #tpu.memory_space<hbm>> -> memref<1x125xi32, #tpu.memory_space<hbm>>
    %dma_start3A_64 = tpu.memref_squeeze %dma_start3A_63 : memref<1x125xi32, #tpu.memory_space<hbm>> -> memref<125xi32, #tpu.memory_space<hbm>>
    tpu.enqueue_dma source(%dma_start3A_64 : memref<125xi32, #tpu.memory_space<hbm>>) target(%arg19 : memref<125xi32, #tpu.memory_space<vmem>>) target_semaphore(%arg31 : memref<!tpu.dma_semaphore, #tpu.memory_space<semaphore_mem>>)
    %add3A_65 = arith.constant 0 : i32
    %add3A_66 = arith.addi %mul3A_0, %add3A_65 : i32
    %mul3A_67 = arith.constant 125 : i32
    %mul3A_68 = arith.muli %add3A_66, %mul3A_67 : i32
    %dma_wait3A = tpu.memref_slice %arg5[%mul3A_68, %mul3A_10] : memref<320000x128xf32, #tpu.memory_space<hbm>> -> memref<125x64xf32, #tpu.memory_space<hbm>>
    %dma_wait3A_69 = tpu.memref_slice %arg5[%mul3A_68, %mul3A_10] : memref<320000x128xf32, #tpu.memory_space<hbm>> -> memref<125x64xf32, #tpu.memory_space<hbm>>
    tpu.wait_dma2 semaphore(%arg21 : memref<!tpu.dma_semaphore, #tpu.memory_space<semaphore_mem>>) src(%dma_wait3A_69 : memref<125x64xf32, #tpu.memory_space<hbm>>) dst(%arg9 : memref<125x64xf32, #tpu.memory_space<vmem>>)
    %sub3A_70 = arith.subi %add3A_66, %mul3A_0 : i32
    %dma_wait3A_71 = arith.constant 0 : i32
    %dma_wait3A_72 = tpu.memref_slice %arg8[%sub3A_70, %dma_wait3A_71] : memref<160x128xi32, #tpu.memory_space<vmem>> -> memref<1x128xi32, #tpu.memory_space<vmem>>
    %dma_wait3A_73 = tpu.memref_squeeze %dma_wait3A_72 : memref<1x128xi32, #tpu.memory_space<vmem>> -> memref<128xi32, #tpu.memory_space<vmem>>
    %dma_wait3A_74 = arith.constant 0 : i32
    %dma_wait3A_75 = arith.constant 0 : i32
    %dma_wait3A_76 = tpu.memref_slice %arg2[%dma_wait3A_74, %dma_wait3A_75] : memref<20000x64xf32, #tpu.memory_space<hbm>> -> memref<20000x64xf32, #tpu.memory_space<hbm>>
    tpu.wait_indirect_dma semaphore(%arg25 : memref<!tpu.dma_semaphore, #tpu.memory_space<semaphore_mem>>) src(%dma_wait3A_76 : memref<20000x64xf32, #tpu.memory_space<hbm>>) dst(%arg13 : memref<128x64xf32, #tpu.memory_space<vmem>>)
    %dma_wait3A_77 = arith.constant 0 : i32
    %dma_wait3A_78 = tpu.memref_slice %arg4[%add3A_66, %dma_wait3A_77] : memref<2560x125xi32, #tpu.memory_space<hbm>> -> memref<1x125xi32, #tpu.memory_space<hbm>>
    %dma_wait3A_79 = tpu.memref_squeeze %dma_wait3A_78 : memref<1x125xi32, #tpu.memory_space<hbm>> -> memref<125xi32, #tpu.memory_space<hbm>>
    %dma_wait3A_80 = arith.constant 0 : i32
    %dma_wait3A_81 = tpu.memref_slice %arg4[%add3A_66, %dma_wait3A_80] : memref<2560x125xi32, #tpu.memory_space<hbm>> -> memref<1x125xi32, #tpu.memory_space<hbm>>
    %dma_wait3A_82 = tpu.memref_squeeze %dma_wait3A_81 : memref<1x125xi32, #tpu.memory_space<hbm>> -> memref<125xi32, #tpu.memory_space<hbm>>
    tpu.wait_dma2 semaphore(%arg29 : memref<!tpu.dma_semaphore, #tpu.memory_space<semaphore_mem>>) src(%dma_wait3A_82 : memref<125xi32, #tpu.memory_space<hbm>>) dst(%arg17 : memref<125xi32, #tpu.memory_space<vmem>>)
    %scan3A_83 = arith.constant 0 : i32
    %scan3A_84 = arith.constant 125 : i32
    %scan3A_85 = arith.addi %scan3A_83, %scan3A_84 : i32
    %scan3A_86 = arith.constant 5 : i32
    scf.for %scan3A_241 = %scan3A_83 to %scan3A_85 step %scan3A_86  : i32 {
      %mul3A_242 = arith.constant 1 : i32
      %mul3A_243 = arith.muli %scan3A_241, %mul3A_242 : i32
      %add3A_244 = arith.constant 0 : i32
      %add3A_245 = arith.addi %add3A_244, %mul3A_243 : i32
      %get3A = arith.index_cast %add3A_245 : i32 to index
      %get3A_246 = arith.constant 0 : index
      %get3A_247 = tpu.vector_load %arg9[%get3A, %get3A_246] {strides = array<i32>} : memref<125x64xf32, #tpu.memory_space<vmem>>, vector<1x16xf32>,
      %get3A_248 = vector.shape_cast %get3A_247 : vector<1x16xf32> to vector<16xf32>
      %swap3A = arith.index_cast %add3A_245 : i32 to index
      %swap3A_249 = arith.constant 0 : index
      %swap3A_250 = tpu.vector_load %arg13[%swap3A, %swap3A_249] {strides = array<i32>} : memref<128x64xf32, #tpu.memory_space<vmem>>, vector<1x16xf32>,
      %swap3A_251 = vector.shape_cast %swap3A_250 : vector<1x16xf32> to vector<16xf32>
      %swap3A_252 = vector.shape_cast %get3A_248 : vector<16xf32> to vector<1x16xf32>
      tpu.vector_store %arg13[%swap3A, %swap3A_249], %swap3A_252 {add = true, strides = array<i32>} : memref<128x64xf32, #tpu.memory_space<vmem>>, vector<1x16xf32>,
      %get3A_253 = arith.index_cast %add3A_245 : i32 to index
      %get3A_254 = arith.constant 16 : index
      %get3A_255 = tpu.vector_load %arg9[%get3A_253, %get3A_254] {strides = array<i32>} : memref<125x64xf32, #tpu.memory_space<vmem>>, vector<1x16xf32>,
      %get3A_256 = vector.shape_cast %get3A_255 : vector<1x16xf32> to vector<16xf32>
      %swap3A_257 = arith.index_cast %add3A_245 : i32 to index
      %swap3A_258 = arith.constant 16 : index
      %swap3A_259 = tpu.vector_load %arg13[%swap3A_257, %swap3A_258] {strides = array<i32>} : memref<128x64xf32, #tpu.memory_space<vmem>>, vector<1x16xf32>,
      %swap3A_260 = vector.shape_cast %swap3A_259 : vector<1x16xf32> to vector<16xf32>
      %swap3A_261 = vector.shape_cast %get3A_256 : vector<16xf32> to vector<1x16xf32>
      tpu.vector_store %arg13[%swap3A_257, %swap3A_258], %swap3A_261 {add = true, strides = array<i32>} : memref<128x64xf32, #tpu.memory_space<vmem>>, vector<1x16xf32>,
      %get3A_262 = arith.index_cast %add3A_245 : i32 to index
      %get3A_263 = arith.constant 32 : index
      %get3A_264 = tpu.vector_load %arg9[%get3A_262, %get3A_263] {strides = array<i32>} : memref<125x64xf32, #tpu.memory_space<vmem>>, vector<1x16xf32>,
      %get3A_265 = vector.shape_cast %get3A_264 : vector<1x16xf32> to vector<16xf32>
      %swap3A_266 = arith.index_cast %add3A_245 : i32 to index
      %swap3A_267 = arith.constant 32 : index
      %swap3A_268 = tpu.vector_load %arg13[%swap3A_266, %swap3A_267] {strides = array<i32>} : memref<128x64xf32, #tpu.memory_space<vmem>>, vector<1x16xf32>,
      %swap3A_269 = vector.shape_cast %swap3A_268 : vector<1x16xf32> to vector<16xf32>
      %swap3A_270 = vector.shape_cast %get3A_265 : vector<16xf32> to vector<1x16xf32>
      tpu.vector_store %arg13[%swap3A_266, %swap3A_267], %swap3A_270 {add = true, strides = array<i32>} : memref<128x64xf32, #tpu.memory_space<vmem>>, vector<1x16xf32>,
      %get3A_271 = arith.index_cast %add3A_245 : i32 to index
      %get3A_272 = arith.constant 48 : index
      %get3A_273 = tpu.vector_load %arg9[%get3A_271, %get3A_272] {strides = array<i32>} : memref<125x64xf32, #tpu.memory_space<vmem>>, vector<1x16xf32>,
      %get3A_274 = vector.shape_cast %get3A_273 : vector<1x16xf32> to vector<16xf32>
      %swap3A_275 = arith.index_cast %add3A_245 : i32 to index
      %swap3A_276 = arith.constant 48 : index
      %swap3A_277 = tpu.vector_load %arg13[%swap3A_275, %swap3A_276] {strides = array<i32>} : memref<128x64xf32, #tpu.memory_space<vmem>>, vector<1x16xf32>,
      %swap3A_278 = vector.shape_cast %swap3A_277 : vector<1x16xf32> to vector<16xf32>
      %swap3A_279 = vector.shape_cast %get3A_274 : vector<16xf32> to vector<1x16xf32>
      tpu.vector_store %arg13[%swap3A_275, %swap3A_276], %swap3A_279 {add = true, strides = array<i32>} : memref<128x64xf32, #tpu.memory_space<vmem>>, vector<1x16xf32>,
      %scan3A_280 = arith.constant 1 : i32
      %scan3A_281 = arith.addi %scan3A_241, %scan3A_280 : i32
      %mul3A_282 = arith.constant 1 : i32
      %mul3A_283 = arith.muli %scan3A_281, %mul3A_282 : i32
      %add3A_284 = arith.constant 0 : i32
      %add3A_285 = arith.addi %add3A_284, %mul3A_283 : i32
      %get3A_286 = arith.index_cast %add3A_285 : i32 to index
      %get3A_287 = arith.constant 0 : index
      %get3A_288 = tpu.vector_load %arg9[%get3A_286, %get3A_287] {strides = array<i32>} : memref<125x64xf32, #tpu.memory_space<vmem>>, vector<1x16xf32>,
      %get3A_289 = vector.shape_cast %get3A_288 : vector<1x16xf32> to vector<16xf32>
      %swap3A_290 = arith.index_cast %add3A_285 : i32 to index
      %swap3A_291 = arith.constant 0 : index
      %swap3A_292 = tpu.vector_load %arg13[%swap3A_290, %swap3A_291] {strides = array<i32>} : memref<128x64xf32, #tpu.memory_space<vmem>>, vector<1x16xf32>,
      %swap3A_293 = vector.shape_cast %swap3A_292 : vector<1x16xf32> to vector<16xf32>
      %swap3A_294 = vector.shape_cast %get3A_289 : vector<16xf32> to vector<1x16xf32>
      tpu.vector_store %arg13[%swap3A_290, %swap3A_291], %swap3A_294 {add = true, strides = array<i32>} : memref<128x64xf32, #tpu.memory_space<vmem>>, vector<1x16xf32>,
      %get3A_295 = arith.index_cast %add3A_285 : i32 to index
      %get3A_296 = arith.constant 16 : index
      %get3A_297 = tpu.vector_load %arg9[%get3A_295, %get3A_296] {strides = array<i32>} : memref<125x64xf32, #tpu.memory_space<vmem>>, vector<1x16xf32>,
      %get3A_298 = vector.shape_cast %get3A_297 : vector<1x16xf32> to vector<16xf32>
      %swap3A_299 = arith.index_cast %add3A_285 : i32 to index
      %swap3A_300 = arith.constant 16 : index
      %swap3A_301 = tpu.vector_load %arg13[%swap3A_299, %swap3A_300] {strides = array<i32>} : memref<128x64xf32, #tpu.memory_space<vmem>>, vector<1x16xf32>,
      %swap3A_302 = vector.shape_cast %swap3A_301 : vector<1x16xf32> to vector<16xf32>
      %swap3A_303 = vector.shape_cast %get3A_298 : vector<16xf32> to vector<1x16xf32>
      tpu.vector_store %arg13[%swap3A_299, %swap3A_300], %swap3A_303 {add = true, strides = array<i32>} : memref<128x64xf32, #tpu.memory_space<vmem>>, vector<1x16xf32>,
      %get3A_304 = arith.index_cast %add3A_285 : i32 to index
      %get3A_305 = arith.constant 32 : index
      %get3A_306 = tpu.vector_load %arg9[%get3A_304, %get3A_305] {strides = array<i32>} : memref<125x64xf32, #tpu.memory_space<vmem>>, vector<1x16xf32>,
      %get3A_307 = vector.shape_cast %get3A_306 : vector<1x16xf32> to vector<16xf32>
      %swap3A_308 = arith.index_cast %add3A_285 : i32 to index
      %swap3A_309 = arith.constant 32 : index
      %swap3A_310 = tpu.vector_load %arg13[%swap3A_308, %swap3A_309] {strides = array<i32>} : memref<128x64xf32, #tpu.memory_space<vmem>>, vector<1x16xf32>,
      %swap3A_311 = vector.shape_cast %swap3A_310 : vector<1x16xf32> to vector<16xf32>
      %swap3A_312 = vector.shape_cast %get3A_307 : vector<16xf32> to vector<1x16xf32>
      tpu.vector_store %arg13[%swap3A_308, %swap3A_309], %swap3A_312 {add = true, strides = array<i32>} : memref<128x64xf32, #tpu.memory_space<vmem>>, vector<1x16xf32>,
      %get3A_313 = arith.index_cast %add3A_285 : i32 to index
      %get3A_314 = arith.constant 48 : index
      %get3A_315 = tpu.vector_load %arg9[%get3A_313, %get3A_314] {strides = array<i32>} : memref<125x64xf32, #tpu.memory_space<vmem>>, vector<1x16xf32>,
      %get3A_316 = vector.shape_cast %get3A_315 : vector<1x16xf32> to vector<16xf32>
      %swap3A_317 = arith.index_cast %add3A_285 : i32 to index
      %swap3A_318 = arith.constant 48 : index
      %swap3A_319 = tpu.vector_load %arg13[%swap3A_317, %swap3A_318] {strides = array<i32>} : memref<128x64xf32, #tpu.memory_space<vmem>>, vector<1x16xf32>,
      %swap3A_320 = vector.shape_cast %swap3A_319 : vector<1x16xf32> to vector<16xf32>
      %swap3A_321 = vector.shape_cast %get3A_316 : vector<16xf32> to vector<1x16xf32>
      tpu.vector_store %arg13[%swap3A_317, %swap3A_318], %swap3A_321 {add = true, strides = array<i32>} : memref<128x64xf32, #tpu.memory_space<vmem>>, vector<1x16xf32>,
      %scan3A_322 = arith.constant 2 : i32
      %scan3A_323 = arith.addi %scan3A_241, %scan3A_322 : i32
      %mul3A_324 = arith.constant 1 : i32
      %mul3A_325 = arith.muli %scan3A_323, %mul3A_324 : i32
      %add3A_326 = arith.constant 0 : i32
      %add3A_327 = arith.addi %add3A_326, %mul3A_325 : i32
      %get3A_328 = arith.index_cast %add3A_327 : i32 to index
      %get3A_329 = arith.constant 0 : index
      %get3A_330 = tpu.vector_load %arg9[%get3A_328, %get3A_329] {strides = array<i32>} : memref<125x64xf32, #tpu.memory_space<vmem>>, vector<1x16xf32>,
      %get3A_331 = vector.shape_cast %get3A_330 : vector<1x16xf32> to vector<16xf32>
      %swap3A_332 = arith.index_cast %add3A_327 : i32 to index
      %swap3A_333 = arith.constant 0 : index
      %swap3A_334 = tpu.vector_load %arg13[%swap3A_332, %swap3A_333] {strides = array<i32>} : memref<128x64xf32, #tpu.memory_space<vmem>>, vector<1x16xf32>,
      %swap3A_335 = vector.shape_cast %swap3A_334 : vector<1x16xf32> to vector<16xf32>
      %swap3A_336 = vector.shape_cast %get3A_331 : vector<16xf32> to vector<1x16xf32>
      tpu.vector_store %arg13[%swap3A_332, %swap3A_333], %swap3A_336 {add = true, strides = array<i32>} : memref<128x64xf32, #tpu.memory_space<vmem>>, vector<1x16xf32>,
      %get3A_337 = arith.index_cast %add3A_327 : i32 to index
      %get3A_338 = arith.constant 16 : index
      %get3A_339 = tpu.vector_load %arg9[%get3A_337, %get3A_338] {strides = array<i32>} : memref<125x64xf32, #tpu.memory_space<vmem>>, vector<1x16xf32>,
      %get3A_340 = vector.shape_cast %get3A_339 : vector<1x16xf32> to vector<16xf32>
      %swap3A_341 = arith.index_cast %add3A_327 : i32 to index
      %swap3A_342 = arith.constant 16 : index
      %swap3A_343 = tpu.vector_load %arg13[%swap3A_341, %swap3A_342] {strides = array<i32>} : memref<128x64xf32, #tpu.memory_space<vmem>>, vector<1x16xf32>,
      %swap3A_344 = vector.shape_cast %swap3A_343 : vector<1x16xf32> to vector<16xf32>
      %swap3A_345 = vector.shape_cast %get3A_340 : vector<16xf32> to vector<1x16xf32>
      tpu.vector_store %arg13[%swap3A_341, %swap3A_342], %swap3A_345 {add = true, strides = array<i32>} : memref<128x64xf32, #tpu.memory_space<vmem>>, vector<1x16xf32>,
      %get3A_346 = arith.index_cast %add3A_327 : i32 to index
      %get3A_347 = arith.constant 32 : index
      %get3A_348 = tpu.vector_load %arg9[%get3A_346, %get3A_347] {strides = array<i32>} : memref<125x64xf32, #tpu.memory_space<vmem>>, vector<1x16xf32>,
      %get3A_349 = vector.shape_cast %get3A_348 : vector<1x16xf32> to vector<16xf32>
      %swap3A_350 = arith.index_cast %add3A_327 : i32 to index
      %swap3A_351 = arith.constant 32 : index
      %swap3A_352 = tpu.vector_load %arg13[%swap3A_350, %swap3A_351] {strides = array<i32>} : memref<128x64xf32, #tpu.memory_space<vmem>>, vector<1x16xf32>,
      %swap3A_353 = vector.shape_cast %swap3A_352 : vector<1x16xf32> to vector<16xf32>
      %swap3A_354 = vector.shape_cast %get3A_349 : vector<16xf32> to vector<1x16xf32>
      tpu.vector_store %arg13[%swap3A_350, %swap3A_351], %swap3A_354 {add = true, strides = array<i32>} : memref<128x64xf32, #tpu.memory_space<vmem>>, vector<1x16xf32>,
      %get3A_355 = arith.index_cast %add3A_327 : i32 to index
      %get3A_356 = arith.constant 48 : index
      %get3A_357 = tpu.vector_load %arg9[%get3A_355, %get3A_356] {strides = array<i32>} : memref<125x64xf32, #tpu.memory_space<vmem>>, vector<1x16xf32>,
      %get3A_358 = vector.shape_cast %get3A_357 : vector<1x16xf32> to vector<16xf32>
      %swap3A_359 = arith.index_cast %add3A_327 : i32 to index
      %swap3A_360 = arith.constant 48 : index
      %swap3A_361 = tpu.vector_load %arg13[%swap3A_359, %swap3A_360] {strides = array<i32>} : memref<128x64xf32, #tpu.memory_space<vmem>>, vector<1x16xf32>,
      %swap3A_362 = vector.shape_cast %swap3A_361 : vector<1x16xf32> to vector<16xf32>
      %swap3A_363 = vector.shape_cast %get3A_358 : vector<16xf32> to vector<1x16xf32>
      tpu.vector_store %arg13[%swap3A_359, %swap3A_360], %swap3A_363 {add = true, strides = array<i32>} : memref<128x64xf32, #tpu.memory_space<vmem>>, vector<1x16xf32>,
      %scan3A_364 = arith.constant 3 : i32
      %scan3A_365 = arith.addi %scan3A_241, %scan3A_364 : i32
      %mul3A_366 = arith.constant 1 : i32
      %mul3A_367 = arith.muli %scan3A_365, %mul3A_366 : i32
      %add3A_368 = arith.constant 0 : i32
      %add3A_369 = arith.addi %add3A_368, %mul3A_367 : i32
      %get3A_370 = arith.index_cast %add3A_369 : i32 to index
      %get3A_371 = arith.constant 0 : index
      %get3A_372 = tpu.vector_load %arg9[%get3A_370, %get3A_371] {strides = array<i32>} : memref<125x64xf32, #tpu.memory_space<vmem>>, vector<1x16xf32>,
      %get3A_373 = vector.shape_cast %get3A_372 : vector<1x16xf32> to vector<16xf32>
      %swap3A_374 = arith.index_cast %add3A_369 : i32 to index
      %swap3A_375 = arith.constant 0 : index
      %swap3A_376 = tpu.vector_load %arg13[%swap3A_374, %swap3A_375] {strides = array<i32>} : memref<128x64xf32, #tpu.memory_space<vmem>>, vector<1x16xf32>,
      %swap3A_377 = vector.shape_cast %swap3A_376 : vector<1x16xf32> to vector<16xf32>
      %swap3A_378 = vector.shape_cast %get3A_373 : vector<16xf32> to vector<1x16xf32>
      tpu.vector_store %arg13[%swap3A_374, %swap3A_375], %swap3A_378 {add = true, strides = array<i32>} : memref<128x64xf32, #tpu.memory_space<vmem>>, vector<1x16xf32>,
      %get3A_379 = arith.index_cast %add3A_369 : i32 to index
      %get3A_380 = arith.constant 16 : index
      %get3A_381 = tpu.vector_load %arg9[%get3A_379, %get3A_380] {strides = array<i32>} : memref<125x64xf32, #tpu.memory_space<vmem>>, vector<1x16xf32>,
      %get3A_382 = vector.shape_cast %get3A_381 : vector<1x16xf32> to vector<16xf32>
      %swap3A_383 = arith.index_cast %add3A_369 : i32 to index
      %swap3A_384 = arith.constant 16 : index
      %swap3A_385 = tpu.vector_load %arg13[%swap3A_383, %swap3A_384] {strides = array<i32>} : memref<128x64xf32, #tpu.memory_space<vmem>>, vector<1x16xf32>,
      %swap3A_386 = vector.shape_cast %swap3A_385 : vector<1x16xf32> to vector<16xf32>
      %swap3A_387 = vector.shape_cast %get3A_382 : vector<16xf32> to vector<1x16xf32>
      tpu.vector_store %arg13[%swap3A_383, %swap3A_384], %swap3A_387 {add = true, strides = array<i32>} : memref<128x64xf32, #tpu.memory_space<vmem>>, vector<1x16xf32>,
      %get3A_388 = arith.index_cast %add3A_369 : i32 to index
      %get3A_389 = arith.constant 32 : index
      %get3A_390 = tpu.vector_load %arg9[%get3A_388, %get3A_389] {strides = array<i32>} : memref<125x64xf32, #tpu.memory_space<vmem>>, vector<1x16xf32>,
      %get3A_391 = vector.shape_cast %get3A_390 : vector<1x16xf32> to vector<16xf32>
      %swap3A_392 = arith.index_cast %add3A_369 : i32 to index
      %swap3A_393 = arith.constant 32 : index
      %swap3A_394 = tpu.vector_load %arg13[%swap3A_392, %swap3A_393] {strides = array<i32>} : memref<128x64xf32, #tpu.memory_space<vmem>>, vector<1x16xf32>,
      %swap3A_395 = vector.shape_cast %swap3A_394 : vector<1x16xf32> to vector<16xf32>
      %swap3A_396 = vector.shape_cast %get3A_391 : vector<16xf32> to vector<1x16xf32>
      tpu.vector_store %arg13[%swap3A_392, %swap3A_393], %swap3A_396 {add = true, strides = array<i32>} : memref<128x64xf32, #tpu.memory_space<vmem>>, vector<1x16xf32>,
      %get3A_397 = arith.index_cast %add3A_369 : i32 to index
      %get3A_398 = arith.constant 48 : index
      %get3A_399 = tpu.vector_load %arg9[%get3A_397, %get3A_398] {strides = array<i32>} : memref<125x64xf32, #tpu.memory_space<vmem>>, vector<1x16xf32>,
      %get3A_400 = vector.shape_cast %get3A_399 : vector<1x16xf32> to vector<16xf32>
      %swap3A_401 = arith.index_cast %add3A_369 : i32 to index
      %swap3A_402 = arith.constant 48 : index
      %swap3A_403 = tpu.vector_load %arg13[%swap3A_401, %swap3A_402] {strides = array<i32>} : memref<128x64xf32, #tpu.memory_space<vmem>>, vector<1x16xf32>,
      %swap3A_404 = vector.shape_cast %swap3A_403 : vector<1x16xf32> to vector<16xf32>
      %swap3A_405 = vector.shape_cast %get3A_400 : vector<16xf32> to vector<1x16xf32>
      tpu.vector_store %arg13[%swap3A_401, %swap3A_402], %swap3A_405 {add = true, strides = array<i32>} : memref<128x64xf32, #tpu.memory_space<vmem>>, vector<1x16xf32>,
      %scan3A_406 = arith.constant 4 : i32
      %scan3A_407 = arith.addi %scan3A_241, %scan3A_406 : i32
      %mul3A_408 = arith.constant 1 : i32
      %mul3A_409 = arith.muli %scan3A_407, %mul3A_408 : i32
      %add3A_410 = arith.constant 0 : i32
      %add3A_411 = arith.addi %add3A_410, %mul3A_409 : i32
      %get3A_412 = arith.index_cast %add3A_411 : i32 to index
      %get3A_413 = arith.constant 0 : index
      %get3A_414 = tpu.vector_load %arg9[%get3A_412, %get3A_413] {strides = array<i32>} : memref<125x64xf32, #tpu.memory_space<vmem>>, vector<1x16xf32>,
      %get3A_415 = vector.shape_cast %get3A_414 : vector<1x16xf32> to vector<16xf32>
      %swap3A_416 = arith.index_cast %add3A_411 : i32 to index
      %swap3A_417 = arith.constant 0 : index
      %swap3A_418 = tpu.vector_load %arg13[%swap3A_416, %swap3A_417] {strides = array<i32>} : memref<128x64xf32, #tpu.memory_space<vmem>>, vector<1x16xf32>,
      %swap3A_419 = vector.shape_cast %swap3A_418 : vector<1x16xf32> to vector<16xf32>
      %swap3A_420 = vector.shape_cast %get3A_415 : vector<16xf32> to vector<1x16xf32>
      tpu.vector_store %arg13[%swap3A_416, %swap3A_417], %swap3A_420 {add = true, strides = array<i32>} : memref<128x64xf32, #tpu.memory_space<vmem>>, vector<1x16xf32>,
      %get3A_421 = arith.index_cast %add3A_411 : i32 to index
      %get3A_422 = arith.constant 16 : index
      %get3A_423 = tpu.vector_load %arg9[%get3A_421, %get3A_422] {strides = array<i32>} : memref<125x64xf32, #tpu.memory_space<vmem>>, vector<1x16xf32>,
      %get3A_424 = vector.shape_cast %get3A_423 : vector<1x16xf32> to vector<16xf32>
      %swap3A_425 = arith.index_cast %add3A_411 : i32 to index
      %swap3A_426 = arith.constant 16 : index
      %swap3A_427 = tpu.vector_load %arg13[%swap3A_425, %swap3A_426] {strides = array<i32>} : memref<128x64xf32, #tpu.memory_space<vmem>>, vector<1x16xf32>,
      %swap3A_428 = vector.shape_cast %swap3A_427 : vector<1x16xf32> to vector<16xf32>
      %swap3A_429 = vector.shape_cast %get3A_424 : vector<16xf32> to vector<1x16xf32>
      tpu.vector_store %arg13[%swap3A_425, %swap3A_426], %swap3A_429 {add = true, strides = array<i32>} : memref<128x64xf32, #tpu.memory_space<vmem>>, vector<1x16xf32>,
      %get3A_430 = arith.index_cast %add3A_411 : i32 to index
      %get3A_431 = arith.constant 32 : index
      %get3A_432 = tpu.vector_load %arg9[%get3A_430, %get3A_431] {strides = array<i32>} : memref<125x64xf32, #tpu.memory_space<vmem>>, vector<1x16xf32>,
      %get3A_433 = vector.shape_cast %get3A_432 : vector<1x16xf32> to vector<16xf32>
      %swap3A_434 = arith.index_cast %add3A_411 : i32 to index
      %swap3A_435 = arith.constant 32 : index
      %swap3A_436 = tpu.vector_load %arg13[%swap3A_434, %swap3A_435] {strides = array<i32>} : memref<128x64xf32, #tpu.memory_space<vmem>>, vector<1x16xf32>,
      %swap3A_437 = vector.shape_cast %swap3A_436 : vector<1x16xf32> to vector<16xf32>
      %swap3A_438 = vector.shape_cast %get3A_433 : vector<16xf32> to vector<1x16xf32>
      tpu.vector_store %arg13[%swap3A_434, %swap3A_435], %swap3A_438 {add = true, strides = array<i32>} : memref<128x64xf32, #tpu.memory_space<vmem>>, vector<1x16xf32>,
      %get3A_439 = arith.index_cast %add3A_411 : i32 to index
      %get3A_440 = arith.constant 48 : index
      %get3A_441 = tpu.vector_load %arg9[%get3A_439, %get3A_440] {strides = array<i32>} : memref<125x64xf32, #tpu.memory_space<vmem>>, vector<1x16xf32>,
      %get3A_442 = vector.shape_cast %get3A_441 : vector<1x16xf32> to vector<16xf32>
      %swap3A_443 = arith.index_cast %add3A_411 : i32 to index
      %swap3A_444 = arith.constant 48 : index
      %swap3A_445 = tpu.vector_load %arg13[%swap3A_443, %swap3A_444] {strides = array<i32>} : memref<128x64xf32, #tpu.memory_space<vmem>>, vector<1x16xf32>,
      %swap3A_446 = vector.shape_cast %swap3A_445 : vector<1x16xf32> to vector<16xf32>
      %swap3A_447 = vector.shape_cast %get3A_442 : vector<16xf32> to vector<1x16xf32>
      tpu.vector_store %arg13[%swap3A_443, %swap3A_444], %swap3A_447 {add = true, strides = array<i32>} : memref<128x64xf32, #tpu.memory_space<vmem>>, vector<1x16xf32>,
    }
    %scan3A_87 = arith.constant 125 : i32
    %dma_start3A_88 = arith.constant 0 : i32
    %dma_start3A_89 = arith.constant 0 : i32
    %dma_start3A_90 = tpu.memref_slice %arg13[%dma_start3A_88, %dma_start3A_89] : memref<128x64xf32, #tpu.memory_space<vmem>> -> memref<125x64xf32, #tpu.memory_space<vmem>>
    %dma_start3A_91 = arith.constant 0 : i32
    %dma_start3A_92 = arith.constant 0 : i32
    %dma_start3A_93 = tpu.memref_slice %arg37[%dma_start3A_91, %dma_start3A_92] : memref<10000x64xf32, #tpu.memory_space<vmem_shared>> -> memref<10000x64xf32, #tpu.memory_space<vmem_shared>>
    tpu.enqueue_indirect_dma source(%dma_start3A_90 : memref<125x64xf32, #tpu.memory_space<vmem>>) target(%dma_start3A_93 : memref<10000x64xf32, #tpu.memory_space<vmem_shared>>) offsets(%arg17 : memref<125xi32, #tpu.memory_space<vmem>>) semaphore(%arg33 : memref<!tpu.dma_semaphore, #tpu.memory_space<semaphore_mem>>) {add = true}
    %add3A_94 = arith.constant 3 : i32
    %add3A_95 = arith.addi %mul3A_0, %add3A_94 : i32
    %mul3A_96 = arith.constant 125 : i32
    %mul3A_97 = arith.muli %add3A_95, %mul3A_96 : i32
    %dma_start3A_98 = tpu.memref_slice %arg5[%mul3A_97, %mul3A_10] : memref<320000x128xf32, #tpu.memory_space<hbm>> -> memref<125x64xf32, #tpu.memory_space<hbm>>
    %dma_start3A_99 = tpu.memref_slice %arg5[%mul3A_97, %mul3A_10] : memref<320000x128xf32, #tpu.memory_space<hbm>> -> memref<125x64xf32, #tpu.memory_space<hbm>>
    tpu.enqueue_dma source(%dma_start3A_99 : memref<125x64xf32, #tpu.memory_space<hbm>>) target(%arg12 : memref<125x64xf32, #tpu.memory_space<vmem>>) target_semaphore(%arg24 : memref<!tpu.dma_semaphore, #tpu.memory_space<semaphore_mem>>)
    %sub3A_100 = arith.subi %add3A_95, %mul3A_0 : i32
    %dma_start3A_101 = arith.constant 0 : i32
    %dma_start3A_102 = tpu.memref_slice %arg8[%sub3A_100, %dma_start3A_101] : memref<160x128xi32, #tpu.memory_space<vmem>> -> memref<1x128xi32, #tpu.memory_space<vmem>>
    %dma_start3A_103 = tpu.memref_squeeze %dma_start3A_102 : memref<1x128xi32, #tpu.memory_space<vmem>> -> memref<128xi32, #tpu.memory_space<vmem>>
    %dma_start3A_104 = arith.constant 0 : i32
    %dma_start3A_105 = arith.constant 0 : i32
    %dma_start3A_106 = tpu.memref_slice %arg2[%dma_start3A_104, %dma_start3A_105] : memref<20000x64xf32, #tpu.memory_space<hbm>> -> memref<20000x64xf32, #tpu.memory_space<hbm>>
    tpu.enqueue_indirect_dma source(%dma_start3A_106 : memref<20000x64xf32, #tpu.memory_space<hbm>>) target(%arg16 : memref<128x64xf32, #tpu.memory_space<vmem>>) offsets(%dma_start3A_103 : memref<128xi32, #tpu.memory_space<vmem>>) semaphore(%arg28 : memref<!tpu.dma_semaphore, #tpu.memory_space<semaphore_mem>>)
    %dma_start3A_107 = arith.constant 0 : i32
    %dma_start3A_108 = tpu.memref_slice %arg4[%add3A_95, %dma_start3A_107] : memref<2560x125xi32, #tpu.memory_space<hbm>> -> memref<1x125xi32, #tpu.memory_space<hbm>>
    %dma_start3A_109 = tpu.memref_squeeze %dma_start3A_108 : memref<1x125xi32, #tpu.memory_space<hbm>> -> memref<125xi32, #tpu.memory_space<hbm>>
    %dma_start3A_110 = arith.constant 0 : i32
    %dma_start3A_111 = tpu.memref_slice %arg4[%add3A_95, %dma_start3A_110] : memref<2560x125xi32, #tpu.memory_space<hbm>> -> memref<1x125xi32, #tpu.memory_space<hbm>>
    %dma_start3A_112 = tpu.memref_squeeze %dma_start3A_111 : memref<1x125xi32, #tpu.memory_space<hbm>> -> memref<125xi32, #tpu.memory_space<hbm>>
    tpu.enqueue_dma source(%dma_start3A_112 : memref<125xi32, #tpu.memory_space<hbm>>) target(%arg20 : memref<125xi32, #tpu.memory_space<vmem>>) target_semaphore(%arg32 : memref<!tpu.dma_semaphore, #tpu.memory_space<semaphore_mem>>)
    %add3A_113 = arith.constant 1 : i32
    %add3A_114 = arith.addi %mul3A_0, %add3A_113 : i32
    %mul3A_115 = arith.constant 125 : i32
    %mul3A_116 = arith.muli %add3A_114, %mul3A_115 : i32
    %dma_wait3A_117 = tpu.memref_slice %arg5[%mul3A_116, %mul3A_10] : memref<320000x128xf32, #tpu.memory_space<hbm>> -> memref<125x64xf32, #tpu.memory_space<hbm>>
    %dma_wait3A_118 = tpu.memref_slice %arg5[%mul3A_116, %mul3A_10] : memref<320000x128xf32, #tpu.memory_space<hbm>> -> memref<125x64xf32, #tpu.memory_space<hbm>>
    tpu.wait_dma2 semaphore(%arg22 : memref<!tpu.dma_semaphore, #tpu.memory_space<semaphore_mem>>) src(%dma_wait3A_118 : memref<125x64xf32, #tpu.memory_space<hbm>>) dst(%arg10 : memref<125x64xf32, #tpu.memory_space<vmem>>)
    %sub3A_119 = arith.subi %add3A_114, %mul3A_0 : i32
    %dma_wait3A_120 = arith.constant 0 : i32
    %dma_wait3A_121 = tpu.memref_slice %arg8[%sub3A_119, %dma_wait3A_120] : memref<160x128xi32, #tpu.memory_space<vmem>> -> memref<1x128xi32, #tpu.memory_space<vmem>>
    %dma_wait3A_122 = tpu.memref_squeeze %dma_wait3A_121 : memref<1x128xi32, #tpu.memory_space<vmem>> -> memref<128xi32, #tpu.memory_space<vmem>>
    %dma_wait3A_123 = arith.constant 0 : i32
    %dma_wait3A_124 = arith.constant 0 : i32
    %dma_wait3A_125 = tpu.memref_slice %arg2[%dma_wait3A_123, %dma_wait3A_124] : memref<20000x64xf32, #tpu.memory_space<hbm>> -> memref<20000x64xf32, #tpu.memory_space<hbm>>
    tpu.wait_indirect_dma semaphore(%arg26 : memref<!tpu.dma_semaphore, #tpu.memory_space<semaphore_mem>>) src(%dma_wait3A_125 : memref<20000x64xf32, #tpu.memory_space<hbm>>) dst(%arg14 : memref<128x64xf32, #tpu.memory_space<vmem>>)
    %dma_wait3A_126 = arith.constant 0 : i32
    %dma_wait3A_127 = tpu.memref_slice %arg4[%add3A_114, %dma_wait3A_126] : memref<2560x125xi32, #tpu.memory_space<hbm>> -> memref<1x125xi32, #tpu.memory_space<hbm>>
    %dma_wait3A_128 = tpu.memref_squeeze %dma_wait3A_127 : memref<1x125xi32, #tpu.memory_space<hbm>> -> memref<125xi32, #tpu.memory_space<hbm>>
    %dma_wait3A_129 = arith.constant 0 : i32
    %dma_wait3A_130 = tpu.memref_slice %arg4[%add3A_114, %dma_wait3A_129] : memref<2560x125xi32, #tpu.memory_space<hbm>> -> memref<1x125xi32, #tpu.memory_space<hbm>>
    %dma_wait3A_131 = tpu.memref_squeeze %dma_wait3A_130 : memref<1x125xi32, #tpu.memory_space<hbm>> -> memref<125xi32, #tpu.memory_space<hbm>>
    tpu.wait_dma2 semaphore(%arg30 : memref<!tpu.dma_semaphore, #tpu.memory_space<semaphore_mem>>) src(%dma_wait3A_131 : memref<125xi32, #tpu.memory_space<hbm>>) dst(%arg18 : memref<125xi32, #tpu.memory_space<vmem>>)
    %scan3A_132 = arith.constant 0 : i32
    %scan3A_133 = arith.constant 125 : i32
    %scan3A_134 = arith.addi %scan3A_132, %scan3A_133 : i32
    %scan3A_135 = arith.constant 5 : i32
    scf.for %scan3A_241 = %scan3A_132 to %scan3A_134 step %scan3A_135  : i32 {
      %mul3A_242 = arith.constant 1 : i32
      %mul3A_243 = arith.muli %scan3A_241, %mul3A_242 : i32
      %add3A_244 = arith.constant 0 : i32
      %add3A_245 = arith.addi %add3A_244, %mul3A_243 : i32
      %get3A = arith.index_cast %add3A_245 : i32 to index
      %get3A_246 = arith.constant 0 : index
      %get3A_247 = tpu.vector_load %arg10[%get3A, %get3A_246] {strides = array<i32>} : memref<125x64xf32, #tpu.memory_space<vmem>>, vector<1x16xf32>,
      %get3A_248 = vector.shape_cast %get3A_247 : vector<1x16xf32> to vector<16xf32>
      %swap3A = arith.index_cast %add3A_245 : i32 to index
      %swap3A_249 = arith.constant 0 : index
      %swap3A_250 = tpu.vector_load %arg14[%swap3A, %swap3A_249] {strides = array<i32>} : memref<128x64xf32, #tpu.memory_space<vmem>>, vector<1x16xf32>,
      %swap3A_251 = vector.shape_cast %swap3A_250 : vector<1x16xf32> to vector<16xf32>
      %swap3A_252 = vector.shape_cast %get3A_248 : vector<16xf32> to vector<1x16xf32>
      tpu.vector_store %arg14[%swap3A, %swap3A_249], %swap3A_252 {add = true, strides = array<i32>} : memref<128x64xf32, #tpu.memory_space<vmem>>, vector<1x16xf32>,
      %get3A_253 = arith.index_cast %add3A_245 : i32 to index
      %get3A_254 = arith.constant 16 : index
      %get3A_255 = tpu.vector_load %arg10[%get3A_253, %get3A_254] {strides = array<i32>} : memref<125x64xf32, #tpu.memory_space<vmem>>, vector<1x16xf32>,
      %get3A_256 = vector.shape_cast %get3A_255 : vector<1x16xf32> to vector<16xf32>
      %swap3A_257 = arith.index_cast %add3A_245 : i32 to index
      %swap3A_258 = arith.constant 16 : index
      %swap3A_259 = tpu.vector_load %arg14[%swap3A_257, %swap3A_258] {strides = array<i32>} : memref<128x64xf32, #tpu.memory_space<vmem>>, vector<1x16xf32>,
      %swap3A_260 = vector.shape_cast %swap3A_259 : vector<1x16xf32> to vector<16xf32>
      %swap3A_261 = vector.shape_cast %get3A_256 : vector<16xf32> to vector<1x16xf32>
      tpu.vector_store %arg14[%swap3A_257, %swap3A_258], %swap3A_261 {add = true, strides = array<i32>} : memref<128x64xf32, #tpu.memory_space<vmem>>, vector<1x16xf32>,
      %get3A_262 = arith.index_cast %add3A_245 : i32 to index
      %get3A_263 = arith.constant 32 : index
      %get3A_264 = tpu.vector_load %arg10[%get3A_262, %get3A_263] {strides = array<i32>} : memref<125x64xf32, #tpu.memory_space<vmem>>, vector<1x16xf32>,
      %get3A_265 = vector.shape_cast %get3A_264 : vector<1x16xf32> to vector<16xf32>
      %swap3A_266 = arith.index_cast %add3A_245 : i32 to index
      %swap3A_267 = arith.constant 32 : index
      %swap3A_268 = tpu.vector_load %arg14[%swap3A_266, %swap3A_267] {strides = array<i32>} : memref<128x64xf32, #tpu.memory_space<vmem>>, vector<1x16xf32>,
      %swap3A_269 = vector.shape_cast %swap3A_268 : vector<1x16xf32> to vector<16xf32>
      %swap3A_270 = vector.shape_cast %get3A_265 : vector<16xf32> to vector<1x16xf32>
      tpu.vector_store %arg14[%swap3A_266, %swap3A_267], %swap3A_270 {add = true, strides = array<i32>} : memref<128x64xf32, #tpu.memory_space<vmem>>, vector<1x16xf32>,
      %get3A_271 = arith.index_cast %add3A_245 : i32 to index
      %get3A_272 = arith.constant 48 : index
      %get3A_273 = tpu.vector_load %arg10[%get3A_271, %get3A_272] {strides = array<i32>} : memref<125x64xf32, #tpu.memory_space<vmem>>, vector<1x16xf32>,
      %get3A_274 = vector.shape_cast %get3A_273 : vector<1x16xf32> to vector<16xf32>
      %swap3A_275 = arith.index_cast %add3A_245 : i32 to index
      %swap3A_276 = arith.constant 48 : index
      %swap3A_277 = tpu.vector_load %arg14[%swap3A_275, %swap3A_276] {strides = array<i32>} : memref<128x64xf32, #tpu.memory_space<vmem>>, vector<1x16xf32>,
      %swap3A_278 = vector.shape_cast %swap3A_277 : vector<1x16xf32> to vector<16xf32>
      %swap3A_279 = vector.shape_cast %get3A_274 : vector<16xf32> to vector<1x16xf32>
      tpu.vector_store %arg14[%swap3A_275, %swap3A_276], %swap3A_279 {add = true, strides = array<i32>} : memref<128x64xf32, #tpu.memory_space<vmem>>, vector<1x16xf32>,
      %scan3A_280 = arith.constant 1 : i32
      %scan3A_281 = arith.addi %scan3A_241, %scan3A_280 : i32
      %mul3A_282 = arith.constant 1 : i32
      %mul3A_283 = arith.muli %scan3A_281, %mul3A_282 : i32
      %add3A_284 = arith.constant 0 : i32
      %add3A_285 = arith.addi %add3A_284, %mul3A_283 : i32
      %get3A_286 = arith.index_cast %add3A_285 : i32 to index
      %get3A_287 = arith.constant 0 : index
      %get3A_288 = tpu.vector_load %arg10[%get3A_286, %get3A_287] {strides = array<i32>} : memref<125x64xf32, #tpu.memory_space<vmem>>, vector<1x16xf32>,
      %get3A_289 = vector.shape_cast %get3A_288 : vector<1x16xf32> to vector<16xf32>
      %swap3A_290 = arith.index_cast %add3A_285 : i32 to index
      %swap3A_291 = arith.constant 0 : index
      %swap3A_292 = tpu.vector_load %arg14[%swap3A_290, %swap3A_291] {strides = array<i32>} : memref<128x64xf32, #tpu.memory_space<vmem>>, vector<1x16xf32>,
      %swap3A_293 = vector.shape_cast %swap3A_292 : vector<1x16xf32> to vector<16xf32>
      %swap3A_294 = vector.shape_cast %get3A_289 : vector<16xf32> to vector<1x16xf32>
      tpu.vector_store %arg14[%swap3A_290, %swap3A_291], %swap3A_294 {add = true, strides = array<i32>} : memref<128x64xf32, #tpu.memory_space<vmem>>, vector<1x16xf32>,
      %get3A_295 = arith.index_cast %add3A_285 : i32 to index
      %get3A_296 = arith.constant 16 : index
      %get3A_297 = tpu.vector_load %arg10[%get3A_295, %get3A_296] {strides = array<i32>} : memref<125x64xf32, #tpu.memory_space<vmem>>, vector<1x16xf32>,
      %get3A_298 = vector.shape_cast %get3A_297 : vector<1x16xf32> to vector<16xf32>
      %swap3A_299 = arith.index_cast %add3A_285 : i32 to index
      %swap3A_300 = arith.constant 16 : index
      %swap3A_301 = tpu.vector_load %arg14[%swap3A_299, %swap3A_300] {strides = array<i32>} : memref<128x64xf32, #tpu.memory_space<vmem>>, vector<1x16xf32>,
      %swap3A_302 = vector.shape_cast %swap3A_301 : vector<1x16xf32> to vector<16xf32>
      %swap3A_303 = vector.shape_cast %get3A_298 : vector<16xf32> to vector<1x16xf32>
      tpu.vector_store %arg14[%swap3A_299, %swap3A_300], %swap3A_303 {add = true, strides = array<i32>} : memref<128x64xf32, #tpu.memory_space<vmem>>, vector<1x16xf32>,
      %get3A_304 = arith.index_cast %add3A_285 : i32 to index
      %get3A_305 = arith.constant 32 : index
      %get3A_306 = tpu.vector_load %arg10[%get3A_304, %get3A_305] {strides = array<i32>} : memref<125x64xf32, #tpu.memory_space<vmem>>, vector<1x16xf32>,
      %get3A_307 = vector.shape_cast %get3A_306 : vector<1x16xf32> to vector<16xf32>
      %swap3A_308 = arith.index_cast %add3A_285 : i32 to index
      %swap3A_309 = arith.constant 32 : index
      %swap3A_310 = tpu.vector_load %arg14[%swap3A_308, %swap3A_309] {strides = array<i32>} : memref<128x64xf32, #tpu.memory_space<vmem>>, vector<1x16xf32>,
      %swap3A_311 = vector.shape_cast %swap3A_310 : vector<1x16xf32> to vector<16xf32>
      %swap3A_312 = vector.shape_cast %get3A_307 : vector<16xf32> to vector<1x16xf32>
      tpu.vector_store %arg14[%swap3A_308, %swap3A_309], %swap3A_312 {add = true, strides = array<i32>} : memref<128x64xf32, #tpu.memory_space<vmem>>, vector<1x16xf32>,
      %get3A_313 = arith.index_cast %add3A_285 : i32 to index
      %get3A_314 = arith.constant 48 : index
      %get3A_315 = tpu.vector_load %arg10[%get3A_313, %get3A_314] {strides = array<i32>} : memref<125x64xf32, #tpu.memory_space<vmem>>, vector<1x16xf32>,
      %get3A_316 = vector.shape_cast %get3A_315 : vector<1x16xf32> to vector<16xf32>
      %swap3A_317 = arith.index_cast %add3A_285 : i32 to index
      %swap3A_318 = arith.constant 48 : index
      %swap3A_319 = tpu.vector_load %arg14[%swap3A_317, %swap3A_318] {strides = array<i32>} : memref<128x64xf32, #tpu.memory_space<vmem>>, vector<1x16xf32>,
      %swap3A_320 = vector.shape_cast %swap3A_319 : vector<1x16xf32> to vector<16xf32>
      %swap3A_321 = vector.shape_cast %get3A_316 : vector<16xf32> to vector<1x16xf32>
      tpu.vector_store %arg14[%swap3A_317, %swap3A_318], %swap3A_321 {add = true, strides = array<i32>} : memref<128x64xf32, #tpu.memory_space<vmem>>, vector<1x16xf32>,
      %scan3A_322 = arith.constant 2 : i32
      %scan3A_323 = arith.addi %scan3A_241, %scan3A_322 : i32
      %mul3A_324 = arith.constant 1 : i32
      %mul3A_325 = arith.muli %scan3A_323, %mul3A_324 : i32
      %add3A_326 = arith.constant 0 : i32
      %add3A_327 = arith.addi %add3A_326, %mul3A_325 : i32
      %get3A_328 = arith.index_cast %add3A_327 : i32 to index
      %get3A_329 = arith.constant 0 : index
      %get3A_330 = tpu.vector_load %arg10[%get3A_328, %get3A_329] {strides = array<i32>} : memref<125x64xf32, #tpu.memory_space<vmem>>, vector<1x16xf32>,
      %get3A_331 = vector.shape_cast %get3A_330 : vector<1x16xf32> to vector<16xf32>
      %swap3A_332 = arith.index_cast %add3A_327 : i32 to index
      %swap3A_333 = arith.constant 0 : index
      %swap3A_334 = tpu.vector_load %arg14[%swap3A_332, %swap3A_333] {strides = array<i32>} : memref<128x64xf32, #tpu.memory_space<vmem>>, vector<1x16xf32>,
      %swap3A_335 = vector.shape_cast %swap3A_334 : vector<1x16xf32> to vector<16xf32>
      %swap3A_336 = vector.shape_cast %get3A_331 : vector<16xf32> to vector<1x16xf32>
      tpu.vector_store %arg14[%swap3A_332, %swap3A_333], %swap3A_336 {add = true, strides = array<i32>} : memref<128x64xf32, #tpu.memory_space<vmem>>, vector<1x16xf32>,
      %get3A_337 = arith.index_cast %add3A_327 : i32 to index
      %get3A_338 = arith.constant 16 : index
      %get3A_339 = tpu.vector_load %arg10[%get3A_337, %get3A_338] {strides = array<i32>} : memref<125x64xf32, #tpu.memory_space<vmem>>, vector<1x16xf32>,
      %get3A_340 = vector.shape_cast %get3A_339 : vector<1x16xf32> to vector<16xf32>
      %swap3A_341 = arith.index_cast %add3A_327 : i32 to index
      %swap3A_342 = arith.constant 16 : index
      %swap3A_343 = tpu.vector_load %arg14[%swap3A_341, %swap3A_342] {strides = array<i32>} : memref<128x64xf32, #tpu.memory_space<vmem>>, vector<1x16xf32>,
      %swap3A_344 = vector.shape_cast %swap3A_343 : vector<1x16xf32> to vector<16xf32>
      %swap3A_345 = vector.shape_cast %get3A_340 : vector<16xf32> to vector<1x16xf32>
      tpu.vector_store %arg14[%swap3A_341, %swap3A_342], %swap3A_345 {add = true, strides = array<i32>} : memref<128x64xf32, #tpu.memory_space<vmem>>, vector<1x16xf32>,
      %get3A_346 = arith.index_cast %add3A_327 : i32 to index
      %get3A_347 = arith.constant 32 : index
      %get3A_348 = tpu.vector_load %arg10[%get3A_346, %get3A_347] {strides = array<i32>} : memref<125x64xf32, #tpu.memory_space<vmem>>, vector<1x16xf32>,
      %get3A_349 = vector.shape_cast %get3A_348 : vector<1x16xf32> to vector<16xf32>
      %swap3A_350 = arith.index_cast %add3A_327 : i32 to index
      %swap3A_351 = arith.constant 32 : index
      %swap3A_352 = tpu.vector_load %arg14[%swap3A_350, %swap3A_351] {strides = array<i32>} : memref<128x64xf32, #tpu.memory_space<vmem>>, vector<1x16xf32>,
      %swap3A_353 = vector.shape_cast %swap3A_352 : vector<1x16xf32> to vector<16xf32>
      %swap3A_354 = vector.shape_cast %get3A_349 : vector<16xf32> to vector<1x16xf32>
      tpu.vector_store %arg14[%swap3A_350, %swap3A_351], %swap3A_354 {add = true, strides = array<i32>} : memref<128x64xf32, #tpu.memory_space<vmem>>, vector<1x16xf32>,
      %get3A_355 = arith.index_cast %add3A_327 : i32 to index
      %get3A_356 = arith.constant 48 : index
      %get3A_357 = tpu.vector_load %arg10[%get3A_355, %get3A_356] {strides = array<i32>} : memref<125x64xf32, #tpu.memory_space<vmem>>, vector<1x16xf32>,
      %get3A_358 = vector.shape_cast %get3A_357 : vector<1x16xf32> to vector<16xf32>
      %swap3A_359 = arith.index_cast %add3A_327 : i32 to index
      %swap3A_360 = arith.constant 48 : index
      %swap3A_361 = tpu.vector_load %arg14[%swap3A_359, %swap3A_360] {strides = array<i32>} : memref<128x64xf32, #tpu.memory_space<vmem>>, vector<1x16xf32>,
      %swap3A_362 = vector.shape_cast %swap3A_361 : vector<1x16xf32> to vector<16xf32>
      %swap3A_363 = vector.shape_cast %get3A_358 : vector<16xf32> to vector<1x16xf32>
      tpu.vector_store %arg14[%swap3A_359, %swap3A_360], %swap3A_363 {add = true, strides = array<i32>} : memref<128x64xf32, #tpu.memory_space<vmem>>, vector<1x16xf32>,
      %scan3A_364 = arith.constant 3 : i32
      %scan3A_365 = arith.addi %scan3A_241, %scan3A_364 : i32
      %mul3A_366 = arith.constant 1 : i32
      %mul3A_367 = arith.muli %scan3A_365, %mul3A_366 : i32
      %add3A_368 = arith.constant 0 : i32
      %add3A_369 = arith.addi %add3A_368, %mul3A_367 : i32
      %get3A_370 = arith.index_cast %add3A_369 : i32 to index
      %get3A_371 = arith.constant 0 : index
      %get3A_372 = tpu.vector_load %arg10[%get3A_370, %get3A_371] {strides = array<i32>} : memref<125x64xf32, #tpu.memory_space<vmem>>, vector<1x16xf32>,
      %get3A_373 = vector.shape_cast %get3A_372 : vector<1x16xf32> to vector<16xf32>
      %swap3A_374 = arith.index_cast %add3A_369 : i32 to index
      %swap3A_375 = arith.constant 0 : index
      %swap3A_376 = tpu.vector_load %arg14[%swap3A_374, %swap3A_375] {strides = array<i32>} : memref<128x64xf32, #tpu.memory_space<vmem>>, vector<1x16xf32>,
      %swap3A_377 = vector.shape_cast %swap3A_376 : vector<1x16xf32> to vector<16xf32>
      %swap3A_378 = vector.shape_cast %get3A_373 : vector<16xf32> to vector<1x16xf32>
      tpu.vector_store %arg14[%swap3A_374, %swap3A_375], %swap3A_378 {add = true, strides = array<i32>} : memref<128x64xf32, #tpu.memory_space<vmem>>, vector<1x16xf32>,
      %get3A_379 = arith.index_cast %add3A_369 : i32 to index
      %get3A_380 = arith.constant 16 : index
      %get3A_381 = tpu.vector_load %arg10[%get3A_379, %get3A_380] {strides = array<i32>} : memref<125x64xf32, #tpu.memory_space<vmem>>, vector<1x16xf32>,
      %get3A_382 = vector.shape_cast %get3A_381 : vector<1x16xf32> to vector<16xf32>
      %swap3A_383 = arith.index_cast %add3A_369 : i32 to index
      %swap3A_384 = arith.constant 16 : index
      %swap3A_385 = tpu.vector_load %arg14[%swap3A_383, %swap3A_384] {strides = array<i32>} : memref<128x64xf32, #tpu.memory_space<vmem>>, vector<1x16xf32>,
      %swap3A_386 = vector.shape_cast %swap3A_385 : vector<1x16xf32> to vector<16xf32>
      %swap3A_387 = vector.shape_cast %get3A_382 : vector<16xf32> to vector<1x16xf32>
      tpu.vector_store %arg14[%swap3A_383, %swap3A_384], %swap3A_387 {add = true, strides = array<i32>} : memref<128x64xf32, #tpu.memory_space<vmem>>, vector<1x16xf32>,
      %get3A_388 = arith.index_cast %add3A_369 : i32 to index
      %get3A_389 = arith.constant 32 : index
      %get3A_390 = tpu.vector_load %arg10[%get3A_388, %get3A_389] {strides = array<i32>} : memref<125x64xf32, #tpu.memory_space<vmem>>, vector<1x16xf32>,
      %get3A_391 = vector.shape_cast %get3A_390 : vector<1x16xf32> to vector<16xf32>
      %swap3A_392 = arith.index_cast %add3A_369 : i32 to index
      %swap3A_393 = arith.constant 32 : index
      %swap3A_394 = tpu.vector_load %arg14[%swap3A_392, %swap3A_393] {strides = array<i32>} : memref<128x64xf32, #tpu.memory_space<vmem>>, vector<1x16xf32>,
      %swap3A_395 = vector.shape_cast %swap3A_394 : vector<1x16xf32> to vector<16xf32>
      %swap3A_396 = vector.shape_cast %get3A_391 : vector<16xf32> to vector<1x16xf32>
      tpu.vector_store %arg14[%swap3A_392, %swap3A_393], %swap3A_396 {add = true, strides = array<i32>} : memref<128x64xf32, #tpu.memory_space<vmem>>, vector<1x16xf32>,
      %get3A_397 = arith.index_cast %add3A_369 : i32 to index
      %get3A_398 = arith.constant 48 : index
      %get3A_399 = tpu.vector_load %arg10[%get3A_397, %get3A_398] {strides = array<i32>} : memref<125x64xf32, #tpu.memory_space<vmem>>, vector<1x16xf32>,
      %get3A_400 = vector.shape_cast %get3A_399 : vector<1x16xf32> to vector<16xf32>
      %swap3A_401 = arith.index_cast %add3A_369 : i32 to index
      %swap3A_402 = arith.constant 48 : index
      %swap3A_403 = tpu.vector_load %arg14[%swap3A_401, %swap3A_402] {strides = array<i32>} : memref<128x64xf32, #tpu.memory_space<vmem>>, vector<1x16xf32>,
      %swap3A_404 = vector.shape_cast %swap3A_403 : vector<1x16xf32> to vector<16xf32>
      %swap3A_405 = vector.shape_cast %get3A_400 : vector<16xf32> to vector<1x16xf32>
      tpu.vector_store %arg14[%swap3A_401, %swap3A_402], %swap3A_405 {add = true, strides = array<i32>} : memref<128x64xf32, #tpu.memory_space<vmem>>, vector<1x16xf32>,
      %scan3A_406 = arith.constant 4 : i32
      %scan3A_407 = arith.addi %scan3A_241, %scan3A_406 : i32
      %mul3A_408 = arith.constant 1 : i32
      %mul3A_409 = arith.muli %scan3A_407, %mul3A_408 : i32
      %add3A_410 = arith.constant 0 : i32
      %add3A_411 = arith.addi %add3A_410, %mul3A_409 : i32
      %get3A_412 = arith.index_cast %add3A_411 : i32 to index
      %get3A_413 = arith.constant 0 : index
      %get3A_414 = tpu.vector_load %arg10[%get3A_412, %get3A_413] {strides = array<i32>} : memref<125x64xf32, #tpu.memory_space<vmem>>, vector<1x16xf32>,
      %get3A_415 = vector.shape_cast %get3A_414 : vector<1x16xf32> to vector<16xf32>
      %swap3A_416 = arith.index_cast %add3A_411 : i32 to index
      %swap3A_417 = arith.constant 0 : index
      %swap3A_418 = tpu.vector_load %arg14[%swap3A_416, %swap3A_417] {strides = array<i32>} : memref<128x64xf32, #tpu.memory_space<vmem>>, vector<1x16xf32>,
      %swap3A_419 = vector.shape_cast %swap3A_418 : vector<1x16xf32> to vector<16xf32>
      %swap3A_420 = vector.shape_cast %get3A_415 : vector<16xf32> to vector<1x16xf32>
      tpu.vector_store %arg14[%swap3A_416, %swap3A_417], %swap3A_420 {add = true, strides = array<i32>} : memref<128x64xf32, #tpu.memory_space<vmem>>, vector<1x16xf32>,
      %get3A_421 = arith.index_cast %add3A_411 : i32 to index
      %get3A_422 = arith.constant 16 : index
      %get3A_423 = tpu.vector_load %arg10[%get3A_421, %get3A_422] {strides = array<i32>} : memref<125x64xf32, #tpu.memory_space<vmem>>, vector<1x16xf32>,
      %get3A_424 = vector.shape_cast %get3A_423 : vector<1x16xf32> to vector<16xf32>
      %swap3A_425 = arith.index_cast %add3A_411 : i32 to index
      %swap3A_426 = arith.constant 16 : index
      %swap3A_427 = tpu.vector_load %arg14[%swap3A_425, %swap3A_426] {strides = array<i32>} : memref<128x64xf32, #tpu.memory_space<vmem>>, vector<1x16xf32>,
      %swap3A_428 = vector.shape_cast %swap3A_427 : vector<1x16xf32> to vector<16xf32>
      %swap3A_429 = vector.shape_cast %get3A_424 : vector<16xf32> to vector<1x16xf32>
      tpu.vector_store %arg14[%swap3A_425, %swap3A_426], %swap3A_429 {add = true, strides = array<i32>} : memref<128x64xf32, #tpu.memory_space<vmem>>, vector<1x16xf32>,
      %get3A_430 = arith.index_cast %add3A_411 : i32 to index
      %get3A_431 = arith.constant 32 : index
      %get3A_432 = tpu.vector_load %arg10[%get3A_430, %get3A_431] {strides = array<i32>} : memref<125x64xf32, #tpu.memory_space<vmem>>, vector<1x16xf32>,
      %get3A_433 = vector.shape_cast %get3A_432 : vector<1x16xf32> to vector<16xf32>
      %swap3A_434 = arith.index_cast %add3A_411 : i32 to index
      %swap3A_435 = arith.constant 32 : index
      %swap3A_436 = tpu.vector_load %arg14[%swap3A_434, %swap3A_435] {strides = array<i32>} : memref<128x64xf32, #tpu.memory_space<vmem>>, vector<1x16xf32>,
      %swap3A_437 = vector.shape_cast %swap3A_436 : vector<1x16xf32> to vector<16xf32>
      %swap3A_438 = vector.shape_cast %get3A_433 : vector<16xf32> to vector<1x16xf32>
      tpu.vector_store %arg14[%swap3A_434, %swap3A_435], %swap3A_438 {add = true, strides = array<i32>} : memref<128x64xf32, #tpu.memory_space<vmem>>, vector<1x16xf32>,
      %get3A_439 = arith.index_cast %add3A_411 : i32 to index
      %get3A_440 = arith.constant 48 : index
      %get3A_441 = tpu.vector_load %arg10[%get3A_439, %get3A_440] {strides = array<i32>} : memref<125x64xf32, #tpu.memory_space<vmem>>, vector<1x16xf32>,
      %get3A_442 = vector.shape_cast %get3A_441 : vector<1x16xf32> to vector<16xf32>
      %swap3A_443 = arith.index_cast %add3A_411 : i32 to index
      %swap3A_444 = arith.constant 48 : index
      %swap3A_445 = tpu.vector_load %arg14[%swap3A_443, %swap3A_444] {strides = array<i32>} : memref<128x64xf32, #tpu.memory_space<vmem>>, vector<1x16xf32>,
      %swap3A_446 = vector.shape_cast %swap3A_445 : vector<1x16xf32> to vector<16xf32>
      %swap3A_447 = vector.shape_cast %get3A_442 : vector<16xf32> to vector<1x16xf32>
      tpu.vector_store %arg14[%swap3A_443, %swap3A_444], %swap3A_447 {add = true, strides = array<i32>} : memref<128x64xf32, #tpu.memory_space<vmem>>, vector<1x16xf32>,
    }
    %scan3A_136 = arith.constant 125 : i32
    %dma_start3A_137 = arith.constant 0 : i32
    %dma_start3A_138 = arith.constant 0 : i32
    %dma_start3A_139 = tpu.memref_slice %arg14[%dma_start3A_137, %dma_start3A_138] : memref<128x64xf32, #tpu.memory_space<vmem>> -> memref<125x64xf32, #tpu.memory_space<vmem>>
    %dma_start3A_140 = arith.constant 0 : i32
    %dma_start3A_141 = arith.constant 0 : i32
    %dma_start3A_142 = tpu.memref_slice %arg37[%dma_start3A_140, %dma_start3A_141] : memref<10000x64xf32, #tpu.memory_space<vmem_shared>> -> memref<10000x64xf32, #tpu.memory_space<vmem_shared>>
    tpu.enqueue_indirect_dma source(%dma_start3A_139 : memref<125x64xf32, #tpu.memory_space<vmem>>) target(%dma_start3A_142 : memref<10000x64xf32, #tpu.memory_space<vmem_shared>>) offsets(%arg18 : memref<125xi32, #tpu.memory_space<vmem>>) semaphore(%arg34 : memref<!tpu.dma_semaphore, #tpu.memory_space<semaphore_mem>>) {add = true}
    %scan3A_143 = arith.constant 0 : i32
    %scan3A_144 = arith.constant 39 : i32
    %scan3A_145 = arith.addi %scan3A_143, %scan3A_144 : i32
    %scan3A_146 = arith.constant 1 : i32
    scf.for %scan3A_241 = %scan3A_143 to %scan3A_145 step %scan3A_146  : i32 {
      %mul3A_242 = arith.constant 1 : i32
      %mul3A_243 = arith.muli %scan3A_241, %mul3A_242 : i32
      %add3A_244 = arith.constant 0 : i32
      %add3A_245 = arith.addi %add3A_244, %mul3A_243 : i32
      %add3A_246 = arith.constant 2 : i32
      %add3A_247 = arith.addi %mul3A_0, %add3A_246 : i32
      %mul3A_248 = arith.constant 4 : i32
      %mul3A_249 = arith.muli %mul3A_248, %add3A_245 : i32
      %add3A_250 = arith.addi %add3A_247, %mul3A_249 : i32
      %add3A_251 = arith.constant 0 : i32
      %add3A_252 = arith.addi %add3A_250, %add3A_251 : i32
      %dma_wait3A_253 = arith.constant 0 : i32
      %dma_wait3A_254 = arith.constant 0 : i32
      %dma_wait3A_255 = tpu.memref_slice %arg13[%dma_wait3A_253, %dma_wait3A_254] : memref<128x64xf32, #tpu.memory_space<vmem>> -> memref<125x64xf32, #tpu.memory_space<vmem>>
      %dma_wait3A_256 = arith.constant 0 : i32
      %dma_wait3A_257 = arith.constant 0 : i32
      %dma_wait3A_258 = tpu.memref_slice %arg37[%dma_wait3A_256, %dma_wait3A_257] : memref<10000x64xf32, #tpu.memory_space<vmem_shared>> -> memref<10000x64xf32, #tpu.memory_space<vmem_shared>>
      tpu.wait_indirect_dma semaphore(%arg33 : memref<!tpu.dma_semaphore, #tpu.memory_space<semaphore_mem>>) src(%dma_wait3A_255 : memref<125x64xf32, #tpu.memory_space<vmem>>) dst(%dma_wait3A_258 : memref<10000x64xf32, #tpu.memory_space<vmem_shared>>)
      %add3A_259 = arith.constant 2 : i32
      %add3A_260 = arith.addi %add3A_252, %add3A_259 : i32
      %mul3A_261 = arith.constant 125 : i32
      %mul3A_262 = arith.muli %add3A_260, %mul3A_261 : i32
      %dma_start3A_263 = tpu.memref_slice %arg5[%mul3A_262, %mul3A_10] : memref<320000x128xf32, #tpu.memory_space<hbm>> -> memref<125x64xf32, #tpu.memory_space<hbm>>
      %dma_start3A_264 = tpu.memref_slice %arg5[%mul3A_262, %mul3A_10] : memref<320000x128xf32, #tpu.memory_space<hbm>> -> memref<125x64xf32, #tpu.memory_space<hbm>>
      tpu.enqueue_dma source(%dma_start3A_264 : memref<125x64xf32, #tpu.memory_space<hbm>>) target(%arg9 : memref<125x64xf32, #tpu.memory_space<vmem>>) target_semaphore(%arg21 : memref<!tpu.dma_semaphore, #tpu.memory_space<semaphore_mem>>)
      %sub3A_265 = arith.subi %add3A_260, %mul3A_0 : i32
      %dma_start3A_266 = arith.constant 0 : i32
      %dma_start3A_267 = tpu.memref_slice %arg8[%sub3A_265, %dma_start3A_266] : memref<160x128xi32, #tpu.memory_space<vmem>> -> memref<1x128xi32, #tpu.memory_space<vmem>>
      %dma_start3A_268 = tpu.memref_squeeze %dma_start3A_267 : memref<1x128xi32, #tpu.memory_space<vmem>> -> memref<128xi32, #tpu.memory_space<vmem>>
      %dma_start3A_269 = arith.constant 0 : i32
      %dma_start3A_270 = arith.constant 0 : i32
      %dma_start3A_271 = tpu.memref_slice %arg2[%dma_start3A_269, %dma_start3A_270] : memref<20000x64xf32, #tpu.memory_space<hbm>> -> memref<20000x64xf32, #tpu.memory_space<hbm>>
      tpu.enqueue_indirect_dma source(%dma_start3A_271 : memref<20000x64xf32, #tpu.memory_space<hbm>>) target(%arg13 : memref<128x64xf32, #tpu.memory_space<vmem>>) offsets(%dma_start3A_268 : memref<128xi32, #tpu.memory_space<vmem>>) semaphore(%arg25 : memref<!tpu.dma_semaphore, #tpu.memory_space<semaphore_mem>>)
      %dma_start3A_272 = arith.constant 0 : i32
      %dma_start3A_273 = tpu.memref_slice %arg4[%add3A_260, %dma_start3A_272] : memref<2560x125xi32, #tpu.memory_space<hbm>> -> memref<1x125xi32, #tpu.memory_space<hbm>>
      %dma_start3A_274 = tpu.memref_squeeze %dma_start3A_273 : memref<1x125xi32, #tpu.memory_space<hbm>> -> memref<125xi32, #tpu.memory_space<hbm>>
      %dma_start3A_275 = arith.constant 0 : i32
      %dma_start3A_276 = tpu.memref_slice %arg4[%add3A_260, %dma_start3A_275] : memref<2560x125xi32, #tpu.memory_space<hbm>> -> memref<1x125xi32, #tpu.memory_space<hbm>>
      %dma_start3A_277 = tpu.memref_squeeze %dma_start3A_276 : memref<1x125xi32, #tpu.memory_space<hbm>> -> memref<125xi32, #tpu.memory_space<hbm>>
      tpu.enqueue_dma source(%dma_start3A_277 : memref<125xi32, #tpu.memory_space<hbm>>) target(%arg17 : memref<125xi32, #tpu.memory_space<vmem>>) target_semaphore(%arg29 : memref<!tpu.dma_semaphore, #tpu.memory_space<semaphore_mem>>)
      %mul3A_278 = arith.constant 125 : i32
      %mul3A_279 = arith.muli %add3A_252, %mul3A_278 : i32
      %dma_wait3A_280 = tpu.memref_slice %arg5[%mul3A_279, %mul3A_10] : memref<320000x128xf32, #tpu.memory_space<hbm>> -> memref<125x64xf32, #tpu.memory_space<hbm>>
      %dma_wait3A_281 = tpu.memref_slice %arg5[%mul3A_279, %mul3A_10] : memref<320000x128xf32, #tpu.memory_space<hbm>> -> memref<125x64xf32, #tpu.memory_space<hbm>>
      tpu.wait_dma2 semaphore(%arg23 : memref<!tpu.dma_semaphore, #tpu.memory_space<semaphore_mem>>) src(%dma_wait3A_281 : memref<125x64xf32, #tpu.memory_space<hbm>>) dst(%arg11 : memref<125x64xf32, #tpu.memory_space<vmem>>)
      %sub3A_282 = arith.subi %add3A_252, %mul3A_0 : i32
      %dma_wait3A_283 = arith.constant 0 : i32
      %dma_wait3A_284 = tpu.memref_slice %arg8[%sub3A_282, %dma_wait3A_283] : memref<160x128xi32, #tpu.memory_space<vmem>> -> memref<1x128xi32, #tpu.memory_space<vmem>>
      %dma_wait3A_285 = tpu.memref_squeeze %dma_wait3A_284 : memref<1x128xi32, #tpu.memory_space<vmem>> -> memref<128xi32, #tpu.memory_space<vmem>>
      %dma_wait3A_286 = arith.constant 0 : i32
      %dma_wait3A_287 = arith.constant 0 : i32
      %dma_wait3A_288 = tpu.memref_slice %arg2[%dma_wait3A_286, %dma_wait3A_287] : memref<20000x64xf32, #tpu.memory_space<hbm>> -> memref<20000x64xf32, #tpu.memory_space<hbm>>
      tpu.wait_indirect_dma semaphore(%arg27 : memref<!tpu.dma_semaphore, #tpu.memory_space<semaphore_mem>>) src(%dma_wait3A_288 : memref<20000x64xf32, #tpu.memory_space<hbm>>) dst(%arg15 : memref<128x64xf32, #tpu.memory_space<vmem>>)
      %dma_wait3A_289 = arith.constant 0 : i32
      %dma_wait3A_290 = tpu.memref_slice %arg4[%add3A_252, %dma_wait3A_289] : memref<2560x125xi32, #tpu.memory_space<hbm>> -> memref<1x125xi32, #tpu.memory_space<hbm>>
      %dma_wait3A_291 = tpu.memref_squeeze %dma_wait3A_290 : memref<1x125xi32, #tpu.memory_space<hbm>> -> memref<125xi32, #tpu.memory_space<hbm>>
      %dma_wait3A_292 = arith.constant 0 : i32
      %dma_wait3A_293 = tpu.memref_slice %arg4[%add3A_252, %dma_wait3A_292] : memref<2560x125xi32, #tpu.memory_space<hbm>> -> memref<1x125xi32, #tpu.memory_space<hbm>>
      %dma_wait3A_294 = tpu.memref_squeeze %dma_wait3A_293 : memref<1x125xi32, #tpu.memory_space<hbm>> -> memref<125xi32, #tpu.memory_space<hbm>>
      tpu.wait_dma2 semaphore(%arg31 : memref<!tpu.dma_semaphore, #tpu.memory_space<semaphore_mem>>) src(%dma_wait3A_294 : memref<125xi32, #tpu.memory_space<hbm>>) dst(%arg19 : memref<125xi32, #tpu.memory_space<vmem>>)
      %scan3A_295 = arith.constant 0 : i32
      %scan3A_296 = arith.constant 125 : i32
      %scan3A_297 = arith.addi %scan3A_295, %scan3A_296 : i32
      %scan3A_298 = arith.constant 5 : i32
      scf.for %scan3A_471 = %scan3A_295 to %scan3A_297 step %scan3A_298  : i32 {
        %mul3A_472 = arith.constant 1 : i32
        %mul3A_473 = arith.muli %scan3A_471, %mul3A_472 : i32
        %add3A_474 = arith.constant 0 : i32
        %add3A_475 = arith.addi %add3A_474, %mul3A_473 : i32
        %get3A = arith.index_cast %add3A_475 : i32 to index
        %get3A_476 = arith.constant 0 : index
        %get3A_477 = tpu.vector_load %arg11[%get3A, %get3A_476] {strides = array<i32>} : memref<125x64xf32, #tpu.memory_space<vmem>>, vector<1x16xf32>,
        %get3A_478 = vector.shape_cast %get3A_477 : vector<1x16xf32> to vector<16xf32>
        %swap3A = arith.index_cast %add3A_475 : i32 to index
        %swap3A_479 = arith.constant 0 : index
        %swap3A_480 = tpu.vector_load %arg15[%swap3A, %swap3A_479] {strides = array<i32>} : memref<128x64xf32, #tpu.memory_space<vmem>>, vector<1x16xf32>,
        %swap3A_481 = vector.shape_cast %swap3A_480 : vector<1x16xf32> to vector<16xf32>
        %swap3A_482 = vector.shape_cast %get3A_478 : vector<16xf32> to vector<1x16xf32>
        tpu.vector_store %arg15[%swap3A, %swap3A_479], %swap3A_482 {add = true, strides = array<i32>} : memref<128x64xf32, #tpu.memory_space<vmem>>, vector<1x16xf32>,
        %get3A_483 = arith.index_cast %add3A_475 : i32 to index
        %get3A_484 = arith.constant 16 : index
        %get3A_485 = tpu.vector_load %arg11[%get3A_483, %get3A_484] {strides = array<i32>} : memref<125x64xf32, #tpu.memory_space<vmem>>, vector<1x16xf32>,
        %get3A_486 = vector.shape_cast %get3A_485 : vector<1x16xf32> to vector<16xf32>
        %swap3A_487 = arith.index_cast %add3A_475 : i32 to index
        %swap3A_488 = arith.constant 16 : index
        %swap3A_489 = tpu.vector_load %arg15[%swap3A_487, %swap3A_488] {strides = array<i32>} : memref<128x64xf32, #tpu.memory_space<vmem>>, vector<1x16xf32>,
        %swap3A_490 = vector.shape_cast %swap3A_489 : vector<1x16xf32> to vector<16xf32>
        %swap3A_491 = vector.shape_cast %get3A_486 : vector<16xf32> to vector<1x16xf32>
        tpu.vector_store %arg15[%swap3A_487, %swap3A_488], %swap3A_491 {add = true, strides = array<i32>} : memref<128x64xf32, #tpu.memory_space<vmem>>, vector<1x16xf32>,
        %get3A_492 = arith.index_cast %add3A_475 : i32 to index
        %get3A_493 = arith.constant 32 : index
        %get3A_494 = tpu.vector_load %arg11[%get3A_492, %get3A_493] {strides = array<i32>} : memref<125x64xf32, #tpu.memory_space<vmem>>, vector<1x16xf32>,
        %get3A_495 = vector.shape_cast %get3A_494 : vector<1x16xf32> to vector<16xf32>
        %swap3A_496 = arith.index_cast %add3A_475 : i32 to index
        %swap3A_497 = arith.constant 32 : index
        %swap3A_498 = tpu.vector_load %arg15[%swap3A_496, %swap3A_497] {strides = array<i32>} : memref<128x64xf32, #tpu.memory_space<vmem>>, vector<1x16xf32>,
        %swap3A_499 = vector.shape_cast %swap3A_498 : vector<1x16xf32> to vector<16xf32>
        %swap3A_500 = vector.shape_cast %get3A_495 : vector<16xf32> to vector<1x16xf32>
        tpu.vector_store %arg15[%swap3A_496, %swap3A_497], %swap3A_500 {add = true, strides = array<i32>} : memref<128x64xf32, #tpu.memory_space<vmem>>, vector<1x16xf32>,
        %get3A_501 = arith.index_cast %add3A_475 : i32 to index
        %get3A_502 = arith.constant 48 : index
        %get3A_503 = tpu.vector_load %arg11[%get3A_501, %get3A_502] {strides = array<i32>} : memref<125x64xf32, #tpu.memory_space<vmem>>, vector<1x16xf32>,
        %get3A_504 = vector.shape_cast %get3A_503 : vector<1x16xf32> to vector<16xf32>
        %swap3A_505 = arith.index_cast %add3A_475 : i32 to index
        %swap3A_506 = arith.constant 48 : index
        %swap3A_507 = tpu.vector_load %arg15[%swap3A_505, %swap3A_506] {strides = array<i32>} : memref<128x64xf32, #tpu.memory_space<vmem>>, vector<1x16xf32>,
        %swap3A_508 = vector.shape_cast %swap3A_507 : vector<1x16xf32> to vector<16xf32>
        %swap3A_509 = vector.shape_cast %get3A_504 : vector<16xf32> to vector<1x16xf32>
        tpu.vector_store %arg15[%swap3A_505, %swap3A_506], %swap3A_509 {add = true, strides = array<i32>} : memref<128x64xf32, #tpu.memory_space<vmem>>, vector<1x16xf32>,
        %scan3A_510 = arith.constant 1 : i32
        %scan3A_511 = arith.addi %scan3A_471, %scan3A_510 : i32
        %mul3A_512 = arith.constant 1 : i32
        %mul3A_513 = arith.muli %scan3A_511, %mul3A_512 : i32
        %add3A_514 = arith.constant 0 : i32
        %add3A_515 = arith.addi %add3A_514, %mul3A_513 : i32
        %get3A_516 = arith.index_cast %add3A_515 : i32 to index
        %get3A_517 = arith.constant 0 : index
        %get3A_518 = tpu.vector_load %arg11[%get3A_516, %get3A_517] {strides = array<i32>} : memref<125x64xf32, #tpu.memory_space<vmem>>, vector<1x16xf32>,
        %get3A_519 = vector.shape_cast %get3A_518 : vector<1x16xf32> to vector<16xf32>
        %swap3A_520 = arith.index_cast %add3A_515 : i32 to index
        %swap3A_521 = arith.constant 0 : index
        %swap3A_522 = tpu.vector_load %arg15[%swap3A_520, %swap3A_521] {strides = array<i32>} : memref<128x64xf32, #tpu.memory_space<vmem>>, vector<1x16xf32>,
        %swap3A_523 = vector.shape_cast %swap3A_522 : vector<1x16xf32> to vector<16xf32>
        %swap3A_524 = vector.shape_cast %get3A_519 : vector<16xf32> to vector<1x16xf32>
        tpu.vector_store %arg15[%swap3A_520, %swap3A_521], %swap3A_524 {add = true, strides = array<i32>} : memref<128x64xf32, #tpu.memory_space<vmem>>, vector<1x16xf32>,
        %get3A_525 = arith.index_cast %add3A_515 : i32 to index
        %get3A_526 = arith.constant 16 : index
        %get3A_527 = tpu.vector_load %arg11[%get3A_525, %get3A_526] {strides = array<i32>} : memref<125x64xf32, #tpu.memory_space<vmem>>, vector<1x16xf32>,
        %get3A_528 = vector.shape_cast %get3A_527 : vector<1x16xf32> to vector<16xf32>
        %swap3A_529 = arith.index_cast %add3A_515 : i32 to index
        %swap3A_530 = arith.constant 16 : index
        %swap3A_531 = tpu.vector_load %arg15[%swap3A_529, %swap3A_530] {strides = array<i32>} : memref<128x64xf32, #tpu.memory_space<vmem>>, vector<1x16xf32>,
        %swap3A_532 = vector.shape_cast %swap3A_531 : vector<1x16xf32> to vector<16xf32>
        %swap3A_533 = vector.shape_cast %get3A_528 : vector<16xf32> to vector<1x16xf32>
        tpu.vector_store %arg15[%swap3A_529, %swap3A_530], %swap3A_533 {add = true, strides = array<i32>} : memref<128x64xf32, #tpu.memory_space<vmem>>, vector<1x16xf32>,
        %get3A_534 = arith.index_cast %add3A_515 : i32 to index
        %get3A_535 = arith.constant 32 : index
        %get3A_536 = tpu.vector_load %arg11[%get3A_534, %get3A_535] {strides = array<i32>} : memref<125x64xf32, #tpu.memory_space<vmem>>, vector<1x16xf32>,
        %get3A_537 = vector.shape_cast %get3A_536 : vector<1x16xf32> to vector<16xf32>
        %swap3A_538 = arith.index_cast %add3A_515 : i32 to index
        %swap3A_539 = arith.constant 32 : index
        %swap3A_540 = tpu.vector_load %arg15[%swap3A_538, %swap3A_539] {strides = array<i32>} : memref<128x64xf32, #tpu.memory_space<vmem>>, vector<1x16xf32>,
        %swap3A_541 = vector.shape_cast %swap3A_540 : vector<1x16xf32> to vector<16xf32>
        %swap3A_542 = vector.shape_cast %get3A_537 : vector<16xf32> to vector<1x16xf32>
        tpu.vector_store %arg15[%swap3A_538, %swap3A_539], %swap3A_542 {add = true, strides = array<i32>} : memref<128x64xf32, #tpu.memory_space<vmem>>, vector<1x16xf32>,
        %get3A_543 = arith.index_cast %add3A_515 : i32 to index
        %get3A_544 = arith.constant 48 : index
        %get3A_545 = tpu.vector_load %arg11[%get3A_543, %get3A_544] {strides = array<i32>} : memref<125x64xf32, #tpu.memory_space<vmem>>, vector<1x16xf32>,
        %get3A_546 = vector.shape_cast %get3A_545 : vector<1x16xf32> to vector<16xf32>
        %swap3A_547 = arith.index_cast %add3A_515 : i32 to index
        %swap3A_548 = arith.constant 48 : index
        %swap3A_549 = tpu.vector_load %arg15[%swap3A_547, %swap3A_548] {strides = array<i32>} : memref<128x64xf32, #tpu.memory_space<vmem>>, vector<1x16xf32>,
        %swap3A_550 = vector.shape_cast %swap3A_549 : vector<1x16xf32> to vector<16xf32>
        %swap3A_551 = vector.shape_cast %get3A_546 : vector<16xf32> to vector<1x16xf32>
        tpu.vector_store %arg15[%swap3A_547, %swap3A_548], %swap3A_551 {add = true, strides = array<i32>} : memref<128x64xf32, #tpu.memory_space<vmem>>, vector<1x16xf32>,
        %scan3A_552 = arith.constant 2 : i32
        %scan3A_553 = arith.addi %scan3A_471, %scan3A_552 : i32
        %mul3A_554 = arith.constant 1 : i32
        %mul3A_555 = arith.muli %scan3A_553, %mul3A_554 : i32
        %add3A_556 = arith.constant 0 : i32
        %add3A_557 = arith.addi %add3A_556, %mul3A_555 : i32
        %get3A_558 = arith.index_cast %add3A_557 : i32 to index
        %get3A_559 = arith.constant 0 : index
        %get3A_560 = tpu.vector_load %arg11[%get3A_558, %get3A_559] {strides = array<i32>} : memref<125x64xf32, #tpu.memory_space<vmem>>, vector<1x16xf32>,
        %get3A_561 = vector.shape_cast %get3A_560 : vector<1x16xf32> to vector<16xf32>
        %swap3A_562 = arith.index_cast %add3A_557 : i32 to index
        %swap3A_563 = arith.constant 0 : index
        %swap3A_564 = tpu.vector_load %arg15[%swap3A_562, %swap3A_563] {strides = array<i32>} : memref<128x64xf32, #tpu.memory_space<vmem>>, vector<1x16xf32>,
        %swap3A_565 = vector.shape_cast %swap3A_564 : vector<1x16xf32> to vector<16xf32>
        %swap3A_566 = vector.shape_cast %get3A_561 : vector<16xf32> to vector<1x16xf32>
        tpu.vector_store %arg15[%swap3A_562, %swap3A_563], %swap3A_566 {add = true, strides = array<i32>} : memref<128x64xf32, #tpu.memory_space<vmem>>, vector<1x16xf32>,
        %get3A_567 = arith.index_cast %add3A_557 : i32 to index
        %get3A_568 = arith.constant 16 : index
        %get3A_569 = tpu.vector_load %arg11[%get3A_567, %get3A_568] {strides = array<i32>} : memref<125x64xf32, #tpu.memory_space<vmem>>, vector<1x16xf32>,
        %get3A_570 = vector.shape_cast %get3A_569 : vector<1x16xf32> to vector<16xf32>
        %swap3A_571 = arith.index_cast %add3A_557 : i32 to index
        %swap3A_572 = arith.constant 16 : index
        %swap3A_573 = tpu.vector_load %arg15[%swap3A_571, %swap3A_572] {strides = array<i32>} : memref<128x64xf32, #tpu.memory_space<vmem>>, vector<1x16xf32>,
        %swap3A_574 = vector.shape_cast %swap3A_573 : vector<1x16xf32> to vector<16xf32>
        %swap3A_575 = vector.shape_cast %get3A_570 : vector<16xf32> to vector<1x16xf32>
        tpu.vector_store %arg15[%swap3A_571, %swap3A_572], %swap3A_575 {add = true, strides = array<i32>} : memref<128x64xf32, #tpu.memory_space<vmem>>, vector<1x16xf32>,
        %get3A_576 = arith.index_cast %add3A_557 : i32 to index
        %get3A_577 = arith.constant 32 : index
        %get3A_578 = tpu.vector_load %arg11[%get3A_576, %get3A_577] {strides = array<i32>} : memref<125x64xf32, #tpu.memory_space<vmem>>, vector<1x16xf32>,
        %get3A_579 = vector.shape_cast %get3A_578 : vector<1x16xf32> to vector<16xf32>
        %swap3A_580 = arith.index_cast %add3A_557 : i32 to index
        %swap3A_581 = arith.constant 32 : index
        %swap3A_582 = tpu.vector_load %arg15[%swap3A_580, %swap3A_581] {strides = array<i32>} : memref<128x64xf32, #tpu.memory_space<vmem>>, vector<1x16xf32>,
        %swap3A_583 = vector.shape_cast %swap3A_582 : vector<1x16xf32> to vector<16xf32>
        %swap3A_584 = vector.shape_cast %get3A_579 : vector<16xf32> to vector<1x16xf32>
        tpu.vector_store %arg15[%swap3A_580, %swap3A_581], %swap3A_584 {add = true, strides = array<i32>} : memref<128x64xf32, #tpu.memory_space<vmem>>, vector<1x16xf32>,
        %get3A_585 = arith.index_cast %add3A_557 : i32 to index
        %get3A_586 = arith.constant 48 : index
        %get3A_587 = tpu.vector_load %arg11[%get3A_585, %get3A_586] {strides = array<i32>} : memref<125x64xf32, #tpu.memory_space<vmem>>, vector<1x16xf32>,
        %get3A_588 = vector.shape_cast %get3A_587 : vector<1x16xf32> to vector<16xf32>
        %swap3A_589 = arith.index_cast %add3A_557 : i32 to index
        %swap3A_590 = arith.constant 48 : index
        %swap3A_591 = tpu.vector_load %arg15[%swap3A_589, %swap3A_590] {strides = array<i32>} : memref<128x64xf32, #tpu.memory_space<vmem>>, vector<1x16xf32>,
        %swap3A_592 = vector.shape_cast %swap3A_591 : vector<1x16xf32> to vector<16xf32>
        %swap3A_593 = vector.shape_cast %get3A_588 : vector<16xf32> to vector<1x16xf32>
        tpu.vector_store %arg15[%swap3A_589, %swap3A_590], %swap3A_593 {add = true, strides = array<i32>} : memref<128x64xf32, #tpu.memory_space<vmem>>, vector<1x16xf32>,
        %scan3A_594 = arith.constant 3 : i32
        %scan3A_595 = arith.addi %scan3A_471, %scan3A_594 : i32
        %mul3A_596 = arith.constant 1 : i32
        %mul3A_597 = arith.muli %scan3A_595, %mul3A_596 : i32
        %add3A_598 = arith.constant 0 : i32
        %add3A_599 = arith.addi %add3A_598, %mul3A_597 : i32
        %get3A_600 = arith.index_cast %add3A_599 : i32 to index
        %get3A_601 = arith.constant 0 : index
        %get3A_602 = tpu.vector_load %arg11[%get3A_600, %get3A_601] {strides = array<i32>} : memref<125x64xf32, #tpu.memory_space<vmem>>, vector<1x16xf32>,
        %get3A_603 = vector.shape_cast %get3A_602 : vector<1x16xf32> to vector<16xf32>
        %swap3A_604 = arith.index_cast %add3A_599 : i32 to index
        %swap3A_605 = arith.constant 0 : index
        %swap3A_606 = tpu.vector_load %arg15[%swap3A_604, %swap3A_605] {strides = array<i32>} : memref<128x64xf32, #tpu.memory_space<vmem>>, vector<1x16xf32>,
        %swap3A_607 = vector.shape_cast %swap3A_606 : vector<1x16xf32> to vector<16xf32>
        %swap3A_608 = vector.shape_cast %get3A_603 : vector<16xf32> to vector<1x16xf32>
        tpu.vector_store %arg15[%swap3A_604, %swap3A_605], %swap3A_608 {add = true, strides = array<i32>} : memref<128x64xf32, #tpu.memory_space<vmem>>, vector<1x16xf32>,
        %get3A_609 = arith.index_cast %add3A_599 : i32 to index
        %get3A_610 = arith.constant 16 : index
        %get3A_611 = tpu.vector_load %arg11[%get3A_609, %get3A_610] {strides = array<i32>} : memref<125x64xf32, #tpu.memory_space<vmem>>, vector<1x16xf32>,
        %get3A_612 = vector.shape_cast %get3A_611 : vector<1x16xf32> to vector<16xf32>
        %swap3A_613 = arith.index_cast %add3A_599 : i32 to index
        %swap3A_614 = arith.constant 16 : index
        %swap3A_615 = tpu.vector_load %arg15[%swap3A_613, %swap3A_614] {strides = array<i32>} : memref<128x64xf32, #tpu.memory_space<vmem>>, vector<1x16xf32>,
        %swap3A_616 = vector.shape_cast %swap3A_615 : vector<1x16xf32> to vector<16xf32>
        %swap3A_617 = vector.shape_cast %get3A_612 : vector<16xf32> to vector<1x16xf32>
        tpu.vector_store %arg15[%swap3A_613, %swap3A_614], %swap3A_617 {add = true, strides = array<i32>} : memref<128x64xf32, #tpu.memory_space<vmem>>, vector<1x16xf32>,
        %get3A_618 = arith.index_cast %add3A_599 : i32 to index
        %get3A_619 = arith.constant 32 : index
        %get3A_620 = tpu.vector_load %arg11[%get3A_618, %get3A_619] {strides = array<i32>} : memref<125x64xf32, #tpu.memory_space<vmem>>, vector<1x16xf32>,
        %get3A_621 = vector.shape_cast %get3A_620 : vector<1x16xf32> to vector<16xf32>
        %swap3A_622 = arith.index_cast %add3A_599 : i32 to index
        %swap3A_623 = arith.constant 32 : index
        %swap3A_624 = tpu.vector_load %arg15[%swap3A_622, %swap3A_623] {strides = array<i32>} : memref<128x64xf32, #tpu.memory_space<vmem>>, vector<1x16xf32>,
        %swap3A_625 = vector.shape_cast %swap3A_624 : vector<1x16xf32> to vector<16xf32>
        %swap3A_626 = vector.shape_cast %get3A_621 : vector<16xf32> to vector<1x16xf32>
        tpu.vector_store %arg15[%swap3A_622, %swap3A_623], %swap3A_626 {add = true, strides = array<i32>} : memref<128x64xf32, #tpu.memory_space<vmem>>, vector<1x16xf32>,
        %get3A_627 = arith.index_cast %add3A_599 : i32 to index
        %get3A_628 = arith.constant 48 : index
        %get3A_629 = tpu.vector_load %arg11[%get3A_627, %get3A_628] {strides = array<i32>} : memref<125x64xf32, #tpu.memory_space<vmem>>, vector<1x16xf32>,
        %get3A_630 = vector.shape_cast %get3A_629 : vector<1x16xf32> to vector<16xf32>
        %swap3A_631 = arith.index_cast %add3A_599 : i32 to index
        %swap3A_632 = arith.constant 48 : index
        %swap3A_633 = tpu.vector_load %arg15[%swap3A_631, %swap3A_632] {strides = array<i32>} : memref<128x64xf32, #tpu.memory_space<vmem>>, vector<1x16xf32>,
        %swap3A_634 = vector.shape_cast %swap3A_633 : vector<1x16xf32> to vector<16xf32>
        %swap3A_635 = vector.shape_cast %get3A_630 : vector<16xf32> to vector<1x16xf32>
        tpu.vector_store %arg15[%swap3A_631, %swap3A_632], %swap3A_635 {add = true, strides = array<i32>} : memref<128x64xf32, #tpu.memory_space<vmem>>, vector<1x16xf32>,
        %scan3A_636 = arith.constant 4 : i32
        %scan3A_637 = arith.addi %scan3A_471, %scan3A_636 : i32
        %mul3A_638 = arith.constant 1 : i32
        %mul3A_639 = arith.muli %scan3A_637, %mul3A_638 : i32
        %add3A_640 = arith.constant 0 : i32
        %add3A_641 = arith.addi %add3A_640, %mul3A_639 : i32
        %get3A_642 = arith.index_cast %add3A_641 : i32 to index
        %get3A_643 = arith.constant 0 : index
        %get3A_644 = tpu.vector_load %arg11[%get3A_642, %get3A_643] {strides = array<i32>} : memref<125x64xf32, #tpu.memory_space<vmem>>, vector<1x16xf32>,
        %get3A_645 = vector.shape_cast %get3A_644 : vector<1x16xf32> to vector<16xf32>
        %swap3A_646 = arith.index_cast %add3A_641 : i32 to index
        %swap3A_647 = arith.constant 0 : index
        %swap3A_648 = tpu.vector_load %arg15[%swap3A_646, %swap3A_647] {strides = array<i32>} : memref<128x64xf32, #tpu.memory_space<vmem>>, vector<1x16xf32>,
        %swap3A_649 = vector.shape_cast %swap3A_648 : vector<1x16xf32> to vector<16xf32>
        %swap3A_650 = vector.shape_cast %get3A_645 : vector<16xf32> to vector<1x16xf32>
        tpu.vector_store %arg15[%swap3A_646, %swap3A_647], %swap3A_650 {add = true, strides = array<i32>} : memref<128x64xf32, #tpu.memory_space<vmem>>, vector<1x16xf32>,
        %get3A_651 = arith.index_cast %add3A_641 : i32 to index
        %get3A_652 = arith.constant 16 : index
        %get3A_653 = tpu.vector_load %arg11[%get3A_651, %get3A_652] {strides = array<i32>} : memref<125x64xf32, #tpu.memory_space<vmem>>, vector<1x16xf32>,
        %get3A_654 = vector.shape_cast %get3A_653 : vector<1x16xf32> to vector<16xf32>
        %swap3A_655 = arith.index_cast %add3A_641 : i32 to index
        %swap3A_656 = arith.constant 16 : index
        %swap3A_657 = tpu.vector_load %arg15[%swap3A_655, %swap3A_656] {strides = array<i32>} : memref<128x64xf32, #tpu.memory_space<vmem>>, vector<1x16xf32>,
        %swap3A_658 = vector.shape_cast %swap3A_657 : vector<1x16xf32> to vector<16xf32>
        %swap3A_659 = vector.shape_cast %get3A_654 : vector<16xf32> to vector<1x16xf32>
        tpu.vector_store %arg15[%swap3A_655, %swap3A_656], %swap3A_659 {add = true, strides = array<i32>} : memref<128x64xf32, #tpu.memory_space<vmem>>, vector<1x16xf32>,
        %get3A_660 = arith.index_cast %add3A_641 : i32 to index
        %get3A_661 = arith.constant 32 : index
        %get3A_662 = tpu.vector_load %arg11[%get3A_660, %get3A_661] {strides = array<i32>} : memref<125x64xf32, #tpu.memory_space<vmem>>, vector<1x16xf32>,
        %get3A_663 = vector.shape_cast %get3A_662 : vector<1x16xf32> to vector<16xf32>
        %swap3A_664 = arith.index_cast %add3A_641 : i32 to index
        %swap3A_665 = arith.constant 32 : index
        %swap3A_666 = tpu.vector_load %arg15[%swap3A_664, %swap3A_665] {strides = array<i32>} : memref<128x64xf32, #tpu.memory_space<vmem>>, vector<1x16xf32>,
        %swap3A_667 = vector.shape_cast %swap3A_666 : vector<1x16xf32> to vector<16xf32>
        %swap3A_668 = vector.shape_cast %get3A_663 : vector<16xf32> to vector<1x16xf32>
        tpu.vector_store %arg15[%swap3A_664, %swap3A_665], %swap3A_668 {add = true, strides = array<i32>} : memref<128x64xf32, #tpu.memory_space<vmem>>, vector<1x16xf32>,
        %get3A_669 = arith.index_cast %add3A_641 : i32 to index
        %get3A_670 = arith.constant 48 : index
        %get3A_671 = tpu.vector_load %arg11[%get3A_669, %get3A_670] {strides = array<i32>} : memref<125x64xf32, #tpu.memory_space<vmem>>, vector<1x16xf32>,
        %get3A_672 = vector.shape_cast %get3A_671 : vector<1x16xf32> to vector<16xf32>
        %swap3A_673 = arith.index_cast %add3A_641 : i32 to index
        %swap3A_674 = arith.constant 48 : index
        %swap3A_675 = tpu.vector_load %arg15[%swap3A_673, %swap3A_674] {strides = array<i32>} : memref<128x64xf32, #tpu.memory_space<vmem>>, vector<1x16xf32>,
        %swap3A_676 = vector.shape_cast %swap3A_675 : vector<1x16xf32> to vector<16xf32>
        %swap3A_677 = vector.shape_cast %get3A_672 : vector<16xf32> to vector<1x16xf32>
        tpu.vector_store %arg15[%swap3A_673, %swap3A_674], %swap3A_677 {add = true, strides = array<i32>} : memref<128x64xf32, #tpu.memory_space<vmem>>, vector<1x16xf32>,
      }
      %scan3A_299 = arith.constant 125 : i32
      %dma_start3A_300 = arith.constant 0 : i32
      %dma_start3A_301 = arith.constant 0 : i32
      %dma_start3A_302 = tpu.memref_slice %arg15[%dma_start3A_300, %dma_start3A_301] : memref<128x64xf32, #tpu.memory_space<vmem>> -> memref<125x64xf32, #tpu.memory_space<vmem>>
      %dma_start3A_303 = arith.constant 0 : i32
      %dma_start3A_304 = arith.constant 0 : i32
      %dma_start3A_305 = tpu.memref_slice %arg37[%dma_start3A_303, %dma_start3A_304] : memref<10000x64xf32, #tpu.memory_space<vmem_shared>> -> memref<10000x64xf32, #tpu.memory_space<vmem_shared>>
      tpu.enqueue_indirect_dma source(%dma_start3A_302 : memref<125x64xf32, #tpu.memory_space<vmem>>) target(%dma_start3A_305 : memref<10000x64xf32, #tpu.memory_space<vmem_shared>>) offsets(%arg19 : memref<125xi32, #tpu.memory_space<vmem>>) semaphore(%arg35 : memref<!tpu.dma_semaphore, #tpu.memory_space<semaphore_mem>>) {add = true}
      %add3A_306 = arith.constant 1 : i32
      %add3A_307 = arith.addi %add3A_250, %add3A_306 : i32
      %dma_wait3A_308 = arith.constant 0 : i32
      %dma_wait3A_309 = arith.constant 0 : i32
      %dma_wait3A_310 = tpu.memref_slice %arg14[%dma_wait3A_308, %dma_wait3A_309] : memref<128x64xf32, #tpu.memory_space<vmem>> -> memref<125x64xf32, #tpu.memory_space<vmem>>
      %dma_wait3A_311 = arith.constant 0 : i32
      %dma_wait3A_312 = arith.constant 0 : i32
      %dma_wait3A_313 = tpu.memref_slice %arg37[%dma_wait3A_311, %dma_wait3A_312] : memref<10000x64xf32, #tpu.memory_space<vmem_shared>> -> memref<10000x64xf32, #tpu.memory_space<vmem_shared>>
      tpu.wait_indirect_dma semaphore(%arg34 : memref<!tpu.dma_semaphore, #tpu.memory_space<semaphore_mem>>) src(%dma_wait3A_310 : memref<125x64xf32, #tpu.memory_space<vmem>>) dst(%dma_wait3A_313 : memref<10000x64xf32, #tpu.memory_space<vmem_shared>>)
      %add3A_314 = arith.constant 2 : i32
      %add3A_315 = arith.addi %add3A_307, %add3A_314 : i32
      %mul3A_316 = arith.constant 125 : i32
      %mul3A_317 = arith.muli %add3A_315, %mul3A_316 : i32
      %dma_start3A_318 = tpu.memref_slice %arg5[%mul3A_317, %mul3A_10] : memref<320000x128xf32, #tpu.memory_space<hbm>> -> memref<125x64xf32, #tpu.memory_space<hbm>>
      %dma_start3A_319 = tpu.memref_slice %arg5[%mul3A_317, %mul3A_10] : memref<320000x128xf32, #tpu.memory_space<hbm>> -> memref<125x64xf32, #tpu.memory_space<hbm>>
      tpu.enqueue_dma source(%dma_start3A_319 : memref<125x64xf32, #tpu.memory_space<hbm>>) target(%arg10 : memref<125x64xf32, #tpu.memory_space<vmem>>) target_semaphore(%arg22 : memref<!tpu.dma_semaphore, #tpu.memory_space<semaphore_mem>>)
      %sub3A_320 = arith.subi %add3A_315, %mul3A_0 : i32
      %dma_start3A_321 = arith.constant 0 : i32
      %dma_start3A_322 = tpu.memref_slice %arg8[%sub3A_320, %dma_start3A_321] : memref<160x128xi32, #tpu.memory_space<vmem>> -> memref<1x128xi32, #tpu.memory_space<vmem>>
      %dma_start3A_323 = tpu.memref_squeeze %dma_start3A_322 : memref<1x128xi32, #tpu.memory_space<vmem>> -> memref<128xi32, #tpu.memory_space<vmem>>
      %dma_start3A_324 = arith.constant 0 : i32
      %dma_start3A_325 = arith.constant 0 : i32
      %dma_start3A_326 = tpu.memref_slice %arg2[%dma_start3A_324, %dma_start3A_325] : memref<20000x64xf32, #tpu.memory_space<hbm>> -> memref<20000x64xf32, #tpu.memory_space<hbm>>
      tpu.enqueue_indirect_dma source(%dma_start3A_326 : memref<20000x64xf32, #tpu.memory_space<hbm>>) target(%arg14 : memref<128x64xf32, #tpu.memory_space<vmem>>) offsets(%dma_start3A_323 : memref<128xi32, #tpu.memory_space<vmem>>) semaphore(%arg26 : memref<!tpu.dma_semaphore, #tpu.memory_space<semaphore_mem>>)
      %dma_start3A_327 = arith.constant 0 : i32
      %dma_start3A_328 = tpu.memref_slice %arg4[%add3A_315, %dma_start3A_327] : memref<2560x125xi32, #tpu.memory_space<hbm>> -> memref<1x125xi32, #tpu.memory_space<hbm>>
      %dma_start3A_329 = tpu.memref_squeeze %dma_start3A_328 : memref<1x125xi32, #tpu.memory_space<hbm>> -> memref<125xi32, #tpu.memory_space<hbm>>
      %dma_start3A_330 = arith.constant 0 : i32
      %dma_start3A_331 = tpu.memref_slice %arg4[%add3A_315, %dma_start3A_330] : memref<2560x125xi32, #tpu.memory_space<hbm>> -> memref<1x125xi32, #tpu.memory_space<hbm>>
      %dma_start3A_332 = tpu.memref_squeeze %dma_start3A_331 : memref<1x125xi32, #tpu.memory_space<hbm>> -> memref<125xi32, #tpu.memory_space<hbm>>
      tpu.enqueue_dma source(%dma_start3A_332 : memref<125xi32, #tpu.memory_space<hbm>>) target(%arg18 : memref<125xi32, #tpu.memory_space<vmem>>) target_semaphore(%arg30 : memref<!tpu.dma_semaphore, #tpu.memory_space<semaphore_mem>>)
      %mul3A_333 = arith.constant 125 : i32
      %mul3A_334 = arith.muli %add3A_307, %mul3A_333 : i32
      %dma_wait3A_335 = tpu.memref_slice %arg5[%mul3A_334, %mul3A_10] : memref<320000x128xf32, #tpu.memory_space<hbm>> -> memref<125x64xf32, #tpu.memory_space<hbm>>
      %dma_wait3A_336 = tpu.memref_slice %arg5[%mul3A_334, %mul3A_10] : memref<320000x128xf32, #tpu.memory_space<hbm>> -> memref<125x64xf32, #tpu.memory_space<hbm>>
      tpu.wait_dma2 semaphore(%arg24 : memref<!tpu.dma_semaphore, #tpu.memory_space<semaphore_mem>>) src(%dma_wait3A_336 : memref<125x64xf32, #tpu.memory_space<hbm>>) dst(%arg12 : memref<125x64xf32, #tpu.memory_space<vmem>>)
      %sub3A_337 = arith.subi %add3A_307, %mul3A_0 : i32
      %dma_wait3A_338 = arith.constant 0 : i32
      %dma_wait3A_339 = tpu.memref_slice %arg8[%sub3A_337, %dma_wait3A_338] : memref<160x128xi32, #tpu.memory_space<vmem>> -> memref<1x128xi32, #tpu.memory_space<vmem>>
      %dma_wait3A_340 = tpu.memref_squeeze %dma_wait3A_339 : memref<1x128xi32, #tpu.memory_space<vmem>> -> memref<128xi32, #tpu.memory_space<vmem>>
      %dma_wait3A_341 = arith.constant 0 : i32
      %dma_wait3A_342 = arith.constant 0 : i32
      %dma_wait3A_343 = tpu.memref_slice %arg2[%dma_wait3A_341, %dma_wait3A_342] : memref<20000x64xf32, #tpu.memory_space<hbm>> -> memref<20000x64xf32, #tpu.memory_space<hbm>>
      tpu.wait_indirect_dma semaphore(%arg28 : memref<!tpu.dma_semaphore, #tpu.memory_space<semaphore_mem>>) src(%dma_wait3A_343 : memref<20000x64xf32, #tpu.memory_space<hbm>>) dst(%arg16 : memref<128x64xf32, #tpu.memory_space<vmem>>)
      %dma_wait3A_344 = arith.constant 0 : i32
      %dma_wait3A_345 = tpu.memref_slice %arg4[%add3A_307, %dma_wait3A_344] : memref<2560x125xi32, #tpu.memory_space<hbm>> -> memref<1x125xi32, #tpu.memory_space<hbm>>
      %dma_wait3A_346 = tpu.memref_squeeze %dma_wait3A_345 : memref<1x125xi32, #tpu.memory_space<hbm>> -> memref<125xi32, #tpu.memory_space<hbm>>
      %dma_wait3A_347 = arith.constant 0 : i32
      %dma_wait3A_348 = tpu.memref_slice %arg4[%add3A_307, %dma_wait3A_347] : memref<2560x125xi32, #tpu.memory_space<hbm>> -> memref<1x125xi32, #tpu.memory_space<hbm>>
      %dma_wait3A_349 = tpu.memref_squeeze %dma_wait3A_348 : memref<1x125xi32, #tpu.memory_space<hbm>> -> memref<125xi32, #tpu.memory_space<hbm>>
      tpu.wait_dma2 semaphore(%arg32 : memref<!tpu.dma_semaphore, #tpu.memory_space<semaphore_mem>>) src(%dma_wait3A_349 : memref<125xi32, #tpu.memory_space<hbm>>) dst(%arg20 : memref<125xi32, #tpu.memory_space<vmem>>)
      %scan3A_350 = arith.constant 0 : i32
      %scan3A_351 = arith.constant 125 : i32
      %scan3A_352 = arith.addi %scan3A_350, %scan3A_351 : i32
      %scan3A_353 = arith.constant 5 : i32
      scf.for %scan3A_471 = %scan3A_350 to %scan3A_352 step %scan3A_353  : i32 {
        %mul3A_472 = arith.constant 1 : i32
        %mul3A_473 = arith.muli %scan3A_471, %mul3A_472 : i32
        %add3A_474 = arith.constant 0 : i32
        %add3A_475 = arith.addi %add3A_474, %mul3A_473 : i32
        %get3A = arith.index_cast %add3A_475 : i32 to index
        %get3A_476 = arith.constant 0 : index
        %get3A_477 = tpu.vector_load %arg12[%get3A, %get3A_476] {strides = array<i32>} : memref<125x64xf32, #tpu.memory_space<vmem>>, vector<1x16xf32>,
        %get3A_478 = vector.shape_cast %get3A_477 : vector<1x16xf32> to vector<16xf32>
        %swap3A = arith.index_cast %add3A_475 : i32 to index
        %swap3A_479 = arith.constant 0 : index
        %swap3A_480 = tpu.vector_load %arg16[%swap3A, %swap3A_479] {strides = array<i32>} : memref<128x64xf32, #tpu.memory_space<vmem>>, vector<1x16xf32>,
        %swap3A_481 = vector.shape_cast %swap3A_480 : vector<1x16xf32> to vector<16xf32>
        %swap3A_482 = vector.shape_cast %get3A_478 : vector<16xf32> to vector<1x16xf32>
        tpu.vector_store %arg16[%swap3A, %swap3A_479], %swap3A_482 {add = true, strides = array<i32>} : memref<128x64xf32, #tpu.memory_space<vmem>>, vector<1x16xf32>,
        %get3A_483 = arith.index_cast %add3A_475 : i32 to index
        %get3A_484 = arith.constant 16 : index
        %get3A_485 = tpu.vector_load %arg12[%get3A_483, %get3A_484] {strides = array<i32>} : memref<125x64xf32, #tpu.memory_space<vmem>>, vector<1x16xf32>,
        %get3A_486 = vector.shape_cast %get3A_485 : vector<1x16xf32> to vector<16xf32>
        %swap3A_487 = arith.index_cast %add3A_475 : i32 to index
        %swap3A_488 = arith.constant 16 : index
        %swap3A_489 = tpu.vector_load %arg16[%swap3A_487, %swap3A_488] {strides = array<i32>} : memref<128x64xf32, #tpu.memory_space<vmem>>, vector<1x16xf32>,
        %swap3A_490 = vector.shape_cast %swap3A_489 : vector<1x16xf32> to vector<16xf32>
        %swap3A_491 = vector.shape_cast %get3A_486 : vector<16xf32> to vector<1x16xf32>
        tpu.vector_store %arg16[%swap3A_487, %swap3A_488], %swap3A_491 {add = true, strides = array<i32>} : memref<128x64xf32, #tpu.memory_space<vmem>>, vector<1x16xf32>,
        %get3A_492 = arith.index_cast %add3A_475 : i32 to index
        %get3A_493 = arith.constant 32 : index
        %get3A_494 = tpu.vector_load %arg12[%get3A_492, %get3A_493] {strides = array<i32>} : memref<125x64xf32, #tpu.memory_space<vmem>>, vector<1x16xf32>,
        %get3A_495 = vector.shape_cast %get3A_494 : vector<1x16xf32> to vector<16xf32>
        %swap3A_496 = arith.index_cast %add3A_475 : i32 to index
        %swap3A_497 = arith.constant 32 : index
        %swap3A_498 = tpu.vector_load %arg16[%swap3A_496, %swap3A_497] {strides = array<i32>} : memref<128x64xf32, #tpu.memory_space<vmem>>, vector<1x16xf32>,
        %swap3A_499 = vector.shape_cast %swap3A_498 : vector<1x16xf32> to vector<16xf32>
        %swap3A_500 = vector.shape_cast %get3A_495 : vector<16xf32> to vector<1x16xf32>
        tpu.vector_store %arg16[%swap3A_496, %swap3A_497], %swap3A_500 {add = true, strides = array<i32>} : memref<128x64xf32, #tpu.memory_space<vmem>>, vector<1x16xf32>,
        %get3A_501 = arith.index_cast %add3A_475 : i32 to index
        %get3A_502 = arith.constant 48 : index
        %get3A_503 = tpu.vector_load %arg12[%get3A_501, %get3A_502] {strides = array<i32>} : memref<125x64xf32, #tpu.memory_space<vmem>>, vector<1x16xf32>,
        %get3A_504 = vector.shape_cast %get3A_503 : vector<1x16xf32> to vector<16xf32>
        %swap3A_505 = arith.index_cast %add3A_475 : i32 to index
        %swap3A_506 = arith.constant 48 : index
        %swap3A_507 = tpu.vector_load %arg16[%swap3A_505, %swap3A_506] {strides = array<i32>} : memref<128x64xf32, #tpu.memory_space<vmem>>, vector<1x16xf32>,
        %swap3A_508 = vector.shape_cast %swap3A_507 : vector<1x16xf32> to vector<16xf32>
        %swap3A_509 = vector.shape_cast %get3A_504 : vector<16xf32> to vector<1x16xf32>
        tpu.vector_store %arg16[%swap3A_505, %swap3A_506], %swap3A_509 {add = true, strides = array<i32>} : memref<128x64xf32, #tpu.memory_space<vmem>>, vector<1x16xf32>,
        %scan3A_510 = arith.constant 1 : i32
        %scan3A_511 = arith.addi %scan3A_471, %scan3A_510 : i32
        %mul3A_512 = arith.constant 1 : i32
        %mul3A_513 = arith.muli %scan3A_511, %mul3A_512 : i32
        %add3A_514 = arith.constant 0 : i32
        %add3A_515 = arith.addi %add3A_514, %mul3A_513 : i32
        %get3A_516 = arith.index_cast %add3A_515 : i32 to index
        %get3A_517 = arith.constant 0 : index
        %get3A_518 = tpu.vector_load %arg12[%get3A_516, %get3A_517] {strides = array<i32>} : memref<125x64xf32, #tpu.memory_space<vmem>>, vector<1x16xf32>,
        %get3A_519 = vector.shape_cast %get3A_518 : vector<1x16xf32> to vector<16xf32>
        %swap3A_520 = arith.index_cast %add3A_515 : i32 to index
        %swap3A_521 = arith.constant 0 : index
        %swap3A_522 = tpu.vector_load %arg16[%swap3A_520, %swap3A_521] {strides = array<i32>} : memref<128x64xf32, #tpu.memory_space<vmem>>, vector<1x16xf32>,
        %swap3A_523 = vector.shape_cast %swap3A_522 : vector<1x16xf32> to vector<16xf32>
        %swap3A_524 = vector.shape_cast %get3A_519 : vector<16xf32> to vector<1x16xf32>
        tpu.vector_store %arg16[%swap3A_520, %swap3A_521], %swap3A_524 {add = true, strides = array<i32>} : memref<128x64xf32, #tpu.memory_space<vmem>>, vector<1x16xf32>,
        %get3A_525 = arith.index_cast %add3A_515 : i32 to index
        %get3A_526 = arith.constant 16 : index
        %get3A_527 = tpu.vector_load %arg12[%get3A_525, %get3A_526] {strides = array<i32>} : memref<125x64xf32, #tpu.memory_space<vmem>>, vector<1x16xf32>,
        %get3A_528 = vector.shape_cast %get3A_527 : vector<1x16xf32> to vector<16xf32>
        %swap3A_529 = arith.index_cast %add3A_515 : i32 to index
        %swap3A_530 = arith.constant 16 : index
        %swap3A_531 = tpu.vector_load %arg16[%swap3A_529, %swap3A_530] {strides = array<i32>} : memref<128x64xf32, #tpu.memory_space<vmem>>, vector<1x16xf32>,
        %swap3A_532 = vector.shape_cast %swap3A_531 : vector<1x16xf32> to vector<16xf32>
        %swap3A_533 = vector.shape_cast %get3A_528 : vector<16xf32> to vector<1x16xf32>
        tpu.vector_store %arg16[%swap3A_529, %swap3A_530], %swap3A_533 {add = true, strides = array<i32>} : memref<128x64xf32, #tpu.memory_space<vmem>>, vector<1x16xf32>,
        %get3A_534 = arith.index_cast %add3A_515 : i32 to index
        %get3A_535 = arith.constant 32 : index
        %get3A_536 = tpu.vector_load %arg12[%get3A_534, %get3A_535] {strides = array<i32>} : memref<125x64xf32, #tpu.memory_space<vmem>>, vector<1x16xf32>,
        %get3A_537 = vector.shape_cast %get3A_536 : vector<1x16xf32> to vector<16xf32>
        %swap3A_538 = arith.index_cast %add3A_515 : i32 to index
        %swap3A_539 = arith.constant 32 : index
        %swap3A_540 = tpu.vector_load %arg16[%swap3A_538, %swap3A_539] {strides = array<i32>} : memref<128x64xf32, #tpu.memory_space<vmem>>, vector<1x16xf32>,
        %swap3A_541 = vector.shape_cast %swap3A_540 : vector<1x16xf32> to vector<16xf32>
        %swap3A_542 = vector.shape_cast %get3A_537 : vector<16xf32> to vector<1x16xf32>
        tpu.vector_store %arg16[%swap3A_538, %swap3A_539], %swap3A_542 {add = true, strides = array<i32>} : memref<128x64xf32, #tpu.memory_space<vmem>>, vector<1x16xf32>,
        %get3A_543 = arith.index_cast %add3A_515 : i32 to index
        %get3A_544 = arith.constant 48 : index
        %get3A_545 = tpu.vector_load %arg12[%get3A_543, %get3A_544] {strides = array<i32>} : memref<125x64xf32, #tpu.memory_space<vmem>>, vector<1x16xf32>,
        %get3A_546 = vector.shape_cast %get3A_545 : vector<1x16xf32> to vector<16xf32>
        %swap3A_547 = arith.index_cast %add3A_515 : i32 to index
        %swap3A_548 = arith.constant 48 : index
        %swap3A_549 = tpu.vector_load %arg16[%swap3A_547, %swap3A_548] {strides = array<i32>} : memref<128x64xf32, #tpu.memory_space<vmem>>, vector<1x16xf32>,
        %swap3A_550 = vector.shape_cast %swap3A_549 : vector<1x16xf32> to vector<16xf32>
        %swap3A_551 = vector.shape_cast %get3A_546 : vector<16xf32> to vector<1x16xf32>
        tpu.vector_store %arg16[%swap3A_547, %swap3A_548], %swap3A_551 {add = true, strides = array<i32>} : memref<128x64xf32, #tpu.memory_space<vmem>>, vector<1x16xf32>,
        %scan3A_552 = arith.constant 2 : i32
        %scan3A_553 = arith.addi %scan3A_471, %scan3A_552 : i32
        %mul3A_554 = arith.constant 1 : i32
        %mul3A_555 = arith.muli %scan3A_553, %mul3A_554 : i32
        %add3A_556 = arith.constant 0 : i32
        %add3A_557 = arith.addi %add3A_556, %mul3A_555 : i32
        %get3A_558 = arith.index_cast %add3A_557 : i32 to index
        %get3A_559 = arith.constant 0 : index
        %get3A_560 = tpu.vector_load %arg12[%get3A_558, %get3A_559] {strides = array<i32>} : memref<125x64xf32, #tpu.memory_space<vmem>>, vector<1x16xf32>,
        %get3A_561 = vector.shape_cast %get3A_560 : vector<1x16xf32> to vector<16xf32>
        %swap3A_562 = arith.index_cast %add3A_557 : i32 to index
        %swap3A_563 = arith.constant 0 : index
        %swap3A_564 = tpu.vector_load %arg16[%swap3A_562, %swap3A_563] {strides = array<i32>} : memref<128x64xf32, #tpu.memory_space<vmem>>, vector<1x16xf32>,
        %swap3A_565 = vector.shape_cast %swap3A_564 : vector<1x16xf32> to vector<16xf32>
        %swap3A_566 = vector.shape_cast %get3A_561 : vector<16xf32> to vector<1x16xf32>
        tpu.vector_store %arg16[%swap3A_562, %swap3A_563], %swap3A_566 {add = true, strides = array<i32>} : memref<128x64xf32, #tpu.memory_space<vmem>>, vector<1x16xf32>,
        %get3A_567 = arith.index_cast %add3A_557 : i32 to index
        %get3A_568 = arith.constant 16 : index
        %get3A_569 = tpu.vector_load %arg12[%get3A_567, %get3A_568] {strides = array<i32>} : memref<125x64xf32, #tpu.memory_space<vmem>>, vector<1x16xf32>,
        %get3A_570 = vector.shape_cast %get3A_569 : vector<1x16xf32> to vector<16xf32>
        %swap3A_571 = arith.index_cast %add3A_557 : i32 to index
        %swap3A_572 = arith.constant 16 : index
        %swap3A_573 = tpu.vector_load %arg16[%swap3A_571, %swap3A_572] {strides = array<i32>} : memref<128x64xf32, #tpu.memory_space<vmem>>, vector<1x16xf32>,
        %swap3A_574 = vector.shape_cast %swap3A_573 : vector<1x16xf32> to vector<16xf32>
        %swap3A_575 = vector.shape_cast %get3A_570 : vector<16xf32> to vector<1x16xf32>
        tpu.vector_store %arg16[%swap3A_571, %swap3A_572], %swap3A_575 {add = true, strides = array<i32>} : memref<128x64xf32, #tpu.memory_space<vmem>>, vector<1x16xf32>,
        %get3A_576 = arith.index_cast %add3A_557 : i32 to index
        %get3A_577 = arith.constant 32 : index
        %get3A_578 = tpu.vector_load %arg12[%get3A_576, %get3A_577] {strides = array<i32>} : memref<125x64xf32, #tpu.memory_space<vmem>>, vector<1x16xf32>,
        %get3A_579 = vector.shape_cast %get3A_578 : vector<1x16xf32> to vector<16xf32>
        %swap3A_580 = arith.index_cast %add3A_557 : i32 to index
        %swap3A_581 = arith.constant 32 : index
        %swap3A_582 = tpu.vector_load %arg16[%swap3A_580, %swap3A_581] {strides = array<i32>} : memref<128x64xf32, #tpu.memory_space<vmem>>, vector<1x16xf32>,
        %swap3A_583 = vector.shape_cast %swap3A_582 : vector<1x16xf32> to vector<16xf32>
        %swap3A_584 = vector.shape_cast %get3A_579 : vector<16xf32> to vector<1x16xf32>
        tpu.vector_store %arg16[%swap3A_580, %swap3A_581], %swap3A_584 {add = true, strides = array<i32>} : memref<128x64xf32, #tpu.memory_space<vmem>>, vector<1x16xf32>,
        %get3A_585 = arith.index_cast %add3A_557 : i32 to index
        %get3A_586 = arith.constant 48 : index
        %get3A_587 = tpu.vector_load %arg12[%get3A_585, %get3A_586] {strides = array<i32>} : memref<125x64xf32, #tpu.memory_space<vmem>>, vector<1x16xf32>,
        %get3A_588 = vector.shape_cast %get3A_587 : vector<1x16xf32> to vector<16xf32>
        %swap3A_589 = arith.index_cast %add3A_557 : i32 to index
        %swap3A_590 = arith.constant 48 : index
        %swap3A_591 = tpu.vector_load %arg16[%swap3A_589, %swap3A_590] {strides = array<i32>} : memref<128x64xf32, #tpu.memory_space<vmem>>, vector<1x16xf32>,
        %swap3A_592 = vector.shape_cast %swap3A_591 : vector<1x16xf32> to vector<16xf32>
        %swap3A_593 = vector.shape_cast %get3A_588 : vector<16xf32> to vector<1x16xf32>
        tpu.vector_store %arg16[%swap3A_589, %swap3A_590], %swap3A_593 {add = true, strides = array<i32>} : memref<128x64xf32, #tpu.memory_space<vmem>>, vector<1x16xf32>,
        %scan3A_594 = arith.constant 3 : i32
        %scan3A_595 = arith.addi %scan3A_471, %scan3A_594 : i32
        %mul3A_596 = arith.constant 1 : i32
        %mul3A_597 = arith.muli %scan3A_595, %mul3A_596 : i32
        %add3A_598 = arith.constant 0 : i32
        %add3A_599 = arith.addi %add3A_598, %mul3A_597 : i32
        %get3A_600 = arith.index_cast %add3A_599 : i32 to index
        %get3A_601 = arith.constant 0 : index
        %get3A_602 = tpu.vector_load %arg12[%get3A_600, %get3A_601] {strides = array<i32>} : memref<125x64xf32, #tpu.memory_space<vmem>>, vector<1x16xf32>,
        %get3A_603 = vector.shape_cast %get3A_602 : vector<1x16xf32> to vector<16xf32>
        %swap3A_604 = arith.index_cast %add3A_599 : i32 to index
        %swap3A_605 = arith.constant 0 : index
        %swap3A_606 = tpu.vector_load %arg16[%swap3A_604, %swap3A_605] {strides = array<i32>} : memref<128x64xf32, #tpu.memory_space<vmem>>, vector<1x16xf32>,
        %swap3A_607 = vector.shape_cast %swap3A_606 : vector<1x16xf32> to vector<16xf32>
        %swap3A_608 = vector.shape_cast %get3A_603 : vector<16xf32> to vector<1x16xf32>
        tpu.vector_store %arg16[%swap3A_604, %swap3A_605], %swap3A_608 {add = true, strides = array<i32>} : memref<128x64xf32, #tpu.memory_space<vmem>>, vector<1x16xf32>,
        %get3A_609 = arith.index_cast %add3A_599 : i32 to index
        %get3A_610 = arith.constant 16 : index
        %get3A_611 = tpu.vector_load %arg12[%get3A_609, %get3A_610] {strides = array<i32>} : memref<125x64xf32, #tpu.memory_space<vmem>>, vector<1x16xf32>,
        %get3A_612 = vector.shape_cast %get3A_611 : vector<1x16xf32> to vector<16xf32>
        %swap3A_613 = arith.index_cast %add3A_599 : i32 to index
        %swap3A_614 = arith.constant 16 : index
        %swap3A_615 = tpu.vector_load %arg16[%swap3A_613, %swap3A_614] {strides = array<i32>} : memref<128x64xf32, #tpu.memory_space<vmem>>, vector<1x16xf32>,
        %swap3A_616 = vector.shape_cast %swap3A_615 : vector<1x16xf32> to vector<16xf32>
        %swap3A_617 = vector.shape_cast %get3A_612 : vector<16xf32> to vector<1x16xf32>
        tpu.vector_store %arg16[%swap3A_613, %swap3A_614], %swap3A_617 {add = true, strides = array<i32>} : memref<128x64xf32, #tpu.memory_space<vmem>>, vector<1x16xf32>,
        %get3A_618 = arith.index_cast %add3A_599 : i32 to index
        %get3A_619 = arith.constant 32 : index
        %get3A_620 = tpu.vector_load %arg12[%get3A_618, %get3A_619] {strides = array<i32>} : memref<125x64xf32, #tpu.memory_space<vmem>>, vector<1x16xf32>,
        %get3A_621 = vector.shape_cast %get3A_620 : vector<1x16xf32> to vector<16xf32>
        %swap3A_622 = arith.index_cast %add3A_599 : i32 to index
        %swap3A_623 = arith.constant 32 : index
        %swap3A_624 = tpu.vector_load %arg16[%swap3A_622, %swap3A_623] {strides = array<i32>} : memref<128x64xf32, #tpu.memory_space<vmem>>, vector<1x16xf32>,
        %swap3A_625 = vector.shape_cast %swap3A_624 : vector<1x16xf32> to vector<16xf32>
        %swap3A_626 = vector.shape_cast %get3A_621 : vector<16xf32> to vector<1x16xf32>
        tpu.vector_store %arg16[%swap3A_622, %swap3A_623], %swap3A_626 {add = true, strides = array<i32>} : memref<128x64xf32, #tpu.memory_space<vmem>>, vector<1x16xf32>,
        %get3A_627 = arith.index_cast %add3A_599 : i32 to index
        %get3A_628 = arith.constant 48 : index
        %get3A_629 = tpu.vector_load %arg12[%get3A_627, %get3A_628] {strides = array<i32>} : memref<125x64xf32, #tpu.memory_space<vmem>>, vector<1x16xf32>,
        %get3A_630 = vector.shape_cast %get3A_629 : vector<1x16xf32> to vector<16xf32>
        %swap3A_631 = arith.index_cast %add3A_599 : i32 to index
        %swap3A_632 = arith.constant 48 : index
        %swap3A_633 = tpu.vector_load %arg16[%swap3A_631, %swap3A_632] {strides = array<i32>} : memref<128x64xf32, #tpu.memory_space<vmem>>, vector<1x16xf32>,
        %swap3A_634 = vector.shape_cast %swap3A_633 : vector<1x16xf32> to vector<16xf32>
        %swap3A_635 = vector.shape_cast %get3A_630 : vector<16xf32> to vector<1x16xf32>
        tpu.vector_store %arg16[%swap3A_631, %swap3A_632], %swap3A_635 {add = true, strides = array<i32>} : memref<128x64xf32, #tpu.memory_space<vmem>>, vector<1x16xf32>,
        %scan3A_636 = arith.constant 4 : i32
        %scan3A_637 = arith.addi %scan3A_471, %scan3A_636 : i32
        %mul3A_638 = arith.constant 1 : i32
        %mul3A_639 = arith.muli %scan3A_637, %mul3A_638 : i32
        %add3A_640 = arith.constant 0 : i32
        %add3A_641 = arith.addi %add3A_640, %mul3A_639 : i32
        %get3A_642 = arith.index_cast %add3A_641 : i32 to index
        %get3A_643 = arith.constant 0 : index
        %get3A_644 = tpu.vector_load %arg12[%get3A_642, %get3A_643] {strides = array<i32>} : memref<125x64xf32, #tpu.memory_space<vmem>>, vector<1x16xf32>,
        %get3A_645 = vector.shape_cast %get3A_644 : vector<1x16xf32> to vector<16xf32>
        %swap3A_646 = arith.index_cast %add3A_641 : i32 to index
        %swap3A_647 = arith.constant 0 : index
        %swap3A_648 = tpu.vector_load %arg16[%swap3A_646, %swap3A_647] {strides = array<i32>} : memref<128x64xf32, #tpu.memory_space<vmem>>, vector<1x16xf32>,
        %swap3A_649 = vector.shape_cast %swap3A_648 : vector<1x16xf32> to vector<16xf32>
        %swap3A_650 = vector.shape_cast %get3A_645 : vector<16xf32> to vector<1x16xf32>
        tpu.vector_store %arg16[%swap3A_646, %swap3A_647], %swap3A_650 {add = true, strides = array<i32>} : memref<128x64xf32, #tpu.memory_space<vmem>>, vector<1x16xf32>,
        %get3A_651 = arith.index_cast %add3A_641 : i32 to index
        %get3A_652 = arith.constant 16 : index
        %get3A_653 = tpu.vector_load %arg12[%get3A_651, %get3A_652] {strides = array<i32>} : memref<125x64xf32, #tpu.memory_space<vmem>>, vector<1x16xf32>,
        %get3A_654 = vector.shape_cast %get3A_653 : vector<1x16xf32> to vector<16xf32>
        %swap3A_655 = arith.index_cast %add3A_641 : i32 to index
        %swap3A_656 = arith.constant 16 : index
        %swap3A_657 = tpu.vector_load %arg16[%swap3A_655, %swap3A_656] {strides = array<i32>} : memref<128x64xf32, #tpu.memory_space<vmem>>, vector<1x16xf32>,
        %swap3A_658 = vector.shape_cast %swap3A_657 : vector<1x16xf32> to vector<16xf32>
        %swap3A_659 = vector.shape_cast %get3A_654 : vector<16xf32> to vector<1x16xf32>
        tpu.vector_store %arg16[%swap3A_655, %swap3A_656], %swap3A_659 {add = true, strides = array<i32>} : memref<128x64xf32, #tpu.memory_space<vmem>>, vector<1x16xf32>,
        %get3A_660 = arith.index_cast %add3A_641 : i32 to index
        %get3A_661 = arith.constant 32 : index
        %get3A_662 = tpu.vector_load %arg12[%get3A_660, %get3A_661] {strides = array<i32>} : memref<125x64xf32, #tpu.memory_space<vmem>>, vector<1x16xf32>,
        %get3A_663 = vector.shape_cast %get3A_662 : vector<1x16xf32> to vector<16xf32>
        %swap3A_664 = arith.index_cast %add3A_641 : i32 to index
        %swap3A_665 = arith.constant 32 : index
        %swap3A_666 = tpu.vector_load %arg16[%swap3A_664, %swap3A_665] {strides = array<i32>} : memref<128x64xf32, #tpu.memory_space<vmem>>, vector<1x16xf32>,
        %swap3A_667 = vector.shape_cast %swap3A_666 : vector<1x16xf32> to vector<16xf32>
        %swap3A_668 = vector.shape_cast %get3A_663 : vector<16xf32> to vector<1x16xf32>
        tpu.vector_store %arg16[%swap3A_664, %swap3A_665], %swap3A_668 {add = true, strides = array<i32>} : memref<128x64xf32, #tpu.memory_space<vmem>>, vector<1x16xf32>,
        %get3A_669 = arith.index_cast %add3A_641 : i32 to index
        %get3A_670 = arith.constant 48 : index
        %get3A_671 = tpu.vector_load %arg12[%get3A_669, %get3A_670] {strides = array<i32>} : memref<125x64xf32, #tpu.memory_space<vmem>>, vector<1x16xf32>,
        %get3A_672 = vector.shape_cast %get3A_671 : vector<1x16xf32> to vector<16xf32>
        %swap3A_673 = arith.index_cast %add3A_641 : i32 to index
        %swap3A_674 = arith.constant 48 : index
        %swap3A_675 = tpu.vector_load %arg16[%swap3A_673, %swap3A_674] {strides = array<i32>} : memref<128x64xf32, #tpu.memory_space<vmem>>, vector<1x16xf32>,
        %swap3A_676 = vector.shape_cast %swap3A_675 : vector<1x16xf32> to vector<16xf32>
        %swap3A_677 = vector.shape_cast %get3A_672 : vector<16xf32> to vector<1x16xf32>
        tpu.vector_store %arg16[%swap3A_673, %swap3A_674], %swap3A_677 {add = true, strides = array<i32>} : memref<128x64xf32, #tpu.memory_space<vmem>>, vector<1x16xf32>,
      }
      %scan3A_354 = arith.constant 125 : i32
      %dma_start3A_355 = arith.constant 0 : i32
      %dma_start3A_356 = arith.constant 0 : i32
      %dma_start3A_357 = tpu.memref_slice %arg16[%dma_start3A_355, %dma_start3A_356] : memref<128x64xf32, #tpu.memory_space<vmem>> -> memref<125x64xf32, #tpu.memory_space<vmem>>
      %dma_start3A_358 = arith.constant 0 : i32
      %dma_start3A_359 = arith.constant 0 : i32
      %dma_start3A_360 = tpu.memref_slice %arg37[%dma_start3A_358, %dma_start3A_359] : memref<10000x64xf32, #tpu.memory_space<vmem_shared>> -> memref<10000x64xf32, #tpu.memory_space<vmem_shared>>
      tpu.enqueue_indirect_dma source(%dma_start3A_357 : memref<125x64xf32, #tpu.memory_space<vmem>>) target(%dma_start3A_360 : memref<10000x64xf32, #tpu.memory_space<vmem_shared>>) offsets(%arg20 : memref<125xi32, #tpu.memory_space<vmem>>) semaphore(%arg36 : memref<!tpu.dma_semaphore, #tpu.memory_space<semaphore_mem>>) {add = true}
      %add3A_361 = arith.constant 2 : i32
      %add3A_362 = arith.addi %add3A_250, %add3A_361 : i32
      %dma_wait3A_363 = arith.constant 0 : i32
      %dma_wait3A_364 = arith.constant 0 : i32
      %dma_wait3A_365 = tpu.memref_slice %arg15[%dma_wait3A_363, %dma_wait3A_364] : memref<128x64xf32, #tpu.memory_space<vmem>> -> memref<125x64xf32, #tpu.memory_space<vmem>>
      %dma_wait3A_366 = arith.constant 0 : i32
      %dma_wait3A_367 = arith.constant 0 : i32
      %dma_wait3A_368 = tpu.memref_slice %arg37[%dma_wait3A_366, %dma_wait3A_367] : memref<10000x64xf32, #tpu.memory_space<vmem_shared>> -> memref<10000x64xf32, #tpu.memory_space<vmem_shared>>
      tpu.wait_indirect_dma semaphore(%arg35 : memref<!tpu.dma_semaphore, #tpu.memory_space<semaphore_mem>>) src(%dma_wait3A_365 : memref<125x64xf32, #tpu.memory_space<vmem>>) dst(%dma_wait3A_368 : memref<10000x64xf32, #tpu.memory_space<vmem_shared>>)
      %add3A_369 = arith.constant 2 : i32
      %add3A_370 = arith.addi %add3A_362, %add3A_369 : i32
      %mul3A_371 = arith.constant 125 : i32
      %mul3A_372 = arith.muli %add3A_370, %mul3A_371 : i32
      %dma_start3A_373 = tpu.memref_slice %arg5[%mul3A_372, %mul3A_10] : memref<320000x128xf32, #tpu.memory_space<hbm>> -> memref<125x64xf32, #tpu.memory_space<hbm>>
      %dma_start3A_374 = tpu.memref_slice %arg5[%mul3A_372, %mul3A_10] : memref<320000x128xf32, #tpu.memory_space<hbm>> -> memref<125x64xf32, #tpu.memory_space<hbm>>
      tpu.enqueue_dma source(%dma_start3A_374 : memref<125x64xf32, #tpu.memory_space<hbm>>) target(%arg11 : memref<125x64xf32, #tpu.memory_space<vmem>>) target_semaphore(%arg23 : memref<!tpu.dma_semaphore, #tpu.memory_space<semaphore_mem>>)
      %sub3A_375 = arith.subi %add3A_370, %mul3A_0 : i32
      %dma_start3A_376 = arith.constant 0 : i32
      %dma_start3A_377 = tpu.memref_slice %arg8[%sub3A_375, %dma_start3A_376] : memref<160x128xi32, #tpu.memory_space<vmem>> -> memref<1x128xi32, #tpu.memory_space<vmem>>
      %dma_start3A_378 = tpu.memref_squeeze %dma_start3A_377 : memref<1x128xi32, #tpu.memory_space<vmem>> -> memref<128xi32, #tpu.memory_space<vmem>>
      %dma_start3A_379 = arith.constant 0 : i32
      %dma_start3A_380 = arith.constant 0 : i32
      %dma_start3A_381 = tpu.memref_slice %arg2[%dma_start3A_379, %dma_start3A_380] : memref<20000x64xf32, #tpu.memory_space<hbm>> -> memref<20000x64xf32, #tpu.memory_space<hbm>>
      tpu.enqueue_indirect_dma source(%dma_start3A_381 : memref<20000x64xf32, #tpu.memory_space<hbm>>) target(%arg15 : memref<128x64xf32, #tpu.memory_space<vmem>>) offsets(%dma_start3A_378 : memref<128xi32, #tpu.memory_space<vmem>>) semaphore(%arg27 : memref<!tpu.dma_semaphore, #tpu.memory_space<semaphore_mem>>)
      %dma_start3A_382 = arith.constant 0 : i32
      %dma_start3A_383 = tpu.memref_slice %arg4[%add3A_370, %dma_start3A_382] : memref<2560x125xi32, #tpu.memory_space<hbm>> -> memref<1x125xi32, #tpu.memory_space<hbm>>
      %dma_start3A_384 = tpu.memref_squeeze %dma_start3A_383 : memref<1x125xi32, #tpu.memory_space<hbm>> -> memref<125xi32, #tpu.memory_space<hbm>>
      %dma_start3A_385 = arith.constant 0 : i32
      %dma_start3A_386 = tpu.memref_slice %arg4[%add3A_370, %dma_start3A_385] : memref<2560x125xi32, #tpu.memory_space<hbm>> -> memref<1x125xi32, #tpu.memory_space<hbm>>
      %dma_start3A_387 = tpu.memref_squeeze %dma_start3A_386 : memref<1x125xi32, #tpu.memory_space<hbm>> -> memref<125xi32, #tpu.memory_space<hbm>>
      tpu.enqueue_dma source(%dma_start3A_387 : memref<125xi32, #tpu.memory_space<hbm>>) target(%arg19 : memref<125xi32, #tpu.memory_space<vmem>>) target_semaphore(%arg31 : memref<!tpu.dma_semaphore, #tpu.memory_space<semaphore_mem>>)
      %mul3A_388 = arith.constant 125 : i32
      %mul3A_389 = arith.muli %add3A_362, %mul3A_388 : i32
      %dma_wait3A_390 = tpu.memref_slice %arg5[%mul3A_389, %mul3A_10] : memref<320000x128xf32, #tpu.memory_space<hbm>> -> memref<125x64xf32, #tpu.memory_space<hbm>>
      %dma_wait3A_391 = tpu.memref_slice %arg5[%mul3A_389, %mul3A_10] : memref<320000x128xf32, #tpu.memory_space<hbm>> -> memref<125x64xf32, #tpu.memory_space<hbm>>
      tpu.wait_dma2 semaphore(%arg21 : memref<!tpu.dma_semaphore, #tpu.memory_space<semaphore_mem>>) src(%dma_wait3A_391 : memref<125x64xf32, #tpu.memory_space<hbm>>) dst(%arg9 : memref<125x64xf32, #tpu.memory_space<vmem>>)
      %sub3A_392 = arith.subi %add3A_362, %mul3A_0 : i32
      %dma_wait3A_393 = arith.constant 0 : i32
      %dma_wait3A_394 = tpu.memref_slice %arg8[%sub3A_392, %dma_wait3A_393] : memref<160x128xi32, #tpu.memory_space<vmem>> -> memref<1x128xi32, #tpu.memory_space<vmem>>
      %dma_wait3A_395 = tpu.memref_squeeze %dma_wait3A_394 : memref<1x128xi32, #tpu.memory_space<vmem>> -> memref<128xi32, #tpu.memory_space<vmem>>
      %dma_wait3A_396 = arith.constant 0 : i32
      %dma_wait3A_397 = arith.constant 0 : i32
      %dma_wait3A_398 = tpu.memref_slice %arg2[%dma_wait3A_396, %dma_wait3A_397] : memref<20000x64xf32, #tpu.memory_space<hbm>> -> memref<20000x64xf32, #tpu.memory_space<hbm>>
      tpu.wait_indirect_dma semaphore(%arg25 : memref<!tpu.dma_semaphore, #tpu.memory_space<semaphore_mem>>) src(%dma_wait3A_398 : memref<20000x64xf32, #tpu.memory_space<hbm>>) dst(%arg13 : memref<128x64xf32, #tpu.memory_space<vmem>>)
      %dma_wait3A_399 = arith.constant 0 : i32
      %dma_wait3A_400 = tpu.memref_slice %arg4[%add3A_362, %dma_wait3A_399] : memref<2560x125xi32, #tpu.memory_space<hbm>> -> memref<1x125xi32, #tpu.memory_space<hbm>>
      %dma_wait3A_401 = tpu.memref_squeeze %dma_wait3A_400 : memref<1x125xi32, #tpu.memory_space<hbm>> -> memref<125xi32, #tpu.memory_space<hbm>>
      %dma_wait3A_402 = arith.constant 0 : i32
      %dma_wait3A_403 = tpu.memref_slice %arg4[%add3A_362, %dma_wait3A_402] : memref<2560x125xi32, #tpu.memory_space<hbm>> -> memref<1x125xi32, #tpu.memory_space<hbm>>
      %dma_wait3A_404 = tpu.memref_squeeze %dma_wait3A_403 : memref<1x125xi32, #tpu.memory_space<hbm>> -> memref<125xi32, #tpu.memory_space<hbm>>
      tpu.wait_dma2 semaphore(%arg29 : memref<!tpu.dma_semaphore, #tpu.memory_space<semaphore_mem>>) src(%dma_wait3A_404 : memref<125xi32, #tpu.memory_space<hbm>>) dst(%arg17 : memref<125xi32, #tpu.memory_space<vmem>>)
      %scan3A_405 = arith.constant 0 : i32
      %scan3A_406 = arith.constant 125 : i32
      %scan3A_407 = arith.addi %scan3A_405, %scan3A_406 : i32
      %scan3A_408 = arith.constant 5 : i32
      scf.for %scan3A_471 = %scan3A_405 to %scan3A_407 step %scan3A_408  : i32 {
        %mul3A_472 = arith.constant 1 : i32
        %mul3A_473 = arith.muli %scan3A_471, %mul3A_472 : i32
        %add3A_474 = arith.constant 0 : i32
        %add3A_475 = arith.addi %add3A_474, %mul3A_473 : i32
        %get3A = arith.index_cast %add3A_475 : i32 to index
        %get3A_476 = arith.constant 0 : index
        %get3A_477 = tpu.vector_load %arg9[%get3A, %get3A_476] {strides = array<i32>} : memref<125x64xf32, #tpu.memory_space<vmem>>, vector<1x16xf32>,
        %get3A_478 = vector.shape_cast %get3A_477 : vector<1x16xf32> to vector<16xf32>
        %swap3A = arith.index_cast %add3A_475 : i32 to index
        %swap3A_479 = arith.constant 0 : index
        %swap3A_480 = tpu.vector_load %arg13[%swap3A, %swap3A_479] {strides = array<i32>} : memref<128x64xf32, #tpu.memory_space<vmem>>, vector<1x16xf32>,
        %swap3A_481 = vector.shape_cast %swap3A_480 : vector<1x16xf32> to vector<16xf32>
        %swap3A_482 = vector.shape_cast %get3A_478 : vector<16xf32> to vector<1x16xf32>
        tpu.vector_store %arg13[%swap3A, %swap3A_479], %swap3A_482 {add = true, strides = array<i32>} : memref<128x64xf32, #tpu.memory_space<vmem>>, vector<1x16xf32>,
        %get3A_483 = arith.index_cast %add3A_475 : i32 to index
        %get3A_484 = arith.constant 16 : index
        %get3A_485 = tpu.vector_load %arg9[%get3A_483, %get3A_484] {strides = array<i32>} : memref<125x64xf32, #tpu.memory_space<vmem>>, vector<1x16xf32>,
        %get3A_486 = vector.shape_cast %get3A_485 : vector<1x16xf32> to vector<16xf32>
        %swap3A_487 = arith.index_cast %add3A_475 : i32 to index
        %swap3A_488 = arith.constant 16 : index
        %swap3A_489 = tpu.vector_load %arg13[%swap3A_487, %swap3A_488] {strides = array<i32>} : memref<128x64xf32, #tpu.memory_space<vmem>>, vector<1x16xf32>,
        %swap3A_490 = vector.shape_cast %swap3A_489 : vector<1x16xf32> to vector<16xf32>
        %swap3A_491 = vector.shape_cast %get3A_486 : vector<16xf32> to vector<1x16xf32>
        tpu.vector_store %arg13[%swap3A_487, %swap3A_488], %swap3A_491 {add = true, strides = array<i32>} : memref<128x64xf32, #tpu.memory_space<vmem>>, vector<1x16xf32>,
        %get3A_492 = arith.index_cast %add3A_475 : i32 to index
        %get3A_493 = arith.constant 32 : index
        %get3A_494 = tpu.vector_load %arg9[%get3A_492, %get3A_493] {strides = array<i32>} : memref<125x64xf32, #tpu.memory_space<vmem>>, vector<1x16xf32>,
        %get3A_495 = vector.shape_cast %get3A_494 : vector<1x16xf32> to vector<16xf32>
        %swap3A_496 = arith.index_cast %add3A_475 : i32 to index
        %swap3A_497 = arith.constant 32 : index
        %swap3A_498 = tpu.vector_load %arg13[%swap3A_496, %swap3A_497] {strides = array<i32>} : memref<128x64xf32, #tpu.memory_space<vmem>>, vector<1x16xf32>,
        %swap3A_499 = vector.shape_cast %swap3A_498 : vector<1x16xf32> to vector<16xf32>
        %swap3A_500 = vector.shape_cast %get3A_495 : vector<16xf32> to vector<1x16xf32>
        tpu.vector_store %arg13[%swap3A_496, %swap3A_497], %swap3A_500 {add = true, strides = array<i32>} : memref<128x64xf32, #tpu.memory_space<vmem>>, vector<1x16xf32>,
        %get3A_501 = arith.index_cast %add3A_475 : i32 to index
        %get3A_502 = arith.constant 48 : index
        %get3A_503 = tpu.vector_load %arg9[%get3A_501, %get3A_502] {strides = array<i32>} : memref<125x64xf32, #tpu.memory_space<vmem>>, vector<1x16xf32>,
        %get3A_504 = vector.shape_cast %get3A_503 : vector<1x16xf32> to vector<16xf32>
        %swap3A_505 = arith.index_cast %add3A_475 : i32 to index
        %swap3A_506 = arith.constant 48 : index
        %swap3A_507 = tpu.vector_load %arg13[%swap3A_505, %swap3A_506] {strides = array<i32>} : memref<128x64xf32, #tpu.memory_space<vmem>>, vector<1x16xf32>,
        %swap3A_508 = vector.shape_cast %swap3A_507 : vector<1x16xf32> to vector<16xf32>
        %swap3A_509 = vector.shape_cast %get3A_504 : vector<16xf32> to vector<1x16xf32>
        tpu.vector_store %arg13[%swap3A_505, %swap3A_506], %swap3A_509 {add = true, strides = array<i32>} : memref<128x64xf32, #tpu.memory_space<vmem>>, vector<1x16xf32>,
        %scan3A_510 = arith.constant 1 : i32
        %scan3A_511 = arith.addi %scan3A_471, %scan3A_510 : i32
        %mul3A_512 = arith.constant 1 : i32
        %mul3A_513 = arith.muli %scan3A_511, %mul3A_512 : i32
        %add3A_514 = arith.constant 0 : i32
        %add3A_515 = arith.addi %add3A_514, %mul3A_513 : i32
        %get3A_516 = arith.index_cast %add3A_515 : i32 to index
        %get3A_517 = arith.constant 0 : index
        %get3A_518 = tpu.vector_load %arg9[%get3A_516, %get3A_517] {strides = array<i32>} : memref<125x64xf32, #tpu.memory_space<vmem>>, vector<1x16xf32>,
        %get3A_519 = vector.shape_cast %get3A_518 : vector<1x16xf32> to vector<16xf32>
        %swap3A_520 = arith.index_cast %add3A_515 : i32 to index
        %swap3A_521 = arith.constant 0 : index
        %swap3A_522 = tpu.vector_load %arg13[%swap3A_520, %swap3A_521] {strides = array<i32>} : memref<128x64xf32, #tpu.memory_space<vmem>>, vector<1x16xf32>,
        %swap3A_523 = vector.shape_cast %swap3A_522 : vector<1x16xf32> to vector<16xf32>
        %swap3A_524 = vector.shape_cast %get3A_519 : vector<16xf32> to vector<1x16xf32>
        tpu.vector_store %arg13[%swap3A_520, %swap3A_521], %swap3A_524 {add = true, strides = array<i32>} : memref<128x64xf32, #tpu.memory_space<vmem>>, vector<1x16xf32>,
        %get3A_525 = arith.index_cast %add3A_515 : i32 to index
        %get3A_526 = arith.constant 16 : index
        %get3A_527 = tpu.vector_load %arg9[%get3A_525, %get3A_526] {strides = array<i32>} : memref<125x64xf32, #tpu.memory_space<vmem>>, vector<1x16xf32>,
        %get3A_528 = vector.shape_cast %get3A_527 : vector<1x16xf32> to vector<16xf32>
        %swap3A_529 = arith.index_cast %add3A_515 : i32 to index
        %swap3A_530 = arith.constant 16 : index
        %swap3A_531 = tpu.vector_load %arg13[%swap3A_529, %swap3A_530] {strides = array<i32>} : memref<128x64xf32, #tpu.memory_space<vmem>>, vector<1x16xf32>,
        %swap3A_532 = vector.shape_cast %swap3A_531 : vector<1x16xf32> to vector<16xf32>
        %swap3A_533 = vector.shape_cast %get3A_528 : vector<16xf32> to vector<1x16xf32>
        tpu.vector_store %arg13[%swap3A_529, %swap3A_530], %swap3A_533 {add = true, strides = array<i32>} : memref<128x64xf32, #tpu.memory_space<vmem>>, vector<1x16xf32>,
        %get3A_534 = arith.index_cast %add3A_515 : i32 to index
        %get3A_535 = arith.constant 32 : index
        %get3A_536 = tpu.vector_load %arg9[%get3A_534, %get3A_535] {strides = array<i32>} : memref<125x64xf32, #tpu.memory_space<vmem>>, vector<1x16xf32>,
        %get3A_537 = vector.shape_cast %get3A_536 : vector<1x16xf32> to vector<16xf32>
        %swap3A_538 = arith.index_cast %add3A_515 : i32 to index
        %swap3A_539 = arith.constant 32 : index
        %swap3A_540 = tpu.vector_load %arg13[%swap3A_538, %swap3A_539] {strides = array<i32>} : memref<128x64xf32, #tpu.memory_space<vmem>>, vector<1x16xf32>,
        %swap3A_541 = vector.shape_cast %swap3A_540 : vector<1x16xf32> to vector<16xf32>
        %swap3A_542 = vector.shape_cast %get3A_537 : vector<16xf32> to vector<1x16xf32>
        tpu.vector_store %arg13[%swap3A_538, %swap3A_539], %swap3A_542 {add = true, strides = array<i32>} : memref<128x64xf32, #tpu.memory_space<vmem>>, vector<1x16xf32>,
        %get3A_543 = arith.index_cast %add3A_515 : i32 to index
        %get3A_544 = arith.constant 48 : index
        %get3A_545 = tpu.vector_load %arg9[%get3A_543, %get3A_544] {strides = array<i32>} : memref<125x64xf32, #tpu.memory_space<vmem>>, vector<1x16xf32>,
        %get3A_546 = vector.shape_cast %get3A_545 : vector<1x16xf32> to vector<16xf32>
        %swap3A_547 = arith.index_cast %add3A_515 : i32 to index
        %swap3A_548 = arith.constant 48 : index
        %swap3A_549 = tpu.vector_load %arg13[%swap3A_547, %swap3A_548] {strides = array<i32>} : memref<128x64xf32, #tpu.memory_space<vmem>>, vector<1x16xf32>,
        %swap3A_550 = vector.shape_cast %swap3A_549 : vector<1x16xf32> to vector<16xf32>
        %swap3A_551 = vector.shape_cast %get3A_546 : vector<16xf32> to vector<1x16xf32>
        tpu.vector_store %arg13[%swap3A_547, %swap3A_548], %swap3A_551 {add = true, strides = array<i32>} : memref<128x64xf32, #tpu.memory_space<vmem>>, vector<1x16xf32>,
        %scan3A_552 = arith.constant 2 : i32
        %scan3A_553 = arith.addi %scan3A_471, %scan3A_552 : i32
        %mul3A_554 = arith.constant 1 : i32
        %mul3A_555 = arith.muli %scan3A_553, %mul3A_554 : i32
        %add3A_556 = arith.constant 0 : i32
        %add3A_557 = arith.addi %add3A_556, %mul3A_555 : i32
        %get3A_558 = arith.index_cast %add3A_557 : i32 to index
        %get3A_559 = arith.constant 0 : index
        %get3A_560 = tpu.vector_load %arg9[%get3A_558, %get3A_559] {strides = array<i32>} : memref<125x64xf32, #tpu.memory_space<vmem>>, vector<1x16xf32>,
        %get3A_561 = vector.shape_cast %get3A_560 : vector<1x16xf32> to vector<16xf32>
        %swap3A_562 = arith.index_cast %add3A_557 : i32 to index
        %swap3A_563 = arith.constant 0 : index
        %swap3A_564 = tpu.vector_load %arg13[%swap3A_562, %swap3A_563] {strides = array<i32>} : memref<128x64xf32, #tpu.memory_space<vmem>>, vector<1x16xf32>,
        %swap3A_565 = vector.shape_cast %swap3A_564 : vector<1x16xf32> to vector<16xf32>
        %swap3A_566 = vector.shape_cast %get3A_561 : vector<16xf32> to vector<1x16xf32>
        tpu.vector_store %arg13[%swap3A_562, %swap3A_563], %swap3A_566 {add = true, strides = array<i32>} : memref<128x64xf32, #tpu.memory_space<vmem>>, vector<1x16xf32>,
        %get3A_567 = arith.index_cast %add3A_557 : i32 to index
        %get3A_568 = arith.constant 16 : index
        %get3A_569 = tpu.vector_load %arg9[%get3A_567, %get3A_568] {strides = array<i32>} : memref<125x64xf32, #tpu.memory_space<vmem>>, vector<1x16xf32>,
        %get3A_570 = vector.shape_cast %get3A_569 : vector<1x16xf32> to vector<16xf32>
        %swap3A_571 = arith.index_cast %add3A_557 : i32 to index
        %swap3A_572 = arith.constant 16 : index
        %swap3A_573 = tpu.vector_load %arg13[%swap3A_571, %swap3A_572] {strides = array<i32>} : memref<128x64xf32, #tpu.memory_space<vmem>>, vector<1x16xf32>,
        %swap3A_574 = vector.shape_cast %swap3A_573 : vector<1x16xf32> to vector<16xf32>
        %swap3A_575 = vector.shape_cast %get3A_570 : vector<16xf32> to vector<1x16xf32>
        tpu.vector_store %arg13[%swap3A_571, %swap3A_572], %swap3A_575 {add = true, strides = array<i32>} : memref<128x64xf32, #tpu.memory_space<vmem>>, vector<1x16xf32>,
        %get3A_576 = arith.index_cast %add3A_557 : i32 to index
        %get3A_577 = arith.constant 32 : index
        %get3A_578 = tpu.vector_load %arg9[%get3A_576, %get3A_577] {strides = array<i32>} : memref<125x64xf32, #tpu.memory_space<vmem>>, vector<1x16xf32>,
        %get3A_579 = vector.shape_cast %get3A_578 : vector<1x16xf32> to vector<16xf32>
        %swap3A_580 = arith.index_cast %add3A_557 : i32 to index
        %swap3A_581 = arith.constant 32 : index
        %swap3A_582 = tpu.vector_load %arg13[%swap3A_580, %swap3A_581] {strides = array<i32>} : memref<128x64xf32, #tpu.memory_space<vmem>>, vector<1x16xf32>,
        %swap3A_583 = vector.shape_cast %swap3A_582 : vector<1x16xf32> to vector<16xf32>
        %swap3A_584 = vector.shape_cast %get3A_579 : vector<16xf32> to vector<1x16xf32>
        tpu.vector_store %arg13[%swap3A_580, %swap3A_581], %swap3A_584 {add = true, strides = array<i32>} : memref<128x64xf32, #tpu.memory_space<vmem>>, vector<1x16xf32>,
        %get3A_585 = arith.index_cast %add3A_557 : i32 to index
        %get3A_586 = arith.constant 48 : index
        %get3A_587 = tpu.vector_load %arg9[%get3A_585, %get3A_586] {strides = array<i32>} : memref<125x64xf32, #tpu.memory_space<vmem>>, vector<1x16xf32>,
        %get3A_588 = vector.shape_cast %get3A_587 : vector<1x16xf32> to vector<16xf32>
        %swap3A_589 = arith.index_cast %add3A_557 : i32 to index
        %swap3A_590 = arith.constant 48 : index
        %swap3A_591 = tpu.vector_load %arg13[%swap3A_589, %swap3A_590] {strides = array<i32>} : memref<128x64xf32, #tpu.memory_space<vmem>>, vector<1x16xf32>,
        %swap3A_592 = vector.shape_cast %swap3A_591 : vector<1x16xf32> to vector<16xf32>
        %swap3A_593 = vector.shape_cast %get3A_588 : vector<16xf32> to vector<1x16xf32>
        tpu.vector_store %arg13[%swap3A_589, %swap3A_590], %swap3A_593 {add = true, strides = array<i32>} : memref<128x64xf32, #tpu.memory_space<vmem>>, vector<1x16xf32>,
        %scan3A_594 = arith.constant 3 : i32
        %scan3A_595 = arith.addi %scan3A_471, %scan3A_594 : i32
        %mul3A_596 = arith.constant 1 : i32
        %mul3A_597 = arith.muli %scan3A_595, %mul3A_596 : i32
        %add3A_598 = arith.constant 0 : i32
        %add3A_599 = arith.addi %add3A_598, %mul3A_597 : i32
        %get3A_600 = arith.index_cast %add3A_599 : i32 to index
        %get3A_601 = arith.constant 0 : index
        %get3A_602 = tpu.vector_load %arg9[%get3A_600, %get3A_601] {strides = array<i32>} : memref<125x64xf32, #tpu.memory_space<vmem>>, vector<1x16xf32>,
        %get3A_603 = vector.shape_cast %get3A_602 : vector<1x16xf32> to vector<16xf32>
        %swap3A_604 = arith.index_cast %add3A_599 : i32 to index
        %swap3A_605 = arith.constant 0 : index
        %swap3A_606 = tpu.vector_load %arg13[%swap3A_604, %swap3A_605] {strides = array<i32>} : memref<128x64xf32, #tpu.memory_space<vmem>>, vector<1x16xf32>,
        %swap3A_607 = vector.shape_cast %swap3A_606 : vector<1x16xf32> to vector<16xf32>
        %swap3A_608 = vector.shape_cast %get3A_603 : vector<16xf32> to vector<1x16xf32>
        tpu.vector_store %arg13[%swap3A_604, %swap3A_605], %swap3A_608 {add = true, strides = array<i32>} : memref<128x64xf32, #tpu.memory_space<vmem>>, vector<1x16xf32>,
        %get3A_609 = arith.index_cast %add3A_599 : i32 to index
        %get3A_610 = arith.constant 16 : index
        %get3A_611 = tpu.vector_load %arg9[%get3A_609, %get3A_610] {strides = array<i32>} : memref<125x64xf32, #tpu.memory_space<vmem>>, vector<1x16xf32>,
        %get3A_612 = vector.shape_cast %get3A_611 : vector<1x16xf32> to vector<16xf32>
        %swap3A_613 = arith.index_cast %add3A_599 : i32 to index
        %swap3A_614 = arith.constant 16 : index
        %swap3A_615 = tpu.vector_load %arg13[%swap3A_613, %swap3A_614] {strides = array<i32>} : memref<128x64xf32, #tpu.memory_space<vmem>>, vector<1x16xf32>,
        %swap3A_616 = vector.shape_cast %swap3A_615 : vector<1x16xf32> to vector<16xf32>
        %swap3A_617 = vector.shape_cast %get3A_612 : vector<16xf32> to vector<1x16xf32>
        tpu.vector_store %arg13[%swap3A_613, %swap3A_614], %swap3A_617 {add = true, strides = array<i32>} : memref<128x64xf32, #tpu.memory_space<vmem>>, vector<1x16xf32>,
        %get3A_618 = arith.index_cast %add3A_599 : i32 to index
        %get3A_619 = arith.constant 32 : index
        %get3A_620 = tpu.vector_load %arg9[%get3A_618, %get3A_619] {strides = array<i32>} : memref<125x64xf32, #tpu.memory_space<vmem>>, vector<1x16xf32>,
        %get3A_621 = vector.shape_cast %get3A_620 : vector<1x16xf32> to vector<16xf32>
        %swap3A_622 = arith.index_cast %add3A_599 : i32 to index
        %swap3A_623 = arith.constant 32 : index
        %swap3A_624 = tpu.vector_load %arg13[%swap3A_622, %swap3A_623] {strides = array<i32>} : memref<128x64xf32, #tpu.memory_space<vmem>>, vector<1x16xf32>,
        %swap3A_625 = vector.shape_cast %swap3A_624 : vector<1x16xf32> to vector<16xf32>
        %swap3A_626 = vector.shape_cast %get3A_621 : vector<16xf32> to vector<1x16xf32>
        tpu.vector_store %arg13[%swap3A_622, %swap3A_623], %swap3A_626 {add = true, strides = array<i32>} : memref<128x64xf32, #tpu.memory_space<vmem>>, vector<1x16xf32>,
        %get3A_627 = arith.index_cast %add3A_599 : i32 to index
        %get3A_628 = arith.constant 48 : index
        %get3A_629 = tpu.vector_load %arg9[%get3A_627, %get3A_628] {strides = array<i32>} : memref<125x64xf32, #tpu.memory_space<vmem>>, vector<1x16xf32>,
        %get3A_630 = vector.shape_cast %get3A_629 : vector<1x16xf32> to vector<16xf32>
        %swap3A_631 = arith.index_cast %add3A_599 : i32 to index
        %swap3A_632 = arith.constant 48 : index
        %swap3A_633 = tpu.vector_load %arg13[%swap3A_631, %swap3A_632] {strides = array<i32>} : memref<128x64xf32, #tpu.memory_space<vmem>>, vector<1x16xf32>,
        %swap3A_634 = vector.shape_cast %swap3A_633 : vector<1x16xf32> to vector<16xf32>
        %swap3A_635 = vector.shape_cast %get3A_630 : vector<16xf32> to vector<1x16xf32>
        tpu.vector_store %arg13[%swap3A_631, %swap3A_632], %swap3A_635 {add = true, strides = array<i32>} : memref<128x64xf32, #tpu.memory_space<vmem>>, vector<1x16xf32>,
        %scan3A_636 = arith.constant 4 : i32
        %scan3A_637 = arith.addi %scan3A_471, %scan3A_636 : i32
        %mul3A_638 = arith.constant 1 : i32
        %mul3A_639 = arith.muli %scan3A_637, %mul3A_638 : i32
        %add3A_640 = arith.constant 0 : i32
        %add3A_641 = arith.addi %add3A_640, %mul3A_639 : i32
        %get3A_642 = arith.index_cast %add3A_641 : i32 to index
        %get3A_643 = arith.constant 0 : index
        %get3A_644 = tpu.vector_load %arg9[%get3A_642, %get3A_643] {strides = array<i32>} : memref<125x64xf32, #tpu.memory_space<vmem>>, vector<1x16xf32>,
        %get3A_645 = vector.shape_cast %get3A_644 : vector<1x16xf32> to vector<16xf32>
        %swap3A_646 = arith.index_cast %add3A_641 : i32 to index
        %swap3A_647 = arith.constant 0 : index
        %swap3A_648 = tpu.vector_load %arg13[%swap3A_646, %swap3A_647] {strides = array<i32>} : memref<128x64xf32, #tpu.memory_space<vmem>>, vector<1x16xf32>,
        %swap3A_649 = vector.shape_cast %swap3A_648 : vector<1x16xf32> to vector<16xf32>
        %swap3A_650 = vector.shape_cast %get3A_645 : vector<16xf32> to vector<1x16xf32>
        tpu.vector_store %arg13[%swap3A_646, %swap3A_647], %swap3A_650 {add = true, strides = array<i32>} : memref<128x64xf32, #tpu.memory_space<vmem>>, vector<1x16xf32>,
        %get3A_651 = arith.index_cast %add3A_641 : i32 to index
        %get3A_652 = arith.constant 16 : index
        %get3A_653 = tpu.vector_load %arg9[%get3A_651, %get3A_652] {strides = array<i32>} : memref<125x64xf32, #tpu.memory_space<vmem>>, vector<1x16xf32>,
        %get3A_654 = vector.shape_cast %get3A_653 : vector<1x16xf32> to vector<16xf32>
        %swap3A_655 = arith.index_cast %add3A_641 : i32 to index
        %swap3A_656 = arith.constant 16 : index
        %swap3A_657 = tpu.vector_load %arg13[%swap3A_655, %swap3A_656] {strides = array<i32>} : memref<128x64xf32, #tpu.memory_space<vmem>>, vector<1x16xf32>,
        %swap3A_658 = vector.shape_cast %swap3A_657 : vector<1x16xf32> to vector<16xf32>
        %swap3A_659 = vector.shape_cast %get3A_654 : vector<16xf32> to vector<1x16xf32>
        tpu.vector_store %arg13[%swap3A_655, %swap3A_656], %swap3A_659 {add = true, strides = array<i32>} : memref<128x64xf32, #tpu.memory_space<vmem>>, vector<1x16xf32>,
        %get3A_660 = arith.index_cast %add3A_641 : i32 to index
        %get3A_661 = arith.constant 32 : index
        %get3A_662 = tpu.vector_load %arg9[%get3A_660, %get3A_661] {strides = array<i32>} : memref<125x64xf32, #tpu.memory_space<vmem>>, vector<1x16xf32>,
        %get3A_663 = vector.shape_cast %get3A_662 : vector<1x16xf32> to vector<16xf32>
        %swap3A_664 = arith.index_cast %add3A_641 : i32 to index
        %swap3A_665 = arith.constant 32 : index
        %swap3A_666 = tpu.vector_load %arg13[%swap3A_664, %swap3A_665] {strides = array<i32>} : memref<128x64xf32, #tpu.memory_space<vmem>>, vector<1x16xf32>,
        %swap3A_667 = vector.shape_cast %swap3A_666 : vector<1x16xf32> to vector<16xf32>
        %swap3A_668 = vector.shape_cast %get3A_663 : vector<16xf32> to vector<1x16xf32>
        tpu.vector_store %arg13[%swap3A_664, %swap3A_665], %swap3A_668 {add = true, strides = array<i32>} : memref<128x64xf32, #tpu.memory_space<vmem>>, vector<1x16xf32>,
        %get3A_669 = arith.index_cast %add3A_641 : i32 to index
        %get3A_670 = arith.constant 48 : index
        %get3A_671 = tpu.vector_load %arg9[%get3A_669, %get3A_670] {strides = array<i32>} : memref<125x64xf32, #tpu.memory_space<vmem>>, vector<1x16xf32>,
        %get3A_672 = vector.shape_cast %get3A_671 : vector<1x16xf32> to vector<16xf32>
        %swap3A_673 = arith.index_cast %add3A_641 : i32 to index
        %swap3A_674 = arith.constant 48 : index
        %swap3A_675 = tpu.vector_load %arg13[%swap3A_673, %swap3A_674] {strides = array<i32>} : memref<128x64xf32, #tpu.memory_space<vmem>>, vector<1x16xf32>,
        %swap3A_676 = vector.shape_cast %swap3A_675 : vector<1x16xf32> to vector<16xf32>
        %swap3A_677 = vector.shape_cast %get3A_672 : vector<16xf32> to vector<1x16xf32>
        tpu.vector_store %arg13[%swap3A_673, %swap3A_674], %swap3A_677 {add = true, strides = array<i32>} : memref<128x64xf32, #tpu.memory_space<vmem>>, vector<1x16xf32>,
      }
      %scan3A_409 = arith.constant 125 : i32
      %dma_start3A_410 = arith.constant 0 : i32
      %dma_start3A_411 = arith.constant 0 : i32
      %dma_start3A_412 = tpu.memref_slice %arg13[%dma_start3A_410, %dma_start3A_411] : memref<128x64xf32, #tpu.memory_space<vmem>> -> memref<125x64xf32, #tpu.memory_space<vmem>>
      %dma_start3A_413 = arith.constant 0 : i32
      %dma_start3A_414 = arith.constant 0 : i32
      %dma_start3A_415 = tpu.memref_slice %arg37[%dma_start3A_413, %dma_start3A_414] : memref<10000x64xf32, #tpu.memory_space<vmem_shared>> -> memref<10000x64xf32, #tpu.memory_space<vmem_shared>>
      tpu.enqueue_indirect_dma source(%dma_start3A_412 : memref<125x64xf32, #tpu.memory_space<vmem>>) target(%dma_start3A_415 : memref<10000x64xf32, #tpu.memory_space<vmem_shared>>) offsets(%arg17 : memref<125xi32, #tpu.memory_space<vmem>>) semaphore(%arg33 : memref<!tpu.dma_semaphore, #tpu.memory_space<semaphore_mem>>) {add = true}
      %add3A_416 = arith.constant 3 : i32
      %add3A_417 = arith.addi %add3A_250, %add3A_416 : i32
      %dma_wait3A_418 = arith.constant 0 : i32
      %dma_wait3A_419 = arith.constant 0 : i32
      %dma_wait3A_420 = tpu.memref_slice %arg16[%dma_wait3A_418, %dma_wait3A_419] : memref<128x64xf32, #tpu.memory_space<vmem>> -> memref<125x64xf32, #tpu.memory_space<vmem>>
      %dma_wait3A_421 = arith.constant 0 : i32
      %dma_wait3A_422 = arith.constant 0 : i32
      %dma_wait3A_423 = tpu.memref_slice %arg37[%dma_wait3A_421, %dma_wait3A_422] : memref<10000x64xf32, #tpu.memory_space<vmem_shared>> -> memref<10000x64xf32, #tpu.memory_space<vmem_shared>>
      tpu.wait_indirect_dma semaphore(%arg36 : memref<!tpu.dma_semaphore, #tpu.memory_space<semaphore_mem>>) src(%dma_wait3A_420 : memref<125x64xf32, #tpu.memory_space<vmem>>) dst(%dma_wait3A_423 : memref<10000x64xf32, #tpu.memory_space<vmem_shared>>)
      %add3A_424 = arith.constant 2 : i32
      %add3A_425 = arith.addi %add3A_417, %add3A_424 : i32
      %mul3A_426 = arith.constant 125 : i32
      %mul3A_427 = arith.muli %add3A_425, %mul3A_426 : i32
      %dma_start3A_428 = tpu.memref_slice %arg5[%mul3A_427, %mul3A_10] : memref<320000x128xf32, #tpu.memory_space<hbm>> -> memref<125x64xf32, #tpu.memory_space<hbm>>
      %dma_start3A_429 = tpu.memref_slice %arg5[%mul3A_427, %mul3A_10] : memref<320000x128xf32, #tpu.memory_space<hbm>> -> memref<125x64xf32, #tpu.memory_space<hbm>>
      tpu.enqueue_dma source(%dma_start3A_429 : memref<125x64xf32, #tpu.memory_space<hbm>>) target(%arg12 : memref<125x64xf32, #tpu.memory_space<vmem>>) target_semaphore(%arg24 : memref<!tpu.dma_semaphore, #tpu.memory_space<semaphore_mem>>)
      %sub3A_430 = arith.subi %add3A_425, %mul3A_0 : i32
      %dma_start3A_431 = arith.constant 0 : i32
      %dma_start3A_432 = tpu.memref_slice %arg8[%sub3A_430, %dma_start3A_431] : memref<160x128xi32, #tpu.memory_space<vmem>> -> memref<1x128xi32, #tpu.memory_space<vmem>>
      %dma_start3A_433 = tpu.memref_squeeze %dma_start3A_432 : memref<1x128xi32, #tpu.memory_space<vmem>> -> memref<128xi32, #tpu.memory_space<vmem>>
      %dma_start3A_434 = arith.constant 0 : i32
      %dma_start3A_435 = arith.constant 0 : i32
      %dma_start3A_436 = tpu.memref_slice %arg2[%dma_start3A_434, %dma_start3A_435] : memref<20000x64xf32, #tpu.memory_space<hbm>> -> memref<20000x64xf32, #tpu.memory_space<hbm>>
      tpu.enqueue_indirect_dma source(%dma_start3A_436 : memref<20000x64xf32, #tpu.memory_space<hbm>>) target(%arg16 : memref<128x64xf32, #tpu.memory_space<vmem>>) offsets(%dma_start3A_433 : memref<128xi32, #tpu.memory_space<vmem>>) semaphore(%arg28 : memref<!tpu.dma_semaphore, #tpu.memory_space<semaphore_mem>>)
      %dma_start3A_437 = arith.constant 0 : i32
      %dma_start3A_438 = tpu.memref_slice %arg4[%add3A_425, %dma_start3A_437] : memref<2560x125xi32, #tpu.memory_space<hbm>> -> memref<1x125xi32, #tpu.memory_space<hbm>>
      %dma_start3A_439 = tpu.memref_squeeze %dma_start3A_438 : memref<1x125xi32, #tpu.memory_space<hbm>> -> memref<125xi32, #tpu.memory_space<hbm>>
      %dma_start3A_440 = arith.constant 0 : i32
      %dma_start3A_441 = tpu.memref_slice %arg4[%add3A_425, %dma_start3A_440] : memref<2560x125xi32, #tpu.memory_space<hbm>> -> memref<1x125xi32, #tpu.memory_space<hbm>>
      %dma_start3A_442 = tpu.memref_squeeze %dma_start3A_441 : memref<1x125xi32, #tpu.memory_space<hbm>> -> memref<125xi32, #tpu.memory_space<hbm>>
      tpu.enqueue_dma source(%dma_start3A_442 : memref<125xi32, #tpu.memory_space<hbm>>) target(%arg20 : memref<125xi32, #tpu.memory_space<vmem>>) target_semaphore(%arg32 : memref<!tpu.dma_semaphore, #tpu.memory_space<semaphore_mem>>)
      %mul3A_443 = arith.constant 125 : i32
      %mul3A_444 = arith.muli %add3A_417, %mul3A_443 : i32
      %dma_wait3A_445 = tpu.memref_slice %arg5[%mul3A_444, %mul3A_10] : memref<320000x128xf32, #tpu.memory_space<hbm>> -> memref<125x64xf32, #tpu.memory_space<hbm>>
      %dma_wait3A_446 = tpu.memref_slice %arg5[%mul3A_444, %mul3A_10] : memref<320000x128xf32, #tpu.memory_space<hbm>> -> memref<125x64xf32, #tpu.memory_space<hbm>>
      tpu.wait_dma2 semaphore(%arg22 : memref<!tpu.dma_semaphore, #tpu.memory_space<semaphore_mem>>) src(%dma_wait3A_446 : memref<125x64xf32, #tpu.memory_space<hbm>>) dst(%arg10 : memref<125x64xf32, #tpu.memory_space<vmem>>)
      %sub3A_447 = arith.subi %add3A_417, %mul3A_0 : i32
      %dma_wait3A_448 = arith.constant 0 : i32
      %dma_wait3A_449 = tpu.memref_slice %arg8[%sub3A_447, %dma_wait3A_448] : memref<160x128xi32, #tpu.memory_space<vmem>> -> memref<1x128xi32, #tpu.memory_space<vmem>>
      %dma_wait3A_450 = tpu.memref_squeeze %dma_wait3A_449 : memref<1x128xi32, #tpu.memory_space<vmem>> -> memref<128xi32, #tpu.memory_space<vmem>>
      %dma_wait3A_451 = arith.constant 0 : i32
      %dma_wait3A_452 = arith.constant 0 : i32
      %dma_wait3A_453 = tpu.memref_slice %arg2[%dma_wait3A_451, %dma_wait3A_452] : memref<20000x64xf32, #tpu.memory_space<hbm>> -> memref<20000x64xf32, #tpu.memory_space<hbm>>
      tpu.wait_indirect_dma semaphore(%arg26 : memref<!tpu.dma_semaphore, #tpu.memory_space<semaphore_mem>>) src(%dma_wait3A_453 : memref<20000x64xf32, #tpu.memory_space<hbm>>) dst(%arg14 : memref<128x64xf32, #tpu.memory_space<vmem>>)
      %dma_wait3A_454 = arith.constant 0 : i32
      %dma_wait3A_455 = tpu.memref_slice %arg4[%add3A_417, %dma_wait3A_454] : memref<2560x125xi32, #tpu.memory_space<hbm>> -> memref<1x125xi32, #tpu.memory_space<hbm>>
      %dma_wait3A_456 = tpu.memref_squeeze %dma_wait3A_455 : memref<1x125xi32, #tpu.memory_space<hbm>> -> memref<125xi32, #tpu.memory_space<hbm>>
      %dma_wait3A_457 = arith.constant 0 : i32
      %dma_wait3A_458 = tpu.memref_slice %arg4[%add3A_417, %dma_wait3A_457] : memref<2560x125xi32, #tpu.memory_space<hbm>> -> memref<1x125xi32, #tpu.memory_space<hbm>>
      %dma_wait3A_459 = tpu.memref_squeeze %dma_wait3A_458 : memref<1x125xi32, #tpu.memory_space<hbm>> -> memref<125xi32, #tpu.memory_space<hbm>>
      tpu.wait_dma2 semaphore(%arg30 : memref<!tpu.dma_semaphore, #tpu.memory_space<semaphore_mem>>) src(%dma_wait3A_459 : memref<125xi32, #tpu.memory_space<hbm>>) dst(%arg18 : memref<125xi32, #tpu.memory_space<vmem>>)
      %scan3A_460 = arith.constant 0 : i32
      %scan3A_461 = arith.constant 125 : i32
      %scan3A_462 = arith.addi %scan3A_460, %scan3A_461 : i32
      %scan3A_463 = arith.constant 5 : i32
      scf.for %scan3A_471 = %scan3A_460 to %scan3A_462 step %scan3A_463  : i32 {
        %mul3A_472 = arith.constant 1 : i32
        %mul3A_473 = arith.muli %scan3A_471, %mul3A_472 : i32
        %add3A_474 = arith.constant 0 : i32
        %add3A_475 = arith.addi %add3A_474, %mul3A_473 : i32
        %get3A = arith.index_cast %add3A_475 : i32 to index
        %get3A_476 = arith.constant 0 : index
        %get3A_477 = tpu.vector_load %arg10[%get3A, %get3A_476] {strides = array<i32>} : memref<125x64xf32, #tpu.memory_space<vmem>>, vector<1x16xf32>,
        %get3A_478 = vector.shape_cast %get3A_477 : vector<1x16xf32> to vector<16xf32>
        %swap3A = arith.index_cast %add3A_475 : i32 to index
        %swap3A_479 = arith.constant 0 : index
        %swap3A_480 = tpu.vector_load %arg14[%swap3A, %swap3A_479] {strides = array<i32>} : memref<128x64xf32, #tpu.memory_space<vmem>>, vector<1x16xf32>,
        %swap3A_481 = vector.shape_cast %swap3A_480 : vector<1x16xf32> to vector<16xf32>
        %swap3A_482 = vector.shape_cast %get3A_478 : vector<16xf32> to vector<1x16xf32>
        tpu.vector_store %arg14[%swap3A, %swap3A_479], %swap3A_482 {add = true, strides = array<i32>} : memref<128x64xf32, #tpu.memory_space<vmem>>, vector<1x16xf32>,
        %get3A_483 = arith.index_cast %add3A_475 : i32 to index
        %get3A_484 = arith.constant 16 : index
        %get3A_485 = tpu.vector_load %arg10[%get3A_483, %get3A_484] {strides = array<i32>} : memref<125x64xf32, #tpu.memory_space<vmem>>, vector<1x16xf32>,
        %get3A_486 = vector.shape_cast %get3A_485 : vector<1x16xf32> to vector<16xf32>
        %swap3A_487 = arith.index_cast %add3A_475 : i32 to index
        %swap3A_488 = arith.constant 16 : index
        %swap3A_489 = tpu.vector_load %arg14[%swap3A_487, %swap3A_488] {strides = array<i32>} : memref<128x64xf32, #tpu.memory_space<vmem>>, vector<1x16xf32>,
        %swap3A_490 = vector.shape_cast %swap3A_489 : vector<1x16xf32> to vector<16xf32>
        %swap3A_491 = vector.shape_cast %get3A_486 : vector<16xf32> to vector<1x16xf32>
        tpu.vector_store %arg14[%swap3A_487, %swap3A_488], %swap3A_491 {add = true, strides = array<i32>} : memref<128x64xf32, #tpu.memory_space<vmem>>, vector<1x16xf32>,
        %get3A_492 = arith.index_cast %add3A_475 : i32 to index
        %get3A_493 = arith.constant 32 : index
        %get3A_494 = tpu.vector_load %arg10[%get3A_492, %get3A_493] {strides = array<i32>} : memref<125x64xf32, #tpu.memory_space<vmem>>, vector<1x16xf32>,
        %get3A_495 = vector.shape_cast %get3A_494 : vector<1x16xf32> to vector<16xf32>
        %swap3A_496 = arith.index_cast %add3A_475 : i32 to index
        %swap3A_497 = arith.constant 32 : index
        %swap3A_498 = tpu.vector_load %arg14[%swap3A_496, %swap3A_497] {strides = array<i32>} : memref<128x64xf32, #tpu.memory_space<vmem>>, vector<1x16xf32>,
        %swap3A_499 = vector.shape_cast %swap3A_498 : vector<1x16xf32> to vector<16xf32>
        %swap3A_500 = vector.shape_cast %get3A_495 : vector<16xf32> to vector<1x16xf32>
        tpu.vector_store %arg14[%swap3A_496, %swap3A_497], %swap3A_500 {add = true, strides = array<i32>} : memref<128x64xf32, #tpu.memory_space<vmem>>, vector<1x16xf32>,
        %get3A_501 = arith.index_cast %add3A_475 : i32 to index
        %get3A_502 = arith.constant 48 : index
        %get3A_503 = tpu.vector_load %arg10[%get3A_501, %get3A_502] {strides = array<i32>} : memref<125x64xf32, #tpu.memory_space<vmem>>, vector<1x16xf32>,
        %get3A_504 = vector.shape_cast %get3A_503 : vector<1x16xf32> to vector<16xf32>
        %swap3A_505 = arith.index_cast %add3A_475 : i32 to index
        %swap3A_506 = arith.constant 48 : index
        %swap3A_507 = tpu.vector_load %arg14[%swap3A_505, %swap3A_506] {strides = array<i32>} : memref<128x64xf32, #tpu.memory_space<vmem>>, vector<1x16xf32>,
        %swap3A_508 = vector.shape_cast %swap3A_507 : vector<1x16xf32> to vector<16xf32>
        %swap3A_509 = vector.shape_cast %get3A_504 : vector<16xf32> to vector<1x16xf32>
        tpu.vector_store %arg14[%swap3A_505, %swap3A_506], %swap3A_509 {add = true, strides = array<i32>} : memref<128x64xf32, #tpu.memory_space<vmem>>, vector<1x16xf32>,
        %scan3A_510 = arith.constant 1 : i32
        %scan3A_511 = arith.addi %scan3A_471, %scan3A_510 : i32
        %mul3A_512 = arith.constant 1 : i32
        %mul3A_513 = arith.muli %scan3A_511, %mul3A_512 : i32
        %add3A_514 = arith.constant 0 : i32
        %add3A_515 = arith.addi %add3A_514, %mul3A_513 : i32
        %get3A_516 = arith.index_cast %add3A_515 : i32 to index
        %get3A_517 = arith.constant 0 : index
        %get3A_518 = tpu.vector_load %arg10[%get3A_516, %get3A_517] {strides = array<i32>} : memref<125x64xf32, #tpu.memory_space<vmem>>, vector<1x16xf32>,
        %get3A_519 = vector.shape_cast %get3A_518 : vector<1x16xf32> to vector<16xf32>
        %swap3A_520 = arith.index_cast %add3A_515 : i32 to index
        %swap3A_521 = arith.constant 0 : index
        %swap3A_522 = tpu.vector_load %arg14[%swap3A_520, %swap3A_521] {strides = array<i32>} : memref<128x64xf32, #tpu.memory_space<vmem>>, vector<1x16xf32>,
        %swap3A_523 = vector.shape_cast %swap3A_522 : vector<1x16xf32> to vector<16xf32>
        %swap3A_524 = vector.shape_cast %get3A_519 : vector<16xf32> to vector<1x16xf32>
        tpu.vector_store %arg14[%swap3A_520, %swap3A_521], %swap3A_524 {add = true, strides = array<i32>} : memref<128x64xf32, #tpu.memory_space<vmem>>, vector<1x16xf32>,
        %get3A_525 = arith.index_cast %add3A_515 : i32 to index
        %get3A_526 = arith.constant 16 : index
        %get3A_527 = tpu.vector_load %arg10[%get3A_525, %get3A_526] {strides = array<i32>} : memref<125x64xf32, #tpu.memory_space<vmem>>, vector<1x16xf32>,
        %get3A_528 = vector.shape_cast %get3A_527 : vector<1x16xf32> to vector<16xf32>
        %swap3A_529 = arith.index_cast %add3A_515 : i32 to index
        %swap3A_530 = arith.constant 16 : index
        %swap3A_531 = tpu.vector_load %arg14[%swap3A_529, %swap3A_530] {strides = array<i32>} : memref<128x64xf32, #tpu.memory_space<vmem>>, vector<1x16xf32>,
        %swap3A_532 = vector.shape_cast %swap3A_531 : vector<1x16xf32> to vector<16xf32>
        %swap3A_533 = vector.shape_cast %get3A_528 : vector<16xf32> to vector<1x16xf32>
        tpu.vector_store %arg14[%swap3A_529, %swap3A_530], %swap3A_533 {add = true, strides = array<i32>} : memref<128x64xf32, #tpu.memory_space<vmem>>, vector<1x16xf32>,
        %get3A_534 = arith.index_cast %add3A_515 : i32 to index
        %get3A_535 = arith.constant 32 : index
        %get3A_536 = tpu.vector_load %arg10[%get3A_534, %get3A_535] {strides = array<i32>} : memref<125x64xf32, #tpu.memory_space<vmem>>, vector<1x16xf32>,
        %get3A_537 = vector.shape_cast %get3A_536 : vector<1x16xf32> to vector<16xf32>
        %swap3A_538 = arith.index_cast %add3A_515 : i32 to index
        %swap3A_539 = arith.constant 32 : index
        %swap3A_540 = tpu.vector_load %arg14[%swap3A_538, %swap3A_539] {strides = array<i32>} : memref<128x64xf32, #tpu.memory_space<vmem>>, vector<1x16xf32>,
        %swap3A_541 = vector.shape_cast %swap3A_540 : vector<1x16xf32> to vector<16xf32>
        %swap3A_542 = vector.shape_cast %get3A_537 : vector<16xf32> to vector<1x16xf32>
        tpu.vector_store %arg14[%swap3A_538, %swap3A_539], %swap3A_542 {add = true, strides = array<i32>} : memref<128x64xf32, #tpu.memory_space<vmem>>, vector<1x16xf32>,
        %get3A_543 = arith.index_cast %add3A_515 : i32 to index
        %get3A_544 = arith.constant 48 : index
        %get3A_545 = tpu.vector_load %arg10[%get3A_543, %get3A_544] {strides = array<i32>} : memref<125x64xf32, #tpu.memory_space<vmem>>, vector<1x16xf32>,
        %get3A_546 = vector.shape_cast %get3A_545 : vector<1x16xf32> to vector<16xf32>
        %swap3A_547 = arith.index_cast %add3A_515 : i32 to index
        %swap3A_548 = arith.constant 48 : index
        %swap3A_549 = tpu.vector_load %arg14[%swap3A_547, %swap3A_548] {strides = array<i32>} : memref<128x64xf32, #tpu.memory_space<vmem>>, vector<1x16xf32>,
        %swap3A_550 = vector.shape_cast %swap3A_549 : vector<1x16xf32> to vector<16xf32>
        %swap3A_551 = vector.shape_cast %get3A_546 : vector<16xf32> to vector<1x16xf32>
        tpu.vector_store %arg14[%swap3A_547, %swap3A_548], %swap3A_551 {add = true, strides = array<i32>} : memref<128x64xf32, #tpu.memory_space<vmem>>, vector<1x16xf32>,
        %scan3A_552 = arith.constant 2 : i32
        %scan3A_553 = arith.addi %scan3A_471, %scan3A_552 : i32
        %mul3A_554 = arith.constant 1 : i32
        %mul3A_555 = arith.muli %scan3A_553, %mul3A_554 : i32
        %add3A_556 = arith.constant 0 : i32
        %add3A_557 = arith.addi %add3A_556, %mul3A_555 : i32
        %get3A_558 = arith.index_cast %add3A_557 : i32 to index
        %get3A_559 = arith.constant 0 : index
        %get3A_560 = tpu.vector_load %arg10[%get3A_558, %get3A_559] {strides = array<i32>} : memref<125x64xf32, #tpu.memory_space<vmem>>, vector<1x16xf32>,
        %get3A_561 = vector.shape_cast %get3A_560 : vector<1x16xf32> to vector<16xf32>
        %swap3A_562 = arith.index_cast %add3A_557 : i32 to index
        %swap3A_563 = arith.constant 0 : index
        %swap3A_564 = tpu.vector_load %arg14[%swap3A_562, %swap3A_563] {strides = array<i32>} : memref<128x64xf32, #tpu.memory_space<vmem>>, vector<1x16xf32>,
        %swap3A_565 = vector.shape_cast %swap3A_564 : vector<1x16xf32> to vector<16xf32>
        %swap3A_566 = vector.shape_cast %get3A_561 : vector<16xf32> to vector<1x16xf32>
        tpu.vector_store %arg14[%swap3A_562, %swap3A_563], %swap3A_566 {add = true, strides = array<i32>} : memref<128x64xf32, #tpu.memory_space<vmem>>, vector<1x16xf32>,
        %get3A_567 = arith.index_cast %add3A_557 : i32 to index
        %get3A_568 = arith.constant 16 : index
        %get3A_569 = tpu.vector_load %arg10[%get3A_567, %get3A_568] {strides = array<i32>} : memref<125x64xf32, #tpu.memory_space<vmem>>, vector<1x16xf32>,
        %get3A_570 = vector.shape_cast %get3A_569 : vector<1x16xf32> to vector<16xf32>
        %swap3A_571 = arith.index_cast %add3A_557 : i32 to index
        %swap3A_572 = arith.constant 16 : index
        %swap3A_573 = tpu.vector_load %arg14[%swap3A_571, %swap3A_572] {strides = array<i32>} : memref<128x64xf32, #tpu.memory_space<vmem>>, vector<1x16xf32>,
        %swap3A_574 = vector.shape_cast %swap3A_573 : vector<1x16xf32> to vector<16xf32>
        %swap3A_575 = vector.shape_cast %get3A_570 : vector<16xf32> to vector<1x16xf32>
        tpu.vector_store %arg14[%swap3A_571, %swap3A_572], %swap3A_575 {add = true, strides = array<i32>} : memref<128x64xf32, #tpu.memory_space<vmem>>, vector<1x16xf32>,
        %get3A_576 = arith.index_cast %add3A_557 : i32 to index
        %get3A_577 = arith.constant 32 : index
        %get3A_578 = tpu.vector_load %arg10[%get3A_576, %get3A_577] {strides = array<i32>} : memref<125x64xf32, #tpu.memory_space<vmem>>, vector<1x16xf32>,
        %get3A_579 = vector.shape_cast %get3A_578 : vector<1x16xf32> to vector<16xf32>
        %swap3A_580 = arith.index_cast %add3A_557 : i32 to index
        %swap3A_581 = arith.constant 32 : index
        %swap3A_582 = tpu.vector_load %arg14[%swap3A_580, %swap3A_581] {strides = array<i32>} : memref<128x64xf32, #tpu.memory_space<vmem>>, vector<1x16xf32>,
        %swap3A_583 = vector.shape_cast %swap3A_582 : vector<1x16xf32> to vector<16xf32>
        %swap3A_584 = vector.shape_cast %get3A_579 : vector<16xf32> to vector<1x16xf32>
        tpu.vector_store %arg14[%swap3A_580, %swap3A_581], %swap3A_584 {add = true, strides = array<i32>} : memref<128x64xf32, #tpu.memory_space<vmem>>, vector<1x16xf32>,
        %get3A_585 = arith.index_cast %add3A_557 : i32 to index
        %get3A_586 = arith.constant 48 : index
        %get3A_587 = tpu.vector_load %arg10[%get3A_585, %get3A_586] {strides = array<i32>} : memref<125x64xf32, #tpu.memory_space<vmem>>, vector<1x16xf32>,
        %get3A_588 = vector.shape_cast %get3A_587 : vector<1x16xf32> to vector<16xf32>
        %swap3A_589 = arith.index_cast %add3A_557 : i32 to index
        %swap3A_590 = arith.constant 48 : index
        %swap3A_591 = tpu.vector_load %arg14[%swap3A_589, %swap3A_590] {strides = array<i32>} : memref<128x64xf32, #tpu.memory_space<vmem>>, vector<1x16xf32>,
        %swap3A_592 = vector.shape_cast %swap3A_591 : vector<1x16xf32> to vector<16xf32>
        %swap3A_593 = vector.shape_cast %get3A_588 : vector<16xf32> to vector<1x16xf32>
        tpu.vector_store %arg14[%swap3A_589, %swap3A_590], %swap3A_593 {add = true, strides = array<i32>} : memref<128x64xf32, #tpu.memory_space<vmem>>, vector<1x16xf32>,
        %scan3A_594 = arith.constant 3 : i32
        %scan3A_595 = arith.addi %scan3A_471, %scan3A_594 : i32
        %mul3A_596 = arith.constant 1 : i32
        %mul3A_597 = arith.muli %scan3A_595, %mul3A_596 : i32
        %add3A_598 = arith.constant 0 : i32
        %add3A_599 = arith.addi %add3A_598, %mul3A_597 : i32
        %get3A_600 = arith.index_cast %add3A_599 : i32 to index
        %get3A_601 = arith.constant 0 : index
        %get3A_602 = tpu.vector_load %arg10[%get3A_600, %get3A_601] {strides = array<i32>} : memref<125x64xf32, #tpu.memory_space<vmem>>, vector<1x16xf32>,
        %get3A_603 = vector.shape_cast %get3A_602 : vector<1x16xf32> to vector<16xf32>
        %swap3A_604 = arith.index_cast %add3A_599 : i32 to index
        %swap3A_605 = arith.constant 0 : index
        %swap3A_606 = tpu.vector_load %arg14[%swap3A_604, %swap3A_605] {strides = array<i32>} : memref<128x64xf32, #tpu.memory_space<vmem>>, vector<1x16xf32>,
        %swap3A_607 = vector.shape_cast %swap3A_606 : vector<1x16xf32> to vector<16xf32>
        %swap3A_608 = vector.shape_cast %get3A_603 : vector<16xf32> to vector<1x16xf32>
        tpu.vector_store %arg14[%swap3A_604, %swap3A_605], %swap3A_608 {add = true, strides = array<i32>} : memref<128x64xf32, #tpu.memory_space<vmem>>, vector<1x16xf32>,
        %get3A_609 = arith.index_cast %add3A_599 : i32 to index
        %get3A_610 = arith.constant 16 : index
        %get3A_611 = tpu.vector_load %arg10[%get3A_609, %get3A_610] {strides = array<i32>} : memref<125x64xf32, #tpu.memory_space<vmem>>, vector<1x16xf32>,
        %get3A_612 = vector.shape_cast %get3A_611 : vector<1x16xf32> to vector<16xf32>
        %swap3A_613 = arith.index_cast %add3A_599 : i32 to index
        %swap3A_614 = arith.constant 16 : index
        %swap3A_615 = tpu.vector_load %arg14[%swap3A_613, %swap3A_614] {strides = array<i32>} : memref<128x64xf32, #tpu.memory_space<vmem>>, vector<1x16xf32>,
        %swap3A_616 = vector.shape_cast %swap3A_615 : vector<1x16xf32> to vector<16xf32>
        %swap3A_617 = vector.shape_cast %get3A_612 : vector<16xf32> to vector<1x16xf32>
        tpu.vector_store %arg14[%swap3A_613, %swap3A_614], %swap3A_617 {add = true, strides = array<i32>} : memref<128x64xf32, #tpu.memory_space<vmem>>, vector<1x16xf32>,
        %get3A_618 = arith.index_cast %add3A_599 : i32 to index
        %get3A_619 = arith.constant 32 : index
        %get3A_620 = tpu.vector_load %arg10[%get3A_618, %get3A_619] {strides = array<i32>} : memref<125x64xf32, #tpu.memory_space<vmem>>, vector<1x16xf32>,
        %get3A_621 = vector.shape_cast %get3A_620 : vector<1x16xf32> to vector<16xf32>
        %swap3A_622 = arith.index_cast %add3A_599 : i32 to index
        %swap3A_623 = arith.constant 32 : index
        %swap3A_624 = tpu.vector_load %arg14[%swap3A_622, %swap3A_623] {strides = array<i32>} : memref<128x64xf32, #tpu.memory_space<vmem>>, vector<1x16xf32>,
        %swap3A_625 = vector.shape_cast %swap3A_624 : vector<1x16xf32> to vector<16xf32>
        %swap3A_626 = vector.shape_cast %get3A_621 : vector<16xf32> to vector<1x16xf32>
        tpu.vector_store %arg14[%swap3A_622, %swap3A_623], %swap3A_626 {add = true, strides = array<i32>} : memref<128x64xf32, #tpu.memory_space<vmem>>, vector<1x16xf32>,
        %get3A_627 = arith.index_cast %add3A_599 : i32 to index
        %get3A_628 = arith.constant 48 : index
        %get3A_629 = tpu.vector_load %arg10[%get3A_627, %get3A_628] {strides = array<i32>} : memref<125x64xf32, #tpu.memory_space<vmem>>, vector<1x16xf32>,
        %get3A_630 = vector.shape_cast %get3A_629 : vector<1x16xf32> to vector<16xf32>
        %swap3A_631 = arith.index_cast %add3A_599 : i32 to index
        %swap3A_632 = arith.constant 48 : index
        %swap3A_633 = tpu.vector_load %arg14[%swap3A_631, %swap3A_632] {strides = array<i32>} : memref<128x64xf32, #tpu.memory_space<vmem>>, vector<1x16xf32>,
        %swap3A_634 = vector.shape_cast %swap3A_633 : vector<1x16xf32> to vector<16xf32>
        %swap3A_635 = vector.shape_cast %get3A_630 : vector<16xf32> to vector<1x16xf32>
        tpu.vector_store %arg14[%swap3A_631, %swap3A_632], %swap3A_635 {add = true, strides = array<i32>} : memref<128x64xf32, #tpu.memory_space<vmem>>, vector<1x16xf32>,
        %scan3A_636 = arith.constant 4 : i32
        %scan3A_637 = arith.addi %scan3A_471, %scan3A_636 : i32
        %mul3A_638 = arith.constant 1 : i32
        %mul3A_639 = arith.muli %scan3A_637, %mul3A_638 : i32
        %add3A_640 = arith.constant 0 : i32
        %add3A_641 = arith.addi %add3A_640, %mul3A_639 : i32
        %get3A_642 = arith.index_cast %add3A_641 : i32 to index
        %get3A_643 = arith.constant 0 : index
        %get3A_644 = tpu.vector_load %arg10[%get3A_642, %get3A_643] {strides = array<i32>} : memref<125x64xf32, #tpu.memory_space<vmem>>, vector<1x16xf32>,
        %get3A_645 = vector.shape_cast %get3A_644 : vector<1x16xf32> to vector<16xf32>
        %swap3A_646 = arith.index_cast %add3A_641 : i32 to index
        %swap3A_647 = arith.constant 0 : index
        %swap3A_648 = tpu.vector_load %arg14[%swap3A_646, %swap3A_647] {strides = array<i32>} : memref<128x64xf32, #tpu.memory_space<vmem>>, vector<1x16xf32>,
        %swap3A_649 = vector.shape_cast %swap3A_648 : vector<1x16xf32> to vector<16xf32>
        %swap3A_650 = vector.shape_cast %get3A_645 : vector<16xf32> to vector<1x16xf32>
        tpu.vector_store %arg14[%swap3A_646, %swap3A_647], %swap3A_650 {add = true, strides = array<i32>} : memref<128x64xf32, #tpu.memory_space<vmem>>, vector<1x16xf32>,
        %get3A_651 = arith.index_cast %add3A_641 : i32 to index
        %get3A_652 = arith.constant 16 : index
        %get3A_653 = tpu.vector_load %arg10[%get3A_651, %get3A_652] {strides = array<i32>} : memref<125x64xf32, #tpu.memory_space<vmem>>, vector<1x16xf32>,
        %get3A_654 = vector.shape_cast %get3A_653 : vector<1x16xf32> to vector<16xf32>
        %swap3A_655 = arith.index_cast %add3A_641 : i32 to index
        %swap3A_656 = arith.constant 16 : index
        %swap3A_657 = tpu.vector_load %arg14[%swap3A_655, %swap3A_656] {strides = array<i32>} : memref<128x64xf32, #tpu.memory_space<vmem>>, vector<1x16xf32>,
        %swap3A_658 = vector.shape_cast %swap3A_657 : vector<1x16xf32> to vector<16xf32>
        %swap3A_659 = vector.shape_cast %get3A_654 : vector<16xf32> to vector<1x16xf32>
        tpu.vector_store %arg14[%swap3A_655, %swap3A_656], %swap3A_659 {add = true, strides = array<i32>} : memref<128x64xf32, #tpu.memory_space<vmem>>, vector<1x16xf32>,
        %get3A_660 = arith.index_cast %add3A_641 : i32 to index
        %get3A_661 = arith.constant 32 : index
        %get3A_662 = tpu.vector_load %arg10[%get3A_660, %get3A_661] {strides = array<i32>} : memref<125x64xf32, #tpu.memory_space<vmem>>, vector<1x16xf32>,
        %get3A_663 = vector.shape_cast %get3A_662 : vector<1x16xf32> to vector<16xf32>
        %swap3A_664 = arith.index_cast %add3A_641 : i32 to index
        %swap3A_665 = arith.constant 32 : index
        %swap3A_666 = tpu.vector_load %arg14[%swap3A_664, %swap3A_665] {strides = array<i32>} : memref<128x64xf32, #tpu.memory_space<vmem>>, vector<1x16xf32>,
        %swap3A_667 = vector.shape_cast %swap3A_666 : vector<1x16xf32> to vector<16xf32>
        %swap3A_668 = vector.shape_cast %get3A_663 : vector<16xf32> to vector<1x16xf32>
        tpu.vector_store %arg14[%swap3A_664, %swap3A_665], %swap3A_668 {add = true, strides = array<i32>} : memref<128x64xf32, #tpu.memory_space<vmem>>, vector<1x16xf32>,
        %get3A_669 = arith.index_cast %add3A_641 : i32 to index
        %get3A_670 = arith.constant 48 : index
        %get3A_671 = tpu.vector_load %arg10[%get3A_669, %get3A_670] {strides = array<i32>} : memref<125x64xf32, #tpu.memory_space<vmem>>, vector<1x16xf32>,
        %get3A_672 = vector.shape_cast %get3A_671 : vector<1x16xf32> to vector<16xf32>
        %swap3A_673 = arith.index_cast %add3A_641 : i32 to index
        %swap3A_674 = arith.constant 48 : index
        %swap3A_675 = tpu.vector_load %arg14[%swap3A_673, %swap3A_674] {strides = array<i32>} : memref<128x64xf32, #tpu.memory_space<vmem>>, vector<1x16xf32>,
        %swap3A_676 = vector.shape_cast %swap3A_675 : vector<1x16xf32> to vector<16xf32>
        %swap3A_677 = vector.shape_cast %get3A_672 : vector<16xf32> to vector<1x16xf32>
        tpu.vector_store %arg14[%swap3A_673, %swap3A_674], %swap3A_677 {add = true, strides = array<i32>} : memref<128x64xf32, #tpu.memory_space<vmem>>, vector<1x16xf32>,
      }
      %scan3A_464 = arith.constant 125 : i32
      %dma_start3A_465 = arith.constant 0 : i32
      %dma_start3A_466 = arith.constant 0 : i32
      %dma_start3A_467 = tpu.memref_slice %arg14[%dma_start3A_465, %dma_start3A_466] : memref<128x64xf32, #tpu.memory_space<vmem>> -> memref<125x64xf32, #tpu.memory_space<vmem>>
      %dma_start3A_468 = arith.constant 0 : i32
      %dma_start3A_469 = arith.constant 0 : i32
      %dma_start3A_470 = tpu.memref_slice %arg37[%dma_start3A_468, %dma_start3A_469] : memref<10000x64xf32, #tpu.memory_space<vmem_shared>> -> memref<10000x64xf32, #tpu.memory_space<vmem_shared>>
      tpu.enqueue_indirect_dma source(%dma_start3A_467 : memref<125x64xf32, #tpu.memory_space<vmem>>) target(%dma_start3A_470 : memref<10000x64xf32, #tpu.memory_space<vmem_shared>>) offsets(%arg18 : memref<125xi32, #tpu.memory_space<vmem>>) semaphore(%arg34 : memref<!tpu.dma_semaphore, #tpu.memory_space<semaphore_mem>>) {add = true}
    }
    %scan3A_147 = arith.constant 39 : i32
    %add3A_148 = arith.constant 160 : i32
    %add3A_149 = arith.addi %mul3A_0, %add3A_148 : i32
    %sub3A_150 = arith.constant 2 : i32
    %sub3A_151 = arith.subi %add3A_149, %sub3A_150 : i32
    %mul3A_152 = arith.constant 125 : i32
    %mul3A_153 = arith.muli %sub3A_151, %mul3A_152 : i32
    %dma_wait3A_154 = tpu.memref_slice %arg5[%mul3A_153, %mul3A_10] : memref<320000x128xf32, #tpu.memory_space<hbm>> -> memref<125x64xf32, #tpu.memory_space<hbm>>
    %dma_wait3A_155 = tpu.memref_slice %arg5[%mul3A_153, %mul3A_10] : memref<320000x128xf32, #tpu.memory_space<hbm>> -> memref<125x64xf32, #tpu.memory_space<hbm>>
    tpu.wait_dma2 semaphore(%arg23 : memref<!tpu.dma_semaphore, #tpu.memory_space<semaphore_mem>>) src(%dma_wait3A_155 : memref<125x64xf32, #tpu.memory_space<hbm>>) dst(%arg11 : memref<125x64xf32, #tpu.memory_space<vmem>>)
    %sub3A_156 = arith.subi %sub3A_151, %mul3A_0 : i32
    %dma_wait3A_157 = arith.constant 0 : i32
    %dma_wait3A_158 = tpu.memref_slice %arg8[%sub3A_156, %dma_wait3A_157] : memref<160x128xi32, #tpu.memory_space<vmem>> -> memref<1x128xi32, #tpu.memory_space<vmem>>
    %dma_wait3A_159 = tpu.memref_squeeze %dma_wait3A_158 : memref<1x128xi32, #tpu.memory_space<vmem>> -> memref<128xi32, #tpu.memory_space<vmem>>
    %dma_wait3A_160 = arith.constant 0 : i32
    %dma_wait3A_161 = arith.constant 0 : i32
    %dma_wait3A_162 = tpu.memref_slice %arg2[%dma_wait3A_160, %dma_wait3A_161] : memref<20000x64xf32, #tpu.memory_space<hbm>> -> memref<20000x64xf32, #tpu.memory_space<hbm>>
    tpu.wait_indirect_dma semaphore(%arg27 : memref<!tpu.dma_semaphore, #tpu.memory_space<semaphore_mem>>) src(%dma_wait3A_162 : memref<20000x64xf32, #tpu.memory_space<hbm>>) dst(%arg15 : memref<128x64xf32, #tpu.memory_space<vmem>>)
    %dma_wait3A_163 = arith.constant 0 : i32
    %dma_wait3A_164 = tpu.memref_slice %arg4[%sub3A_151, %dma_wait3A_163] : memref<2560x125xi32, #tpu.memory_space<hbm>> -> memref<1x125xi32, #tpu.memory_space<hbm>>
    %dma_wait3A_165 = tpu.memref_squeeze %dma_wait3A_164 : memref<1x125xi32, #tpu.memory_space<hbm>> -> memref<125xi32, #tpu.memory_space<hbm>>
    %dma_wait3A_166 = arith.constant 0 : i32
    %dma_wait3A_167 = tpu.memref_slice %arg4[%sub3A_151, %dma_wait3A_166] : memref<2560x125xi32, #tpu.memory_space<hbm>> -> memref<1x125xi32, #tpu.memory_space<hbm>>
    %dma_wait3A_168 = tpu.memref_squeeze %dma_wait3A_167 : memref<1x125xi32, #tpu.memory_space<hbm>> -> memref<125xi32, #tpu.memory_space<hbm>>
    tpu.wait_dma2 semaphore(%arg31 : memref<!tpu.dma_semaphore, #tpu.memory_space<semaphore_mem>>) src(%dma_wait3A_168 : memref<125xi32, #tpu.memory_space<hbm>>) dst(%arg19 : memref<125xi32, #tpu.memory_space<vmem>>)
    %scan3A_169 = arith.constant 0 : i32
    %scan3A_170 = arith.constant 125 : i32
    %scan3A_171 = arith.addi %scan3A_169, %scan3A_170 : i32
    %scan3A_172 = arith.constant 5 : i32
    scf.for %scan3A_241 = %scan3A_169 to %scan3A_171 step %scan3A_172  : i32 {
      %mul3A_242 = arith.constant 1 : i32
      %mul3A_243 = arith.muli %scan3A_241, %mul3A_242 : i32
      %add3A_244 = arith.constant 0 : i32
      %add3A_245 = arith.addi %add3A_244, %mul3A_243 : i32
      %get3A = arith.index_cast %add3A_245 : i32 to index
      %get3A_246 = arith.constant 0 : index
      %get3A_247 = tpu.vector_load %arg11[%get3A, %get3A_246] {strides = array<i32>} : memref<125x64xf32, #tpu.memory_space<vmem>>, vector<1x16xf32>,
      %get3A_248 = vector.shape_cast %get3A_247 : vector<1x16xf32> to vector<16xf32>
      %swap3A = arith.index_cast %add3A_245 : i32 to index
      %swap3A_249 = arith.constant 0 : index
      %swap3A_250 = tpu.vector_load %arg15[%swap3A, %swap3A_249] {strides = array<i32>} : memref<128x64xf32, #tpu.memory_space<vmem>>, vector<1x16xf32>,
      %swap3A_251 = vector.shape_cast %swap3A_250 : vector<1x16xf32> to vector<16xf32>
      %swap3A_252 = vector.shape_cast %get3A_248 : vector<16xf32> to vector<1x16xf32>
      tpu.vector_store %arg15[%swap3A, %swap3A_249], %swap3A_252 {add = true, strides = array<i32>} : memref<128x64xf32, #tpu.memory_space<vmem>>, vector<1x16xf32>,
      %get3A_253 = arith.index_cast %add3A_245 : i32 to index
      %get3A_254 = arith.constant 16 : index
      %get3A_255 = tpu.vector_load %arg11[%get3A_253, %get3A_254] {strides = array<i32>} : memref<125x64xf32, #tpu.memory_space<vmem>>, vector<1x16xf32>,
      %get3A_256 = vector.shape_cast %get3A_255 : vector<1x16xf32> to vector<16xf32>
      %swap3A_257 = arith.index_cast %add3A_245 : i32 to index
      %swap3A_258 = arith.constant 16 : index
      %swap3A_259 = tpu.vector_load %arg15[%swap3A_257, %swap3A_258] {strides = array<i32>} : memref<128x64xf32, #tpu.memory_space<vmem>>, vector<1x16xf32>,
      %swap3A_260 = vector.shape_cast %swap3A_259 : vector<1x16xf32> to vector<16xf32>
      %swap3A_261 = vector.shape_cast %get3A_256 : vector<16xf32> to vector<1x16xf32>
      tpu.vector_store %arg15[%swap3A_257, %swap3A_258], %swap3A_261 {add = true, strides = array<i32>} : memref<128x64xf32, #tpu.memory_space<vmem>>, vector<1x16xf32>,
      %get3A_262 = arith.index_cast %add3A_245 : i32 to index
      %get3A_263 = arith.constant 32 : index
      %get3A_264 = tpu.vector_load %arg11[%get3A_262, %get3A_263] {strides = array<i32>} : memref<125x64xf32, #tpu.memory_space<vmem>>, vector<1x16xf32>,
      %get3A_265 = vector.shape_cast %get3A_264 : vector<1x16xf32> to vector<16xf32>
      %swap3A_266 = arith.index_cast %add3A_245 : i32 to index
      %swap3A_267 = arith.constant 32 : index
      %swap3A_268 = tpu.vector_load %arg15[%swap3A_266, %swap3A_267] {strides = array<i32>} : memref<128x64xf32, #tpu.memory_space<vmem>>, vector<1x16xf32>,
      %swap3A_269 = vector.shape_cast %swap3A_268 : vector<1x16xf32> to vector<16xf32>
      %swap3A_270 = vector.shape_cast %get3A_265 : vector<16xf32> to vector<1x16xf32>
      tpu.vector_store %arg15[%swap3A_266, %swap3A_267], %swap3A_270 {add = true, strides = array<i32>} : memref<128x64xf32, #tpu.memory_space<vmem>>, vector<1x16xf32>,
      %get3A_271 = arith.index_cast %add3A_245 : i32 to index
      %get3A_272 = arith.constant 48 : index
      %get3A_273 = tpu.vector_load %arg11[%get3A_271, %get3A_272] {strides = array<i32>} : memref<125x64xf32, #tpu.memory_space<vmem>>, vector<1x16xf32>,
      %get3A_274 = vector.shape_cast %get3A_273 : vector<1x16xf32> to vector<16xf32>
      %swap3A_275 = arith.index_cast %add3A_245 : i32 to index
      %swap3A_276 = arith.constant 48 : index
      %swap3A_277 = tpu.vector_load %arg15[%swap3A_275, %swap3A_276] {strides = array<i32>} : memref<128x64xf32, #tpu.memory_space<vmem>>, vector<1x16xf32>,
      %swap3A_278 = vector.shape_cast %swap3A_277 : vector<1x16xf32> to vector<16xf32>
      %swap3A_279 = vector.shape_cast %get3A_274 : vector<16xf32> to vector<1x16xf32>
      tpu.vector_store %arg15[%swap3A_275, %swap3A_276], %swap3A_279 {add = true, strides = array<i32>} : memref<128x64xf32, #tpu.memory_space<vmem>>, vector<1x16xf32>,
      %scan3A_280 = arith.constant 1 : i32
      %scan3A_281 = arith.addi %scan3A_241, %scan3A_280 : i32
      %mul3A_282 = arith.constant 1 : i32
      %mul3A_283 = arith.muli %scan3A_281, %mul3A_282 : i32
      %add3A_284 = arith.constant 0 : i32
      %add3A_285 = arith.addi %add3A_284, %mul3A_283 : i32
      %get3A_286 = arith.index_cast %add3A_285 : i32 to index
      %get3A_287 = arith.constant 0 : index
      %get3A_288 = tpu.vector_load %arg11[%get3A_286, %get3A_287] {strides = array<i32>} : memref<125x64xf32, #tpu.memory_space<vmem>>, vector<1x16xf32>,
      %get3A_289 = vector.shape_cast %get3A_288 : vector<1x16xf32> to vector<16xf32>
      %swap3A_290 = arith.index_cast %add3A_285 : i32 to index
      %swap3A_291 = arith.constant 0 : index
      %swap3A_292 = tpu.vector_load %arg15[%swap3A_290, %swap3A_291] {strides = array<i32>} : memref<128x64xf32, #tpu.memory_space<vmem>>, vector<1x16xf32>,
      %swap3A_293 = vector.shape_cast %swap3A_292 : vector<1x16xf32> to vector<16xf32>
      %swap3A_294 = vector.shape_cast %get3A_289 : vector<16xf32> to vector<1x16xf32>
      tpu.vector_store %arg15[%swap3A_290, %swap3A_291], %swap3A_294 {add = true, strides = array<i32>} : memref<128x64xf32, #tpu.memory_space<vmem>>, vector<1x16xf32>,
      %get3A_295 = arith.index_cast %add3A_285 : i32 to index
      %get3A_296 = arith.constant 16 : index
      %get3A_297 = tpu.vector_load %arg11[%get3A_295, %get3A_296] {strides = array<i32>} : memref<125x64xf32, #tpu.memory_space<vmem>>, vector<1x16xf32>,
      %get3A_298 = vector.shape_cast %get3A_297 : vector<1x16xf32> to vector<16xf32>
      %swap3A_299 = arith.index_cast %add3A_285 : i32 to index
      %swap3A_300 = arith.constant 16 : index
      %swap3A_301 = tpu.vector_load %arg15[%swap3A_299, %swap3A_300] {strides = array<i32>} : memref<128x64xf32, #tpu.memory_space<vmem>>, vector<1x16xf32>,
      %swap3A_302 = vector.shape_cast %swap3A_301 : vector<1x16xf32> to vector<16xf32>
      %swap3A_303 = vector.shape_cast %get3A_298 : vector<16xf32> to vector<1x16xf32>
      tpu.vector_store %arg15[%swap3A_299, %swap3A_300], %swap3A_303 {add = true, strides = array<i32>} : memref<128x64xf32, #tpu.memory_space<vmem>>, vector<1x16xf32>,
      %get3A_304 = arith.index_cast %add3A_285 : i32 to index
      %get3A_305 = arith.constant 32 : index
      %get3A_306 = tpu.vector_load %arg11[%get3A_304, %get3A_305] {strides = array<i32>} : memref<125x64xf32, #tpu.memory_space<vmem>>, vector<1x16xf32>,
      %get3A_307 = vector.shape_cast %get3A_306 : vector<1x16xf32> to vector<16xf32>
      %swap3A_308 = arith.index_cast %add3A_285 : i32 to index
      %swap3A_309 = arith.constant 32 : index
      %swap3A_310 = tpu.vector_load %arg15[%swap3A_308, %swap3A_309] {strides = array<i32>} : memref<128x64xf32, #tpu.memory_space<vmem>>, vector<1x16xf32>,
      %swap3A_311 = vector.shape_cast %swap3A_310 : vector<1x16xf32> to vector<16xf32>
      %swap3A_312 = vector.shape_cast %get3A_307 : vector<16xf32> to vector<1x16xf32>
      tpu.vector_store %arg15[%swap3A_308, %swap3A_309], %swap3A_312 {add = true, strides = array<i32>} : memref<128x64xf32, #tpu.memory_space<vmem>>, vector<1x16xf32>,
      %get3A_313 = arith.index_cast %add3A_285 : i32 to index
      %get3A_314 = arith.constant 48 : index
      %get3A_315 = tpu.vector_load %arg11[%get3A_313, %get3A_314] {strides = array<i32>} : memref<125x64xf32, #tpu.memory_space<vmem>>, vector<1x16xf32>,
      %get3A_316 = vector.shape_cast %get3A_315 : vector<1x16xf32> to vector<16xf32>
      %swap3A_317 = arith.index_cast %add3A_285 : i32 to index
      %swap3A_318 = arith.constant 48 : index
      %swap3A_319 = tpu.vector_load %arg15[%swap3A_317, %swap3A_318] {strides = array<i32>} : memref<128x64xf32, #tpu.memory_space<vmem>>, vector<1x16xf32>,
      %swap3A_320 = vector.shape_cast %swap3A_319 : vector<1x16xf32> to vector<16xf32>
      %swap3A_321 = vector.shape_cast %get3A_316 : vector<16xf32> to vector<1x16xf32>
      tpu.vector_store %arg15[%swap3A_317, %swap3A_318], %swap3A_321 {add = true, strides = array<i32>} : memref<128x64xf32, #tpu.memory_space<vmem>>, vector<1x16xf32>,
      %scan3A_322 = arith.constant 2 : i32
      %scan3A_323 = arith.addi %scan3A_241, %scan3A_322 : i32
      %mul3A_324 = arith.constant 1 : i32
      %mul3A_325 = arith.muli %scan3A_323, %mul3A_324 : i32
      %add3A_326 = arith.constant 0 : i32
      %add3A_327 = arith.addi %add3A_326, %mul3A_325 : i32
      %get3A_328 = arith.index_cast %add3A_327 : i32 to index
      %get3A_329 = arith.constant 0 : index
      %get3A_330 = tpu.vector_load %arg11[%get3A_328, %get3A_329] {strides = array<i32>} : memref<125x64xf32, #tpu.memory_space<vmem>>, vector<1x16xf32>,
      %get3A_331 = vector.shape_cast %get3A_330 : vector<1x16xf32> to vector<16xf32>
      %swap3A_332 = arith.index_cast %add3A_327 : i32 to index
      %swap3A_333 = arith.constant 0 : index
      %swap3A_334 = tpu.vector_load %arg15[%swap3A_332, %swap3A_333] {strides = array<i32>} : memref<128x64xf32, #tpu.memory_space<vmem>>, vector<1x16xf32>,
      %swap3A_335 = vector.shape_cast %swap3A_334 : vector<1x16xf32> to vector<16xf32>
      %swap3A_336 = vector.shape_cast %get3A_331 : vector<16xf32> to vector<1x16xf32>
      tpu.vector_store %arg15[%swap3A_332, %swap3A_333], %swap3A_336 {add = true, strides = array<i32>} : memref<128x64xf32, #tpu.memory_space<vmem>>, vector<1x16xf32>,
      %get3A_337 = arith.index_cast %add3A_327 : i32 to index
      %get3A_338 = arith.constant 16 : index
      %get3A_339 = tpu.vector_load %arg11[%get3A_337, %get3A_338] {strides = array<i32>} : memref<125x64xf32, #tpu.memory_space<vmem>>, vector<1x16xf32>,
      %get3A_340 = vector.shape_cast %get3A_339 : vector<1x16xf32> to vector<16xf32>
      %swap3A_341 = arith.index_cast %add3A_327 : i32 to index
      %swap3A_342 = arith.constant 16 : index
      %swap3A_343 = tpu.vector_load %arg15[%swap3A_341, %swap3A_342] {strides = array<i32>} : memref<128x64xf32, #tpu.memory_space<vmem>>, vector<1x16xf32>,
      %swap3A_344 = vector.shape_cast %swap3A_343 : vector<1x16xf32> to vector<16xf32>
      %swap3A_345 = vector.shape_cast %get3A_340 : vector<16xf32> to vector<1x16xf32>
      tpu.vector_store %arg15[%swap3A_341, %swap3A_342], %swap3A_345 {add = true, strides = array<i32>} : memref<128x64xf32, #tpu.memory_space<vmem>>, vector<1x16xf32>,
      %get3A_346 = arith.index_cast %add3A_327 : i32 to index
      %get3A_347 = arith.constant 32 : index
      %get3A_348 = tpu.vector_load %arg11[%get3A_346, %get3A_347] {strides = array<i32>} : memref<125x64xf32, #tpu.memory_space<vmem>>, vector<1x16xf32>,
      %get3A_349 = vector.shape_cast %get3A_348 : vector<1x16xf32> to vector<16xf32>
      %swap3A_350 = arith.index_cast %add3A_327 : i32 to index
      %swap3A_351 = arith.constant 32 : index
      %swap3A_352 = tpu.vector_load %arg15[%swap3A_350, %swap3A_351] {strides = array<i32>} : memref<128x64xf32, #tpu.memory_space<vmem>>, vector<1x16xf32>,
      %swap3A_353 = vector.shape_cast %swap3A_352 : vector<1x16xf32> to vector<16xf32>
      %swap3A_354 = vector.shape_cast %get3A_349 : vector<16xf32> to vector<1x16xf32>
      tpu.vector_store %arg15[%swap3A_350, %swap3A_351], %swap3A_354 {add = true, strides = array<i32>} : memref<128x64xf32, #tpu.memory_space<vmem>>, vector<1x16xf32>,
      %get3A_355 = arith.index_cast %add3A_327 : i32 to index
      %get3A_356 = arith.constant 48 : index
      %get3A_357 = tpu.vector_load %arg11[%get3A_355, %get3A_356] {strides = array<i32>} : memref<125x64xf32, #tpu.memory_space<vmem>>, vector<1x16xf32>,
      %get3A_358 = vector.shape_cast %get3A_357 : vector<1x16xf32> to vector<16xf32>
      %swap3A_359 = arith.index_cast %add3A_327 : i32 to index
      %swap3A_360 = arith.constant 48 : index
      %swap3A_361 = tpu.vector_load %arg15[%swap3A_359, %swap3A_360] {strides = array<i32>} : memref<128x64xf32, #tpu.memory_space<vmem>>, vector<1x16xf32>,
      %swap3A_362 = vector.shape_cast %swap3A_361 : vector<1x16xf32> to vector<16xf32>
      %swap3A_363 = vector.shape_cast %get3A_358 : vector<16xf32> to vector<1x16xf32>
      tpu.vector_store %arg15[%swap3A_359, %swap3A_360], %swap3A_363 {add = true, strides = array<i32>} : memref<128x64xf32, #tpu.memory_space<vmem>>, vector<1x16xf32>,
      %scan3A_364 = arith.constant 3 : i32
      %scan3A_365 = arith.addi %scan3A_241, %scan3A_364 : i32
      %mul3A_366 = arith.constant 1 : i32
      %mul3A_367 = arith.muli %scan3A_365, %mul3A_366 : i32
      %add3A_368 = arith.constant 0 : i32
      %add3A_369 = arith.addi %add3A_368, %mul3A_367 : i32
      %get3A_370 = arith.index_cast %add3A_369 : i32 to index
      %get3A_371 = arith.constant 0 : index
      %get3A_372 = tpu.vector_load %arg11[%get3A_370, %get3A_371] {strides = array<i32>} : memref<125x64xf32, #tpu.memory_space<vmem>>, vector<1x16xf32>,
      %get3A_373 = vector.shape_cast %get3A_372 : vector<1x16xf32> to vector<16xf32>
      %swap3A_374 = arith.index_cast %add3A_369 : i32 to index
      %swap3A_375 = arith.constant 0 : index
      %swap3A_376 = tpu.vector_load %arg15[%swap3A_374, %swap3A_375] {strides = array<i32>} : memref<128x64xf32, #tpu.memory_space<vmem>>, vector<1x16xf32>,
      %swap3A_377 = vector.shape_cast %swap3A_376 : vector<1x16xf32> to vector<16xf32>
      %swap3A_378 = vector.shape_cast %get3A_373 : vector<16xf32> to vector<1x16xf32>
      tpu.vector_store %arg15[%swap3A_374, %swap3A_375], %swap3A_378 {add = true, strides = array<i32>} : memref<128x64xf32, #tpu.memory_space<vmem>>, vector<1x16xf32>,
      %get3A_379 = arith.index_cast %add3A_369 : i32 to index
      %get3A_380 = arith.constant 16 : index
      %get3A_381 = tpu.vector_load %arg11[%get3A_379, %get3A_380] {strides = array<i32>} : memref<125x64xf32, #tpu.memory_space<vmem>>, vector<1x16xf32>,
      %get3A_382 = vector.shape_cast %get3A_381 : vector<1x16xf32> to vector<16xf32>
      %swap3A_383 = arith.index_cast %add3A_369 : i32 to index
      %swap3A_384 = arith.constant 16 : index
      %swap3A_385 = tpu.vector_load %arg15[%swap3A_383, %swap3A_384] {strides = array<i32>} : memref<128x64xf32, #tpu.memory_space<vmem>>, vector<1x16xf32>,
      %swap3A_386 = vector.shape_cast %swap3A_385 : vector<1x16xf32> to vector<16xf32>
      %swap3A_387 = vector.shape_cast %get3A_382 : vector<16xf32> to vector<1x16xf32>
      tpu.vector_store %arg15[%swap3A_383, %swap3A_384], %swap3A_387 {add = true, strides = array<i32>} : memref<128x64xf32, #tpu.memory_space<vmem>>, vector<1x16xf32>,
      %get3A_388 = arith.index_cast %add3A_369 : i32 to index
      %get3A_389 = arith.constant 32 : index
      %get3A_390 = tpu.vector_load %arg11[%get3A_388, %get3A_389] {strides = array<i32>} : memref<125x64xf32, #tpu.memory_space<vmem>>, vector<1x16xf32>,
      %get3A_391 = vector.shape_cast %get3A_390 : vector<1x16xf32> to vector<16xf32>
      %swap3A_392 = arith.index_cast %add3A_369 : i32 to index
      %swap3A_393 = arith.constant 32 : index
      %swap3A_394 = tpu.vector_load %arg15[%swap3A_392, %swap3A_393] {strides = array<i32>} : memref<128x64xf32, #tpu.memory_space<vmem>>, vector<1x16xf32>,
      %swap3A_395 = vector.shape_cast %swap3A_394 : vector<1x16xf32> to vector<16xf32>
      %swap3A_396 = vector.shape_cast %get3A_391 : vector<16xf32> to vector<1x16xf32>
      tpu.vector_store %arg15[%swap3A_392, %swap3A_393], %swap3A_396 {add = true, strides = array<i32>} : memref<128x64xf32, #tpu.memory_space<vmem>>, vector<1x16xf32>,
      %get3A_397 = arith.index_cast %add3A_369 : i32 to index
      %get3A_398 = arith.constant 48 : index
      %get3A_399 = tpu.vector_load %arg11[%get3A_397, %get3A_398] {strides = array<i32>} : memref<125x64xf32, #tpu.memory_space<vmem>>, vector<1x16xf32>,
      %get3A_400 = vector.shape_cast %get3A_399 : vector<1x16xf32> to vector<16xf32>
      %swap3A_401 = arith.index_cast %add3A_369 : i32 to index
      %swap3A_402 = arith.constant 48 : index
      %swap3A_403 = tpu.vector_load %arg15[%swap3A_401, %swap3A_402] {strides = array<i32>} : memref<128x64xf32, #tpu.memory_space<vmem>>, vector<1x16xf32>,
      %swap3A_404 = vector.shape_cast %swap3A_403 : vector<1x16xf32> to vector<16xf32>
      %swap3A_405 = vector.shape_cast %get3A_400 : vector<16xf32> to vector<1x16xf32>
      tpu.vector_store %arg15[%swap3A_401, %swap3A_402], %swap3A_405 {add = true, strides = array<i32>} : memref<128x64xf32, #tpu.memory_space<vmem>>, vector<1x16xf32>,
      %scan3A_406 = arith.constant 4 : i32
      %scan3A_407 = arith.addi %scan3A_241, %scan3A_406 : i32
      %mul3A_408 = arith.constant 1 : i32
      %mul3A_409 = arith.muli %scan3A_407, %mul3A_408 : i32
      %add3A_410 = arith.constant 0 : i32
      %add3A_411 = arith.addi %add3A_410, %mul3A_409 : i32
      %get3A_412 = arith.index_cast %add3A_411 : i32 to index
      %get3A_413 = arith.constant 0 : index
      %get3A_414 = tpu.vector_load %arg11[%get3A_412, %get3A_413] {strides = array<i32>} : memref<125x64xf32, #tpu.memory_space<vmem>>, vector<1x16xf32>,
      %get3A_415 = vector.shape_cast %get3A_414 : vector<1x16xf32> to vector<16xf32>
      %swap3A_416 = arith.index_cast %add3A_411 : i32 to index
      %swap3A_417 = arith.constant 0 : index
      %swap3A_418 = tpu.vector_load %arg15[%swap3A_416, %swap3A_417] {strides = array<i32>} : memref<128x64xf32, #tpu.memory_space<vmem>>, vector<1x16xf32>,
      %swap3A_419 = vector.shape_cast %swap3A_418 : vector<1x16xf32> to vector<16xf32>
      %swap3A_420 = vector.shape_cast %get3A_415 : vector<16xf32> to vector<1x16xf32>
      tpu.vector_store %arg15[%swap3A_416, %swap3A_417], %swap3A_420 {add = true, strides = array<i32>} : memref<128x64xf32, #tpu.memory_space<vmem>>, vector<1x16xf32>,
      %get3A_421 = arith.index_cast %add3A_411 : i32 to index
      %get3A_422 = arith.constant 16 : index
      %get3A_423 = tpu.vector_load %arg11[%get3A_421, %get3A_422] {strides = array<i32>} : memref<125x64xf32, #tpu.memory_space<vmem>>, vector<1x16xf32>,
      %get3A_424 = vector.shape_cast %get3A_423 : vector<1x16xf32> to vector<16xf32>
      %swap3A_425 = arith.index_cast %add3A_411 : i32 to index
      %swap3A_426 = arith.constant 16 : index
      %swap3A_427 = tpu.vector_load %arg15[%swap3A_425, %swap3A_426] {strides = array<i32>} : memref<128x64xf32, #tpu.memory_space<vmem>>, vector<1x16xf32>,
      %swap3A_428 = vector.shape_cast %swap3A_427 : vector<1x16xf32> to vector<16xf32>
      %swap3A_429 = vector.shape_cast %get3A_424 : vector<16xf32> to vector<1x16xf32>
      tpu.vector_store %arg15[%swap3A_425, %swap3A_426], %swap3A_429 {add = true, strides = array<i32>} : memref<128x64xf32, #tpu.memory_space<vmem>>, vector<1x16xf32>,
      %get3A_430 = arith.index_cast %add3A_411 : i32 to index
      %get3A_431 = arith.constant 32 : index
      %get3A_432 = tpu.vector_load %arg11[%get3A_430, %get3A_431] {strides = array<i32>} : memref<125x64xf32, #tpu.memory_space<vmem>>, vector<1x16xf32>,
      %get3A_433 = vector.shape_cast %get3A_432 : vector<1x16xf32> to vector<16xf32>
      %swap3A_434 = arith.index_cast %add3A_411 : i32 to index
      %swap3A_435 = arith.constant 32 : index
      %swap3A_436 = tpu.vector_load %arg15[%swap3A_434, %swap3A_435] {strides = array<i32>} : memref<128x64xf32, #tpu.memory_space<vmem>>, vector<1x16xf32>,
      %swap3A_437 = vector.shape_cast %swap3A_436 : vector<1x16xf32> to vector<16xf32>
      %swap3A_438 = vector.shape_cast %get3A_433 : vector<16xf32> to vector<1x16xf32>
      tpu.vector_store %arg15[%swap3A_434, %swap3A_435], %swap3A_438 {add = true, strides = array<i32>} : memref<128x64xf32, #tpu.memory_space<vmem>>, vector<1x16xf32>,
      %get3A_439 = arith.index_cast %add3A_411 : i32 to index
      %get3A_440 = arith.constant 48 : index
      %get3A_441 = tpu.vector_load %arg11[%get3A_439, %get3A_440] {strides = array<i32>} : memref<125x64xf32, #tpu.memory_space<vmem>>, vector<1x16xf32>,
      %get3A_442 = vector.shape_cast %get3A_441 : vector<1x16xf32> to vector<16xf32>
      %swap3A_443 = arith.index_cast %add3A_411 : i32 to index
      %swap3A_444 = arith.constant 48 : index
      %swap3A_445 = tpu.vector_load %arg15[%swap3A_443, %swap3A_444] {strides = array<i32>} : memref<128x64xf32, #tpu.memory_space<vmem>>, vector<1x16xf32>,
      %swap3A_446 = vector.shape_cast %swap3A_445 : vector<1x16xf32> to vector<16xf32>
      %swap3A_447 = vector.shape_cast %get3A_442 : vector<16xf32> to vector<1x16xf32>
      tpu.vector_store %arg15[%swap3A_443, %swap3A_444], %swap3A_447 {add = true, strides = array<i32>} : memref<128x64xf32, #tpu.memory_space<vmem>>, vector<1x16xf32>,
    }
    %scan3A_173 = arith.constant 125 : i32
    %dma_start3A_174 = arith.constant 0 : i32
    %dma_start3A_175 = arith.constant 0 : i32
    %dma_start3A_176 = tpu.memref_slice %arg15[%dma_start3A_174, %dma_start3A_175] : memref<128x64xf32, #tpu.memory_space<vmem>> -> memref<125x64xf32, #tpu.memory_space<vmem>>
    %dma_start3A_177 = arith.constant 0 : i32
    %dma_start3A_178 = arith.constant 0 : i32
    %dma_start3A_179 = tpu.memref_slice %arg37[%dma_start3A_177, %dma_start3A_178] : memref<10000x64xf32, #tpu.memory_space<vmem_shared>> -> memref<10000x64xf32, #tpu.memory_space<vmem_shared>>
    tpu.enqueue_indirect_dma source(%dma_start3A_176 : memref<125x64xf32, #tpu.memory_space<vmem>>) target(%dma_start3A_179 : memref<10000x64xf32, #tpu.memory_space<vmem_shared>>) offsets(%arg19 : memref<125xi32, #tpu.memory_space<vmem>>) semaphore(%arg35 : memref<!tpu.dma_semaphore, #tpu.memory_space<semaphore_mem>>) {add = true}
    %add3A_180 = arith.constant 160 : i32
    %add3A_181 = arith.addi %mul3A_0, %add3A_180 : i32
    %sub3A_182 = arith.constant 1 : i32
    %sub3A_183 = arith.subi %add3A_181, %sub3A_182 : i32
    %mul3A_184 = arith.constant 125 : i32
    %mul3A_185 = arith.muli %sub3A_183, %mul3A_184 : i32
    %dma_wait3A_186 = tpu.memref_slice %arg5[%mul3A_185, %mul3A_10] : memref<320000x128xf32, #tpu.memory_space<hbm>> -> memref<125x64xf32, #tpu.memory_space<hbm>>
    %dma_wait3A_187 = tpu.memref_slice %arg5[%mul3A_185, %mul3A_10] : memref<320000x128xf32, #tpu.memory_space<hbm>> -> memref<125x64xf32, #tpu.memory_space<hbm>>
    tpu.wait_dma2 semaphore(%arg24 : memref<!tpu.dma_semaphore, #tpu.memory_space<semaphore_mem>>) src(%dma_wait3A_187 : memref<125x64xf32, #tpu.memory_space<hbm>>) dst(%arg12 : memref<125x64xf32, #tpu.memory_space<vmem>>)
    %sub3A_188 = arith.subi %sub3A_183, %mul3A_0 : i32
    %dma_wait3A_189 = arith.constant 0 : i32
    %dma_wait3A_190 = tpu.memref_slice %arg8[%sub3A_188, %dma_wait3A_189] : memref<160x128xi32, #tpu.memory_space<vmem>> -> memref<1x128xi32, #tpu.memory_space<vmem>>
    %dma_wait3A_191 = tpu.memref_squeeze %dma_wait3A_190 : memref<1x128xi32, #tpu.memory_space<vmem>> -> memref<128xi32, #tpu.memory_space<vmem>>
    %dma_wait3A_192 = arith.constant 0 : i32
    %dma_wait3A_193 = arith.constant 0 : i32
    %dma_wait3A_194 = tpu.memref_slice %arg2[%dma_wait3A_192, %dma_wait3A_193] : memref<20000x64xf32, #tpu.memory_space<hbm>> -> memref<20000x64xf32, #tpu.memory_space<hbm>>
    tpu.wait_indirect_dma semaphore(%arg28 : memref<!tpu.dma_semaphore, #tpu.memory_space<semaphore_mem>>) src(%dma_wait3A_194 : memref<20000x64xf32, #tpu.memory_space<hbm>>) dst(%arg16 : memref<128x64xf32, #tpu.memory_space<vmem>>)
    %dma_wait3A_195 = arith.constant 0 : i32
    %dma_wait3A_196 = tpu.memref_slice %arg4[%sub3A_183, %dma_wait3A_195] : memref<2560x125xi32, #tpu.memory_space<hbm>> -> memref<1x125xi32, #tpu.memory_space<hbm>>
    %dma_wait3A_197 = tpu.memref_squeeze %dma_wait3A_196 : memref<1x125xi32, #tpu.memory_space<hbm>> -> memref<125xi32, #tpu.memory_space<hbm>>
    %dma_wait3A_198 = arith.constant 0 : i32
    %dma_wait3A_199 = tpu.memref_slice %arg4[%sub3A_183, %dma_wait3A_198] : memref<2560x125xi32, #tpu.memory_space<hbm>> -> memref<1x125xi32, #tpu.memory_space<hbm>>
    %dma_wait3A_200 = tpu.memref_squeeze %dma_wait3A_199 : memref<1x125xi32, #tpu.memory_space<hbm>> -> memref<125xi32, #tpu.memory_space<hbm>>
    tpu.wait_dma2 semaphore(%arg32 : memref<!tpu.dma_semaphore, #tpu.memory_space<semaphore_mem>>) src(%dma_wait3A_200 : memref<125xi32, #tpu.memory_space<hbm>>) dst(%arg20 : memref<125xi32, #tpu.memory_space<vmem>>)
    %scan3A_201 = arith.constant 0 : i32
    %scan3A_202 = arith.constant 125 : i32
    %scan3A_203 = arith.addi %scan3A_201, %scan3A_202 : i32
    %scan3A_204 = arith.constant 5 : i32
    scf.for %scan3A_241 = %scan3A_201 to %scan3A_203 step %scan3A_204  : i32 {
      %mul3A_242 = arith.constant 1 : i32
      %mul3A_243 = arith.muli %scan3A_241, %mul3A_242 : i32
      %add3A_244 = arith.constant 0 : i32
      %add3A_245 = arith.addi %add3A_244, %mul3A_243 : i32
      %get3A = arith.index_cast %add3A_245 : i32 to index
      %get3A_246 = arith.constant 0 : index
      %get3A_247 = tpu.vector_load %arg12[%get3A, %get3A_246] {strides = array<i32>} : memref<125x64xf32, #tpu.memory_space<vmem>>, vector<1x16xf32>,
      %get3A_248 = vector.shape_cast %get3A_247 : vector<1x16xf32> to vector<16xf32>
      %swap3A = arith.index_cast %add3A_245 : i32 to index
      %swap3A_249 = arith.constant 0 : index
      %swap3A_250 = tpu.vector_load %arg16[%swap3A, %swap3A_249] {strides = array<i32>} : memref<128x64xf32, #tpu.memory_space<vmem>>, vector<1x16xf32>,
      %swap3A_251 = vector.shape_cast %swap3A_250 : vector<1x16xf32> to vector<16xf32>
      %swap3A_252 = vector.shape_cast %get3A_248 : vector<16xf32> to vector<1x16xf32>
      tpu.vector_store %arg16[%swap3A, %swap3A_249], %swap3A_252 {add = true, strides = array<i32>} : memref<128x64xf32, #tpu.memory_space<vmem>>, vector<1x16xf32>,
      %get3A_253 = arith.index_cast %add3A_245 : i32 to index
      %get3A_254 = arith.constant 16 : index
      %get3A_255 = tpu.vector_load %arg12[%get3A_253, %get3A_254] {strides = array<i32>} : memref<125x64xf32, #tpu.memory_space<vmem>>, vector<1x16xf32>,
      %get3A_256 = vector.shape_cast %get3A_255 : vector<1x16xf32> to vector<16xf32>
      %swap3A_257 = arith.index_cast %add3A_245 : i32 to index
      %swap3A_258 = arith.constant 16 : index
      %swap3A_259 = tpu.vector_load %arg16[%swap3A_257, %swap3A_258] {strides = array<i32>} : memref<128x64xf32, #tpu.memory_space<vmem>>, vector<1x16xf32>,
      %swap3A_260 = vector.shape_cast %swap3A_259 : vector<1x16xf32> to vector<16xf32>
      %swap3A_261 = vector.shape_cast %get3A_256 : vector<16xf32> to vector<1x16xf32>
      tpu.vector_store %arg16[%swap3A_257, %swap3A_258], %swap3A_261 {add = true, strides = array<i32>} : memref<128x64xf32, #tpu.memory_space<vmem>>, vector<1x16xf32>,
      %get3A_262 = arith.index_cast %add3A_245 : i32 to index
      %get3A_263 = arith.constant 32 : index
      %get3A_264 = tpu.vector_load %arg12[%get3A_262, %get3A_263] {strides = array<i32>} : memref<125x64xf32, #tpu.memory_space<vmem>>, vector<1x16xf32>,
      %get3A_265 = vector.shape_cast %get3A_264 : vector<1x16xf32> to vector<16xf32>
      %swap3A_266 = arith.index_cast %add3A_245 : i32 to index
      %swap3A_267 = arith.constant 32 : index
      %swap3A_268 = tpu.vector_load %arg16[%swap3A_266, %swap3A_267] {strides = array<i32>} : memref<128x64xf32, #tpu.memory_space<vmem>>, vector<1x16xf32>,
      %swap3A_269 = vector.shape_cast %swap3A_268 : vector<1x16xf32> to vector<16xf32>
      %swap3A_270 = vector.shape_cast %get3A_265 : vector<16xf32> to vector<1x16xf32>
      tpu.vector_store %arg16[%swap3A_266, %swap3A_267], %swap3A_270 {add = true, strides = array<i32>} : memref<128x64xf32, #tpu.memory_space<vmem>>, vector<1x16xf32>,
      %get3A_271 = arith.index_cast %add3A_245 : i32 to index
      %get3A_272 = arith.constant 48 : index
      %get3A_273 = tpu.vector_load %arg12[%get3A_271, %get3A_272] {strides = array<i32>} : memref<125x64xf32, #tpu.memory_space<vmem>>, vector<1x16xf32>,
      %get3A_274 = vector.shape_cast %get3A_273 : vector<1x16xf32> to vector<16xf32>
      %swap3A_275 = arith.index_cast %add3A_245 : i32 to index
      %swap3A_276 = arith.constant 48 : index
      %swap3A_277 = tpu.vector_load %arg16[%swap3A_275, %swap3A_276] {strides = array<i32>} : memref<128x64xf32, #tpu.memory_space<vmem>>, vector<1x16xf32>,
      %swap3A_278 = vector.shape_cast %swap3A_277 : vector<1x16xf32> to vector<16xf32>
      %swap3A_279 = vector.shape_cast %get3A_274 : vector<16xf32> to vector<1x16xf32>
      tpu.vector_store %arg16[%swap3A_275, %swap3A_276], %swap3A_279 {add = true, strides = array<i32>} : memref<128x64xf32, #tpu.memory_space<vmem>>, vector<1x16xf32>,
      %scan3A_280 = arith.constant 1 : i32
      %scan3A_281 = arith.addi %scan3A_241, %scan3A_280 : i32
      %mul3A_282 = arith.constant 1 : i32
      %mul3A_283 = arith.muli %scan3A_281, %mul3A_282 : i32
      %add3A_284 = arith.constant 0 : i32
      %add3A_285 = arith.addi %add3A_284, %mul3A_283 : i32
      %get3A_286 = arith.index_cast %add3A_285 : i32 to index
      %get3A_287 = arith.constant 0 : index
      %get3A_288 = tpu.vector_load %arg12[%get3A_286, %get3A_287] {strides = array<i32>} : memref<125x64xf32, #tpu.memory_space<vmem>>, vector<1x16xf32>,
      %get3A_289 = vector.shape_cast %get3A_288 : vector<1x16xf32> to vector<16xf32>
      %swap3A_290 = arith.index_cast %add3A_285 : i32 to index
      %swap3A_291 = arith.constant 0 : index
      %swap3A_292 = tpu.vector_load %arg16[%swap3A_290, %swap3A_291] {strides = array<i32>} : memref<128x64xf32, #tpu.memory_space<vmem>>, vector<1x16xf32>,
      %swap3A_293 = vector.shape_cast %swap3A_292 : vector<1x16xf32> to vector<16xf32>
      %swap3A_294 = vector.shape_cast %get3A_289 : vector<16xf32> to vector<1x16xf32>
      tpu.vector_store %arg16[%swap3A_290, %swap3A_291], %swap3A_294 {add = true, strides = array<i32>} : memref<128x64xf32, #tpu.memory_space<vmem>>, vector<1x16xf32>,
      %get3A_295 = arith.index_cast %add3A_285 : i32 to index
      %get3A_296 = arith.constant 16 : index
      %get3A_297 = tpu.vector_load %arg12[%get3A_295, %get3A_296] {strides = array<i32>} : memref<125x64xf32, #tpu.memory_space<vmem>>, vector<1x16xf32>,
      %get3A_298 = vector.shape_cast %get3A_297 : vector<1x16xf32> to vector<16xf32>
      %swap3A_299 = arith.index_cast %add3A_285 : i32 to index
      %swap3A_300 = arith.constant 16 : index
      %swap3A_301 = tpu.vector_load %arg16[%swap3A_299, %swap3A_300] {strides = array<i32>} : memref<128x64xf32, #tpu.memory_space<vmem>>, vector<1x16xf32>,
      %swap3A_302 = vector.shape_cast %swap3A_301 : vector<1x16xf32> to vector<16xf32>
      %swap3A_303 = vector.shape_cast %get3A_298 : vector<16xf32> to vector<1x16xf32>
      tpu.vector_store %arg16[%swap3A_299, %swap3A_300], %swap3A_303 {add = true, strides = array<i32>} : memref<128x64xf32, #tpu.memory_space<vmem>>, vector<1x16xf32>,
      %get3A_304 = arith.index_cast %add3A_285 : i32 to index
      %get3A_305 = arith.constant 32 : index
      %get3A_306 = tpu.vector_load %arg12[%get3A_304, %get3A_305] {strides = array<i32>} : memref<125x64xf32, #tpu.memory_space<vmem>>, vector<1x16xf32>,
      %get3A_307 = vector.shape_cast %get3A_306 : vector<1x16xf32> to vector<16xf32>
      %swap3A_308 = arith.index_cast %add3A_285 : i32 to index
      %swap3A_309 = arith.constant 32 : index
      %swap3A_310 = tpu.vector_load %arg16[%swap3A_308, %swap3A_309] {strides = array<i32>} : memref<128x64xf32, #tpu.memory_space<vmem>>, vector<1x16xf32>,
      %swap3A_311 = vector.shape_cast %swap3A_310 : vector<1x16xf32> to vector<16xf32>
      %swap3A_312 = vector.shape_cast %get3A_307 : vector<16xf32> to vector<1x16xf32>
      tpu.vector_store %arg16[%swap3A_308, %swap3A_309], %swap3A_312 {add = true, strides = array<i32>} : memref<128x64xf32, #tpu.memory_space<vmem>>, vector<1x16xf32>,
      %get3A_313 = arith.index_cast %add3A_285 : i32 to index
      %get3A_314 = arith.constant 48 : index
      %get3A_315 = tpu.vector_load %arg12[%get3A_313, %get3A_314] {strides = array<i32>} : memref<125x64xf32, #tpu.memory_space<vmem>>, vector<1x16xf32>,
      %get3A_316 = vector.shape_cast %get3A_315 : vector<1x16xf32> to vector<16xf32>
      %swap3A_317 = arith.index_cast %add3A_285 : i32 to index
      %swap3A_318 = arith.constant 48 : index
      %swap3A_319 = tpu.vector_load %arg16[%swap3A_317, %swap3A_318] {strides = array<i32>} : memref<128x64xf32, #tpu.memory_space<vmem>>, vector<1x16xf32>,
      %swap3A_320 = vector.shape_cast %swap3A_319 : vector<1x16xf32> to vector<16xf32>
      %swap3A_321 = vector.shape_cast %get3A_316 : vector<16xf32> to vector<1x16xf32>
      tpu.vector_store %arg16[%swap3A_317, %swap3A_318], %swap3A_321 {add = true, strides = array<i32>} : memref<128x64xf32, #tpu.memory_space<vmem>>, vector<1x16xf32>,
      %scan3A_322 = arith.constant 2 : i32
      %scan3A_323 = arith.addi %scan3A_241, %scan3A_322 : i32
      %mul3A_324 = arith.constant 1 : i32
      %mul3A_325 = arith.muli %scan3A_323, %mul3A_324 : i32
      %add3A_326 = arith.constant 0 : i32
      %add3A_327 = arith.addi %add3A_326, %mul3A_325 : i32
      %get3A_328 = arith.index_cast %add3A_327 : i32 to index
      %get3A_329 = arith.constant 0 : index
      %get3A_330 = tpu.vector_load %arg12[%get3A_328, %get3A_329] {strides = array<i32>} : memref<125x64xf32, #tpu.memory_space<vmem>>, vector<1x16xf32>,
      %get3A_331 = vector.shape_cast %get3A_330 : vector<1x16xf32> to vector<16xf32>
      %swap3A_332 = arith.index_cast %add3A_327 : i32 to index
      %swap3A_333 = arith.constant 0 : index
      %swap3A_334 = tpu.vector_load %arg16[%swap3A_332, %swap3A_333] {strides = array<i32>} : memref<128x64xf32, #tpu.memory_space<vmem>>, vector<1x16xf32>,
      %swap3A_335 = vector.shape_cast %swap3A_334 : vector<1x16xf32> to vector<16xf32>
      %swap3A_336 = vector.shape_cast %get3A_331 : vector<16xf32> to vector<1x16xf32>
      tpu.vector_store %arg16[%swap3A_332, %swap3A_333], %swap3A_336 {add = true, strides = array<i32>} : memref<128x64xf32, #tpu.memory_space<vmem>>, vector<1x16xf32>,
      %get3A_337 = arith.index_cast %add3A_327 : i32 to index
      %get3A_338 = arith.constant 16 : index
      %get3A_339 = tpu.vector_load %arg12[%get3A_337, %get3A_338] {strides = array<i32>} : memref<125x64xf32, #tpu.memory_space<vmem>>, vector<1x16xf32>,
      %get3A_340 = vector.shape_cast %get3A_339 : vector<1x16xf32> to vector<16xf32>
      %swap3A_341 = arith.index_cast %add3A_327 : i32 to index
      %swap3A_342 = arith.constant 16 : index
      %swap3A_343 = tpu.vector_load %arg16[%swap3A_341, %swap3A_342] {strides = array<i32>} : memref<128x64xf32, #tpu.memory_space<vmem>>, vector<1x16xf32>,
      %swap3A_344 = vector.shape_cast %swap3A_343 : vector<1x16xf32> to vector<16xf32>
      %swap3A_345 = vector.shape_cast %get3A_340 : vector<16xf32> to vector<1x16xf32>
      tpu.vector_store %arg16[%swap3A_341, %swap3A_342], %swap3A_345 {add = true, strides = array<i32>} : memref<128x64xf32, #tpu.memory_space<vmem>>, vector<1x16xf32>,
      %get3A_346 = arith.index_cast %add3A_327 : i32 to index
      %get3A_347 = arith.constant 32 : index
      %get3A_348 = tpu.vector_load %arg12[%get3A_346, %get3A_347] {strides = array<i32>} : memref<125x64xf32, #tpu.memory_space<vmem>>, vector<1x16xf32>,
      %get3A_349 = vector.shape_cast %get3A_348 : vector<1x16xf32> to vector<16xf32>
      %swap3A_350 = arith.index_cast %add3A_327 : i32 to index
      %swap3A_351 = arith.constant 32 : index
      %swap3A_352 = tpu.vector_load %arg16[%swap3A_350, %swap3A_351] {strides = array<i32>} : memref<128x64xf32, #tpu.memory_space<vmem>>, vector<1x16xf32>,
      %swap3A_353 = vector.shape_cast %swap3A_352 : vector<1x16xf32> to vector<16xf32>
      %swap3A_354 = vector.shape_cast %get3A_349 : vector<16xf32> to vector<1x16xf32>
      tpu.vector_store %arg16[%swap3A_350, %swap3A_351], %swap3A_354 {add = true, strides = array<i32>} : memref<128x64xf32, #tpu.memory_space<vmem>>, vector<1x16xf32>,
      %get3A_355 = arith.index_cast %add3A_327 : i32 to index
      %get3A_356 = arith.constant 48 : index
      %get3A_357 = tpu.vector_load %arg12[%get3A_355, %get3A_356] {strides = array<i32>} : memref<125x64xf32, #tpu.memory_space<vmem>>, vector<1x16xf32>,
      %get3A_358 = vector.shape_cast %get3A_357 : vector<1x16xf32> to vector<16xf32>
      %swap3A_359 = arith.index_cast %add3A_327 : i32 to index
      %swap3A_360 = arith.constant 48 : index
      %swap3A_361 = tpu.vector_load %arg16[%swap3A_359, %swap3A_360] {strides = array<i32>} : memref<128x64xf32, #tpu.memory_space<vmem>>, vector<1x16xf32>,
      %swap3A_362 = vector.shape_cast %swap3A_361 : vector<1x16xf32> to vector<16xf32>
      %swap3A_363 = vector.shape_cast %get3A_358 : vector<16xf32> to vector<1x16xf32>
      tpu.vector_store %arg16[%swap3A_359, %swap3A_360], %swap3A_363 {add = true, strides = array<i32>} : memref<128x64xf32, #tpu.memory_space<vmem>>, vector<1x16xf32>,
      %scan3A_364 = arith.constant 3 : i32
      %scan3A_365 = arith.addi %scan3A_241, %scan3A_364 : i32
      %mul3A_366 = arith.constant 1 : i32
      %mul3A_367 = arith.muli %scan3A_365, %mul3A_366 : i32
      %add3A_368 = arith.constant 0 : i32
      %add3A_369 = arith.addi %add3A_368, %mul3A_367 : i32
      %get3A_370 = arith.index_cast %add3A_369 : i32 to index
      %get3A_371 = arith.constant 0 : index
      %get3A_372 = tpu.vector_load %arg12[%get3A_370, %get3A_371] {strides = array<i32>} : memref<125x64xf32, #tpu.memory_space<vmem>>, vector<1x16xf32>,
      %get3A_373 = vector.shape_cast %get3A_372 : vector<1x16xf32> to vector<16xf32>
      %swap3A_374 = arith.index_cast %add3A_369 : i32 to index
      %swap3A_375 = arith.constant 0 : index
      %swap3A_376 = tpu.vector_load %arg16[%swap3A_374, %swap3A_375] {strides = array<i32>} : memref<128x64xf32, #tpu.memory_space<vmem>>, vector<1x16xf32>,
      %swap3A_377 = vector.shape_cast %swap3A_376 : vector<1x16xf32> to vector<16xf32>
      %swap3A_378 = vector.shape_cast %get3A_373 : vector<16xf32> to vector<1x16xf32>
      tpu.vector_store %arg16[%swap3A_374, %swap3A_375], %swap3A_378 {add = true, strides = array<i32>} : memref<128x64xf32, #tpu.memory_space<vmem>>, vector<1x16xf32>,
      %get3A_379 = arith.index_cast %add3A_369 : i32 to index
      %get3A_380 = arith.constant 16 : index
      %get3A_381 = tpu.vector_load %arg12[%get3A_379, %get3A_380] {strides = array<i32>} : memref<125x64xf32, #tpu.memory_space<vmem>>, vector<1x16xf32>,
      %get3A_382 = vector.shape_cast %get3A_381 : vector<1x16xf32> to vector<16xf32>
      %swap3A_383 = arith.index_cast %add3A_369 : i32 to index
      %swap3A_384 = arith.constant 16 : index
      %swap3A_385 = tpu.vector_load %arg16[%swap3A_383, %swap3A_384] {strides = array<i32>} : memref<128x64xf32, #tpu.memory_space<vmem>>, vector<1x16xf32>,
      %swap3A_386 = vector.shape_cast %swap3A_385 : vector<1x16xf32> to vector<16xf32>
      %swap3A_387 = vector.shape_cast %get3A_382 : vector<16xf32> to vector<1x16xf32>
      tpu.vector_store %arg16[%swap3A_383, %swap3A_384], %swap3A_387 {add = true, strides = array<i32>} : memref<128x64xf32, #tpu.memory_space<vmem>>, vector<1x16xf32>,
      %get3A_388 = arith.index_cast %add3A_369 : i32 to index
      %get3A_389 = arith.constant 32 : index
      %get3A_390 = tpu.vector_load %arg12[%get3A_388, %get3A_389] {strides = array<i32>} : memref<125x64xf32, #tpu.memory_space<vmem>>, vector<1x16xf32>,
      %get3A_391 = vector.shape_cast %get3A_390 : vector<1x16xf32> to vector<16xf32>
      %swap3A_392 = arith.index_cast %add3A_369 : i32 to index
      %swap3A_393 = arith.constant 32 : index
      %swap3A_394 = tpu.vector_load %arg16[%swap3A_392, %swap3A_393] {strides = array<i32>} : memref<128x64xf32, #tpu.memory_space<vmem>>, vector<1x16xf32>,
      %swap3A_395 = vector.shape_cast %swap3A_394 : vector<1x16xf32> to vector<16xf32>
      %swap3A_396 = vector.shape_cast %get3A_391 : vector<16xf32> to vector<1x16xf32>
      tpu.vector_store %arg16[%swap3A_392, %swap3A_393], %swap3A_396 {add = true, strides = array<i32>} : memref<128x64xf32, #tpu.memory_space<vmem>>, vector<1x16xf32>,
      %get3A_397 = arith.index_cast %add3A_369 : i32 to index
      %get3A_398 = arith.constant 48 : index
      %get3A_399 = tpu.vector_load %arg12[%get3A_397, %get3A_398] {strides = array<i32>} : memref<125x64xf32, #tpu.memory_space<vmem>>, vector<1x16xf32>,
      %get3A_400 = vector.shape_cast %get3A_399 : vector<1x16xf32> to vector<16xf32>
      %swap3A_401 = arith.index_cast %add3A_369 : i32 to index
      %swap3A_402 = arith.constant 48 : index
      %swap3A_403 = tpu.vector_load %arg16[%swap3A_401, %swap3A_402] {strides = array<i32>} : memref<128x64xf32, #tpu.memory_space<vmem>>, vector<1x16xf32>,
      %swap3A_404 = vector.shape_cast %swap3A_403 : vector<1x16xf32> to vector<16xf32>
      %swap3A_405 = vector.shape_cast %get3A_400 : vector<16xf32> to vector<1x16xf32>
      tpu.vector_store %arg16[%swap3A_401, %swap3A_402], %swap3A_405 {add = true, strides = array<i32>} : memref<128x64xf32, #tpu.memory_space<vmem>>, vector<1x16xf32>,
      %scan3A_406 = arith.constant 4 : i32
      %scan3A_407 = arith.addi %scan3A_241, %scan3A_406 : i32
      %mul3A_408 = arith.constant 1 : i32
      %mul3A_409 = arith.muli %scan3A_407, %mul3A_408 : i32
      %add3A_410 = arith.constant 0 : i32
      %add3A_411 = arith.addi %add3A_410, %mul3A_409 : i32
      %get3A_412 = arith.index_cast %add3A_411 : i32 to index
      %get3A_413 = arith.constant 0 : index
      %get3A_414 = tpu.vector_load %arg12[%get3A_412, %get3A_413] {strides = array<i32>} : memref<125x64xf32, #tpu.memory_space<vmem>>, vector<1x16xf32>,
      %get3A_415 = vector.shape_cast %get3A_414 : vector<1x16xf32> to vector<16xf32>
      %swap3A_416 = arith.index_cast %add3A_411 : i32 to index
      %swap3A_417 = arith.constant 0 : index
      %swap3A_418 = tpu.vector_load %arg16[%swap3A_416, %swap3A_417] {strides = array<i32>} : memref<128x64xf32, #tpu.memory_space<vmem>>, vector<1x16xf32>,
      %swap3A_419 = vector.shape_cast %swap3A_418 : vector<1x16xf32> to vector<16xf32>
      %swap3A_420 = vector.shape_cast %get3A_415 : vector<16xf32> to vector<1x16xf32>
      tpu.vector_store %arg16[%swap3A_416, %swap3A_417], %swap3A_420 {add = true, strides = array<i32>} : memref<128x64xf32, #tpu.memory_space<vmem>>, vector<1x16xf32>,
      %get3A_421 = arith.index_cast %add3A_411 : i32 to index
      %get3A_422 = arith.constant 16 : index
      %get3A_423 = tpu.vector_load %arg12[%get3A_421, %get3A_422] {strides = array<i32>} : memref<125x64xf32, #tpu.memory_space<vmem>>, vector<1x16xf32>,
      %get3A_424 = vector.shape_cast %get3A_423 : vector<1x16xf32> to vector<16xf32>
      %swap3A_425 = arith.index_cast %add3A_411 : i32 to index
      %swap3A_426 = arith.constant 16 : index
      %swap3A_427 = tpu.vector_load %arg16[%swap3A_425, %swap3A_426] {strides = array<i32>} : memref<128x64xf32, #tpu.memory_space<vmem>>, vector<1x16xf32>,
      %swap3A_428 = vector.shape_cast %swap3A_427 : vector<1x16xf32> to vector<16xf32>
      %swap3A_429 = vector.shape_cast %get3A_424 : vector<16xf32> to vector<1x16xf32>
      tpu.vector_store %arg16[%swap3A_425, %swap3A_426], %swap3A_429 {add = true, strides = array<i32>} : memref<128x64xf32, #tpu.memory_space<vmem>>, vector<1x16xf32>,
      %get3A_430 = arith.index_cast %add3A_411 : i32 to index
      %get3A_431 = arith.constant 32 : index
      %get3A_432 = tpu.vector_load %arg12[%get3A_430, %get3A_431] {strides = array<i32>} : memref<125x64xf32, #tpu.memory_space<vmem>>, vector<1x16xf32>,
      %get3A_433 = vector.shape_cast %get3A_432 : vector<1x16xf32> to vector<16xf32>
      %swap3A_434 = arith.index_cast %add3A_411 : i32 to index
      %swap3A_435 = arith.constant 32 : index
      %swap3A_436 = tpu.vector_load %arg16[%swap3A_434, %swap3A_435] {strides = array<i32>} : memref<128x64xf32, #tpu.memory_space<vmem>>, vector<1x16xf32>,
      %swap3A_437 = vector.shape_cast %swap3A_436 : vector<1x16xf32> to vector<16xf32>
      %swap3A_438 = vector.shape_cast %get3A_433 : vector<16xf32> to vector<1x16xf32>
      tpu.vector_store %arg16[%swap3A_434, %swap3A_435], %swap3A_438 {add = true, strides = array<i32>} : memref<128x64xf32, #tpu.memory_space<vmem>>, vector<1x16xf32>,
      %get3A_439 = arith.index_cast %add3A_411 : i32 to index
      %get3A_440 = arith.constant 48 : index
      %get3A_441 = tpu.vector_load %arg12[%get3A_439, %get3A_440] {strides = array<i32>} : memref<125x64xf32, #tpu.memory_space<vmem>>, vector<1x16xf32>,
      %get3A_442 = vector.shape_cast %get3A_441 : vector<1x16xf32> to vector<16xf32>
      %swap3A_443 = arith.index_cast %add3A_411 : i32 to index
      %swap3A_444 = arith.constant 48 : index
      %swap3A_445 = tpu.vector_load %arg16[%swap3A_443, %swap3A_444] {strides = array<i32>} : memref<128x64xf32, #tpu.memory_space<vmem>>, vector<1x16xf32>,
      %swap3A_446 = vector.shape_cast %swap3A_445 : vector<1x16xf32> to vector<16xf32>
      %swap3A_447 = vector.shape_cast %get3A_442 : vector<16xf32> to vector<1x16xf32>
      tpu.vector_store %arg16[%swap3A_443, %swap3A_444], %swap3A_447 {add = true, strides = array<i32>} : memref<128x64xf32, #tpu.memory_space<vmem>>, vector<1x16xf32>,
    }
    %scan3A_205 = arith.constant 125 : i32
    %dma_start3A_206 = arith.constant 0 : i32
    %dma_start3A_207 = arith.constant 0 : i32
    %dma_start3A_208 = tpu.memref_slice %arg16[%dma_start3A_206, %dma_start3A_207] : memref<128x64xf32, #tpu.memory_space<vmem>> -> memref<125x64xf32, #tpu.memory_space<vmem>>
    %dma_start3A_209 = arith.constant 0 : i32
    %dma_start3A_210 = arith.constant 0 : i32
    %dma_start3A_211 = tpu.memref_slice %arg37[%dma_start3A_209, %dma_start3A_210] : memref<10000x64xf32, #tpu.memory_space<vmem_shared>> -> memref<10000x64xf32, #tpu.memory_space<vmem_shared>>
    tpu.enqueue_indirect_dma source(%dma_start3A_208 : memref<125x64xf32, #tpu.memory_space<vmem>>) target(%dma_start3A_211 : memref<10000x64xf32, #tpu.memory_space<vmem_shared>>) offsets(%arg20 : memref<125xi32, #tpu.memory_space<vmem>>) semaphore(%arg36 : memref<!tpu.dma_semaphore, #tpu.memory_space<semaphore_mem>>) {add = true}
    %dma_wait3A_212 = arith.constant 0 : i32
    %dma_wait3A_213 = arith.constant 0 : i32
    %dma_wait3A_214 = tpu.memref_slice %arg13[%dma_wait3A_212, %dma_wait3A_213] : memref<128x64xf32, #tpu.memory_space<vmem>> -> memref<125x64xf32, #tpu.memory_space<vmem>>
    %dma_wait3A_215 = arith.constant 0 : i32
    %dma_wait3A_216 = arith.constant 0 : i32
    %dma_wait3A_217 = tpu.memref_slice %arg37[%dma_wait3A_215, %dma_wait3A_216] : memref<10000x64xf32, #tpu.memory_space<vmem_shared>> -> memref<10000x64xf32, #tpu.memory_space<vmem_shared>>
    tpu.wait_indirect_dma semaphore(%arg33 : memref<!tpu.dma_semaphore, #tpu.memory_space<semaphore_mem>>) src(%dma_wait3A_214 : memref<125x64xf32, #tpu.memory_space<vmem>>) dst(%dma_wait3A_217 : memref<10000x64xf32, #tpu.memory_space<vmem_shared>>)
    %dma_wait3A_218 = arith.constant 0 : i32
    %dma_wait3A_219 = arith.constant 0 : i32
    %dma_wait3A_220 = tpu.memref_slice %arg14[%dma_wait3A_218, %dma_wait3A_219] : memref<128x64xf32, #tpu.memory_space<vmem>> -> memref<125x64xf32, #tpu.memory_space<vmem>>
    %dma_wait3A_221 = arith.constant 0 : i32
    %dma_wait3A_222 = arith.constant 0 : i32
    %dma_wait3A_223 = tpu.memref_slice %arg37[%dma_wait3A_221, %dma_wait3A_222] : memref<10000x64xf32, #tpu.memory_space<vmem_shared>> -> memref<10000x64xf32, #tpu.memory_space<vmem_shared>>
    tpu.wait_indirect_dma semaphore(%arg34 : memref<!tpu.dma_semaphore, #tpu.memory_space<semaphore_mem>>) src(%dma_wait3A_220 : memref<125x64xf32, #tpu.memory_space<vmem>>) dst(%dma_wait3A_223 : memref<10000x64xf32, #tpu.memory_space<vmem_shared>>)
    %dma_wait3A_224 = arith.constant 0 : i32
    %dma_wait3A_225 = arith.constant 0 : i32
    %dma_wait3A_226 = tpu.memref_slice %arg15[%dma_wait3A_224, %dma_wait3A_225] : memref<128x64xf32, #tpu.memory_space<vmem>> -> memref<125x64xf32, #tpu.memory_space<vmem>>
    %dma_wait3A_227 = arith.constant 0 : i32
    %dma_wait3A_228 = arith.constant 0 : i32
    %dma_wait3A_229 = tpu.memref_slice %arg37[%dma_wait3A_227, %dma_wait3A_228] : memref<10000x64xf32, #tpu.memory_space<vmem_shared>> -> memref<10000x64xf32, #tpu.memory_space<vmem_shared>>
    tpu.wait_indirect_dma semaphore(%arg35 : memref<!tpu.dma_semaphore, #tpu.memory_space<semaphore_mem>>) src(%dma_wait3A_226 : memref<125x64xf32, #tpu.memory_space<vmem>>) dst(%dma_wait3A_229 : memref<10000x64xf32, #tpu.memory_space<vmem_shared>>)
    %dma_wait3A_230 = arith.constant 0 : i32
    %dma_wait3A_231 = arith.constant 0 : i32
    %dma_wait3A_232 = tpu.memref_slice %arg16[%dma_wait3A_230, %dma_wait3A_231] : memref<128x64xf32, #tpu.memory_space<vmem>> -> memref<125x64xf32, #tpu.memory_space<vmem>>
    %dma_wait3A_233 = arith.constant 0 : i32
    %dma_wait3A_234 = arith.constant 0 : i32
    %dma_wait3A_235 = tpu.memref_slice %arg37[%dma_wait3A_233, %dma_wait3A_234] : memref<10000x64xf32, #tpu.memory_space<vmem_shared>> -> memref<10000x64xf32, #tpu.memory_space<vmem_shared>>
    tpu.wait_indirect_dma semaphore(%arg36 : memref<!tpu.dma_semaphore, #tpu.memory_space<semaphore_mem>>) src(%dma_wait3A_232 : memref<125x64xf32, #tpu.memory_space<vmem>>) dst(%dma_wait3A_235 : memref<10000x64xf32, #tpu.memory_space<vmem_shared>>)
    %barrier3A_236 = arith.constant 0 : index
    tpu.barrier barrier_id(%barrier3A_236)
    %mul3A_237 = arith.constant 625 : i32
    %mul3A_238 = arith.muli %arg1, %mul3A_237 : i32
    %mul3A_239 = arith.constant 625 : i32
    %mul3A_240 = arith.muli %arg1, %mul3A_239 : i32
    "tpu.region"() ({
      %run_scoped3A = tpu.sem_alloc : memref<!tpu.dma_semaphore, #tpu.memory_space<semaphore_mem>>
      %dma_start3A_241 = tpu.memref_slice %arg7[%mul3A_240, %mul3A_10] : memref<10000x128xf32, #tpu.memory_space<hbm>> -> memref<625x64xf32, #tpu.memory_space<hbm>>
      %dma_start3A_242 = arith.constant 0 : i32
      %dma_start3A_243 = tpu.memref_slice %arg37[%mul3A_238, %dma_start3A_242] : memref<10000x64xf32, #tpu.memory_space<vmem_shared>> -> memref<625x64xf32, #tpu.memory_space<vmem_shared>>
      tpu.enqueue_dma source(%dma_start3A_243 : memref<625x64xf32, #tpu.memory_space<vmem_shared>>) target(%dma_start3A_241 : memref<625x64xf32, #tpu.memory_space<hbm>>) target_semaphore(%run_scoped3A : memref<!tpu.dma_semaphore, #tpu.memory_space<semaphore_mem>>)
      %dma_wait3A_244 = tpu.memref_slice %arg7[%mul3A_240, %mul3A_10] : memref<10000x128xf32, #tpu.memory_space<hbm>> -> memref<625x64xf32, #tpu.memory_space<hbm>>
      %dma_wait3A_245 = arith.constant 0 : i32
      %dma_wait3A_246 = tpu.memref_slice %arg37[%mul3A_238, %dma_wait3A_245] : memref<10000x64xf32, #tpu.memory_space<vmem_shared>> -> memref<625x64xf32, #tpu.memory_space<vmem_shared>>
      tpu.wait_dma2 semaphore(%run_scoped3A : memref<!tpu.dma_semaphore, #tpu.memory_space<semaphore_mem>>) src(%dma_wait3A_246 : memref<625x64xf32, #tpu.memory_space<vmem_shared>>) dst(%dma_wait3A_244 : memref<625x64xf32, #tpu.memory_space<hbm>>)
      tpu.yield
    }) : () -> ()
    return
  }
}

module attributes {stable_mosaic.version = 14 : i64} {
  func.func @_prep_body(%arg0: memref<2x10000x32xf32, #tpu.memory_space<vmem>>, %arg1: memref<10000x128xf32, #tpu.memory_space<vmem>>, %arg2: memref<20000x64xf32, #tpu.memory_space<vmem>>, %arg3: memref<10000x1xf32, #tpu.memory_space<vmem>>) attributes {dimension_semantics = [], scalar_prefetch = 0 : i64, scratch_operands = 0 : i64, tpu.core_type = #tpu.core_type<tc>} {
    %get3A = arith.constant 0 : index
    %get3A_0 = arith.constant 0 : index
    %get3A_1 = arith.constant 0 : index
    %get3A_2 = vector.load %arg0[%get3A, %get3A_0, %get3A_1] : memref<2x10000x32xf32, #tpu.memory_space<vmem>>, vector<1x10000x32xf32>
    %get3A_3 = vector.shape_cast %get3A_2 : vector<1x10000x32xf32> to vector<10000x32xf32>
    %reduce_sum3A = arith.constant dense<0.000000e+00> : vector<10000xf32>
    %reduce_sum3A_4 = vector.multi_reduction <add>, %get3A_3, %reduce_sum3A [1] : vector<10000x32xf32> to vector<10000xf32>
    %broadcast_in_dim3A = vector.shape_cast %reduce_sum3A_4 : vector<10000xf32> to vector<10000x1xf32>
    %get3A_5 = arith.constant 1 : index
    %get3A_6 = arith.constant 0 : index
    %get3A_7 = arith.constant 0 : index
    %get3A_8 = vector.load %arg0[%get3A_5, %get3A_6, %get3A_7] : memref<2x10000x32xf32, #tpu.memory_space<vmem>>, vector<1x10000x32xf32>
    %get3A_9 = vector.shape_cast %get3A_8 : vector<1x10000x32xf32> to vector<10000x32xf32>
    %reduce_sum3A_10 = arith.constant dense<0.000000e+00> : vector<10000xf32>
    %reduce_sum3A_11 = vector.multi_reduction <add>, %get3A_9, %reduce_sum3A_10 [1] : vector<10000x32xf32> to vector<10000xf32>
    %broadcast_in_dim3A_12 = vector.shape_cast %reduce_sum3A_11 : vector<10000xf32> to vector<10000x1xf32>
    %max3A = arith.constant 1.000000e+00 : f32
    %max3A_13 = vector.broadcast %max3A : f32 to vector<10000x1xf32>
    %max3A_14 = arith.maximumf %broadcast_in_dim3A, %max3A_13 : vector<10000x1xf32>
    %rsqrt3A = math.rsqrt %max3A_14 : vector<10000x1xf32>
    %max3A_15 = arith.constant 1.000000e+00 : f32
    %max3A_16 = vector.broadcast %max3A_15 : f32 to vector<10000x1xf32>
    %max3A_17 = arith.maximumf %broadcast_in_dim3A_12, %max3A_16 : vector<10000x1xf32>
    %rsqrt3A_18 = math.rsqrt %max3A_17 : vector<10000x1xf32>
    %get3A_19 = arith.constant 0 : index
    %get3A_20 = arith.constant 0 : index
    %get3A_21 = vector.load %arg1[%get3A_19, %get3A_20] : memref<10000x128xf32, #tpu.memory_space<vmem>>, vector<10000x128xf32>
    %mul3A = vector.broadcast %rsqrt3A : vector<10000x1xf32> to vector<10000x128xf32>
    %mul3A_22 = arith.mulf %get3A_21, %mul3A : vector<10000x128xf32>
    %slice3A = vector.extract_strided_slice %mul3A_22 {offsets = [0, 0], sizes = [10000, 64], strides = [1, 1]} : vector<10000x128xf32> to vector<10000x64xf32>
    %swap3A = arith.constant 0 : index
    %swap3A_23 = arith.constant 0 : index
    %swap3A_24 = vector.load %arg2[%swap3A, %swap3A_23] : memref<20000x64xf32, #tpu.memory_space<vmem>>, vector<10000x64xf32>
    tpu.vector_store %arg2[%swap3A, %swap3A_23], %slice3A {strides = array<i32>} : memref<20000x64xf32, #tpu.memory_space<vmem>>, vector<10000x64xf32>,
    %slice3A_25 = vector.extract_strided_slice %mul3A_22 {offsets = [0, 64], sizes = [10000, 64], strides = [1, 1]} : vector<10000x128xf32> to vector<10000x64xf32>
    %swap3A_26 = arith.constant 10000 : index
    %swap3A_27 = arith.constant 0 : index
    %swap3A_28 = vector.load %arg2[%swap3A_26, %swap3A_27] : memref<20000x64xf32, #tpu.memory_space<vmem>>, vector<10000x64xf32>
    tpu.vector_store %arg2[%swap3A_26, %swap3A_27], %slice3A_25 {strides = array<i32>} : memref<20000x64xf32, #tpu.memory_space<vmem>>, vector<10000x64xf32>,
    %swap3A_29 = arith.constant 0 : index
    %swap3A_30 = arith.constant 0 : index
    %swap3A_31 = vector.load %arg3[%swap3A_29, %swap3A_30] : memref<10000x1xf32, #tpu.memory_space<vmem>>, vector<10000x1xf32>
    tpu.vector_store %arg3[%swap3A_29, %swap3A_30], %rsqrt3A_18 {strides = array<i32>} : memref<10000x1xf32, #tpu.memory_space<vmem>>, vector<10000x1xf32>,
    return
  }
}

module attributes {stable_mosaic.version = 14 : i64} {
  func.func @_final_body(%arg0: memref<10000x128xf32, #tpu.memory_space<vmem>>, %arg1: memref<128x128xf32, #tpu.memory_space<vmem>>, %arg2: memref<1x128xf32, #tpu.memory_space<vmem>>, %arg3: memref<10000x1xf32, #tpu.memory_space<vmem>>, %arg4: memref<10000x128xf32, #tpu.memory_space<vmem>>) attributes {dimension_semantics = [], scalar_prefetch = 0 : i64, scratch_operands = 0 : i64, tpu.core_type = #tpu.core_type<tc>} {
    %get3A = arith.constant 0 : index
    %get3A_0 = arith.constant 0 : index
    %get3A_1 = vector.load %arg0[%get3A, %get3A_0] : memref<10000x128xf32, #tpu.memory_space<vmem>>, vector<10000x128xf32>
    %get3A_2 = arith.constant 0 : index
    %get3A_3 = arith.constant 0 : index
    %get3A_4 = vector.load %arg1[%get3A_2, %get3A_3] : memref<128x128xf32, #tpu.memory_space<vmem>>, vector<128x128xf32>
    %dot_general3A = arith.constant dense<0.000000e+00> : vector<10000x128xf32>
    %dot_general3A_5 = tpu.matmul %get3A_1, %get3A_4, %dot_general3A {dimension_numbers = #tpu.dot_dimension_numbers<[1], [0], [0], [1], [0, 0, 1, 1], [], []>, transpose_lhs_hint = false} : vector<10000x128xf32>, vector<128x128xf32>, vector<10000x128xf32> -> vector<10000x128xf32>
    %get3A_6 = arith.constant 0 : index
    %get3A_7 = arith.constant 0 : index
    %get3A_8 = vector.load %arg3[%get3A_6, %get3A_7] : memref<10000x1xf32, #tpu.memory_space<vmem>>, vector<10000x1xf32>
    %mul3A = vector.broadcast %get3A_8 : vector<10000x1xf32> to vector<10000x128xf32>
    %mul3A_9 = arith.mulf %dot_general3A_5, %mul3A : vector<10000x128xf32>
    %get3A_10 = arith.constant 0 : index
    %get3A_11 = arith.constant 0 : index
    %get3A_12 = vector.load %arg2[%get3A_10, %get3A_11] : memref<1x128xf32, #tpu.memory_space<vmem>>, vector<1x128xf32>
    %add3A = vector.broadcast %get3A_12 : vector<1x128xf32> to vector<10000x128xf32>
    %add3A_13 = arith.addf %mul3A_9, %add3A : vector<10000x128xf32>
    %swap3A = arith.constant 0 : index
    %swap3A_14 = arith.constant 0 : index
    %swap3A_15 = vector.load %arg4[%swap3A, %swap3A_14] : memref<10000x128xf32, #tpu.memory_space<vmem>>, vector<10000x128xf32>
    tpu.vector_store %arg4[%swap3A, %swap3A_14], %add3A_13 {strides = array<i32>} : memref<10000x128xf32, #tpu.memory_space<vmem>>, vector<10000x128xf32>,
    return
  }
}

</mosaic_0001>

<sc_bundles>
// kernel: kernel.6.cloned.1.call-start
scs
__scs_entry_jumppad:
0x0: {  	(pc) =	sbr.rel $0x88, $3  }
0x1: {  	(tag) =	ssettag $0x0;
	lr =	simm.s32 $0x1  }
0x2: {  	[smem:$0x3F9C] =	sst lr;
	_ =	strace $0xD0000000  }
0x3: {  	_ = 	snop  }
0x4: {  	_ = 	snop  }
0x5: {  	_ = 	snop  }
0x6: {  	_ = 	snop  }
0x7: {  	_ = 	snop  }
__scs_overlays_trampoline_lowered:
0x8: {  	[smem:$0x3FAB] =	sst s0  }
0x9: {  	[smem:$0x3FAC] =	sst s1  }
0xa: {  	[smem:$0x3FAD] =	sst s2  }
0xb: {  	[smem:$0x3FAE] =	sst s3  }
0xc: {  	[smem:$0x3FAF] =	sst s4  }
0xd: {  	[smem:$0x3FB0] =	sst s5  }
0xe: {  	[smem:$0x3FB1] =	sst s6  }
0xf: {  	[smem:$0x3FB2] =	sst s7  }
0x10: {  	[smem:$0x3FB3] =	sst s8  }
0x11: {  	[smem:$0x3FB4] =	sst s9;
	s0 =	simm.s32 @!p0 $0x0  }
0x12: {  	s1 =	sld [smem:$0x3F9A];
	s0 =	simm.s32 @p0 $0x1  }
0x13: {  	[smem:$0x3FB5] =	sst s0;
	s0 =	simm.s32 @!p1 $0x0  }
0x14: {  	s2 =	sld [smem:$0x3F99];
	s0 =	simm.s32 @p1 $0x1  }
0x15: {  	[smem:$0x3FB6] =	sst s0;
	s0 =	simm.s32 @!p2 $0x0  }
0x16: {  	s3 =	sld [smem:$0x3FDB];
	s0 =	simm.s32 @p2 $0x1  }
0x17: {  	s4 =	simm.s32 $0x1BF5;
	[smem:$0x3FB8] =	sst s0  }
0x18: {  	s0 =	sld [smem:$0x3F9B];
	_ =	swait.ge [sflag:s4], $0x0  }
0x19: {  	s7 =	sld [smem:$0x3F9C]  }
0x1a: {  	s8 =	sadd.s32 $0xFFFFE003, lr  }
0x1b: {  	s9 =	sadd.s32 $0xFFFFFEF7, lr;
	s5 =	simm.s32 $0xFFFFFFFF;
	p2 =	slt.u32 s8, $0xFFFFF086  }
0x1c: {  	p1 =	slt.u32 s9, $0xF7A;
	s5 =	simm.s32 @!p2 $0x0  }
0x1d: {  	s5 =	simm.s32 @p1 $0x1;
	p0 =	seq.s32 s7, s2  }
0x1e: {  	s7 =	smul.u32 @!p0 $0xF7A, s2;
	p2 =	seq.s32 @!p0 s5, $0x0  }
0x1f: {  	s9 =	smul.u32 $0xF7A, s1;
	s8 =	simm.s32 @!p0 $0x1BF5;
	p2 =	por !p2, p0  }
0x20: {  	[sflag:s8] =	ssyncset.s32 @!p0 $0xFFFFF086;
	s6 =	sadd.s32 @!p0 s3, s7;
	s7 =	simm.s32 @!p0 $0x108  }
0x21: {  	s3 =	sadd.s32 s3, s9;
	s6 =	sadd.s32 @!p0 $0x88, s6;
	s7 =	simm.s32 @p2 $0x1082  }
0x22: {  	[simem:s7], [sflag:s8] =	dma.local @!p0 [hbm:s6], $0xF7A  }
0x23: {  	s9 =	sor.u32 $0xD0000000, s2;
	s6 =	simm.s32 $0x108;
	_ =	swait.ge @!p0 [sflag:s8], $0x0  }
0x24: {  	s3 =	sadd.s32 $0x88, s3;
	s6 =	simm.s32 @!p1 $0x1082;
	[sflag:s4] =	ssyncset.s32 $0xFFFFF086  }
0x25: {  	[simem:s6], [sflag:s4] =	dma.local [hbm:s3], $0xF7A  }
0x26: {  	[smem:$0x3F9C] =	sst s1;
	(tag) =	ssettag s2;
	_ =	strace s9  }
0x27: {  	s1 =	sld [smem:$0x3FAC]  }
0x28: {  	s2 =	sld [smem:$0x3FAD]  }
0x29: {  	s4 =	sld [smem:$0x3FAF]  }
0x2a: {  	p0 =	seq.s32 s5, $0x0;
	s5 =	sld [smem:$0x3FB0]  }
0x2b: {  	s6 =	sld [smem:$0x3FB1]  }
0x2c: {  	s7 =	sld [smem:$0x3FB2]  }
0x2d: {  	s3 =	simm.s32 $0x108;
	s8 =	sld [smem:$0x3FB3]  }
0x2e: {  	s3 =	simm.s32 @!p0 $0x1082;
	s9 =	sld [smem:$0x3FB4]  }
0x2f: {  	lr =	sadd.s32 s0, s3;
	s0 =	sld [smem:$0x3FAB]  }
0x30: {  	s3 =	sld [smem:$0x3FAE]  }
0x31: {  	[smem:$0x3FB7] =	sst s10  }
0x32: {  	s10 =	sld [smem:$0x3FB5];
	_ =	sdelay $0x3  }
0x33: {  	p0 =	seq.s32 s10, $0x1;
	s10 =	sld [smem:$0x3FB7];
	_ =	sdelay $0x3  }
0x34: {  	[smem:$0x3FB7] =	sst s10  }
0x35: {  	s10 =	sld [smem:$0x3FB6];
	_ =	sdelay $0x3  }
0x36: {  	p1 =	seq.s32 s10, $0x1;
	s10 =	sld [smem:$0x3FB7];
	_ =	sdelay $0x3  }
0x37: {  	[smem:$0x3FB7] =	sst s10  }
0x38: {  	s10 =	sld [smem:$0x3FB8]  }
0x39: {  	_ = 	snop;
	(pc) =	sbr.ind lr, $3  }
0x3a: {  	_ = 	snop  }
0x3b: {  	_ = 	snop  }
0x3c: {  	p2 =	seq.s32 s10, $0x1;
	s10 =	sld [smem:$0x3FB7]  }
0x3d: {  	_ =	shalt  }
0x3e: {  	_ =	shalt  }
0x3f: {  	_ =	shalt  }
0x40: {  	_ =	shalt  }
0x41: {  	_ =	shalt  }
0x42: {  	_ =	shalt  }
0x43: {  	_ =	shalt  }
0x44: {  	_ =	shalt  }
0x45: {  	_ =	shalt  }
0x46: {  	_ =	shalt  }
0x47: {  	_ =	shalt  }
0x48: {  	_ =	shalt  }
0x49: {  	_ =	shalt  }
0x4a: {  	_ =	shalt  }
0x4b: {  	_ =	shalt  }
0x4c: {  	_ =	shalt  }
0x4d: {  	_ =	shalt  }
0x4e: {  	_ =	shalt  }
0x4f: {  	_ =	shalt  }
0x50: {  	_ =	shalt  }
0x51: {  	_ =	shalt  }
0x52: {  	_ =	shalt  }
0x53: {  	_ =	shalt  }
0x54: {  	_ =	shalt  }
0x55: {  	_ =	shalt  }
0x56: {  	_ =	shalt  }
0x57: {  	_ =	shalt  }
0x58: {  	_ =	shalt  }
0x59: {  	_ =	shalt  }
0x5a: {  	_ =	shalt  }
0x5b: {  	_ =	shalt  }
0x5c: {  	_ =	shalt  }
0x5d: {  	_ =	shalt  }
0x5e: {  	_ =	shalt  }
0x5f: {  	_ =	shalt  }
0x60: {  	_ =	shalt  }
0x61: {  	_ =	shalt  }
0x62: {  	_ =	shalt  }
0x63: {  	_ =	shalt  }
0x64: {  	_ =	shalt  }
0x65: {  	_ =	shalt  }
0x66: {  	_ =	shalt  }
0x67: {  	_ =	shalt  }
0x68: {  	_ =	shalt  }
0x69: {  	_ =	shalt  }
0x6a: {  	_ =	shalt  }
0x6b: {  	_ =	shalt  }
0x6c: {  	_ =	shalt  }
0x6d: {  	_ =	shalt  }
0x6e: {  	_ =	shalt  }
0x6f: {  	_ =	shalt  }
0x70: {  	_ =	shalt  }
0x71: {  	_ =	shalt  }
0x72: {  	_ =	shalt  }
0x73: {  	_ =	shalt  }
0x74: {  	_ =	shalt  }
0x75: {  	_ =	shalt  }
0x76: {  	_ =	shalt  }
0x77: {  	_ =	shalt  }
0x78: {  	_ =	shalt  }
0x79: {  	_ =	shalt  }
0x7a: {  	_ =	shalt  }
0x7b: {  	_ =	shalt  }
0x7c: {  	_ =	shalt  }
0x7d: {  	_ =	shalt  }
0x7e: {  	_ =	shalt  }
0x7f: {  	_ =	shalt  }
0x80: {  	_ =	shalt  }
0x81: {  	_ =	shalt  }
0x82: {  	_ =	shalt  }
0x83: {  	_ =	shalt  }
0x84: {  	_ =	shalt  }
0x85: {  	_ =	shalt  }
0x86: {  	_ =	shalt  }
0x87: {  	_ =	shalt  }
.Lfunc_end0:
.L_simem_size_0:
called_computation_lowered:
.L_overlay_start_0:
0x88: {  	s2 =	sld [smem:$0x3FD9]  }
0x89: {  	s3 =	sld [smem:$0x3FFE];
	_ =	sdelay $0x1  }
0x8a: {  	s1 =	srdreg.scid  }
0x8b: {  	s0 =	sand.u32 $0x1, s1  }
0x8c: {  	s17 =	sshll.u32 s0, $0xA;
	s2 =	sadd.s32 s3, s2  }
0x8d: {  	s2 =	sadd.s32 s2, s17  }
0x8e: {  	[smem:$0x3FC3] =	sst s2  }
0x8f: {  	_ = 	snop  }
0x90: {  	s2 =	sld [smem:$0x3FD0];
	(tm) =	ssettm $0x1  }
0x91: {  	s18 =	sld [smem:$0x3FFB];
	_ =	sdelay $0x3  }
0x92: {  	_ =	strace s18  }
0x93: {  	s3 =	sld [smem:$0x3FFC];
	_ =	sdelay $0x3  }
0x94: {  	_ =	strace s3  }
0x95: {  	s3 =	sld [smem:$0x3FFD];
	_ =	sdelay $0x3  }
0x96: {  	_ =	strace s3  }
0x97: {  	_ =	strace $0x8FFFFFFF  }
0x98: {  	s19 =	sld [smem:$0x3FDB];
	_ =	sdelay $0x1  }
0x99: {  	s4 =	simm.s32 $_scs_section_size  }
0x9a: {  	s5 =	simm.s32 $_size__tile_overlayer_lowered;
	s6 =	simm.s32 $_tile_overlayer_lowered  }
0x9b: {  	s22 =	simm.s32 $0x1BFF;
	s21 =	sshll.u32 s6, $0x1;
	s3 =	sadd.s32 s4, s19  }
0x9c: {  	s7 =	simm.s32 $0x0;
	s20 =	sshll.u32 s5, $0x1;
	s5 =	sadd.s32 s21, s3  }
0x9d: {  	[timem:s7], [sflag:s22] =	dma.local [hbm:s5], s20  }
0x9e: {  	_ =	swait.ge [sflag:s22], s20  }
0x9f: {  	s4 =	ssub.s32 $0x0, s20;
	[sflag:s22] =	ssyncset.done $0x0  }
0xa0: {  	[sflag:s22] =	ssyncadd.s32 s4;
	_ =	sdelay $0x1  }
0xa1: {  	s23 =	simm.s32 $0x1B8B  }
0xa2: {  	_ =	swait.ge [sflag:s23], $0x1  }
0xa3: {  	[sflag:s23] =	ssyncset.done $0x0  }
0xa4: {  	s25 =	simm.s32 $0x1B8E;
	s24 =	sld [smem:$0x3FFE];
	[sflag:s23] =	ssyncadd.s32 $0xFFFFFFFF  }
0xa5: {  	s26 =	simm.s32 $execute0_lowered;
	[smem:$0x3FD2] =	sst s25  }
0xa6: {  	s5 =	sshll.u32 s26, $0x1;
	_ =	strace $0x80000046;
	[dreg:$0x1] =	wrdreg $0xFFFFFFFF  }
0xa7: {  	s28 =	simm.s32 $_size_execute0_lowered;
	s3 =	sadd.s32 s3, s5;
	[dreg:$0x0] =	wrdreg $0x0  }
0xa8: {  	s5 =	sshll.u32 s28, $0x1;
	[dreg:$0x2] =	wrdreg s3  }
0xa9: {  	[dreg:$0x3] =	wrdreg s5  }
0xaa: {  	[dreg:$0x4] =	wrdreg $0xC0  }
0xab: {  	_ =	task [dreg:s7], $0x5FFFF  }
0xac: {  	[dreg:$0x1] =	wrdreg $0xFFFFFFFF  }
0xad: {  	[dreg:$0x0] =	wrdreg $0x60  }
0xae: {  	[dreg:$0x2] =	wrdreg s24  }
0xaf: {  	[dreg:$0x3] =	wrdreg s2  }
0xb0: {  	[dreg:$0x4] =	wrdreg $0x9  }
0xb1: {  	_ =	task.clear_ibuf [dreg:s7], $0x5FFFF;
	_ =	strace $0x90000046  }
0xb2: {  	s29 =	simm.s32 $0x9;
	_ =	strace $0x80000048  }
0xb3: {  	_ =	swait.ge [sflag:s29], $0x1  }
0xb4: {  	[sflag:s29] =	ssyncadd.s32 $0xFFFFFFFF  }
0xb5: {  	_ =	strace $0x90000048  }
0xb6: {  	_ =	sfence  }
0xb7: {  	s30 =	sld [smem:$0x0];
	_ =	sdelay $0x2  }
0xb8: {  	s31 =	sshll.u32 s1, $0xD;
	s1 =	sshrl.u32 s1, $0x2  }
0xb9: {  	s3 =	sand.u32 $0x4000, s31;
	s1 =	sadd.s32 s1, s30  }
0xba: {  	s0 =	sor.u32 s3, s0;
	s1 =	sshll.u32 s1, $0x11  }
0xbb: {  	s0 =	sor.u32 s1, s0  }
0xbc: {  	s0 =	sadd.s32 $0x8F2B, s0  }
0xbd: {  	[sflag:s0] =	ssyncadd.remote.s32 $0x1  }
0xbe: {  	_ =	sfence.sel $0xFFFF  }
0xbf: {  	[dreg:$0x0] =	wrdreg $0xFFFFFFFF;
	(pc) =	sbr.abs _section_cstart, $3  }
0xc0: {  	[dreg:$0x1] =	wrdreg $0xFFFFFFFF  }
0xc1: {  	_ =	task.clear_ibuf [dreg:s7], $0x2FFFF;
	_ =	strace $0x9FFFFFFF  }
0xc2: {  	(tm) =	ssettm $0x7FFFFFFF  }
0xc3: {  	_ =	shalt  }
tec
execute0_lowered:
.L_overlay_start_1:
0x0: {  	(tag) =	ssettag $0x1  }
0x1: {  	s3 =	rddreg [dreg:$0x0]  }
0x2: {  	s1 =	srdreg.scid;
	s0 =	stileid.u32  }
0x3: {  	s6 =	rddreg [dreg:$0x1];
	s2 =	simm.s32 $0x0;
	s10 =	simm.s32 $0x4F00  }
0x4: {  	s11 =	simm.s32 $0x7680;
	s12 =	simm.s32 $0x80;
	s13 =	simm.s32 $0x400  }
0x5: {  	s4 =	sand.u32 $0x1, s1;
	s5 =	sshll.u32 s0, $0x1;
	s1 =	rddreg [dreg:$0x2]  }
0x6: {  	s14 =	simm.s32 $0x0;
	[smem:$0x7FF] =	sst s2;
	s5 =	sor.u32 s4, s5  }
0x7: {  	s8 =	sshrl.u32 s0, $0x2;
	s4 =	ssub.s32 $0x2, s4;
	s7 =	smul.u32 $0x4E2, s5  }
0x8: {  	s8 =	smul.u32 $0x13C00, s8;
	_ =	strace $0x80000047;
	s5 =	sshll.u32 s5, $0x7  }
0x9: {  	s9 =	sshrl.u32 s4, $0x1;
	s5 =	sand.u32 $0x380, s5;
	s7 =	sadd.s32 s7, s3  }
0xa: {  	s9 =	ssub.s32 s4, s9;
	s30 =	sor.u32 s8, s5;
	s3 =	sadd.s32 $0xBC00, s7  }
0xb: {  	s5 =	sshrl.u32 s30, $0x3;
	s8 =	sadd.s32 $0x4F000, s30;
	s4 =	sadd.s32 $0x1E00, s7  }
0xc: {  	s7 =	smax.u32 s9, $0x1;
	s9 =	simm.s32 $0x2780;
	s31 =	sshrl.u32 s8, $0x3  }
0xd: {  	v0 =	vimm.f32 $0.0e+00;
	v1 =	vimm.f32 $1.000000000e+00;
	s5 =	sadd.s32 s6, s5;
	s8 =	simm.s32 $0x1;
	s6 =	sadd.s32 s6, s31  }
.LBB2_1:
0xe: {  	[tilespmem:s2], [sflag:$0x1] =	stream.linear.gather [hbm4b:s3+s2], $0x2710, $0x38;
	[tilespmem:$0x9E00] =	vst v63  }
0xf: {  	_ =	swait.ge [sflag:s8], $0x2710  }
0x10: {  	[sflag:s8] =	ssyncset.done $0x0  }
0x11: {  	[sflag:s8] =	ssyncadd.s32 $0xFFFFD8F0  }
0x12: {  	[tilespmem:s9], [sflag:$0x1] =	stream.linear.gather [hbm4b:s4+s2], $0x2710, $0x38;
	[tilespmem:$0x9E00] =	vst v63  }
0x13: {  	_ =	swait.ge [sflag:s8], $0x2710  }
0x14: {  	[sflag:s8] =	ssyncset.done $0x0  }
0x15: {  	s15 =	simm.s32 $0x0;
	[sflag:s8] =	ssyncadd.s32 $0xFFFFD8F0  }
.LBB2_2:
0x16: {  	p0 =	sne.s32 s15, $0x9C00  }
.Ltmp0:
0x17: {  	_ = 	snop;
	(pc) =	sbr.rel @p0 .LBB2_2-.Ltmp0, $4  }
0x18: {  	_ = 	snop  }
0x19: {  	s16 =	sshra.s32 s15, $0x2  }
0x1a: {  	[tilespmem:s16+$0x4F00] =	vst v0  }
0x1b: {  	s15 =	sadd.s32 $0x40, s15;
	[tilespmem:s16+$0x7680] =	vst v0  }
0x1c: {  	s16 =	simm.s32 $0x0;
	s15 =	simm.s32 $0x40  }
.LBB2_4:
0x1d: {  	p0 =	sne.s32 s15, $0x9C00;
	v2 =	vld [tilespmem:s16+$0x0];
	_ =	sdelay $0x7  }
0x1e: {  	[tilespmem:v2+s10+$0x0] =	vst.idx.add.f32.msk $0xffff, v1  }
0x1f: {  	v2 =	vld [tilespmem:s16+$0x2780];
	_ =	sdelay $0x3  }
.Ltmp1:
0x20: {  	(pc) =	sbr.rel @p0 .LBB2_4-.Ltmp1, $2  }
0x21: {  	_ =	sdelay $0x2  }
0x22: {  	s16 =	sshra.s32 s15, $0x2;
	s15 =	sadd.s32 $0x40, s15;
	[tilespmem:v2+s11+$0x0] =	vst.idx.add.f32.msk $0xffff, v1  }
0x23: {  	v2 =	vld [tilespmem:s16+$0x0];
	_ =	sdelay $0x7  }
0x24: {  	[tilespmem:v2+s10+$0x0] =	vst.idx.add.f32.msk $0xffff, v1  }
0x25: {  	v2 =	vld [tilespmem:s16+$0x2780];
	_ =	sdelay $0x7  }
0x26: {  	[tilespmem:v2+s11+$0x0] =	vst.idx.add.f32.msk $0xffff, v1  }
0x27: {  	[hbm4b:s5+s12] =	stream.strided.scatter [tilespmem:s10], [sflag:$0x1], $0x2780, s13, s12, $0x38;
	[tilespmem:$0x9E00] =	vst v63  }
0x28: {  	s14 =	sadd.s32 $0x1, s14;
	_ =	swait.ge [sflag:s8], $0x2780  }
0x29: {  	p0 =	sne.s32 s14, s7;
	[sflag:s8] =	ssyncset.done $0x0  }
.Ltmp2:
0x2a: {  	[sflag:s8] =	ssyncadd.s32 $0xFFFFD880;
	(pc) =	sbr.rel @p0 .LBB2_1-.Ltmp2, $4  }
0x2b: {  	[hbm4b:s6+s12] =	stream.strided.scatter [tilespmem:s11], [sflag:$0x1], $0x2780, s13, s12, $0x38;
	[tilespmem:$0x9E00] =	vst v63  }
0x2c: {  	_ =	swait.ge [sflag:s8], $0x2780  }
0x2d: {  	[sflag:s8] =	ssyncset.done $0x0  }
0x2e: {  	[sflag:s8] =	ssyncadd.s32 $0xFFFFD880  }
0x2f: {  	_ =	sfence.sel $0x180000  }
0x30: {  	[bflag:$0x0] =	sbarrier.arrive $0xFFFF  }
0x31: {  	p0 =	sne.s32 s0, $0x0;
	_ =	strace $0x90000047  }
0x32: {  	s0 =	sadd.s32 @!p0 $0x100000, s1;
	[bflag:$0x2] =	sbarrier.arrive $0xFFFF  }
0x33: {  	[sflag:s0] =	ssyncadd.tile.s32 @!p0 $0x1;
	_ =	shalt  }
.Lfunc_end2:
_tile_overlayer_lowered:
.L_overlay_start_2:
0x34: {  	(tag) =	ssettag $0x2  }
0x35: {  	s0 =	rddreg [dreg:$0x0];
	s2 =	stileid.u32  }
0x36: {  	s1 =	rddreg [dreg:$0x1];
	p0 =	sne.s32 s2, $0x0  }
0x37: {  	s3 =	rddreg [dreg:$0x2];
	[bflag:$0x3] =	sbarrier.arrive $0xFFFF;
	s2 =	simm.s32 @!p0 $0x1C01  }
0x38: {  	[timem:s3], [sflag:s2] =	dma.local @!p0 [hbm:s0], s1  }
0x39: {  	s0 =	simm.s32 @!p0 $0x1  }
0x3a: {  	_ =	swait.ge @!p0 [sflag:s0], s1  }
0x3b: {  	s1 =	ssub.s32 @!p0 $0x0, s1;
	[sflag:s0] =	ssyncset.done @!p0 $0x0  }
0x3c: {  	[sflag:s0] =	ssyncadd.s32 @!p0 s1  }
0x3d: {  	[bflag:$0x3] =	sbarrier.arrive $0xFFFF  }
0x3e: {  	_ =	shalt  }

// kernel: kernel.9.cloned.1.call-start
scs
__scs_entry_jumppad:
0x0: {  	(pc) =	sbr.rel $0x88, $3  }
0x1: {  	(tag) =	ssettag $0x0;
	lr =	simm.s32 $0x1  }
0x2: {  	[smem:$0x3F9C] =	sst lr;
	_ =	strace $0xD0000000  }
0x3: {  	_ = 	snop  }
0x4: {  	_ = 	snop  }
0x5: {  	_ = 	snop  }
0x6: {  	_ = 	snop  }
0x7: {  	_ = 	snop  }
__scs_overlays_trampoline_lowered:
0x8: {  	[smem:$0x3FAB] =	sst s0  }
0x9: {  	[smem:$0x3FAC] =	sst s1  }
0xa: {  	[smem:$0x3FAD] =	sst s2  }
0xb: {  	[smem:$0x3FAE] =	sst s3  }
0xc: {  	[smem:$0x3FAF] =	sst s4  }
0xd: {  	[smem:$0x3FB0] =	sst s5  }
0xe: {  	[smem:$0x3FB1] =	sst s6  }
0xf: {  	[smem:$0x3FB2] =	sst s7  }
0x10: {  	[smem:$0x3FB3] =	sst s8  }
0x11: {  	[smem:$0x3FB4] =	sst s9;
	s0 =	simm.s32 @!p0 $0x0  }
0x12: {  	s1 =	sld [smem:$0x3F9A];
	s0 =	simm.s32 @p0 $0x1  }
0x13: {  	[smem:$0x3FB5] =	sst s0;
	s0 =	simm.s32 @!p1 $0x0  }
0x14: {  	s2 =	sld [smem:$0x3F99];
	s0 =	simm.s32 @p1 $0x1  }
0x15: {  	[smem:$0x3FB6] =	sst s0;
	s0 =	simm.s32 @!p2 $0x0  }
0x16: {  	s3 =	sld [smem:$0x3FDB];
	s0 =	simm.s32 @p2 $0x1  }
0x17: {  	s4 =	simm.s32 $0x1BF5;
	[smem:$0x3FB8] =	sst s0  }
0x18: {  	s0 =	sld [smem:$0x3F9B];
	_ =	swait.ge [sflag:s4], $0x0  }
0x19: {  	s7 =	sld [smem:$0x3F9C]  }
0x1a: {  	s8 =	sadd.s32 $0xFFFFE003, lr  }
0x1b: {  	s9 =	sadd.s32 $0xFFFFFEF7, lr;
	s5 =	simm.s32 $0xFFFFFFFF;
	p2 =	slt.u32 s8, $0xFFFFF086  }
0x1c: {  	p1 =	slt.u32 s9, $0xF7A;
	s5 =	simm.s32 @!p2 $0x0  }
0x1d: {  	s5 =	simm.s32 @p1 $0x1;
	p0 =	seq.s32 s7, s2  }
0x1e: {  	s7 =	smul.u32 @!p0 $0xF7A, s2;
	p2 =	seq.s32 @!p0 s5, $0x0  }
0x1f: {  	s9 =	smul.u32 $0xF7A, s1;
	s8 =	simm.s32 @!p0 $0x1BF5;
	p2 =	por !p2, p0  }
0x20: {  	[sflag:s8] =	ssyncset.s32 @!p0 $0xFFFFF086;
	s6 =	sadd.s32 @!p0 s3, s7;
	s7 =	simm.s32 @!p0 $0x108  }
0x21: {  	s3 =	sadd.s32 s3, s9;
	s6 =	sadd.s32 @!p0 $0x88, s6;
	s7 =	simm.s32 @p2 $0x1082  }
0x22: {  	[simem:s7], [sflag:s8] =	dma.local @!p0 [hbm:s6], $0xF7A  }
0x23: {  	s9 =	sor.u32 $0xD0000000, s2;
	s6 =	simm.s32 $0x108;
	_ =	swait.ge @!p0 [sflag:s8], $0x0  }
0x24: {  	s3 =	sadd.s32 $0x88, s3;
	s6 =	simm.s32 @!p1 $0x1082;
	[sflag:s4] =	ssyncset.s32 $0xFFFFF086  }
0x25: {  	[simem:s6], [sflag:s4] =	dma.local [hbm:s3], $0xF7A  }
0x26: {  	[smem:$0x3F9C] =	sst s1;
	(tag) =	ssettag s2;
	_ =	strace s9  }
0x27: {  	s1 =	sld [smem:$0x3FAC]  }
0x28: {  	s2 =	sld [smem:$0x3FAD]  }
0x29: {  	s4 =	sld [smem:$0x3FAF]  }
0x2a: {  	p0 =	seq.s32 s5, $0x0;
	s5 =	sld [smem:$0x3FB0]  }
0x2b: {  	s6 =	sld [smem:$0x3FB1]  }
0x2c: {  	s7 =	sld [smem:$0x3FB2]  }
0x2d: {  	s3 =	simm.s32 $0x108;
	s8 =	sld [smem:$0x3FB3]  }
0x2e: {  	s3 =	simm.s32 @!p0 $0x1082;
	s9 =	sld [smem:$0x3FB4]  }
0x2f: {  	lr =	sadd.s32 s0, s3;
	s0 =	sld [smem:$0x3FAB]  }
0x30: {  	s3 =	sld [smem:$0x3FAE]  }
0x31: {  	[smem:$0x3FB7] =	sst s10  }
0x32: {  	s10 =	sld [smem:$0x3FB5];
	_ =	sdelay $0x3  }
0x33: {  	p0 =	seq.s32 s10, $0x1;
	s10 =	sld [smem:$0x3FB7];
	_ =	sdelay $0x3  }
0x34: {  	[smem:$0x3FB7] =	sst s10  }
0x35: {  	s10 =	sld [smem:$0x3FB6];
	_ =	sdelay $0x3  }
0x36: {  	p1 =	seq.s32 s10, $0x1;
	s10 =	sld [smem:$0x3FB7];
	_ =	sdelay $0x3  }
0x37: {  	[smem:$0x3FB7] =	sst s10  }
0x38: {  	s10 =	sld [smem:$0x3FB8]  }
0x39: {  	_ = 	snop;
	(pc) =	sbr.ind lr, $3  }
0x3a: {  	_ = 	snop  }
0x3b: {  	_ = 	snop  }
0x3c: {  	p2 =	seq.s32 s10, $0x1;
	s10 =	sld [smem:$0x3FB7]  }
0x3d: {  	_ =	shalt  }
0x3e: {  	_ =	shalt  }
0x3f: {  	_ =	shalt  }
0x40: {  	_ =	shalt  }
0x41: {  	_ =	shalt  }
0x42: {  	_ =	shalt  }
0x43: {  	_ =	shalt  }
0x44: {  	_ =	shalt  }
0x45: {  	_ =	shalt  }
0x46: {  	_ =	shalt  }
0x47: {  	_ =	shalt  }
0x48: {  	_ =	shalt  }
0x49: {  	_ =	shalt  }
0x4a: {  	_ =	shalt  }
0x4b: {  	_ =	shalt  }
0x4c: {  	_ =	shalt  }
0x4d: {  	_ =	shalt  }
0x4e: {  	_ =	shalt  }
0x4f: {  	_ =	shalt  }
0x50: {  	_ =	shalt  }
0x51: {  	_ =	shalt  }
0x52: {  	_ =	shalt  }
0x53: {  	_ =	shalt  }
0x54: {  	_ =	shalt  }
0x55: {  	_ =	shalt  }
0x56: {  	_ =	shalt  }
0x57: {  	_ =	shalt  }
0x58: {  	_ =	shalt  }
0x59: {  	_ =	shalt  }
0x5a: {  	_ =	shalt  }
0x5b: {  	_ =	shalt  }
0x5c: {  	_ =	shalt  }
0x5d: {  	_ =	shalt  }
0x5e: {  	_ =	shalt  }
0x5f: {  	_ =	shalt  }
0x60: {  	_ =	shalt  }
0x61: {  	_ =	shalt  }
0x62: {  	_ =	shalt  }
0x63: {  	_ =	shalt  }
0x64: {  	_ =	shalt  }
0x65: {  	_ =	shalt  }
0x66: {  	_ =	shalt  }
0x67: {  	_ =	shalt  }
0x68: {  	_ =	shalt  }
0x69: {  	_ =	shalt  }
0x6a: {  	_ =	shalt  }
0x6b: {  	_ =	shalt  }
0x6c: {  	_ =	shalt  }
0x6d: {  	_ =	shalt  }
0x6e: {  	_ =	shalt  }
0x6f: {  	_ =	shalt  }
0x70: {  	_ =	shalt  }
0x71: {  	_ =	shalt  }
0x72: {  	_ =	shalt  }
0x73: {  	_ =	shalt  }
0x74: {  	_ =	shalt  }
0x75: {  	_ =	shalt  }
0x76: {  	_ =	shalt  }
0x77: {  	_ =	shalt  }
0x78: {  	_ =	shalt  }
0x79: {  	_ =	shalt  }
0x7a: {  	_ =	shalt  }
0x7b: {  	_ =	shalt  }
0x7c: {  	_ =	shalt  }
0x7d: {  	_ =	shalt  }
0x7e: {  	_ =	shalt  }
0x7f: {  	_ =	shalt  }
0x80: {  	_ =	shalt  }
0x81: {  	_ =	shalt  }
0x82: {  	_ =	shalt  }
0x83: {  	_ =	shalt  }
0x84: {  	_ =	shalt  }
0x85: {  	_ =	shalt  }
0x86: {  	_ =	shalt  }
0x87: {  	_ =	shalt  }
.Lfunc_end0:
.L_simem_size_0:
called_computation.1_lowered:
.L_overlay_start_0:
0x88: {  	s2 =	sld [smem:$0x3FD9]  }
0x89: {  	s3 =	sld [smem:$0x3FFE];
	_ =	sdelay $0x1  }
0x8a: {  	s1 =	srdreg.scid  }
0x8b: {  	s0 =	sand.u32 $0x1, s1  }
0x8c: {  	s17 =	sshll.u32 s0, $0xA;
	s2 =	sadd.s32 s3, s2  }
0x8d: {  	s2 =	sadd.s32 s2, s17  }
0x8e: {  	[smem:$0x3FC3] =	sst s2  }
0x8f: {  	_ = 	snop  }
0x90: {  	s2 =	sld [smem:$0x3FC7]  }
0x91: {  	s18 =	sld [smem:$0x3FD0];
	(tm) =	ssettm $0x1  }
0x92: {  	s4 =	sld [smem:$0x3FFB];
	_ =	sdelay $0x3  }
0x93: {  	_ =	strace s4  }
0x94: {  	s4 =	sld [smem:$0x3FFC];
	_ =	sdelay $0x3  }
0x95: {  	_ =	strace s4  }
0x96: {  	s4 =	sld [smem:$0x3FFD];
	_ =	sdelay $0x3  }
0x97: {  	_ =	strace s4  }
0x98: {  	_ =	strace $0x8FFFFFFF  }
0x99: {  	s19 =	sld [smem:$0x3FDB];
	_ =	sdelay $0x1  }
0x9a: {  	s5 =	simm.s32 $_scs_section_size  }
0x9b: {  	s6 =	simm.s32 $_size__tile_overlayer_lowered;
	s7 =	simm.s32 $_tile_overlayer_lowered  }
0x9c: {  	s22 =	simm.s32 $0x1BFF;
	s21 =	sshll.u32 s7, $0x1;
	s4 =	sadd.s32 s5, s19  }
0x9d: {  	s8 =	simm.s32 $0x0;
	s20 =	sshll.u32 s6, $0x1;
	s6 =	sadd.s32 s21, s4  }
0x9e: {  	[timem:s8], [sflag:s22] =	dma.local [hbm:s6], s20  }
0x9f: {  	_ =	swait.ge [sflag:s22], s20  }
0xa0: {  	s5 =	ssub.s32 $0x0, s20;
	[sflag:s22] =	ssyncset.done $0x0  }
0xa1: {  	[sflag:s22] =	ssyncadd.s32 s5;
	_ =	sdelay $0x1  }
0xa2: {  	s23 =	simm.s32 $0x1B8B  }
0xa3: {  	_ =	swait.ge [sflag:s23], $0x1  }
0xa4: {  	[sflag:s23] =	ssyncset.done $0x0  }
0xa5: {  	s25 =	simm.s32 $0x1B8E;
	s24 =	sld [smem:$0x3FFE];
	[sflag:s23] =	ssyncadd.s32 $0xFFFFFFFF  }
0xa6: {  	s26 =	simm.s32 $execute0_lowered;
	[smem:$0x3FD2] =	sst s25  }
0xa7: {  	s6 =	sshll.u32 s26, $0x1;
	_ =	strace $0x80000049;
	[dreg:$0x1] =	wrdreg $0xFFFFFFFF  }
0xa8: {  	s28 =	simm.s32 $_size_execute0_lowered;
	s4 =	sadd.s32 s4, s6;
	[dreg:$0x0] =	wrdreg $0x0  }
0xa9: {  	s6 =	sshll.u32 s28, $0x1;
	[dreg:$0x2] =	wrdreg s4  }
0xaa: {  	[dreg:$0x3] =	wrdreg s6  }
0xab: {  	[dreg:$0x4] =	wrdreg $0xC0  }
0xac: {  	_ =	task [dreg:s8], $0x5FFFF  }
0xad: {  	[dreg:$0x1] =	wrdreg $0xFFFFFFFF  }
0xae: {  	[dreg:$0x0] =	wrdreg $0x60  }
0xaf: {  	[dreg:$0x2] =	wrdreg s18  }
0xb0: {  	[dreg:$0x3] =	wrdreg s24  }
0xb1: {  	[dreg:$0x4] =	wrdreg s2  }
0xb2: {  	[dreg:$0x5] =	wrdreg $0x14F000  }
0xb3: {  	[dreg:$0x6] =	wrdreg $0x9  }
0xb4: {  	_ =	task.clear_ibuf [dreg:s8], $0x7FFFF;
	_ =	strace $0x90000049  }
0xb5: {  	s29 =	simm.s32 $0x9;
	_ =	strace $0x8000004B  }
0xb6: {  	_ =	swait.ge [sflag:s29], $0x1  }
0xb7: {  	[sflag:s29] =	ssyncadd.s32 $0xFFFFFFFF  }
0xb8: {  	_ =	strace $0x9000004B  }
0xb9: {  	_ =	sfence  }
0xba: {  	s30 =	sld [smem:$0x0];
	_ =	sdelay $0x2  }
0xbb: {  	s31 =	sshll.u32 s1, $0xD;
	s1 =	sshrl.u32 s1, $0x2  }
0xbc: {  	s3 =	sand.u32 $0x4000, s31;
	s1 =	sadd.s32 s1, s30  }
0xbd: {  	s0 =	sor.u32 s3, s0;
	s1 =	sshll.u32 s1, $0x11  }
0xbe: {  	s0 =	sor.u32 s1, s0  }
0xbf: {  	s0 =	sadd.s32 $0x8F2B, s0  }
0xc0: {  	[sflag:s0] =	ssyncadd.remote.s32 $0x1  }
0xc1: {  	_ =	sfence.sel $0xFFFF  }
0xc2: {  	[dreg:$0x0] =	wrdreg $0xFFFFFFFF;
	(pc) =	sbr.abs _section_cstart, $3  }
0xc3: {  	[dreg:$0x1] =	wrdreg $0xFFFFFFFF  }
0xc4: {  	_ =	task.clear_ibuf [dreg:s8], $0x2FFFF;
	_ =	strace $0x9FFFFFFF  }
0xc5: {  	(tm) =	ssettm $0x7FFFFFFF  }
tec
execute0_lowered:
.L_overlay_start_1:
0x0: {  	(tag) =	ssettag $0x1  }
0x1: {  	s1 =	rddreg [dreg:$0x0]  }
0x2: {  	s0 =	rddreg [dreg:$0x1]  }
0x3: {  	s3 =	rddreg [dreg:$0x2]  }
0x4: {  	s4 =	rddreg [dreg:$0x3];
	s2 =	simm.s32 $0x0  }
0x5: {  	s14 =	stileid.u32;
	s5 =	srdreg.scid;
	s31 =	simm.s32 $0x12D00  }
0x6: {  	s30 =	simm.s32 $0xE;
	s28 =	simm.s32 $0xF;
	s21 =	smul.u32 $0xA00, s14  }
0x7: {  	s29 =	simm.s32 $0x10;
	[smem:$0x7FF] =	sst s2;
	s9 =	smul.u32 $0x13880, s14  }
0x8: {  	s5 =	sand.u32 $0x1, s5;
	s6 =	sadd.s32 $0x15A00, s0;
	s13 =	smul.u32 $0x27100, s14  }
0x9: {  	s8 =	sadd.s32 $0x1E00, s0;
	s22 =	smul.u32 $0x271000, s14;
	_ =	strace $0x8000004A  }
0xa: {  	[dreg:$0x5] =	wrdreg s8;
	s8 =	sshll.u32 s5, $0x6;
	s11 =	ssub.s32 $0x2, s5  }
0xb: {  	s7 =	sadd.s32 s21, s0;
	s10 =	sor.u32 s8, s9;
	s9 =	smul.u32 $0xA0, s14  }
0xc: {  	s12 =	sshrl.u32 s11, $0x1;
	s24 =	sshrl.u32 s13, $0x2;
	s2 =	sadd.s32 s6, s21  }
0xd: {  	s14 =	simm.s32 $0x7D;
	s10 =	sshrl.u32 s10, $0x3;
	s7 =	sadd.s32 $0x1FA00, s7  }
0xe: {  	[dreg:$0xa] =	wrdreg s2;
	s0 =	sadd.s32 s10, s0;
	s10 =	ssub.s32 s11, s12  }
0xf: {  	[dreg:$0x6] =	wrdreg s7;
	s7 =	smul.u32 $0x2710, s5;
	s23 =	sor.u32 $0x1, s9  }
0x10: {  	s11 =	sor.u32 s8, s22;
	s12 =	sadd.s32 s24, s4;
	s26 =	sor.u32 $0x2, s9  }
0x11: {  	s17 =	sor.u32 $0x3, s9;
	s25 =	smul.u32 $0x3E80, s23;
	[dreg:$0x7] =	wrdreg s12  }
0x12: {  	s11 =	sshrl.u32 s11, $0x3;
	s15 =	smul.u32 $0x3E80, s26;
	s5 =	sshll.u32 s23, $0x4  }
0x13: {  	s18 =	smul.u32 $0x3E80, s17;
	[dreg:$0x8] =	wrdreg s26;
	s21 =	sshll.u32 s26, $0x4  }
0x14: {  	s24 =	sshll.u32 s17, $0x4;
	s0 =	sadd.s32 $0x50C00, s0;
	s26 =	smax.u32 s10, $0x1  }
0x15: {  	s10 =	simm.s32 $0x1;
	s11 =	sadd.s32 s3, s11;
	[dreg:$0x11] =	wrdreg s0  }
0x16: {  	s19 =	sadd.s32 s6, s5;
	[dreg:$0x12] =	wrdreg s26;
	s26 =	simm.s32 $0xB  }
0x17: {  	s5 =	simm.s32 $0x4;
	[dreg:$0x9] =	wrdreg s11;
	s13 =	sor.u32 s8, s25  }
0x18: {  	s12 =	sor.u32 s8, s15;
	[dreg:$0xc] =	wrdreg s19;
	s22 =	sor.u32 s8, s18  }
0x19: {  	s25 =	sadd.s32 s6, s24;
	s24 =	simm.s32 $0x40;
	s11 =	simm.s32 $0x5  }
0x1a: {  	s18 =	simm.s32 $0x2;
	s19 =	simm.s32 $0x6;
	s15 =	simm.s32 $0x8  }
0x1b: {  	s16 =	sshrl.u32 s13, $0x3;
	s20 =	sshrl.u32 s12, $0x3;
	s23 =	sshrl.u32 s22, $0x3  }
0x1c: {  	[dreg:$0x10] =	wrdreg s25;
	s25 =	simm.s32 $0x80;
	s13 =	simm.s32 $0x9  }
0x1d: {  	s22 =	simm.s32 $0x3;
	s12 =	simm.s32 $0xC;
	s2 =	sadd.s32 s3, s16  }
0x1e: {  	s16 =	simm.s32 $0x11;
	[dreg:$0xb] =	wrdreg s2;
	s2 =	sadd.s32 s3, s20  }
0x1f: {  	s20 =	simm.s32 $0xA;
	[dreg:$0xd] =	wrdreg s2;
	s2 =	sadd.s32 s6, s21  }
0x20: {  	s21 =	simm.s32 $0xD;
	[dreg:$0xe] =	wrdreg s2;
	s2 =	sadd.s32 s3, s23  }
0x21: {  	v0 =	vmov s7;
	s23 =	simm.s32 $0x7;
	[dreg:$0xf] =	wrdreg s2;
	s2 =	simm.s32 $0x0  }
.LBB2_1:
0x22: {  	[dreg:$0x13] =	wrdreg s2  }
0x23: {  	s0 =	simm.s32 $0x0;
	s17 =	rddreg [dreg:$0x6]  }
0x24: {  	[tilespmem:s0], [sflag:$0x11] =	stream.linear.gather [hbm4b:s17+s0], $0x5000, $0x38;
	[tilespmem:$0x1EB40] =	vst v63  }
0x25: {  	_ =	swait.ge [sflag:s16], $0x5000  }
0x26: {  	[sflag:s16] =	ssyncset.done $0x0  }
0x27: {  	s0 =	simm.s32 $0x0;
	[sflag:s16] =	ssyncadd.s32 $0xFFFFB000  }
0x28: {  	v3 =	vld [tilespmem:s0+$0x0]  }
0x29: {  	v5 =	vld [tilespmem:s0+$0x10]  }
0x2a: {  	v4 =	vld [tilespmem:s0+$0x20]  }
0x2b: {  	v2 =	vld [tilespmem:s0+$0x30]  }
0x2c: {  	v1 =	vld [tilespmem:s0+$0x40]  }
0x2d: {  	v6 =	vadd.s32 v0, v3;
	v3 =	vld [tilespmem:s0+$0x50]  }
0x2e: {  	s2 =	simm.s32 $0x200;
	[tilespmem:s0+$0x0] =	vst v6;
	v6 =	vadd.s32 v0, v5;
	v5 =	vld [tilespmem:s0+$0x60]  }
.LBB2_2:
0x2f: {  	s7 =	sshra.s32 s2, $0x2;
	p0 =	sne.s32 s2, $0x13E00;
	[tilespmem:s0+$0x10] =	vst v6;
	v4 =	vadd.s32 v0, v4;
	v6 =	vld [tilespmem:s0+$0x70]  }
0x30: {  	v7 =	vld [tilespmem:s7+$0x0];
	[tilespmem:s0+$0x20] =	vst v4;
	v2 =	vadd.s32 v0, v2  }
0x31: {  	v8 =	vld [tilespmem:s7+$0x10];
	[tilespmem:s0+$0x30] =	vst v2;
	v1 =	vadd.s32 v0, v1  }
.Ltmp0:
0x32: {  	v4 =	vld [tilespmem:s7+$0x20];
	[tilespmem:s0+$0x40] =	vst v1;
	v1 =	vadd.s32 v0, v3;
	(pc) =	sbr.rel @p0 .LBB2_2-.Ltmp0, $4  }
0x33: {  	v2 =	vld [tilespmem:s7+$0x30];
	[tilespmem:s0+$0x50] =	vst v1;
	v3 =	vadd.s32 v0, v5  }
0x34: {  	v1 =	vld [tilespmem:s7+$0x40];
	[tilespmem:s0+$0x60] =	vst v3;
	v5 =	vadd.s32 v0, v6  }
0x35: {  	v6 =	vadd.s32 v0, v7;
	v3 =	vld [tilespmem:s7+$0x50];
	[tilespmem:s0+$0x70] =	vst v5;
	s0 =	smov.u32 s7  }
0x36: {  	s2 =	sadd.s32 $0x200, s2;
	[tilespmem:s0+$0x0] =	vst v6;
	v6 =	vadd.s32 v0, v8;
	v5 =	vld [tilespmem:s0+$0x60]  }
0x37: {  	[tilespmem:s0+$0x10] =	vst v6;
	v4 =	vadd.s32 v0, v4;
	v60 =	vld [tilespmem:s0+$0x70]  }
0x38: {  	[tilespmem:s0+$0x20] =	vst v4;
	v2 =	vadd.s32 v0, v2  }
0x39: {  	[tilespmem:s0+$0x30] =	vst v2;
	v1 =	vadd.s32 v0, v1  }
0x3a: {  	s2 =	stileid.u32;
	s7 =	rddreg [dreg:$0x7];
	[tilespmem:s0+$0x40] =	vst v1;
	v1 =	vadd.s32 v0, v3  }
0x3b: {  	s17 =	rddreg [dreg:$0x5];
	s2 =	sshll.u32 s2, $0x6;
	s7 =	sshrl.u32 s7, $0x3;
	[tilespmem:s0+$0x50] =	vst v1;
	v1 =	vadd.s32 v0, v5  }
0x3c: {  	s2 =	sor.u32 $0x1C11, s2;
	[dreg:$0x15] =	wrdreg s7;
	[tilespmem:s0+$0x60] =	vst v1;
	v1 =	vadd.s32 v0, v60  }
0x3d: {  	[dreg:$0x14] =	wrdreg s2;
	[tilespmem:s0+$0x70] =	vst v1  }
0x3e: {  	[spmem:s7], [sflag:s2] =	dma.local [hbm:s17], $0x1388  }
0x3f: {  	_ =	swait.ge [sflag:s16], $0x1388  }
0x40: {  	[sflag:s16] =	ssyncset.done $0x0  }
0x41: {  	[sflag:s16] =	ssyncadd.s32 $0xFFFFEC78  }
0x42: {  	[bflag:$0x0] =	sbarrier.arrive $0xFFFF  }
0x43: {  	s17 =	simm.s32 $0x5000;
	s16 =	rddreg [dreg:$0x9]  }
0x44: {  	[tilespmem:s17], [sflag:$0x1] =	stream.strided.gather [hbm4b:s16+s24], $0x1F40, s25, s24, $0x38;
	[tilespmem:$0x1EB40] =	vst v63  }
0x45: {  	s0 =	simm.s32 $0x0;
	s7 =	simm.s32 $0xCD00  }
0x46: {  	[tilespmem:s7], [sflag:$0x5] =	stream.indirect.gather [hbm4b:s1+s25], $0x40, s0, s25, $0xb8;
	[tilespmem:$0x1EB40] =	vst v63  }
0x47: {  	s16 =	rddreg [dreg:$0xa];
	s17 =	simm.s32 $0x14D00  }
0x48: {  	[tilespmem:s17], [sflag:$0x9] =	stream.linear.gather [hbm4b:s16+s0], $0x80, $0x38;
	[tilespmem:$0x1EB40] =	vst v63  }
0x49: {  	s16 =	rddreg [dreg:$0xb];
	s17 =	simm.s32 $0x6F40  }
0x4a: {  	[tilespmem:s17], [sflag:$0x2] =	stream.strided.gather [hbm4b:s16+s24], $0x1F40, s25, s24, $0x38;
	[tilespmem:$0x1EB40] =	vst v63  }
0x4b: {  	s7 =	simm.s32 $0xED00  }
0x4c: {  	[tilespmem:s7], [sflag:$0x6] =	stream.indirect.gather [hbm4b:s1+s25], $0x40, s25, s25, $0xb8;
	[tilespmem:$0x1EB40] =	vst v63  }
0x4d: {  	s16 =	rddreg [dreg:$0xc];
	s17 =	simm.s32 $0x14D80  }
0x4e: {  	[tilespmem:s17], [sflag:$0xA] =	stream.linear.gather [hbm4b:s16+s0], $0x80, $0x38;
	[tilespmem:$0x1EB40] =	vst v63  }
0x4f: {  	s16 =	rddreg [dreg:$0xd];
	s17 =	simm.s32 $0x8E80  }
0x50: {  	[tilespmem:s17], [sflag:$0x3] =	stream.strided.gather [hbm4b:s16+s24], $0x1F40, s25, s24, $0x38;
	[tilespmem:$0x1EB40] =	vst v63  }
0x51: {  	s16 =	simm.s32 $0x100;
	s17 =	simm.s32 $0x10D00  }
0x52: {  	[tilespmem:s17], [sflag:$0x7] =	stream.indirect.gather [hbm4b:s1+s25], $0x40, s16, s25, $0xb8;
	[tilespmem:$0x1EB40] =	vst v63  }
0x53: {  	s16 =	rddreg [dreg:$0xe];
	s17 =	simm.s32 $0x14E00  }
0x54: {  	[tilespmem:s17], [sflag:$0xB] =	stream.linear.gather [hbm4b:s16+s0], $0x80, $0x38;
	[tilespmem:$0x1EB40] =	vst v63  }
0x55: {  	_ =	swait.ge [sflag:s10], $0x1F40  }
0x56: {  	[sflag:s10] =	ssyncset.done $0x0  }
0x57: {  	[sflag:s10] =	ssyncadd.s32 $0xFFFFE0C0  }
0x58: {  	_ =	swait.ge [sflag:s11], $0x2000  }
0x59: {  	[sflag:s11] =	ssyncset.done $0x0  }
0x5a: {  	[sflag:s11] =	ssyncadd.s32 $0xFFFFE000  }
0x5b: {  	_ =	swait.ge [sflag:s13], $0x80  }
0x5c: {  	[sflag:s13] =	ssyncset.done $0x0  }
0x5d: {  	s0 =	simm.s32 $0x0;
	[sflag:s13] =	ssyncadd.s32 $0xFFFFFF80  }
0x5e: {  	v1 =	vld [tilespmem:s0+$0x5130]  }
0x5f: {  	v2 =	vld [tilespmem:s0+$0x5000]  }
0x60: {  	v3 =	vld [tilespmem:s0+$0x5010]  }
0x61: {  	v61 =	vld [tilespmem:s0+$0x5020]  }
0x62: {  	v62 =	vld [tilespmem:s0+$0x5030]  }
0x63: {  	v63 =	vld [tilespmem:s0+$0x5040]  }
0x64: {  	v7 =	vld [tilespmem:s0+$0x5050]  }
0x65: {  	v8 =	vld [tilespmem:s0+$0x5060]  }
0x66: {  	v9 =	vld [tilespmem:s0+$0x5070]  }
0x67: {  	v10 =	vld [tilespmem:s0+$0x5080]  }
0x68: {  	v11 =	vld [tilespmem:s0+$0x5090]  }
0x69: {  	v12 =	vld [tilespmem:s0+$0x50A0]  }
0x6a: {  	v13 =	vld [tilespmem:s0+$0x50B0]  }
0x6b: {  	v14 =	vld [tilespmem:s0+$0x50C0]  }
0x6c: {  	v15 =	vld [tilespmem:s0+$0x50D0]  }
0x6d: {  	v16 =	vld [tilespmem:s0+$0x50E0]  }
0x6e: {  	v17 =	vld [tilespmem:s0+$0x50F0]  }
0x6f: {  	v18 =	vld [tilespmem:s0+$0x5100]  }
0x70: {  	v19 =	vld [tilespmem:s0+$0x5110]  }
0x71: {  	[tilespmem:s0+$0xCE30] =	vst.add.f32.msk $0xffff, v1  }
0x72: {  	v1 =	vld [tilespmem:s0+$0x5120]  }
0x73: {  	[tilespmem:s0+$0xCD00] =	vst.add.f32.msk $0xffff, v2  }
0x74: {  	[tilespmem:s0+$0xCD10] =	vst.add.f32.msk $0xffff, v3  }
0x75: {  	[tilespmem:s0+$0xCD20] =	vst.add.f32.msk $0xffff, v61  }
0x76: {  	[tilespmem:s0+$0xCD30] =	vst.add.f32.msk $0xffff, v62  }
0x77: {  	[tilespmem:s0+$0xCD40] =	vst.add.f32.msk $0xffff, v63  }
0x78: {  	[tilespmem:s0+$0xCD50] =	vst.add.f32.msk $0xffff, v7  }
0x79: {  	[tilespmem:s0+$0xCD60] =	vst.add.f32.msk $0xffff, v8  }
0x7a: {  	[tilespmem:s0+$0xCD70] =	vst.add.f32.msk $0xffff, v9  }
0x7b: {  	[tilespmem:s0+$0xCD80] =	vst.add.f32.msk $0xffff, v10  }
0x7c: {  	[tilespmem:s0+$0xCD90] =	vst.add.f32.msk $0xffff, v11  }
0x7d: {  	[tilespmem:s0+$0xCDA0] =	vst.add.f32.msk $0xffff, v12  }
0x7e: {  	[tilespmem:s0+$0xCDB0] =	vst.add.f32.msk $0xffff, v13  }
0x7f: {  	[tilespmem:s0+$0xCDC0] =	vst.add.f32.msk $0xffff, v14  }
0x80: {  	[tilespmem:s0+$0xCDD0] =	vst.add.f32.msk $0xffff, v15  }
0x81: {  	[tilespmem:s0+$0xCDE0] =	vst.add.f32.msk $0xffff, v16  }
0x82: {  	[tilespmem:s0+$0xCDF0] =	vst.add.f32.msk $0xffff, v17  }
0x83: {  	[tilespmem:s0+$0xCE00] =	vst.add.f32.msk $0xffff, v18  }
0x84: {  	s2 =	simm.s32 $0x0;
	s7 =	simm.s32 $0x500;
	[tilespmem:s0+$0xCE10] =	vst.add.f32.msk $0xffff, v19  }
.LBB2_4:
0x85: {  	s2 =	sadd.s32 $0x5, s2;
	[tilespmem:s0+$0xCE20] =	vst.add.f32.msk $0xffff, v1;
	s0 =	sshra.s32 s7, $0x2  }
0x86: {  	v1 =	vld [tilespmem:s0+$0x5130];
	p0 =	slt.u32 s2, $0x78  }
0x87: {  	v2 =	vld [tilespmem:s0+$0x5000]  }
0x88: {  	v3 =	vld [tilespmem:s0+$0x5010]  }
0x89: {  	v4 =	vld [tilespmem:s0+$0x5020]  }
0x8a: {  	v5 =	vld [tilespmem:s0+$0x5030]  }
0x8b: {  	[tilespmem:s0+$0xCE30] =	vst.add.f32.msk $0xffff, v1  }
0x8c: {  	v6 =	vld [tilespmem:s0+$0x5040]  }
0x8d: {  	v7 =	vld [tilespmem:s0+$0x5050]  }
0x8e: {  	v8 =	vld [tilespmem:s0+$0x5060]  }
0x8f: {  	v9 =	vld [tilespmem:s0+$0x5070]  }
0x90: {  	v10 =	vld [tilespmem:s0+$0x5080]  }
0x91: {  	v11 =	vld [tilespmem:s0+$0x5090]  }
0x92: {  	v12 =	vld [tilespmem:s0+$0x50A0]  }
0x93: {  	v13 =	vld [tilespmem:s0+$0x50B0]  }
0x94: {  	v14 =	vld [tilespmem:s0+$0x50C0]  }
0x95: {  	v15 =	vld [tilespmem:s0+$0x50D0]  }
0x96: {  	v16 =	vld [tilespmem:s0+$0x50E0]  }
0x97: {  	v17 =	vld [tilespmem:s0+$0x50F0]  }
0x98: {  	v18 =	vld [tilespmem:s0+$0x5100]  }
0x99: {  	v19 =	vld [tilespmem:s0+$0x5110]  }
0x9a: {  	v1 =	vld [tilespmem:s0+$0x5120]  }
0x9b: {  	[tilespmem:s0+$0xCD00] =	vst.add.f32.msk $0xffff, v2  }
0x9c: {  	[tilespmem:s0+$0xCD10] =	vst.add.f32.msk $0xffff, v3  }
0x9d: {  	[tilespmem:s0+$0xCD20] =	vst.add.f32.msk $0xffff, v4  }
0x9e: {  	[tilespmem:s0+$0xCD30] =	vst.add.f32.msk $0xffff, v5  }
0x9f: {  	[tilespmem:s0+$0xCD40] =	vst.add.f32.msk $0xffff, v6  }
0xa0: {  	[tilespmem:s0+$0xCD50] =	vst.add.f32.msk $0xffff, v7  }
0xa1: {  	[tilespmem:s0+$0xCD60] =	vst.add.f32.msk $0xffff, v8  }
0xa2: {  	[tilespmem:s0+$0xCD70] =	vst.add.f32.msk $0xffff, v9  }
0xa3: {  	[tilespmem:s0+$0xCD80] =	vst.add.f32.msk $0xffff, v10  }
0xa4: {  	[tilespmem:s0+$0xCD90] =	vst.add.f32.msk $0xffff, v11  }
0xa5: {  	[tilespmem:s0+$0xCDA0] =	vst.add.f32.msk $0xffff, v12  }
0xa6: {  	[tilespmem:s0+$0xCDB0] =	vst.add.f32.msk $0xffff, v13  }
0xa7: {  	[tilespmem:s0+$0xCDC0] =	vst.add.f32.msk $0xffff, v14  }
.Ltmp1:
0xa8: {  	[tilespmem:s0+$0xCDD0] =	vst.add.f32.msk $0xffff, v15;
	(pc) =	sbr.rel @p0 .LBB2_4-.Ltmp1, $4  }
0xa9: {  	[tilespmem:s0+$0xCDE0] =	vst.add.f32.msk $0xffff, v16  }
0xaa: {  	[tilespmem:s0+$0xCDF0] =	vst.add.f32.msk $0xffff, v17  }
0xab: {  	[tilespmem:s0+$0xCE00] =	vst.add.f32.msk $0xffff, v18  }
0xac: {  	s7 =	sadd.s32 $0x500, s7;
	[tilespmem:s0+$0xCE10] =	vst.add.f32.msk $0xffff, v19  }
0xad: {  	[tilespmem:s0+$0xCE20] =	vst.add.f32.msk $0xffff, v1;
	s17 =	simm.s32 $0xCD00;
	s2 =	simm.s32 $0x14D00  }
0xae: {  	[spmem:s4] =	stream.indirect.scatter.add.f32 [tilespmem:s17], [sflag:$0xD], $0x40, s2, s14, $0xb8;
	[tilespmem:$0x1EB40] =	vst v63  }
0xaf: {  	s7 =	simm.s32 $0xADC0;
	s2 =	rddreg [dreg:$0xf]  }
0xb0: {  	[tilespmem:s7], [sflag:$0x4] =	stream.strided.gather [hbm4b:s2+s24], $0x1F40, s25, s24, $0x38;
	[tilespmem:$0x1EB40] =	vst v63  }
0xb1: {  	s16 =	simm.s32 $0x180  }
0xb2: {  	[tilespmem:s31], [sflag:$0x8] =	stream.indirect.gather [hbm4b:s1+s25], $0x40, s16, s25, $0xb8;
	[tilespmem:$0x1EB40] =	vst v63  }
0xb3: {  	s17 =	simm.s32 $0x0;
	s7 =	simm.s32 $0x14E80;
	s31 =	rddreg [dreg:$0x10]  }
0xb4: {  	[tilespmem:s7], [sflag:$0xC] =	stream.linear.gather [hbm4b:s31+s17], $0x80, $0x38;
	[tilespmem:$0x1EB40] =	vst v63  }
0xb5: {  	_ =	swait.ge [sflag:s18], $0x1F40  }
0xb6: {  	[sflag:s18] =	ssyncset.done $0x0  }
0xb7: {  	[sflag:s18] =	ssyncadd.s32 $0xFFFFE0C0  }
0xb8: {  	_ =	swait.ge [sflag:s19], $0x2000  }
0xb9: {  	[sflag:s19] =	ssyncset.done $0x0  }
0xba: {  	[sflag:s19] =	ssyncadd.s32 $0xFFFFE000  }
0xbb: {  	_ =	swait.ge [sflag:s20], $0x80  }
0xbc: {  	[sflag:s20] =	ssyncset.done $0x0  }
0xbd: {  	s0 =	simm.s32 $0x0;
	[sflag:s20] =	ssyncadd.s32 $0xFFFFFF80  }
0xbe: {  	v1 =	vld [tilespmem:s0+$0x7070]  }
0xbf: {  	v2 =	vld [tilespmem:s0+$0x6F40]  }
0xc0: {  	v3 =	vld [tilespmem:s0+$0x6F50]  }
0xc1: {  	v4 =	vld [tilespmem:s0+$0x6F60]  }
0xc2: {  	v5 =	vld [tilespmem:s0+$0x6F70]  }
0xc3: {  	v6 =	vld [tilespmem:s0+$0x6F80]  }
0xc4: {  	v7 =	vld [tilespmem:s0+$0x6F90]  }
0xc5: {  	v8 =	vld [tilespmem:s0+$0x6FA0]  }
0xc6: {  	v9 =	vld [tilespmem:s0+$0x6FB0]  }
0xc7: {  	v10 =	vld [tilespmem:s0+$0x6FC0]  }
0xc8: {  	v11 =	vld [tilespmem:s0+$0x6FD0]  }
0xc9: {  	v12 =	vld [tilespmem:s0+$0x6FE0]  }
0xca: {  	v13 =	vld [tilespmem:s0+$0x6FF0]  }
0xcb: {  	v14 =	vld [tilespmem:s0+$0x7000]  }
0xcc: {  	v15 =	vld [tilespmem:s0+$0x7010]  }
0xcd: {  	v16 =	vld [tilespmem:s0+$0x7020]  }
0xce: {  	v17 =	vld [tilespmem:s0+$0x7030]  }
0xcf: {  	v18 =	vld [tilespmem:s0+$0x7040]  }
0xd0: {  	v19 =	vld [tilespmem:s0+$0x7050]  }
0xd1: {  	[tilespmem:s0+$0xEE30] =	vst.add.f32.msk $0xffff, v1  }
0xd2: {  	v1 =	vld [tilespmem:s0+$0x7060]  }
0xd3: {  	[tilespmem:s0+$0xED00] =	vst.add.f32.msk $0xffff, v2  }
0xd4: {  	[tilespmem:s0+$0xED10] =	vst.add.f32.msk $0xffff, v3  }
0xd5: {  	[tilespmem:s0+$0xED20] =	vst.add.f32.msk $0xffff, v4  }
0xd6: {  	[tilespmem:s0+$0xED30] =	vst.add.f32.msk $0xffff, v5  }
0xd7: {  	[tilespmem:s0+$0xED40] =	vst.add.f32.msk $0xffff, v6  }
0xd8: {  	[tilespmem:s0+$0xED50] =	vst.add.f32.msk $0xffff, v7  }
0xd9: {  	[tilespmem:s0+$0xED60] =	vst.add.f32.msk $0xffff, v8  }
0xda: {  	[tilespmem:s0+$0xED70] =	vst.add.f32.msk $0xffff, v9  }
0xdb: {  	[tilespmem:s0+$0xED80] =	vst.add.f32.msk $0xffff, v10  }
0xdc: {  	[tilespmem:s0+$0xED90] =	vst.add.f32.msk $0xffff, v11  }
0xdd: {  	[tilespmem:s0+$0xEDA0] =	vst.add.f32.msk $0xffff, v12  }
0xde: {  	[tilespmem:s0+$0xEDB0] =	vst.add.f32.msk $0xffff, v13  }
0xdf: {  	[tilespmem:s0+$0xEDC0] =	vst.add.f32.msk $0xffff, v14  }
0xe0: {  	[tilespmem:s0+$0xEDD0] =	vst.add.f32.msk $0xffff, v15  }
0xe1: {  	[tilespmem:s0+$0xEDE0] =	vst.add.f32.msk $0xffff, v16  }
0xe2: {  	[tilespmem:s0+$0xEDF0] =	vst.add.f32.msk $0xffff, v17  }
0xe3: {  	[tilespmem:s0+$0xEE00] =	vst.add.f32.msk $0xffff, v18  }
0xe4: {  	s2 =	simm.s32 $0x0;
	s7 =	simm.s32 $0x500;
	[tilespmem:s0+$0xEE10] =	vst.add.f32.msk $0xffff, v19  }
.LBB2_6:
0xe5: {  	s2 =	sadd.s32 $0x5, s2;
	[tilespmem:s0+$0xEE20] =	vst.add.f32.msk $0xffff, v1;
	s0 =	sshra.s32 s7, $0x2  }
0xe6: {  	v1 =	vld [tilespmem:s0+$0x7070];
	p0 =	slt.u32 s2, $0x78  }
0xe7: {  	v2 =	vld [tilespmem:s0+$0x6F40]  }
0xe8: {  	v3 =	vld [tilespmem:s0+$0x6F50]  }
0xe9: {  	v4 =	vld [tilespmem:s0+$0x6F60]  }
0xea: {  	v5 =	vld [tilespmem:s0+$0x6F70]  }
0xeb: {  	[tilespmem:s0+$0xEE30] =	vst.add.f32.msk $0xffff, v1  }
0xec: {  	v6 =	vld [tilespmem:s0+$0x6F80]  }
0xed: {  	v7 =	vld [tilespmem:s0+$0x6F90]  }
0xee: {  	v8 =	vld [tilespmem:s0+$0x6FA0]  }
0xef: {  	v9 =	vld [tilespmem:s0+$0x6FB0]  }
0xf0: {  	v10 =	vld [tilespmem:s0+$0x6FC0]  }
0xf1: {  	v11 =	vld [tilespmem:s0+$0x6FD0]  }
0xf2: {  	v12 =	vld [tilespmem:s0+$0x6FE0]  }
0xf3: {  	v13 =	vld [tilespmem:s0+$0x6FF0]  }
0xf4: {  	v14 =	vld [tilespmem:s0+$0x7000]  }
0xf5: {  	v15 =	vld [tilespmem:s0+$0x7010]  }
0xf6: {  	v16 =	vld [tilespmem:s0+$0x7020]  }
0xf7: {  	v17 =	vld [tilespmem:s0+$0x7030]  }
0xf8: {  	v18 =	vld [tilespmem:s0+$0x7040]  }
0xf9: {  	v19 =	vld [tilespmem:s0+$0x7050]  }
0xfa: {  	v1 =	vld [tilespmem:s0+$0x7060]  }
0xfb: {  	[tilespmem:s0+$0xED00] =	vst.add.f32.msk $0xffff, v2  }
0xfc: {  	[tilespmem:s0+$0xED10] =	vst.add.f32.msk $0xffff, v3  }
0xfd: {  	[tilespmem:s0+$0xED20] =	vst.add.f32.msk $0xffff, v4  }
0xfe: {  	[tilespmem:s0+$0xED30] =	vst.add.f32.msk $0xffff, v5  }
0xff: {  	[tilespmem:s0+$0xED40] =	vst.add.f32.msk $0xffff, v6  }
0x100: {  	[tilespmem:s0+$0xED50] =	vst.add.f32.msk $0xffff, v7  }
0x101: {  	[tilespmem:s0+$0xED60] =	vst.add.f32.msk $0xffff, v8  }
0x102: {  	[tilespmem:s0+$0xED70] =	vst.add.f32.msk $0xffff, v9  }
0x103: {  	[tilespmem:s0+$0xED80] =	vst.add.f32.msk $0xffff, v10  }
0x104: {  	[tilespmem:s0+$0xED90] =	vst.add.f32.msk $0xffff, v11  }
0x105: {  	[tilespmem:s0+$0xEDA0] =	vst.add.f32.msk $0xffff, v12  }
0x106: {  	[tilespmem:s0+$0xEDB0] =	vst.add.f32.msk $0xffff, v13  }
0x107: {  	[tilespmem:s0+$0xEDC0] =	vst.add.f32.msk $0xffff, v14  }
.Ltmp2:
0x108: {  	[tilespmem:s0+$0xEDD0] =	vst.add.f32.msk $0xffff, v15;
	(pc) =	sbr.rel @p0 .LBB2_6-.Ltmp2, $4  }
0x109: {  	[tilespmem:s0+$0xEDE0] =	vst.add.f32.msk $0xffff, v16  }
0x10a: {  	[tilespmem:s0+$0xEDF0] =	vst.add.f32.msk $0xffff, v17  }
0x10b: {  	[tilespmem:s0+$0xEE00] =	vst.add.f32.msk $0xffff, v18  }
0x10c: {  	s7 =	sadd.s32 $0x500, s7;
	[tilespmem:s0+$0xEE10] =	vst.add.f32.msk $0xffff, v19  }
0x10d: {  	[tilespmem:s0+$0xEE20] =	vst.add.f32.msk $0xffff, v1;
	s31 =	simm.s32 $0xED00;
	s2 =	simm.s32 $0x14D80;
	s0 =	simm.s32 $0x0  }
0x10e: {  	[spmem:s4] =	stream.indirect.scatter.add.f32 [tilespmem:s31], [sflag:$0xE], $0x40, s2, s14, $0xb8;
	[tilespmem:$0x1EB40] =	vst v63  }
.LBB2_8:
0x10f: {  	s2 =	sshll.u32 s0, $0x2;
	s7 =	rddreg [dreg:$0x8]  }
0x110: {  	s2 =	sadd.s32 s7, s2  }
0x111: {  	s7 =	sadd.s32 $0x2, s2  }
0x112: {  	s16 =	smul.u32 $0x3E80, s7;
	_ =	sdelay $0x1  }
0x113: {  	_ =	swait.ge [sflag:s21], $0x1F40;
	s16 =	sor.u32 s8, s16  }
0x114: {  	[sflag:s21] =	ssyncset.done $0x0;
	s16 =	sshrl.u32 s16, $0x3  }
0x115: {  	s17 =	simm.s32 $0x5000;
	[sflag:s21] =	ssyncadd.s32 $0xFFFFE0C0;
	s16 =	sadd.s32 s3, s16  }
0x116: {  	[tilespmem:s17], [sflag:$0x1] =	stream.strided.gather [hbm4b:s16+s24], $0x1F40, s25, s24, $0x38;
	[tilespmem:$0x1EB40] =	vst v63  }
0x117: {  	s17 =	ssub.s32 s7, s9  }
0x118: {  	s16 =	sshll.u32 s17, $0x9  }
0x119: {  	s31 =	simm.s32 $0xCD00;
	s7 =	sshll.u32 s7, $0x4;
	s16 =	sshra.s32 s16, $0x2  }
0x11a: {  	[tilespmem:s31], [sflag:$0x5] =	stream.indirect.gather [hbm4b:s1+s25], $0x40, s16, s25, $0xb8;
	[tilespmem:$0x1EB40] =	vst v63  }
0x11b: {  	s7 =	sadd.s32 s6, s7;
	s17 =	simm.s32 $0x14D00;
	s31 =	simm.s32 $0x0  }
0x11c: {  	[tilespmem:s17], [sflag:$0x9] =	stream.linear.gather [hbm4b:s7+s31], $0x80, $0x38;
	[tilespmem:$0x1EB40] =	vst v63  }
0x11d: {  	_ =	swait.ge [sflag:s22], $0x1F40  }
0x11e: {  	[sflag:s22] =	ssyncset.done $0x0  }
0x11f: {  	[sflag:s22] =	ssyncadd.s32 $0xFFFFE0C0  }
0x120: {  	_ =	swait.ge [sflag:s23], $0x2000  }
0x121: {  	[sflag:s23] =	ssyncset.done $0x0  }
0x122: {  	[sflag:s23] =	ssyncadd.s32 $0xFFFFE000  }
0x123: {  	_ =	swait.ge [sflag:s26], $0x80  }
0x124: {  	[sflag:s26] =	ssyncset.done $0x0  }
0x125: {  	s7 =	simm.s32 $0x0;
	[sflag:s26] =	ssyncadd.s32 $0xFFFFFF80  }
0x126: {  	v1 =	vld [tilespmem:s7+$0x8FB0]  }
0x127: {  	v2 =	vld [tilespmem:s7+$0x8E80]  }
0x128: {  	v3 =	vld [tilespmem:s7+$0x8E90]  }
0x129: {  	v4 =	vld [tilespmem:s7+$0x8EA0]  }
0x12a: {  	v5 =	vld [tilespmem:s7+$0x8EB0]  }
0x12b: {  	v6 =	vld [tilespmem:s7+$0x8EC0]  }
0x12c: {  	v7 =	vld [tilespmem:s7+$0x8ED0]  }
0x12d: {  	v8 =	vld [tilespmem:s7+$0x8EE0]  }
0x12e: {  	v9 =	vld [tilespmem:s7+$0x8EF0]  }
0x12f: {  	v10 =	vld [tilespmem:s7+$0x8F00]  }
0x130: {  	v11 =	vld [tilespmem:s7+$0x8F10]  }
0x131: {  	v12 =	vld [tilespmem:s7+$0x8F20]  }
0x132: {  	v13 =	vld [tilespmem:s7+$0x8F30]  }
0x133: {  	v14 =	vld [tilespmem:s7+$0x8F40]  }
0x134: {  	v15 =	vld [tilespmem:s7+$0x8F50]  }
0x135: {  	v16 =	vld [tilespmem:s7+$0x8F60]  }
0x136: {  	v17 =	vld [tilespmem:s7+$0x8F70]  }
0x137: {  	v18 =	vld [tilespmem:s7+$0x8F80]  }
0x138: {  	v19 =	vld [tilespmem:s7+$0x8F90]  }
0x139: {  	[tilespmem:s7+$0x10E30] =	vst.add.f32.msk $0xffff, v1  }
0x13a: {  	v1 =	vld [tilespmem:s7+$0x8FA0]  }
0x13b: {  	[tilespmem:s7+$0x10D00] =	vst.add.f32.msk $0xffff, v2  }
0x13c: {  	[tilespmem:s7+$0x10D10] =	vst.add.f32.msk $0xffff, v3  }
0x13d: {  	[tilespmem:s7+$0x10D20] =	vst.add.f32.msk $0xffff, v4  }
0x13e: {  	[tilespmem:s7+$0x10D30] =	vst.add.f32.msk $0xffff, v5  }
0x13f: {  	[tilespmem:s7+$0x10D40] =	vst.add.f32.msk $0xffff, v6  }
0x140: {  	[tilespmem:s7+$0x10D50] =	vst.add.f32.msk $0xffff, v7  }
0x141: {  	[tilespmem:s7+$0x10D60] =	vst.add.f32.msk $0xffff, v8  }
0x142: {  	[tilespmem:s7+$0x10D70] =	vst.add.f32.msk $0xffff, v9  }
0x143: {  	[tilespmem:s7+$0x10D80] =	vst.add.f32.msk $0xffff, v10  }
0x144: {  	[tilespmem:s7+$0x10D90] =	vst.add.f32.msk $0xffff, v11  }
0x145: {  	[tilespmem:s7+$0x10DA0] =	vst.add.f32.msk $0xffff, v12  }
0x146: {  	[tilespmem:s7+$0x10DB0] =	vst.add.f32.msk $0xffff, v13  }
0x147: {  	[tilespmem:s7+$0x10DC0] =	vst.add.f32.msk $0xffff, v14  }
0x148: {  	[tilespmem:s7+$0x10DD0] =	vst.add.f32.msk $0xffff, v15  }
0x149: {  	[tilespmem:s7+$0x10DE0] =	vst.add.f32.msk $0xffff, v16  }
0x14a: {  	[tilespmem:s7+$0x10DF0] =	vst.add.f32.msk $0xffff, v17  }
0x14b: {  	[tilespmem:s7+$0x10E00] =	vst.add.f32.msk $0xffff, v18  }
0x14c: {  	s16 =	simm.s32 $0x0;
	s17 =	simm.s32 $0x500;
	[tilespmem:s7+$0x10E10] =	vst.add.f32.msk $0xffff, v19  }
.LBB2_9:
0x14d: {  	s16 =	sadd.s32 $0x5, s16;
	[tilespmem:s7+$0x10E20] =	vst.add.f32.msk $0xffff, v1;
	s7 =	sshra.s32 s17, $0x2  }
0x14e: {  	v1 =	vld [tilespmem:s7+$0x8FB0];
	p0 =	slt.u32 s16, $0x78  }
0x14f: {  	v2 =	vld [tilespmem:s7+$0x8E80]  }
0x150: {  	v3 =	vld [tilespmem:s7+$0x8E90]  }
0x151: {  	v4 =	vld [tilespmem:s7+$0x8EA0]  }
0x152: {  	v5 =	vld [tilespmem:s7+$0x8EB0]  }
0x153: {  	[tilespmem:s7+$0x10E30] =	vst.add.f32.msk $0xffff, v1  }
0x154: {  	v6 =	vld [tilespmem:s7+$0x8EC0]  }
0x155: {  	v7 =	vld [tilespmem:s7+$0x8ED0]  }
0x156: {  	v8 =	vld [tilespmem:s7+$0x8EE0]  }
0x157: {  	v9 =	vld [tilespmem:s7+$0x8EF0]  }
0x158: {  	v10 =	vld [tilespmem:s7+$0x8F00]  }
0x159: {  	v11 =	vld [tilespmem:s7+$0x8F10]  }
0x15a: {  	v12 =	vld [tilespmem:s7+$0x8F20]  }
0x15b: {  	v13 =	vld [tilespmem:s7+$0x8F30]  }
0x15c: {  	v14 =	vld [tilespmem:s7+$0x8F40]  }
0x15d: {  	v15 =	vld [tilespmem:s7+$0x8F50]  }
0x15e: {  	v16 =	vld [tilespmem:s7+$0x8F60]  }
0x15f: {  	v17 =	vld [tilespmem:s7+$0x8F70]  }
0x160: {  	v18 =	vld [tilespmem:s7+$0x8F80]  }
0x161: {  	v19 =	vld [tilespmem:s7+$0x8F90]  }
0x162: {  	v1 =	vld [tilespmem:s7+$0x8FA0]  }
0x163: {  	[tilespmem:s7+$0x10D00] =	vst.add.f32.msk $0xffff, v2  }
0x164: {  	[tilespmem:s7+$0x10D10] =	vst.add.f32.msk $0xffff, v3  }
0x165: {  	[tilespmem:s7+$0x10D20] =	vst.add.f32.msk $0xffff, v4  }
0x166: {  	[tilespmem:s7+$0x10D30] =	vst.add.f32.msk $0xffff, v5  }
0x167: {  	[tilespmem:s7+$0x10D40] =	vst.add.f32.msk $0xffff, v6  }
0x168: {  	[tilespmem:s7+$0x10D50] =	vst.add.f32.msk $0xffff, v7  }
0x169: {  	[tilespmem:s7+$0x10D60] =	vst.add.f32.msk $0xffff, v8  }
0x16a: {  	[tilespmem:s7+$0x10D70] =	vst.add.f32.msk $0xffff, v9  }
0x16b: {  	[tilespmem:s7+$0x10D80] =	vst.add.f32.msk $0xffff, v10  }
0x16c: {  	[tilespmem:s7+$0x10D90] =	vst.add.f32.msk $0xffff, v11  }
0x16d: {  	[tilespmem:s7+$0x10DA0] =	vst.add.f32.msk $0xffff, v12  }
0x16e: {  	[tilespmem:s7+$0x10DB0] =	vst.add.f32.msk $0xffff, v13  }
0x16f: {  	[tilespmem:s7+$0x10DC0] =	vst.add.f32.msk $0xffff, v14  }
.Ltmp3:
0x170: {  	[tilespmem:s7+$0x10DD0] =	vst.add.f32.msk $0xffff, v15;
	(pc) =	sbr.rel @p0 .LBB2_9-.Ltmp3, $4  }
0x171: {  	[tilespmem:s7+$0x10DE0] =	vst.add.f32.msk $0xffff, v16  }
0x172: {  	[tilespmem:s7+$0x10DF0] =	vst.add.f32.msk $0xffff, v17  }
0x173: {  	[tilespmem:s7+$0x10E00] =	vst.add.f32.msk $0xffff, v18  }
0x174: {  	s17 =	sadd.s32 $0x500, s17;
	[tilespmem:s7+$0x10E10] =	vst.add.f32.msk $0xffff, v19  }
0x175: {  	s16 =	sadd.s32 $0x3, s2  }
0x176: {  	[tilespmem:s7+$0x10E20] =	vst.add.f32.msk $0xffff, v1;
	s17 =	simm.s32 $0x10D00;
	s31 =	simm.s32 $0x14E00;
	s7 =	smul.u32 $0x3E80, s16  }
0x177: {  	[spmem:s4] =	stream.indirect.scatter.add.f32 [tilespmem:s17], [sflag:$0xF], $0x40, s31, s14, $0xb8;
	[tilespmem:$0x1EB40] =	vst v63  }
0x178: {  	_ =	swait.ge [sflag:s30], $0x1F40;
	s7 =	sor.u32 s8, s7  }
0x179: {  	s31 =	simm.s32 $0x6F40;
	[sflag:s30] =	ssyncset.done $0x0;
	s7 =	sshrl.u32 s7, $0x3  }
0x17a: {  	s17 =	ssub.s32 s16, s9;
	[sflag:s30] =	ssyncadd.s32 $0xFFFFE0C0;
	s7 =	sadd.s32 s3, s7  }
0x17b: {  	[tilespmem:s31], [sflag:$0x2] =	stream.strided.gather [hbm4b:s7+s24], $0x1F40, s25, s24, $0x38;
	[tilespmem:$0x1EB40] =	vst v63  }
0x17c: {  	s7 =	sshll.u32 s17, $0x9  }
0x17d: {  	s16 =	sshll.u32 s16, $0x4;
	s31 =	simm.s32 $0xED00;
	s7 =	sshra.s32 s7, $0x2  }
0x17e: {  	[tilespmem:s31], [sflag:$0x6] =	stream.indirect.gather [hbm4b:s1+s25], $0x40, s7, s25, $0xb8;
	[tilespmem:$0x1EB40] =	vst v63  }
0x17f: {  	s17 =	simm.s32 $0x0;
	s7 =	sadd.s32 s6, s16;
	s31 =	simm.s32 $0x14D80  }
0x180: {  	[tilespmem:s31], [sflag:$0xA] =	stream.linear.gather [hbm4b:s7+s17], $0x80, $0x38;
	[tilespmem:$0x1EB40] =	vst v63  }
0x181: {  	_ =	swait.ge [sflag:s5], $0x1F40  }
0x182: {  	[sflag:s5] =	ssyncset.done $0x0  }
0x183: {  	[sflag:s5] =	ssyncadd.s32 $0xFFFFE0C0  }
0x184: {  	_ =	swait.ge [sflag:s15], $0x2000  }
0x185: {  	[sflag:s15] =	ssyncset.done $0x0  }
0x186: {  	[sflag:s15] =	ssyncadd.s32 $0xFFFFE000  }
0x187: {  	_ =	swait.ge [sflag:s12], $0x80  }
0x188: {  	[sflag:s12] =	ssyncset.done $0x0  }
0x189: {  	s7 =	simm.s32 $0x0;
	[sflag:s12] =	ssyncadd.s32 $0xFFFFFF80  }
0x18a: {  	v1 =	vld [tilespmem:s7+$0xAEF0]  }
0x18b: {  	v2 =	vld [tilespmem:s7+$0xADC0]  }
0x18c: {  	v3 =	vld [tilespmem:s7+$0xADD0]  }
0x18d: {  	v4 =	vld [tilespmem:s7+$0xADE0]  }
0x18e: {  	v5 =	vld [tilespmem:s7+$0xADF0]  }
0x18f: {  	v6 =	vld [tilespmem:s7+$0xAE00]  }
0x190: {  	v7 =	vld [tilespmem:s7+$0xAE10]  }
0x191: {  	v8 =	vld [tilespmem:s7+$0xAE20]  }
0x192: {  	v9 =	vld [tilespmem:s7+$0xAE30]  }
0x193: {  	v10 =	vld [tilespmem:s7+$0xAE40]  }
0x194: {  	v11 =	vld [tilespmem:s7+$0xAE50]  }
0x195: {  	v12 =	vld [tilespmem:s7+$0xAE60]  }
0x196: {  	v13 =	vld [tilespmem:s7+$0xAE70]  }
0x197: {  	v14 =	vld [tilespmem:s7+$0xAE80]  }
0x198: {  	v15 =	vld [tilespmem:s7+$0xAE90]  }
0x199: {  	v16 =	vld [tilespmem:s7+$0xAEA0]  }
0x19a: {  	v17 =	vld [tilespmem:s7+$0xAEB0]  }
0x19b: {  	v18 =	vld [tilespmem:s7+$0xAEC0]  }
0x19c: {  	v19 =	vld [tilespmem:s7+$0xAED0]  }
0x19d: {  	[tilespmem:s7+$0x12E30] =	vst.add.f32.msk $0xffff, v1  }
0x19e: {  	v1 =	vld [tilespmem:s7+$0xAEE0]  }
0x19f: {  	[tilespmem:s7+$0x12D00] =	vst.add.f32.msk $0xffff, v2  }
0x1a0: {  	[tilespmem:s7+$0x12D10] =	vst.add.f32.msk $0xffff, v3  }
0x1a1: {  	[tilespmem:s7+$0x12D20] =	vst.add.f32.msk $0xffff, v4  }
0x1a2: {  	[tilespmem:s7+$0x12D30] =	vst.add.f32.msk $0xffff, v5  }
0x1a3: {  	[tilespmem:s7+$0x12D40] =	vst.add.f32.msk $0xffff, v6  }
0x1a4: {  	[tilespmem:s7+$0x12D50] =	vst.add.f32.msk $0xffff, v7  }
0x1a5: {  	[tilespmem:s7+$0x12D60] =	vst.add.f32.msk $0xffff, v8  }
0x1a6: {  	[tilespmem:s7+$0x12D70] =	vst.add.f32.msk $0xffff, v9  }
0x1a7: {  	[tilespmem:s7+$0x12D80] =	vst.add.f32.msk $0xffff, v10  }
0x1a8: {  	[tilespmem:s7+$0x12D90] =	vst.add.f32.msk $0xffff, v11  }
0x1a9: {  	[tilespmem:s7+$0x12DA0] =	vst.add.f32.msk $0xffff, v12  }
0x1aa: {  	[tilespmem:s7+$0x12DB0] =	vst.add.f32.msk $0xffff, v13  }
0x1ab: {  	[tilespmem:s7+$0x12DC0] =	vst.add.f32.msk $0xffff, v14  }
0x1ac: {  	[tilespmem:s7+$0x12DD0] =	vst.add.f32.msk $0xffff, v15  }
0x1ad: {  	[tilespmem:s7+$0x12DE0] =	vst.add.f32.msk $0xffff, v16  }
0x1ae: {  	[tilespmem:s7+$0x12DF0] =	vst.add.f32.msk $0xffff, v17  }
0x1af: {  	[tilespmem:s7+$0x12E00] =	vst.add.f32.msk $0xffff, v18  }
0x1b0: {  	s16 =	simm.s32 $0x0;
	s17 =	simm.s32 $0x500;
	[tilespmem:s7+$0x12E10] =	vst.add.f32.msk $0xffff, v19  }
.LBB2_11:
0x1b1: {  	s16 =	sadd.s32 $0x5, s16;
	[tilespmem:s7+$0x12E20] =	vst.add.f32.msk $0xffff, v1;
	s7 =	sshra.s32 s17, $0x2  }
0x1b2: {  	v1 =	vld [tilespmem:s7+$0xAEF0];
	p0 =	slt.u32 s16, $0x78  }
0x1b3: {  	v2 =	vld [tilespmem:s7+$0xADC0]  }
0x1b4: {  	v3 =	vld [tilespmem:s7+$0xADD0]  }
0x1b5: {  	v4 =	vld [tilespmem:s7+$0xADE0]  }
0x1b6: {  	v5 =	vld [tilespmem:s7+$0xADF0]  }
0x1b7: {  	[tilespmem:s7+$0x12E30] =	vst.add.f32.msk $0xffff, v1  }
0x1b8: {  	v6 =	vld [tilespmem:s7+$0xAE00]  }
0x1b9: {  	v7 =	vld [tilespmem:s7+$0xAE10]  }
0x1ba: {  	v8 =	vld [tilespmem:s7+$0xAE20]  }
0x1bb: {  	v9 =	vld [tilespmem:s7+$0xAE30]  }
0x1bc: {  	v10 =	vld [tilespmem:s7+$0xAE40]  }
0x1bd: {  	v11 =	vld [tilespmem:s7+$0xAE50]  }
0x1be: {  	v12 =	vld [tilespmem:s7+$0xAE60]  }
0x1bf: {  	v13 =	vld [tilespmem:s7+$0xAE70]  }
0x1c0: {  	v14 =	vld [tilespmem:s7+$0xAE80]  }
0x1c1: {  	v15 =	vld [tilespmem:s7+$0xAE90]  }
0x1c2: {  	v16 =	vld [tilespmem:s7+$0xAEA0]  }
0x1c3: {  	v17 =	vld [tilespmem:s7+$0xAEB0]  }
0x1c4: {  	v18 =	vld [tilespmem:s7+$0xAEC0]  }
0x1c5: {  	v19 =	vld [tilespmem:s7+$0xAED0]  }
0x1c6: {  	v1 =	vld [tilespmem:s7+$0xAEE0]  }
0x1c7: {  	[tilespmem:s7+$0x12D00] =	vst.add.f32.msk $0xffff, v2  }
0x1c8: {  	[tilespmem:s7+$0x12D10] =	vst.add.f32.msk $0xffff, v3  }
0x1c9: {  	[tilespmem:s7+$0x12D20] =	vst.add.f32.msk $0xffff, v4  }
0x1ca: {  	[tilespmem:s7+$0x12D30] =	vst.add.f32.msk $0xffff, v5  }
0x1cb: {  	[tilespmem:s7+$0x12D40] =	vst.add.f32.msk $0xffff, v6  }
0x1cc: {  	[tilespmem:s7+$0x12D50] =	vst.add.f32.msk $0xffff, v7  }
0x1cd: {  	[tilespmem:s7+$0x12D60] =	vst.add.f32.msk $0xffff, v8  }
0x1ce: {  	[tilespmem:s7+$0x12D70] =	vst.add.f32.msk $0xffff, v9  }
0x1cf: {  	[tilespmem:s7+$0x12D80] =	vst.add.f32.msk $0xffff, v10  }
0x1d0: {  	[tilespmem:s7+$0x12D90] =	vst.add.f32.msk $0xffff, v11  }
0x1d1: {  	[tilespmem:s7+$0x12DA0] =	vst.add.f32.msk $0xffff, v12  }
0x1d2: {  	[tilespmem:s7+$0x12DB0] =	vst.add.f32.msk $0xffff, v13  }
0x1d3: {  	[tilespmem:s7+$0x12DC0] =	vst.add.f32.msk $0xffff, v14  }
.Ltmp4:
0x1d4: {  	[tilespmem:s7+$0x12DD0] =	vst.add.f32.msk $0xffff, v15;
	(pc) =	sbr.rel @p0 .LBB2_11-.Ltmp4, $4  }
0x1d5: {  	[tilespmem:s7+$0x12DE0] =	vst.add.f32.msk $0xffff, v16  }
0x1d6: {  	[tilespmem:s7+$0x12DF0] =	vst.add.f32.msk $0xffff, v17  }
0x1d7: {  	[tilespmem:s7+$0x12E00] =	vst.add.f32.msk $0xffff, v18  }
0x1d8: {  	s17 =	sadd.s32 $0x500, s17;
	[tilespmem:s7+$0x12E10] =	vst.add.f32.msk $0xffff, v19  }
0x1d9: {  	s16 =	sadd.s32 $0x4, s2  }
0x1da: {  	[tilespmem:s7+$0x12E20] =	vst.add.f32.msk $0xffff, v1;
	s31 =	simm.s32 $0x12D00;
	s17 =	simm.s32 $0x14E80;
	s7 =	smul.u32 $0x3E80, s16  }
0x1db: {  	[spmem:s4] =	stream.indirect.scatter.add.f32 [tilespmem:s31], [sflag:$0x10], $0x40, s17, s14, $0xb8;
	[tilespmem:$0x1EB40] =	vst v63  }
0x1dc: {  	_ =	swait.ge [sflag:s28], $0x1F40;
	s7 =	sor.u32 s8, s7  }
0x1dd: {  	[sflag:s28] =	ssyncset.done $0x0;
	s7 =	sshrl.u32 s7, $0x3  }
0x1de: {  	s17 =	simm.s32 $0x8E80;
	[sflag:s28] =	ssyncadd.s32 $0xFFFFE0C0;
	s7 =	sadd.s32 s3, s7  }
0x1df: {  	[tilespmem:s17], [sflag:$0x3] =	stream.strided.gather [hbm4b:s7+s24], $0x1F40, s25, s24, $0x38;
	[tilespmem:$0x1EB40] =	vst v63  }
0x1e0: {  	s17 =	ssub.s32 s16, s9  }
0x1e1: {  	s7 =	sshll.u32 s17, $0x9  }
0x1e2: {  	s17 =	simm.s32 $0x10D00;
	s7 =	sshra.s32 s7, $0x2  }
0x1e3: {  	[tilespmem:s17], [sflag:$0x7] =	stream.indirect.gather [hbm4b:s1+s25], $0x40, s7, s25, $0xb8;
	[tilespmem:$0x1EB40] =	vst v63  }
0x1e4: {  	s17 =	sshll.u32 s16, $0x4  }
0x1e5: {  	s16 =	simm.s32 $0x0;
	s7 =	sadd.s32 s6, s17;
	s17 =	simm.s32 $0x14E00  }
0x1e6: {  	[tilespmem:s17], [sflag:$0xB] =	stream.linear.gather [hbm4b:s7+s16], $0x80, $0x38;
	[tilespmem:$0x1EB40] =	vst v63  }
0x1e7: {  	_ =	swait.ge [sflag:s10], $0x1F40  }
0x1e8: {  	[sflag:s10] =	ssyncset.done $0x0  }
0x1e9: {  	[sflag:s10] =	ssyncadd.s32 $0xFFFFE0C0  }
0x1ea: {  	_ =	swait.ge [sflag:s11], $0x2000  }
0x1eb: {  	[sflag:s11] =	ssyncset.done $0x0  }
0x1ec: {  	[sflag:s11] =	ssyncadd.s32 $0xFFFFE000  }
0x1ed: {  	_ =	swait.ge [sflag:s13], $0x80  }
0x1ee: {  	[sflag:s13] =	ssyncset.done $0x0  }
0x1ef: {  	s7 =	simm.s32 $0x0;
	[sflag:s13] =	ssyncadd.s32 $0xFFFFFF80  }
0x1f0: {  	v1 =	vld [tilespmem:s7+$0x5130]  }
0x1f1: {  	v2 =	vld [tilespmem:s7+$0x5000]  }
0x1f2: {  	v3 =	vld [tilespmem:s7+$0x5010]  }
0x1f3: {  	v4 =	vld [tilespmem:s7+$0x5020]  }
0x1f4: {  	v5 =	vld [tilespmem:s7+$0x5030]  }
0x1f5: {  	v6 =	vld [tilespmem:s7+$0x5040]  }
0x1f6: {  	v7 =	vld [tilespmem:s7+$0x5050]  }
0x1f7: {  	v8 =	vld [tilespmem:s7+$0x5060]  }
0x1f8: {  	v9 =	vld [tilespmem:s7+$0x5070]  }
0x1f9: {  	v10 =	vld [tilespmem:s7+$0x5080]  }
0x1fa: {  	v11 =	vld [tilespmem:s7+$0x5090]  }
0x1fb: {  	v12 =	vld [tilespmem:s7+$0x50A0]  }
0x1fc: {  	v13 =	vld [tilespmem:s7+$0x50B0]  }
0x1fd: {  	v14 =	vld [tilespmem:s7+$0x50C0]  }
0x1fe: {  	v15 =	vld [tilespmem:s7+$0x50D0]  }
0x1ff: {  	v16 =	vld [tilespmem:s7+$0x50E0]  }
0x200: {  	v17 =	vld [tilespmem:s7+$0x50F0]  }
0x201: {  	v18 =	vld [tilespmem:s7+$0x5100]  }
0x202: {  	v19 =	vld [tilespmem:s7+$0x5110]  }
0x203: {  	[tilespmem:s7+$0xCE30] =	vst.add.f32.msk $0xffff, v1  }
0x204: {  	v1 =	vld [tilespmem:s7+$0x5120]  }
0x205: {  	[tilespmem:s7+$0xCD00] =	vst.add.f32.msk $0xffff, v2  }
0x206: {  	[tilespmem:s7+$0xCD10] =	vst.add.f32.msk $0xffff, v3  }
0x207: {  	[tilespmem:s7+$0xCD20] =	vst.add.f32.msk $0xffff, v4  }
0x208: {  	[tilespmem:s7+$0xCD30] =	vst.add.f32.msk $0xffff, v5  }
0x209: {  	[tilespmem:s7+$0xCD40] =	vst.add.f32.msk $0xffff, v6  }
0x20a: {  	[tilespmem:s7+$0xCD50] =	vst.add.f32.msk $0xffff, v7  }
0x20b: {  	[tilespmem:s7+$0xCD60] =	vst.add.f32.msk $0xffff, v8  }
0x20c: {  	[tilespmem:s7+$0xCD70] =	vst.add.f32.msk $0xffff, v9  }
0x20d: {  	[tilespmem:s7+$0xCD80] =	vst.add.f32.msk $0xffff, v10  }
0x20e: {  	[tilespmem:s7+$0xCD90] =	vst.add.f32.msk $0xffff, v11  }
0x20f: {  	[tilespmem:s7+$0xCDA0] =	vst.add.f32.msk $0xffff, v12  }
0x210: {  	[tilespmem:s7+$0xCDB0] =	vst.add.f32.msk $0xffff, v13  }
0x211: {  	[tilespmem:s7+$0xCDC0] =	vst.add.f32.msk $0xffff, v14  }
0x212: {  	[tilespmem:s7+$0xCDD0] =	vst.add.f32.msk $0xffff, v15  }
0x213: {  	[tilespmem:s7+$0xCDE0] =	vst.add.f32.msk $0xffff, v16  }
0x214: {  	[tilespmem:s7+$0xCDF0] =	vst.add.f32.msk $0xffff, v17  }
0x215: {  	[tilespmem:s7+$0xCE00] =	vst.add.f32.msk $0xffff, v18  }
0x216: {  	s16 =	simm.s32 $0x0;
	s17 =	simm.s32 $0x500;
	[tilespmem:s7+$0xCE10] =	vst.add.f32.msk $0xffff, v19  }
.LBB2_13:
0x217: {  	s16 =	sadd.s32 $0x5, s16;
	[tilespmem:s7+$0xCE20] =	vst.add.f32.msk $0xffff, v1;
	s7 =	sshra.s32 s17, $0x2  }
0x218: {  	v1 =	vld [tilespmem:s7+$0x5130];
	p0 =	slt.u32 s16, $0x78  }
0x219: {  	v2 =	vld [tilespmem:s7+$0x5000]  }
0x21a: {  	v3 =	vld [tilespmem:s7+$0x5010]  }
0x21b: {  	v4 =	vld [tilespmem:s7+$0x5020]  }
0x21c: {  	v5 =	vld [tilespmem:s7+$0x5030]  }
0x21d: {  	[tilespmem:s7+$0xCE30] =	vst.add.f32.msk $0xffff, v1  }
0x21e: {  	v6 =	vld [tilespmem:s7+$0x5040]  }
0x21f: {  	v7 =	vld [tilespmem:s7+$0x5050]  }
0x220: {  	v8 =	vld [tilespmem:s7+$0x5060]  }
0x221: {  	v9 =	vld [tilespmem:s7+$0x5070]  }
0x222: {  	v10 =	vld [tilespmem:s7+$0x5080]  }
0x223: {  	v11 =	vld [tilespmem:s7+$0x5090]  }
0x224: {  	v12 =	vld [tilespmem:s7+$0x50A0]  }
0x225: {  	v13 =	vld [tilespmem:s7+$0x50B0]  }
0x226: {  	v14 =	vld [tilespmem:s7+$0x50C0]  }
0x227: {  	v15 =	vld [tilespmem:s7+$0x50D0]  }
0x228: {  	v16 =	vld [tilespmem:s7+$0x50E0]  }
0x229: {  	v17 =	vld [tilespmem:s7+$0x50F0]  }
0x22a: {  	v18 =	vld [tilespmem:s7+$0x5100]  }
0x22b: {  	v19 =	vld [tilespmem:s7+$0x5110]  }
0x22c: {  	v1 =	vld [tilespmem:s7+$0x5120]  }
0x22d: {  	[tilespmem:s7+$0xCD00] =	vst.add.f32.msk $0xffff, v2  }
0x22e: {  	[tilespmem:s7+$0xCD10] =	vst.add.f32.msk $0xffff, v3  }
0x22f: {  	[tilespmem:s7+$0xCD20] =	vst.add.f32.msk $0xffff, v4  }
0x230: {  	[tilespmem:s7+$0xCD30] =	vst.add.f32.msk $0xffff, v5  }
0x231: {  	[tilespmem:s7+$0xCD40] =	vst.add.f32.msk $0xffff, v6  }
0x232: {  	[tilespmem:s7+$0xCD50] =	vst.add.f32.msk $0xffff, v7  }
0x233: {  	[tilespmem:s7+$0xCD60] =	vst.add.f32.msk $0xffff, v8  }
0x234: {  	[tilespmem:s7+$0xCD70] =	vst.add.f32.msk $0xffff, v9  }
0x235: {  	[tilespmem:s7+$0xCD80] =	vst.add.f32.msk $0xffff, v10  }
0x236: {  	[tilespmem:s7+$0xCD90] =	vst.add.f32.msk $0xffff, v11  }
0x237: {  	[tilespmem:s7+$0xCDA0] =	vst.add.f32.msk $0xffff, v12  }
0x238: {  	[tilespmem:s7+$0xCDB0] =	vst.add.f32.msk $0xffff, v13  }
0x239: {  	[tilespmem:s7+$0xCDC0] =	vst.add.f32.msk $0xffff, v14  }
.Ltmp5:
0x23a: {  	[tilespmem:s7+$0xCDD0] =	vst.add.f32.msk $0xffff, v15;
	(pc) =	sbr.rel @p0 .LBB2_13-.Ltmp5, $4  }
0x23b: {  	[tilespmem:s7+$0xCDE0] =	vst.add.f32.msk $0xffff, v16  }
0x23c: {  	[tilespmem:s7+$0xCDF0] =	vst.add.f32.msk $0xffff, v17  }
0x23d: {  	[tilespmem:s7+$0xCE00] =	vst.add.f32.msk $0xffff, v18  }
0x23e: {  	s17 =	sadd.s32 $0x500, s17;
	[tilespmem:s7+$0xCE10] =	vst.add.f32.msk $0xffff, v19  }
0x23f: {  	s2 =	sadd.s32 $0x5, s2  }
0x240: {  	[tilespmem:s7+$0xCE20] =	vst.add.f32.msk $0xffff, v1;
	s16 =	simm.s32 $0xCD00;
	s17 =	simm.s32 $0x14D00;
	s7 =	smul.u32 $0x3E80, s2  }
0x241: {  	[spmem:s4] =	stream.indirect.scatter.add.f32 [tilespmem:s16], [sflag:$0xD], $0x40, s17, s14, $0xb8;
	[tilespmem:$0x1EB40] =	vst v63  }
0x242: {  	_ =	swait.ge [sflag:s29], $0x1F40;
	s7 =	sor.u32 s8, s7  }
0x243: {  	[sflag:s29] =	ssyncset.done $0x0;
	s7 =	sshrl.u32 s7, $0x3  }
0x244: {  	s17 =	simm.s32 $0xADC0;
	[sflag:s29] =	ssyncadd.s32 $0xFFFFE0C0;
	s7 =	sadd.s32 s3, s7  }
0x245: {  	[tilespmem:s17], [sflag:$0x4] =	stream.strided.gather [hbm4b:s7+s24], $0x1F40, s25, s24, $0x38;
	[tilespmem:$0x1EB40] =	vst v63  }
0x246: {  	s17 =	ssub.s32 s2, s9  }
0x247: {  	s7 =	sshll.u32 s17, $0x9  }
0x248: {  	s2 =	sshll.u32 s2, $0x4;
	s7 =	sshra.s32 s7, $0x2  }
0x249: {  	[tilespmem:s31], [sflag:$0x8] =	stream.indirect.gather [hbm4b:s1+s25], $0x40, s7, s25, $0xb8;
	[tilespmem:$0x1EB40] =	vst v63  }
0x24a: {  	s16 =	simm.s32 $0x0;
	s2 =	sadd.s32 s6, s2;
	s17 =	simm.s32 $0x14E80  }
0x24b: {  	[tilespmem:s17], [sflag:$0xC] =	stream.linear.gather [hbm4b:s2+s16], $0x80, $0x38;
	[tilespmem:$0x1EB40] =	vst v63  }
0x24c: {  	_ =	swait.ge [sflag:s18], $0x1F40  }
0x24d: {  	[sflag:s18] =	ssyncset.done $0x0  }
0x24e: {  	[sflag:s18] =	ssyncadd.s32 $0xFFFFE0C0  }
0x24f: {  	_ =	swait.ge [sflag:s19], $0x2000  }
0x250: {  	[sflag:s19] =	ssyncset.done $0x0  }
0x251: {  	[sflag:s19] =	ssyncadd.s32 $0xFFFFE000  }
0x252: {  	_ =	swait.ge [sflag:s20], $0x80  }
0x253: {  	[sflag:s20] =	ssyncset.done $0x0  }
0x254: {  	s2 =	simm.s32 $0x0;
	[sflag:s20] =	ssyncadd.s32 $0xFFFFFF80  }
0x255: {  	v1 =	vld [tilespmem:s2+$0x7070]  }
0x256: {  	v2 =	vld [tilespmem:s2+$0x6F40]  }
0x257: {  	v3 =	vld [tilespmem:s2+$0x6F50]  }
0x258: {  	v4 =	vld [tilespmem:s2+$0x6F60]  }
0x259: {  	v5 =	vld [tilespmem:s2+$0x6F70]  }
0x25a: {  	v6 =	vld [tilespmem:s2+$0x6F80]  }
0x25b: {  	v7 =	vld [tilespmem:s2+$0x6F90]  }
0x25c: {  	v8 =	vld [tilespmem:s2+$0x6FA0]  }
0x25d: {  	v9 =	vld [tilespmem:s2+$0x6FB0]  }
0x25e: {  	v10 =	vld [tilespmem:s2+$0x6FC0]  }
0x25f: {  	v11 =	vld [tilespmem:s2+$0x6FD0]  }
0x260: {  	v12 =	vld [tilespmem:s2+$0x6FE0]  }
0x261: {  	v13 =	vld [tilespmem:s2+$0x6FF0]  }
0x262: {  	v14 =	vld [tilespmem:s2+$0x7000]  }
0x263: {  	v15 =	vld [tilespmem:s2+$0x7010]  }
0x264: {  	v16 =	vld [tilespmem:s2+$0x7020]  }
0x265: {  	v17 =	vld [tilespmem:s2+$0x7030]  }
0x266: {  	v18 =	vld [tilespmem:s2+$0x7040]  }
0x267: {  	v19 =	vld [tilespmem:s2+$0x7050]  }
0x268: {  	[tilespmem:s2+$0xEE30] =	vst.add.f32.msk $0xffff, v1  }
0x269: {  	v1 =	vld [tilespmem:s2+$0x7060]  }
0x26a: {  	[tilespmem:s2+$0xED00] =	vst.add.f32.msk $0xffff, v2  }
0x26b: {  	[tilespmem:s2+$0xED10] =	vst.add.f32.msk $0xffff, v3  }
0x26c: {  	[tilespmem:s2+$0xED20] =	vst.add.f32.msk $0xffff, v4  }
0x26d: {  	[tilespmem:s2+$0xED30] =	vst.add.f32.msk $0xffff, v5  }
0x26e: {  	[tilespmem:s2+$0xED40] =	vst.add.f32.msk $0xffff, v6  }
0x26f: {  	[tilespmem:s2+$0xED50] =	vst.add.f32.msk $0xffff, v7  }
0x270: {  	[tilespmem:s2+$0xED60] =	vst.add.f32.msk $0xffff, v8  }
0x271: {  	[tilespmem:s2+$0xED70] =	vst.add.f32.msk $0xffff, v9  }
0x272: {  	[tilespmem:s2+$0xED80] =	vst.add.f32.msk $0xffff, v10  }
0x273: {  	[tilespmem:s2+$0xED90] =	vst.add.f32.msk $0xffff, v11  }
0x274: {  	[tilespmem:s2+$0xEDA0] =	vst.add.f32.msk $0xffff, v12  }
0x275: {  	[tilespmem:s2+$0xEDB0] =	vst.add.f32.msk $0xffff, v13  }
0x276: {  	[tilespmem:s2+$0xEDC0] =	vst.add.f32.msk $0xffff, v14  }
0x277: {  	[tilespmem:s2+$0xEDD0] =	vst.add.f32.msk $0xffff, v15  }
0x278: {  	[tilespmem:s2+$0xEDE0] =	vst.add.f32.msk $0xffff, v16  }
0x279: {  	[tilespmem:s2+$0xEDF0] =	vst.add.f32.msk $0xffff, v17  }
0x27a: {  	[tilespmem:s2+$0xEE00] =	vst.add.f32.msk $0xffff, v18  }
0x27b: {  	s7 =	simm.s32 $0x0;
	s16 =	simm.s32 $0x500;
	[tilespmem:s2+$0xEE10] =	vst.add.f32.msk $0xffff, v19  }
.LBB2_15:
0x27c: {  	s7 =	sadd.s32 $0x5, s7;
	[tilespmem:s2+$0xEE20] =	vst.add.f32.msk $0xffff, v1;
	s2 =	sshra.s32 s16, $0x2  }
0x27d: {  	v1 =	vld [tilespmem:s2+$0x7070];
	p0 =	slt.u32 s7, $0x78  }
0x27e: {  	v2 =	vld [tilespmem:s2+$0x6F40]  }
0x27f: {  	v3 =	vld [tilespmem:s2+$0x6F50]  }
0x280: {  	v4 =	vld [tilespmem:s2+$0x6F60]  }
0x281: {  	v5 =	vld [tilespmem:s2+$0x6F70]  }
0x282: {  	[tilespmem:s2+$0xEE30] =	vst.add.f32.msk $0xffff, v1  }
0x283: {  	v6 =	vld [tilespmem:s2+$0x6F80]  }
0x284: {  	v7 =	vld [tilespmem:s2+$0x6F90]  }
0x285: {  	v8 =	vld [tilespmem:s2+$0x6FA0]  }
0x286: {  	v9 =	vld [tilespmem:s2+$0x6FB0]  }
0x287: {  	v10 =	vld [tilespmem:s2+$0x6FC0]  }
0x288: {  	v11 =	vld [tilespmem:s2+$0x6FD0]  }
0x289: {  	v12 =	vld [tilespmem:s2+$0x6FE0]  }
0x28a: {  	v13 =	vld [tilespmem:s2+$0x6FF0]  }
0x28b: {  	v14 =	vld [tilespmem:s2+$0x7000]  }
0x28c: {  	v15 =	vld [tilespmem:s2+$0x7010]  }
0x28d: {  	v16 =	vld [tilespmem:s2+$0x7020]  }
0x28e: {  	v17 =	vld [tilespmem:s2+$0x7030]  }
0x28f: {  	v18 =	vld [tilespmem:s2+$0x7040]  }
0x290: {  	v19 =	vld [tilespmem:s2+$0x7050]  }
0x291: {  	v1 =	vld [tilespmem:s2+$0x7060]  }
0x292: {  	[tilespmem:s2+$0xED00] =	vst.add.f32.msk $0xffff, v2  }
0x293: {  	[tilespmem:s2+$0xED10] =	vst.add.f32.msk $0xffff, v3  }
0x294: {  	[tilespmem:s2+$0xED20] =	vst.add.f32.msk $0xffff, v4  }
0x295: {  	[tilespmem:s2+$0xED30] =	vst.add.f32.msk $0xffff, v5  }
0x296: {  	[tilespmem:s2+$0xED40] =	vst.add.f32.msk $0xffff, v6  }
0x297: {  	[tilespmem:s2+$0xED50] =	vst.add.f32.msk $0xffff, v7  }
0x298: {  	[tilespmem:s2+$0xED60] =	vst.add.f32.msk $0xffff, v8  }
0x299: {  	[tilespmem:s2+$0xED70] =	vst.add.f32.msk $0xffff, v9  }
0x29a: {  	[tilespmem:s2+$0xED80] =	vst.add.f32.msk $0xffff, v10  }
0x29b: {  	[tilespmem:s2+$0xED90] =	vst.add.f32.msk $0xffff, v11  }
0x29c: {  	[tilespmem:s2+$0xEDA0] =	vst.add.f32.msk $0xffff, v12  }
0x29d: {  	[tilespmem:s2+$0xEDB0] =	vst.add.f32.msk $0xffff, v13  }
0x29e: {  	[tilespmem:s2+$0xEDC0] =	vst.add.f32.msk $0xffff, v14  }
.Ltmp6:
0x29f: {  	[tilespmem:s2+$0xEDD0] =	vst.add.f32.msk $0xffff, v15;
	(pc) =	sbr.rel @p0 .LBB2_15-.Ltmp6, $4  }
0x2a0: {  	[tilespmem:s2+$0xEDE0] =	vst.add.f32.msk $0xffff, v16  }
0x2a1: {  	[tilespmem:s2+$0xEDF0] =	vst.add.f32.msk $0xffff, v17  }
0x2a2: {  	[tilespmem:s2+$0xEE00] =	vst.add.f32.msk $0xffff, v18  }
0x2a3: {  	s16 =	sadd.s32 $0x500, s16;
	[tilespmem:s2+$0xEE10] =	vst.add.f32.msk $0xffff, v19  }
0x2a4: {  	s0 =	sadd.s32 $0x1, s0  }
0x2a5: {  	p0 =	sne.s32 s0, $0x27  }
.Ltmp7:
0x2a6: {  	_ = 	snop;
	(pc) =	sbr.rel @p0 .LBB2_8-.Ltmp7, $3  }
0x2a7: {  	_ =	sdelay $0x1  }
0x2a8: {  	[tilespmem:s2+$0xEE20] =	vst.add.f32.msk $0xffff, v1;
	s17 =	simm.s32 $0xED00;
	s7 =	simm.s32 $0x14D80  }
0x2a9: {  	[spmem:s4] =	stream.indirect.scatter.add.f32 [tilespmem:s17], [sflag:$0xE], $0x40, s7, s14, $0xb8;
	[tilespmem:$0x1EB40] =	vst v63  }
0x2aa: {  	_ =	swait.ge [sflag:s22], $0x1F40  }
0x2ab: {  	[sflag:s22] =	ssyncset.done $0x0  }
0x2ac: {  	[sflag:s22] =	ssyncadd.s32 $0xFFFFE0C0  }
0x2ad: {  	_ =	swait.ge [sflag:s23], $0x2000  }
0x2ae: {  	[sflag:s23] =	ssyncset.done $0x0  }
0x2af: {  	[sflag:s23] =	ssyncadd.s32 $0xFFFFE000  }
0x2b0: {  	_ =	swait.ge [sflag:s26], $0x80  }
0x2b1: {  	[sflag:s26] =	ssyncset.done $0x0  }
0x2b2: {  	s0 =	simm.s32 $0x0;
	[sflag:s26] =	ssyncadd.s32 $0xFFFFFF80  }
0x2b3: {  	v1 =	vld [tilespmem:s0+$0x8FB0]  }
0x2b4: {  	v2 =	vld [tilespmem:s0+$0x8E80]  }
0x2b5: {  	v3 =	vld [tilespmem:s0+$0x8E90]  }
0x2b6: {  	v4 =	vld [tilespmem:s0+$0x8EA0]  }
0x2b7: {  	v5 =	vld [tilespmem:s0+$0x8EB0]  }
0x2b8: {  	v6 =	vld [tilespmem:s0+$0x8EC0]  }
0x2b9: {  	v7 =	vld [tilespmem:s0+$0x8ED0]  }
0x2ba: {  	v8 =	vld [tilespmem:s0+$0x8EE0]  }
0x2bb: {  	v9 =	vld [tilespmem:s0+$0x8EF0]  }
0x2bc: {  	v10 =	vld [tilespmem:s0+$0x8F00]  }
0x2bd: {  	v11 =	vld [tilespmem:s0+$0x8F10]  }
0x2be: {  	v12 =	vld [tilespmem:s0+$0x8F20]  }
0x2bf: {  	v13 =	vld [tilespmem:s0+$0x8F30]  }
0x2c0: {  	v14 =	vld [tilespmem:s0+$0x8F40]  }
0x2c1: {  	v15 =	vld [tilespmem:s0+$0x8F50]  }
0x2c2: {  	v16 =	vld [tilespmem:s0+$0x8F60]  }
0x2c3: {  	v17 =	vld [tilespmem:s0+$0x8F70]  }
0x2c4: {  	v18 =	vld [tilespmem:s0+$0x8F80]  }
0x2c5: {  	v19 =	vld [tilespmem:s0+$0x8F90]  }
0x2c6: {  	[tilespmem:s0+$0x10E30] =	vst.add.f32.msk $0xffff, v1  }
0x2c7: {  	v1 =	vld [tilespmem:s0+$0x8FA0]  }
0x2c8: {  	[tilespmem:s0+$0x10D00] =	vst.add.f32.msk $0xffff, v2  }
0x2c9: {  	[tilespmem:s0+$0x10D10] =	vst.add.f32.msk $0xffff, v3  }
0x2ca: {  	[tilespmem:s0+$0x10D20] =	vst.add.f32.msk $0xffff, v4  }
0x2cb: {  	[tilespmem:s0+$0x10D30] =	vst.add.f32.msk $0xffff, v5  }
0x2cc: {  	[tilespmem:s0+$0x10D40] =	vst.add.f32.msk $0xffff, v6  }
0x2cd: {  	[tilespmem:s0+$0x10D50] =	vst.add.f32.msk $0xffff, v7  }
0x2ce: {  	[tilespmem:s0+$0x10D60] =	vst.add.f32.msk $0xffff, v8  }
0x2cf: {  	[tilespmem:s0+$0x10D70] =	vst.add.f32.msk $0xffff, v9  }
0x2d0: {  	[tilespmem:s0+$0x10D80] =	vst.add.f32.msk $0xffff, v10  }
0x2d1: {  	[tilespmem:s0+$0x10D90] =	vst.add.f32.msk $0xffff, v11  }
0x2d2: {  	[tilespmem:s0+$0x10DA0] =	vst.add.f32.msk $0xffff, v12  }
0x2d3: {  	[tilespmem:s0+$0x10DB0] =	vst.add.f32.msk $0xffff, v13  }
0x2d4: {  	[tilespmem:s0+$0x10DC0] =	vst.add.f32.msk $0xffff, v14  }
0x2d5: {  	[tilespmem:s0+$0x10DD0] =	vst.add.f32.msk $0xffff, v15  }
0x2d6: {  	[tilespmem:s0+$0x10DE0] =	vst.add.f32.msk $0xffff, v16  }
0x2d7: {  	[tilespmem:s0+$0x10DF0] =	vst.add.f32.msk $0xffff, v17  }
0x2d8: {  	[tilespmem:s0+$0x10E00] =	vst.add.f32.msk $0xffff, v18  }
0x2d9: {  	s2 =	simm.s32 $0x0;
	s7 =	simm.s32 $0x500;
	[tilespmem:s0+$0x10E10] =	vst.add.f32.msk $0xffff, v19  }
.LBB2_18:
0x2da: {  	s2 =	sadd.s32 $0x5, s2;
	[tilespmem:s0+$0x10E20] =	vst.add.f32.msk $0xffff, v1;
	s0 =	sshra.s32 s7, $0x2  }
0x2db: {  	v1 =	vld [tilespmem:s0+$0x8FB0];
	p0 =	slt.u32 s2, $0x78  }
0x2dc: {  	v2 =	vld [tilespmem:s0+$0x8E80]  }
0x2dd: {  	v3 =	vld [tilespmem:s0+$0x8E90]  }
0x2de: {  	v4 =	vld [tilespmem:s0+$0x8EA0]  }
0x2df: {  	v5 =	vld [tilespmem:s0+$0x8EB0]  }
0x2e0: {  	[tilespmem:s0+$0x10E30] =	vst.add.f32.msk $0xffff, v1  }
0x2e1: {  	v6 =	vld [tilespmem:s0+$0x8EC0]  }
0x2e2: {  	v7 =	vld [tilespmem:s0+$0x8ED0]  }
0x2e3: {  	v8 =	vld [tilespmem:s0+$0x8EE0]  }
0x2e4: {  	v9 =	vld [tilespmem:s0+$0x8EF0]  }
0x2e5: {  	v10 =	vld [tilespmem:s0+$0x8F00]  }
0x2e6: {  	v11 =	vld [tilespmem:s0+$0x8F10]  }
0x2e7: {  	v12 =	vld [tilespmem:s0+$0x8F20]  }
0x2e8: {  	v13 =	vld [tilespmem:s0+$0x8F30]  }
0x2e9: {  	v14 =	vld [tilespmem:s0+$0x8F40]  }
0x2ea: {  	v15 =	vld [tilespmem:s0+$0x8F50]  }
0x2eb: {  	v16 =	vld [tilespmem:s0+$0x8F60]  }
0x2ec: {  	v17 =	vld [tilespmem:s0+$0x8F70]  }
0x2ed: {  	v18 =	vld [tilespmem:s0+$0x8F80]  }
0x2ee: {  	v19 =	vld [tilespmem:s0+$0x8F90]  }
0x2ef: {  	v1 =	vld [tilespmem:s0+$0x8FA0]  }
0x2f0: {  	[tilespmem:s0+$0x10D00] =	vst.add.f32.msk $0xffff, v2  }
0x2f1: {  	[tilespmem:s0+$0x10D10] =	vst.add.f32.msk $0xffff, v3  }
0x2f2: {  	[tilespmem:s0+$0x10D20] =	vst.add.f32.msk $0xffff, v4  }
0x2f3: {  	[tilespmem:s0+$0x10D30] =	vst.add.f32.msk $0xffff, v5  }
0x2f4: {  	[tilespmem:s0+$0x10D40] =	vst.add.f32.msk $0xffff, v6  }
0x2f5: {  	[tilespmem:s0+$0x10D50] =	vst.add.f32.msk $0xffff, v7  }
0x2f6: {  	[tilespmem:s0+$0x10D60] =	vst.add.f32.msk $0xffff, v8  }
0x2f7: {  	[tilespmem:s0+$0x10D70] =	vst.add.f32.msk $0xffff, v9  }
0x2f8: {  	[tilespmem:s0+$0x10D80] =	vst.add.f32.msk $0xffff, v10  }
0x2f9: {  	[tilespmem:s0+$0x10D90] =	vst.add.f32.msk $0xffff, v11  }
0x2fa: {  	[tilespmem:s0+$0x10DA0] =	vst.add.f32.msk $0xffff, v12  }
0x2fb: {  	[tilespmem:s0+$0x10DB0] =	vst.add.f32.msk $0xffff, v13  }
0x2fc: {  	[tilespmem:s0+$0x10DC0] =	vst.add.f32.msk $0xffff, v14  }
.Ltmp8:
0x2fd: {  	[tilespmem:s0+$0x10DD0] =	vst.add.f32.msk $0xffff, v15;
	(pc) =	sbr.rel @p0 .LBB2_18-.Ltmp8, $4  }
0x2fe: {  	[tilespmem:s0+$0x10DE0] =	vst.add.f32.msk $0xffff, v16  }
0x2ff: {  	[tilespmem:s0+$0x10DF0] =	vst.add.f32.msk $0xffff, v17  }
0x300: {  	[tilespmem:s0+$0x10E00] =	vst.add.f32.msk $0xffff, v18  }
0x301: {  	s7 =	sadd.s32 $0x500, s7;
	[tilespmem:s0+$0x10E10] =	vst.add.f32.msk $0xffff, v19  }
0x302: {  	[tilespmem:s0+$0x10E20] =	vst.add.f32.msk $0xffff, v1;
	s17 =	simm.s32 $0x10D00;
	s2 =	simm.s32 $0x14E00  }
0x303: {  	[spmem:s4] =	stream.indirect.scatter.add.f32 [tilespmem:s17], [sflag:$0xF], $0x40, s2, s14, $0xb8;
	[tilespmem:$0x1EB40] =	vst v63  }
0x304: {  	_ =	swait.ge [sflag:s5], $0x1F40  }
0x305: {  	[sflag:s5] =	ssyncset.done $0x0  }
0x306: {  	[sflag:s5] =	ssyncadd.s32 $0xFFFFE0C0  }
0x307: {  	_ =	swait.ge [sflag:s15], $0x2000  }
0x308: {  	[sflag:s15] =	ssyncset.done $0x0  }
0x309: {  	[sflag:s15] =	ssyncadd.s32 $0xFFFFE000  }
0x30a: {  	_ =	swait.ge [sflag:s12], $0x80  }
0x30b: {  	[sflag:s12] =	ssyncset.done $0x0  }
0x30c: {  	s0 =	simm.s32 $0x0;
	[sflag:s12] =	ssyncadd.s32 $0xFFFFFF80  }
0x30d: {  	v1 =	vld [tilespmem:s0+$0xAEF0]  }
0x30e: {  	v2 =	vld [tilespmem:s0+$0xADC0]  }
0x30f: {  	v3 =	vld [tilespmem:s0+$0xADD0]  }
0x310: {  	v4 =	vld [tilespmem:s0+$0xADE0]  }
0x311: {  	v5 =	vld [tilespmem:s0+$0xADF0]  }
0x312: {  	v6 =	vld [tilespmem:s0+$0xAE00]  }
0x313: {  	v7 =	vld [tilespmem:s0+$0xAE10]  }
0x314: {  	v8 =	vld [tilespmem:s0+$0xAE20]  }
0x315: {  	v9 =	vld [tilespmem:s0+$0xAE30]  }
0x316: {  	v10 =	vld [tilespmem:s0+$0xAE40]  }
0x317: {  	v11 =	vld [tilespmem:s0+$0xAE50]  }
0x318: {  	v12 =	vld [tilespmem:s0+$0xAE60]  }
0x319: {  	v13 =	vld [tilespmem:s0+$0xAE70]  }
0x31a: {  	v14 =	vld [tilespmem:s0+$0xAE80]  }
0x31b: {  	v15 =	vld [tilespmem:s0+$0xAE90]  }
0x31c: {  	v16 =	vld [tilespmem:s0+$0xAEA0]  }
0x31d: {  	v17 =	vld [tilespmem:s0+$0xAEB0]  }
0x31e: {  	v18 =	vld [tilespmem:s0+$0xAEC0]  }
0x31f: {  	v19 =	vld [tilespmem:s0+$0xAED0]  }
0x320: {  	[tilespmem:s0+$0x12E30] =	vst.add.f32.msk $0xffff, v1  }
0x321: {  	v1 =	vld [tilespmem:s0+$0xAEE0]  }
0x322: {  	[tilespmem:s0+$0x12D00] =	vst.add.f32.msk $0xffff, v2  }
0x323: {  	[tilespmem:s0+$0x12D10] =	vst.add.f32.msk $0xffff, v3  }
0x324: {  	[tilespmem:s0+$0x12D20] =	vst.add.f32.msk $0xffff, v4  }
0x325: {  	[tilespmem:s0+$0x12D30] =	vst.add.f32.msk $0xffff, v5  }
0x326: {  	[tilespmem:s0+$0x12D40] =	vst.add.f32.msk $0xffff, v6  }
0x327: {  	[tilespmem:s0+$0x12D50] =	vst.add.f32.msk $0xffff, v7  }
0x328: {  	[tilespmem:s0+$0x12D60] =	vst.add.f32.msk $0xffff, v8  }
0x329: {  	[tilespmem:s0+$0x12D70] =	vst.add.f32.msk $0xffff, v9  }
0x32a: {  	[tilespmem:s0+$0x12D80] =	vst.add.f32.msk $0xffff, v10  }
0x32b: {  	[tilespmem:s0+$0x12D90] =	vst.add.f32.msk $0xffff, v11  }
0x32c: {  	[tilespmem:s0+$0x12DA0] =	vst.add.f32.msk $0xffff, v12  }
0x32d: {  	[tilespmem:s0+$0x12DB0] =	vst.add.f32.msk $0xffff, v13  }
0x32e: {  	[tilespmem:s0+$0x12DC0] =	vst.add.f32.msk $0xffff, v14  }
0x32f: {  	[tilespmem:s0+$0x12DD0] =	vst.add.f32.msk $0xffff, v15  }
0x330: {  	[tilespmem:s0+$0x12DE0] =	vst.add.f32.msk $0xffff, v16  }
0x331: {  	[tilespmem:s0+$0x12DF0] =	vst.add.f32.msk $0xffff, v17  }
0x332: {  	[tilespmem:s0+$0x12E00] =	vst.add.f32.msk $0xffff, v18  }
0x333: {  	s7 =	simm.s32 $0x500;
	s16 =	simm.s32 $0x11;
	s2 =	simm.s32 $0x0;
	[tilespmem:s0+$0x12E10] =	vst.add.f32.msk $0xffff, v19  }
.LBB2_20:
0x334: {  	s2 =	sadd.s32 $0x5, s2;
	[tilespmem:s0+$0x12E20] =	vst.add.f32.msk $0xffff, v1;
	s0 =	sshra.s32 s7, $0x2  }
0x335: {  	v1 =	vld [tilespmem:s0+$0xAEF0];
	p0 =	slt.u32 s2, $0x78  }
0x336: {  	v2 =	vld [tilespmem:s0+$0xADC0]  }
0x337: {  	v3 =	vld [tilespmem:s0+$0xADD0]  }
0x338: {  	v4 =	vld [tilespmem:s0+$0xADE0]  }
0x339: {  	v5 =	vld [tilespmem:s0+$0xADF0]  }
0x33a: {  	[tilespmem:s0+$0x12E30] =	vst.add.f32.msk $0xffff, v1  }
0x33b: {  	v6 =	vld [tilespmem:s0+$0xAE00]  }
0x33c: {  	v7 =	vld [tilespmem:s0+$0xAE10]  }
0x33d: {  	v8 =	vld [tilespmem:s0+$0xAE20]  }
0x33e: {  	v9 =	vld [tilespmem:s0+$0xAE30]  }
0x33f: {  	v10 =	vld [tilespmem:s0+$0xAE40]  }
0x340: {  	v11 =	vld [tilespmem:s0+$0xAE50]  }
0x341: {  	v12 =	vld [tilespmem:s0+$0xAE60]  }
0x342: {  	v13 =	vld [tilespmem:s0+$0xAE70]  }
0x343: {  	v14 =	vld [tilespmem:s0+$0xAE80]  }
0x344: {  	v15 =	vld [tilespmem:s0+$0xAE90]  }
0x345: {  	v16 =	vld [tilespmem:s0+$0xAEA0]  }
0x346: {  	v17 =	vld [tilespmem:s0+$0xAEB0]  }
0x347: {  	v18 =	vld [tilespmem:s0+$0xAEC0]  }
0x348: {  	v19 =	vld [tilespmem:s0+$0xAED0]  }
0x349: {  	v1 =	vld [tilespmem:s0+$0xAEE0]  }
0x34a: {  	[tilespmem:s0+$0x12D00] =	vst.add.f32.msk $0xffff, v2  }
0x34b: {  	[tilespmem:s0+$0x12D10] =	vst.add.f32.msk $0xffff, v3  }
0x34c: {  	[tilespmem:s0+$0x12D20] =	vst.add.f32.msk $0xffff, v4  }
0x34d: {  	[tilespmem:s0+$0x12D30] =	vst.add.f32.msk $0xffff, v5  }
0x34e: {  	[tilespmem:s0+$0x12D40] =	vst.add.f32.msk $0xffff, v6  }
0x34f: {  	[tilespmem:s0+$0x12D50] =	vst.add.f32.msk $0xffff, v7  }
0x350: {  	[tilespmem:s0+$0x12D60] =	vst.add.f32.msk $0xffff, v8  }
0x351: {  	[tilespmem:s0+$0x12D70] =	vst.add.f32.msk $0xffff, v9  }
0x352: {  	[tilespmem:s0+$0x12D80] =	vst.add.f32.msk $0xffff, v10  }
0x353: {  	[tilespmem:s0+$0x12D90] =	vst.add.f32.msk $0xffff, v11  }
0x354: {  	[tilespmem:s0+$0x12DA0] =	vst.add.f32.msk $0xffff, v12  }
0x355: {  	[tilespmem:s0+$0x12DB0] =	vst.add.f32.msk $0xffff, v13  }
0x356: {  	[tilespmem:s0+$0x12DC0] =	vst.add.f32.msk $0xffff, v14  }
.Ltmp9:
0x357: {  	[tilespmem:s0+$0x12DD0] =	vst.add.f32.msk $0xffff, v15;
	(pc) =	sbr.rel @p0 .LBB2_20-.Ltmp9, $4  }
0x358: {  	[tilespmem:s0+$0x12DE0] =	vst.add.f32.msk $0xffff, v16  }
0x359: {  	[tilespmem:s0+$0x12DF0] =	vst.add.f32.msk $0xffff, v17  }
0x35a: {  	[tilespmem:s0+$0x12E00] =	vst.add.f32.msk $0xffff, v18  }
0x35b: {  	s7 =	sadd.s32 $0x500, s7;
	[tilespmem:s0+$0x12E10] =	vst.add.f32.msk $0xffff, v19  }
0x35c: {  	[tilespmem:s0+$0x12E20] =	vst.add.f32.msk $0xffff, v1;
	s7 =	simm.s32 $0x14E80  }
0x35d: {  	[spmem:s4] =	stream.indirect.scatter.add.f32 [tilespmem:s31], [sflag:$0x10], $0x40, s7, s14, $0xb8;
	[tilespmem:$0x1EB40] =	vst v63  }
0x35e: {  	_ =	swait.ge [sflag:s21], $0x1F40  }
0x35f: {  	[sflag:s21] =	ssyncset.done $0x0  }
0x360: {  	[sflag:s21] =	ssyncadd.s32 $0xFFFFE0C0  }
0x361: {  	_ =	swait.ge [sflag:s30], $0x1F40  }
0x362: {  	[sflag:s30] =	ssyncset.done $0x0  }
0x363: {  	[sflag:s30] =	ssyncadd.s32 $0xFFFFE0C0  }
0x364: {  	_ =	swait.ge [sflag:s28], $0x1F40  }
0x365: {  	[sflag:s28] =	ssyncset.done $0x0  }
0x366: {  	[sflag:s28] =	ssyncadd.s32 $0xFFFFE0C0  }
0x367: {  	_ =	swait.ge [sflag:s29], $0x1F40  }
0x368: {  	[sflag:s29] =	ssyncset.done $0x0  }
0x369: {  	[sflag:s29] =	ssyncadd.s32 $0xFFFFE0C0  }
0x36a: {  	[bflag:$0x0] =	sbarrier.arrive $0xFFFF  }
0x36b: {  	s17 =	rddreg [dreg:$0x11]  }
0x36c: {  	s2 =	rddreg [dreg:$0x14]  }
0x36d: {  	s7 =	rddreg [dreg:$0x15]  }
0x36e: {  	[hbm:s17@s29], [sflag:s2] =	dma.strided [spmem:s7@s15], $0x1388, s10, $0x8   }
0x36f: {  	_ =	swait.ge [sflag:s16], $0x1388  }
0x370: {  	s7 =	rddreg [dreg:$0x13]  }
0x371: {  	s17 =	rddreg [dreg:$0x12];
	s2 =	sadd.s32 $0x1, s7  }
0x372: {  	p0 =	sne.s32 s2, s17  }
.Ltmp10:
0x373: {  	_ = 	snop;
	(pc) =	sbr.rel @p0 .LBB2_1-.Ltmp10, $3  }
0x374: {  	_ =	sdelay $0x1  }
0x375: {  	[sflag:s16] =	ssyncset.done $0x0  }
0x376: {  	[sflag:s16] =	ssyncadd.s32 $0xFFFFEC78  }
0x377: {  	_ =	sfence.sel $0x180000  }
0x378: {  	[bflag:$0x0] =	sbarrier.arrive $0xFFFF  }
0x379: {  	_ =	strace $0x9000004A  }
0x37a: {  	s0 =	stileid.u32;
	[bflag:$0x2] =	sbarrier.arrive $0xFFFF  }
0x37b: {  	p0 =	sne.s32 s0, $0x0;
	s0 =	rddreg [dreg:$0x4]  }
0x37c: {  	s0 =	sadd.s32 @!p0 $0x100000, s0  }
0x37d: {  	[sflag:s0] =	ssyncadd.tile.s32 @!p0 $0x1;
	_ =	shalt  }
.Lfunc_end2:
_tile_overlayer_lowered:
.L_overlay_start_2:
0x37e: {  	(tag) =	ssettag $0x2  }
0x37f: {  	s0 =	rddreg [dreg:$0x0];
	s2 =	stileid.u32  }
0x380: {  	s1 =	rddreg [dreg:$0x1];
	p0 =	sne.s32 s2, $0x0  }
0x381: {  	s3 =	rddreg [dreg:$0x2];
	[bflag:$0x3] =	sbarrier.arrive $0xFFFF;
	s2 =	simm.s32 @!p0 $0x1C11  }
0x382: {  	[timem:s3], [sflag:s2] =	dma.local @!p0 [hbm:s0], s1  }
0x383: {  	s0 =	simm.s32 @!p0 $0x11  }
0x384: {  	_ =	swait.ge @!p0 [sflag:s0], s1  }
0x385: {  	s1 =	ssub.s32 @!p0 $0x0, s1;
	[sflag:s0] =	ssyncset.done @!p0 $0x0  }
0x386: {  	[sflag:s0] =	ssyncadd.s32 @!p0 s1  }
0x387: {  	[bflag:$0x3] =	sbarrier.arrive $0xFFFF  }
0x388: {  	_ =	shalt  }

</sc_bundles>
